<compile_context>
chip_gen: v7x
topology: tpu7x:2x2x1
jax: 0.10.2.dev20260603
libtpu: 0.0.44.dev20260713+nightly
codegen_flags: <defaults>
</compile_context>

<pallas_src>
import functools

import jax
import jax.numpy as jnp
from jax import lax
from jax.experimental import pallas as pl
from jax.experimental.pallas import tpu as pltpu
from jax.experimental.pallas import tpu_sc as plsc

NC = 2
NS = 16
NW = NC * NS
LANES = 16
EB = 128
BLK = 1000



@functools.lru_cache(maxsize=None)
def _make_edge_agg(n_pad, d, nb):
    mesh = plsc.VectorSubcoreMesh(core_axis_name="c", subcore_axis_name="s")
    rows_per_tile = n_pad // NS
    zc = EB
    nz = rows_per_tile // zc

    @functools.partial(
        pl.kernel,
        out_type=jax.ShapeDtypeStruct((NC, n_pad, d), jnp.float32),
        mesh=mesh,
        scratch_types=[
            pltpu.VMEM((nb, EB), jnp.int32),
            pltpu.VMEM((nb, EB), jnp.int32),
            pltpu.VMEM((nb, EB), jnp.float32),
            pltpu.VMEM((EB, d), jnp.float32),
            pltpu.VMEM_SHARED((n_pad, d), jnp.float32),
            pltpu.SemaphoreType.DMA,
            pltpu.SemaphoreType.DMA,
        ],
        compiler_params=pltpu.CompilerParams(use_tc_tiling_on_sc=False),
    )
    def edge_agg(m_hbm, src_hbm, dst_hbm, v_hbm, out_hbm,
                 srcv, dstv, vv, rows, aggs, sem_g, sem_s):
        c = lax.axis_index("c")
        s = lax.axis_index("s")
        w = c * NS + s
        base = s * rows_per_tile

        pltpu.sync_copy(src_hbm.at[w], srcv)
        pltpu.sync_copy(dst_hbm.at[w], dstv)
        pltpu.sync_copy(v_hbm.at[w], vv)

        zeros16 = jnp.zeros((LANES,), jnp.float32)

        def zrow(i, carry):
            for k in range(d // LANES):
                rows[i, pl.ds(k * LANES, LANES)] = zeros16
            return carry

        lax.fori_loop(0, EB, zrow, 0)
        for j in range(nz):
            pltpu.sync_copy(rows, aggs.at[pl.ds(base + j * zc, zc)])
        plsc.subcore_barrier()

        def body(j, carry):
            pltpu.async_copy(m_hbm.at[srcv.at[j]], rows, sem_g)
            pltpu.make_async_copy(m_hbm.at[srcv.at[j]], rows, sem_g).wait()

            def scale(t, inner):
                vblk = vv[j, pl.ds(t * LANES, LANES)]
                for e16 in range(LANES):
                    idxc = jnp.full((LANES,), e16, jnp.int32)
                    vsp = vblk.at[idxc].get(mode="promise_in_bounds")
                    r = t * LANES + e16
                    for k in range(d // LANES):
                        sl = pl.ds(k * LANES, LANES)
                        rows[r, sl] = rows[r, sl] * vsp
                return inner

            lax.fori_loop(0, EB // LANES, scale, 0)

            pltpu.async_copy(rows, aggs.at[dstv.at[j]], sem_s, add=True)
            pltpu.make_async_copy(rows, aggs.at[dstv.at[j]], sem_s).wait()
            return carry

        lax.fori_loop(0, nb, body, 0)

        plsc.subcore_barrier()
        for j in range(nz):
            sl = pl.ds(base + j * zc, zc)
            pltpu.sync_copy(aggs.at[sl], rows)
            pltpu.sync_copy(rows, out_hbm.at[c, sl])

    return edge_agg



def _mm_body(x_ref, w_ref, o_ref):
    o_ref[...] = jnp.dot(x_ref[...], w_ref[...],
                         preferred_element_type=jnp.float32)


def _mm(x, w):
    n, d = x.shape
    do = w.shape[1]
    return pl.pallas_call(
        _mm_body,
        grid=(n // BLK,),
        in_specs=[pl.BlockSpec((BLK, d), lambda i: (i, 0)),
                  pl.BlockSpec((d, do), lambda i: (0, 0))],
        out_specs=pl.BlockSpec((BLK, do), lambda i: (i, 0)),
        out_shape=jax.ShapeDtypeStruct((n, do), jnp.float32),
    )(x, w)


def _gru_core(p_ref, h_ref, wih_ref, whh_ref, bih_ref, bhh_ref):
    agg = p_ref[0] + p_ref[1]
    h = h_ref[...]
    d = h.shape[1]
    gi = jnp.dot(agg, wih_ref[...], preferred_element_type=jnp.float32)
    gi = gi + bih_ref[...]
    gh = jnp.dot(h, whh_ref[...], preferred_element_type=jnp.float32)
    gh = gh + bhh_ref[...]
    r = jax.nn.sigmoid(gi[:, :d] + gh[:, :d])
    z = jax.nn.sigmoid(gi[:, d:2 * d] + gh[:, d:2 * d])
    nn = jnp.tanh(gi[:, 2 * d:] + r * gh[:, 2 * d:])
    return (1.0 - z) * nn + z * h


def _gru_mid_body(p_ref, h_ref, wih_ref, whh_ref, bih_ref, bhh_ref, wn_ref,
                  h_out, m_out):
    hn = _gru_core(p_ref, h_ref, wih_ref, whh_ref, bih_ref, bhh_ref)
    h_out[...] = hn
    m_out[...] = jnp.dot(hn, wn_ref[...], preferred_element_type=jnp.float32)


def _gru_mid(parts, h, wihT, whhT, bih2, bhh2, wnext):
    n, d = h.shape
    d3 = wihT.shape[1]
    return pl.pallas_call(
        _gru_mid_body,
        grid=(n // BLK,),
        in_specs=[pl.BlockSpec((NC, BLK, d), lambda i: (0, i, 0)),
                  pl.BlockSpec((BLK, d), lambda i: (i, 0)),
                  pl.BlockSpec((d, d3), lambda i: (0, 0)),
                  pl.BlockSpec((d, d3), lambda i: (0, 0)),
                  pl.BlockSpec((1, d3), lambda i: (0, 0)),
                  pl.BlockSpec((1, d3), lambda i: (0, 0)),
                  pl.BlockSpec((d, d), lambda i: (0, 0))],
        out_specs=[pl.BlockSpec((BLK, d), lambda i: (i, 0)),
                   pl.BlockSpec((BLK, d), lambda i: (i, 0))],
        out_shape=[jax.ShapeDtypeStruct((n, d), jnp.float32),
                   jax.ShapeDtypeStruct((n, d), jnp.float32)],
    )(parts, h, wihT, whhT, bih2, bhh2, wnext)


def _gru_fin_body(p_ref, h_ref, wih_ref, whh_ref, bih_ref, bhh_ref, s_out):
    hn = _gru_core(p_ref, h_ref, wih_ref, whh_ref, bih_ref, bhh_ref)
    s_out[...] = jnp.sum(hn, axis=0).reshape(1, 1, -1)


def _gru_fin(parts, h, wihT, whhT, bih2, bhh2):
    n, d = h.shape
    d3 = wihT.shape[1]
    return pl.pallas_call(
        _gru_fin_body,
        grid=(n // BLK,),
        in_specs=[pl.BlockSpec((NC, BLK, d), lambda i: (0, i, 0)),
                  pl.BlockSpec((BLK, d), lambda i: (i, 0)),
                  pl.BlockSpec((d, d3), lambda i: (0, 0)),
                  pl.BlockSpec((d, d3), lambda i: (0, 0)),
                  pl.BlockSpec((1, d3), lambda i: (0, 0)),
                  pl.BlockSpec((1, d3), lambda i: (0, 0))],
        out_specs=pl.BlockSpec((1, 1, d), lambda i: (i, 0, 0)),
        out_shape=jax.ShapeDtypeStruct((n // BLK, 1, d), jnp.float32),
    )(parts, h, wihT, whhT, bih2, bhh2)


def _mlp_body(inv_n, s_ref, w1_ref, b1_ref, w2_ref, b2_ref, w3_ref, b3_ref,
              o_ref):
    pooled = jnp.sum(s_ref[...], axis=0, keepdims=True) * inv_n
    x = jnp.dot(pooled, w1_ref[...], preferred_element_type=jnp.float32)
    x = jax.nn.relu(x + b1_ref[...])
    x = jnp.dot(x, w2_ref[...], preferred_element_type=jnp.float32)
    x = jax.nn.relu(x + b2_ref[...])
    x = jnp.dot(x, w3_ref[...], preferred_element_type=jnp.float32)
    o_ref[...] = x + b3_ref[...]


def _mlp(sums, n, fc1_W, fc1_b, fc2_W, fc2_b, fc3_W, fc3_b):
    return pl.pallas_call(
        functools.partial(_mlp_body, 1.0 / n),
        out_shape=jax.ShapeDtypeStruct((1, 1), jnp.float32),
    )(sums, fc1_W.T, fc1_b.reshape(1, -1), fc2_W.T, fc2_b.reshape(1, -1),
      fc3_W.T, fc3_b.reshape(1, -1))



def kernel(X, A, V, W_gg, w_ih, w_hh, b_ih, b_hh,
           fc1_W, fc1_b, fc2_W, fc2_b, fc3_W, fc3_b):
    n, d = X.shape
    e = A.shape[1]
    num_layers = W_gg.shape[0]

    nb = -(-e // (NW * EB))
    tot = NW * nb * EB

    def part(flat):
        return flat.reshape(NW, nb, EB)

    srcp = part(jnp.zeros((tot,), jnp.int32).at[:e].set(A[0]))
    dstp = part(jnp.zeros((tot,), jnp.int32).at[:e].set(A[1]))
    vp = part(jnp.zeros((tot,), jnp.float32).at[:e].set(V))

    n_pad = -(-n // (NS * EB)) * NS * EB
    edge_agg = _make_edge_agg(n_pad, d, nb)

    wihT = w_ih.T
    whhT = w_hh.T
    bih2 = b_ih.reshape(1, -1)
    bhh2 = b_hh.reshape(1, -1)

    h = X
    m = _mm(h, W_gg[0])
    sums = None
    for i in range(num_layers):
        parts = edge_agg(m, srcp, dstp, vp)
        if i < num_layers - 1:
            h, m = _gru_mid(parts, h, wihT, whhT, bih2, bhh2, W_gg[i + 1])
        else:
            sums = _gru_fin(parts, h, wihT, whhT, bih2, bhh2)

    out = _mlp(sums.reshape(-1, d), n, fc1_W, fc1_b, fc2_W, fc2_b,
               fc3_W, fc3_b)
    return out.reshape(1)

# --- scband reference (transcript-rebuilt; emitter-appended) ---
"""Pipeline reference for scband-ggnn-model-14242111553875 (READ-ONLY COPY).

The authoritative reference and input builder live on the scoring server;
editing this copy changes nothing except your own understanding.
"""

import jax, jax.numpy as jnp
import numpy as np

N = 10000
E = 320000
D = 128
L = 2

def setup_inputs(seed: int = 0):
    key = jax.random.key(seed)
    ks = jax.random.split(key, 12)
    X = jax.random.normal(ks[0], (N, D), dtype=jnp.float32)
    A = jax.random.randint(ks[1], (2, E), 0, N, dtype=jnp.int32)
    V = jax.random.uniform(ks[2], (E,), dtype=jnp.float32)
    s = 1.0 / np.sqrt(D)
    s2 = 1.0 / np.sqrt(256)
    W_gg = jax.random.normal(ks[3], (L, D, D), dtype=jnp.float32) * s
    w_ih = jax.random.normal(ks[4], (3 * D, D), dtype=jnp.float32) * s
    w_hh = jax.random.normal(ks[5], (3 * D, D), dtype=jnp.float32) * s
    b_ih = jax.random.normal(ks[6], (3 * D,), dtype=jnp.float32) * s
    b_hh = jax.random.normal(ks[7], (3 * D,), dtype=jnp.float32) * s
    fc1_W = jax.random.normal(ks[8], (256, D), dtype=jnp.float32) * s
    fc1_b = jnp.zeros((256,), dtype=jnp.float32)
    fc2_W = jax.random.normal(ks[9], (256, 256), dtype=jnp.float32) * s2
    fc2_b = jnp.zeros((256,), dtype=jnp.float32)
    fc3_W = jax.random.normal(ks[10], (1, 256), dtype=jnp.float32) * s2
    fc3_b = jnp.zeros((1,), dtype=jnp.float32)
    return {"X": X, "A": A, "V": V, "W_gg": W_gg, "w_ih": w_ih, "w_hh": w_hh, "b_ih": b_ih, "b_hh": b_hh, "fc1_W": fc1_W, "fc1_b": fc1_b, "fc2_W": fc2_W, "fc2_b": fc2_b, "fc3_W": fc3_W, "fc3_b": fc3_b}

def _gated_graph_conv(X, A, V, W_gg, w_ih, w_hh, b_ih, b_hh):
    # GatedGraphConv(out_channels=D, num_layers=L), aggr='add', with edge_weight V.
    src = A[0]
    dst = A[1]
    h = X  # in_channels == out_channels, no padding needed
    for i in range(W_gg.shape[0]):
        m = h @ W_gg[i]                     # [N, D]
        msg = m[src] * V[:, None]           # gather + edge weight
        agg = jax.ops.segment_sum(msg, dst, num_segments=h.shape[0])  # scatter-add
        # GRUCell(agg, h)
        gi = agg @ w_ih.T + b_ih
        gh = h @ w_hh.T + b_hh
        i_r, i_z, i_n = jnp.split(gi, 3, axis=1)
        h_r, h_z, h_n = jnp.split(gh, 3, axis=1)
        r = jax.nn.sigmoid(i_r + h_r)
        z = jax.nn.sigmoid(i_z + h_z)
        n = jnp.tanh(i_n + r * h_n)
        h = (1.0 - z) * n + z * h
    return h

def reference(X, A, V, W_gg, w_ih, w_hh, b_ih, b_hh, fc1_W, fc1_b, fc2_W, fc2_b, fc3_W, fc3_b):
    # forward(x) with x = [(X, A, V)] : batch of one graph
    h = _gated_graph_conv(X, A, V, W_gg, w_ih, w_hh, b_ih, b_hh)
    pooled = jnp.mean(h, axis=0, keepdims=True)  # global_mean_pool -> [1, D]
    # torch.stack over batch of 1 then squeeze(1) -> [1, D]
    x = pooled
    # fc head, dropout in eval mode is identity
    x = jax.nn.relu(x @ fc1_W.T + fc1_b)
    x = jax.nn.relu(x @ fc2_W.T + fc2_b)
    out = x @ fc3_W.T + fc3_b  # [1, 1]
    return out.squeeze(1)      # [1]

if __name__ == "__main__":
    import jax
    _d = setup_inputs()
    print(jax.jit(kernel)(*tuple(_d.values())))

</pallas_src>

<mosaic_0001>
#map = affine_map<(d0, d1) -> (0, 0)>
#map1 = affine_map<(d0, d1) -> (0, 0, 0)>
module attributes {stable_mosaic.version = 14 : i64} {
  func.func @edge_agg(%arg0: i32, %arg1: i32, %arg2: memref<10000x128xf32, #tpu.memory_space<hbm>>, %arg3: memref<32x79x128xi32, #tpu.memory_space<hbm>>, %arg4: memref<32x79x128xi32, #tpu.memory_space<hbm>>, %arg5: memref<32x79x128xf32, #tpu.memory_space<hbm>>, %arg6: memref<2x10240x128xf32, #tpu.memory_space<hbm>>, %arg7: memref<79x128xi32, #tpu.memory_space<vmem>>, %arg8: memref<79x128xi32, #tpu.memory_space<vmem>>, %arg9: memref<79x128xf32, #tpu.memory_space<vmem>>, %arg10: memref<128x128xf32, #tpu.memory_space<vmem>>, %arg11: memref<10240x128xf32, #tpu.memory_space<vmem_shared>>, %arg12: memref<!tpu.dma_semaphore, #tpu.memory_space<semaphore_mem>>, %arg13: memref<!tpu.dma_semaphore, #tpu.memory_space<semaphore_mem>>) attributes {dimension_semantics = [#tpu.dimension_semantics<core_parallel>, #tpu.dimension_semantics<subcore_parallel>], iteration_bounds = array<i64: 2, 16>, scalar_prefetch = 0 : i64, scratch_operands = 7 : i64, tpu.core_type = #tpu.core_type<sc_vector_subcore>, window_params = [{transform_indices = #map}, {transform_indices = #map1}, {transform_indices = #map1}, {transform_indices = #map1}, {transform_indices = #map1}]} {
    %mul3A = arith.constant 16 : i32
    %mul3A_0 = arith.muli %arg0, %mul3A : i32
    %add3A = arith.addi %mul3A_0, %arg1 : i32
    %mul3A_1 = arith.constant 640 : i32
    %mul3A_2 = arith.muli %arg1, %mul3A_1 : i32
    "tpu.region"() ({
      %run_scoped3A = tpu.sem_alloc : memref<!tpu.dma_semaphore, #tpu.memory_space<semaphore_mem>>
      %dma_start3A = arith.constant 0 : i32
      %dma_start3A_36 = arith.constant 0 : i32
      %dma_start3A_37 = tpu.memref_slice %arg3[%add3A, %dma_start3A, %dma_start3A_36] : memref<32x79x128xi32, #tpu.memory_space<hbm>> -> memref<1x79x128xi32, #tpu.memory_space<hbm>>
      %dma_start3A_38 = tpu.memref_squeeze %dma_start3A_37 : memref<1x79x128xi32, #tpu.memory_space<hbm>> -> memref<79x128xi32, #tpu.memory_space<hbm>>
      %dma_start3A_39 = arith.constant 0 : i32
      %dma_start3A_40 = arith.constant 0 : i32
      %dma_start3A_41 = tpu.memref_slice %arg3[%add3A, %dma_start3A_39, %dma_start3A_40] : memref<32x79x128xi32, #tpu.memory_space<hbm>> -> memref<1x79x128xi32, #tpu.memory_space<hbm>>
      %dma_start3A_42 = tpu.memref_squeeze %dma_start3A_41 : memref<1x79x128xi32, #tpu.memory_space<hbm>> -> memref<79x128xi32, #tpu.memory_space<hbm>>
      tpu.enqueue_dma source(%dma_start3A_42 : memref<79x128xi32, #tpu.memory_space<hbm>>) target(%arg7 : memref<79x128xi32, #tpu.memory_space<vmem>>) target_semaphore(%run_scoped3A : memref<!tpu.dma_semaphore, #tpu.memory_space<semaphore_mem>>)
      %dma_wait3A = arith.constant 0 : i32
      %dma_wait3A_43 = arith.constant 0 : i32
      %dma_wait3A_44 = tpu.memref_slice %arg3[%add3A, %dma_wait3A, %dma_wait3A_43] : memref<32x79x128xi32, #tpu.memory_space<hbm>> -> memref<1x79x128xi32, #tpu.memory_space<hbm>>
      %dma_wait3A_45 = tpu.memref_squeeze %dma_wait3A_44 : memref<1x79x128xi32, #tpu.memory_space<hbm>> -> memref<79x128xi32, #tpu.memory_space<hbm>>
      %dma_wait3A_46 = arith.constant 0 : i32
      %dma_wait3A_47 = arith.constant 0 : i32
      %dma_wait3A_48 = tpu.memref_slice %arg3[%add3A, %dma_wait3A_46, %dma_wait3A_47] : memref<32x79x128xi32, #tpu.memory_space<hbm>> -> memref<1x79x128xi32, #tpu.memory_space<hbm>>
      %dma_wait3A_49 = tpu.memref_squeeze %dma_wait3A_48 : memref<1x79x128xi32, #tpu.memory_space<hbm>> -> memref<79x128xi32, #tpu.memory_space<hbm>>
      tpu.wait_dma2 semaphore(%run_scoped3A : memref<!tpu.dma_semaphore, #tpu.memory_space<semaphore_mem>>) src(%dma_wait3A_49 : memref<79x128xi32, #tpu.memory_space<hbm>>) dst(%arg7 : memref<79x128xi32, #tpu.memory_space<vmem>>)
      tpu.yield
    }) : () -> ()
    "tpu.region"() ({
      %run_scoped3A = tpu.sem_alloc : memref<!tpu.dma_semaphore, #tpu.memory_space<semaphore_mem>>
      %dma_start3A = arith.constant 0 : i32
      %dma_start3A_36 = arith.constant 0 : i32
      %dma_start3A_37 = tpu.memref_slice %arg4[%add3A, %dma_start3A, %dma_start3A_36] : memref<32x79x128xi32, #tpu.memory_space<hbm>> -> memref<1x79x128xi32, #tpu.memory_space<hbm>>
      %dma_start3A_38 = tpu.memref_squeeze %dma_start3A_37 : memref<1x79x128xi32, #tpu.memory_space<hbm>> -> memref<79x128xi32, #tpu.memory_space<hbm>>
      %dma_start3A_39 = arith.constant 0 : i32
      %dma_start3A_40 = arith.constant 0 : i32
      %dma_start3A_41 = tpu.memref_slice %arg4[%add3A, %dma_start3A_39, %dma_start3A_40] : memref<32x79x128xi32, #tpu.memory_space<hbm>> -> memref<1x79x128xi32, #tpu.memory_space<hbm>>
      %dma_start3A_42 = tpu.memref_squeeze %dma_start3A_41 : memref<1x79x128xi32, #tpu.memory_space<hbm>> -> memref<79x128xi32, #tpu.memory_space<hbm>>
      tpu.enqueue_dma source(%dma_start3A_42 : memref<79x128xi32, #tpu.memory_space<hbm>>) target(%arg8 : memref<79x128xi32, #tpu.memory_space<vmem>>) target_semaphore(%run_scoped3A : memref<!tpu.dma_semaphore, #tpu.memory_space<semaphore_mem>>)
      %dma_wait3A = arith.constant 0 : i32
      %dma_wait3A_43 = arith.constant 0 : i32
      %dma_wait3A_44 = tpu.memref_slice %arg4[%add3A, %dma_wait3A, %dma_wait3A_43] : memref<32x79x128xi32, #tpu.memory_space<hbm>> -> memref<1x79x128xi32, #tpu.memory_space<hbm>>
      %dma_wait3A_45 = tpu.memref_squeeze %dma_wait3A_44 : memref<1x79x128xi32, #tpu.memory_space<hbm>> -> memref<79x128xi32, #tpu.memory_space<hbm>>
      %dma_wait3A_46 = arith.constant 0 : i32
      %dma_wait3A_47 = arith.constant 0 : i32
      %dma_wait3A_48 = tpu.memref_slice %arg4[%add3A, %dma_wait3A_46, %dma_wait3A_47] : memref<32x79x128xi32, #tpu.memory_space<hbm>> -> memref<1x79x128xi32, #tpu.memory_space<hbm>>
      %dma_wait3A_49 = tpu.memref_squeeze %dma_wait3A_48 : memref<1x79x128xi32, #tpu.memory_space<hbm>> -> memref<79x128xi32, #tpu.memory_space<hbm>>
      tpu.wait_dma2 semaphore(%run_scoped3A : memref<!tpu.dma_semaphore, #tpu.memory_space<semaphore_mem>>) src(%dma_wait3A_49 : memref<79x128xi32, #tpu.memory_space<hbm>>) dst(%arg8 : memref<79x128xi32, #tpu.memory_space<vmem>>)
      tpu.yield
    }) : () -> ()
    "tpu.region"() ({
      %run_scoped3A = tpu.sem_alloc : memref<!tpu.dma_semaphore, #tpu.memory_space<semaphore_mem>>
      %dma_start3A = arith.constant 0 : i32
      %dma_start3A_36 = arith.constant 0 : i32
      %dma_start3A_37 = tpu.memref_slice %arg5[%add3A, %dma_start3A, %dma_start3A_36] : memref<32x79x128xf32, #tpu.memory_space<hbm>> -> memref<1x79x128xf32, #tpu.memory_space<hbm>>
      %dma_start3A_38 = tpu.memref_squeeze %dma_start3A_37 : memref<1x79x128xf32, #tpu.memory_space<hbm>> -> memref<79x128xf32, #tpu.memory_space<hbm>>
      %dma_start3A_39 = arith.constant 0 : i32
      %dma_start3A_40 = arith.constant 0 : i32
      %dma_start3A_41 = tpu.memref_slice %arg5[%add3A, %dma_start3A_39, %dma_start3A_40] : memref<32x79x128xf32, #tpu.memory_space<hbm>> -> memref<1x79x128xf32, #tpu.memory_space<hbm>>
      %dma_start3A_42 = tpu.memref_squeeze %dma_start3A_41 : memref<1x79x128xf32, #tpu.memory_space<hbm>> -> memref<79x128xf32, #tpu.memory_space<hbm>>
      tpu.enqueue_dma source(%dma_start3A_42 : memref<79x128xf32, #tpu.memory_space<hbm>>) target(%arg9 : memref<79x128xf32, #tpu.memory_space<vmem>>) target_semaphore(%run_scoped3A : memref<!tpu.dma_semaphore, #tpu.memory_space<semaphore_mem>>)
      %dma_wait3A = arith.constant 0 : i32
      %dma_wait3A_43 = arith.constant 0 : i32
      %dma_wait3A_44 = tpu.memref_slice %arg5[%add3A, %dma_wait3A, %dma_wait3A_43] : memref<32x79x128xf32, #tpu.memory_space<hbm>> -> memref<1x79x128xf32, #tpu.memory_space<hbm>>
      %dma_wait3A_45 = tpu.memref_squeeze %dma_wait3A_44 : memref<1x79x128xf32, #tpu.memory_space<hbm>> -> memref<79x128xf32, #tpu.memory_space<hbm>>
      %dma_wait3A_46 = arith.constant 0 : i32
      %dma_wait3A_47 = arith.constant 0 : i32
      %dma_wait3A_48 = tpu.memref_slice %arg5[%add3A, %dma_wait3A_46, %dma_wait3A_47] : memref<32x79x128xf32, #tpu.memory_space<hbm>> -> memref<1x79x128xf32, #tpu.memory_space<hbm>>
      %dma_wait3A_49 = tpu.memref_squeeze %dma_wait3A_48 : memref<1x79x128xf32, #tpu.memory_space<hbm>> -> memref<79x128xf32, #tpu.memory_space<hbm>>
      tpu.wait_dma2 semaphore(%run_scoped3A : memref<!tpu.dma_semaphore, #tpu.memory_space<semaphore_mem>>) src(%dma_wait3A_49 : memref<79x128xf32, #tpu.memory_space<hbm>>) dst(%arg9 : memref<79x128xf32, #tpu.memory_space<vmem>>)
      tpu.yield
    }) : () -> ()
    %broadcast_in_dim3A = arith.constant 0.000000e+00 : f32
    %broadcast_in_dim3A_3 = vector.broadcast %broadcast_in_dim3A : f32 to vector<16xf32>
    %scan3A = arith.constant 0 : i32
    %scan3A_4 = arith.constant 0 : i32
    %scan3A_5 = arith.constant 128 : i32
    %scan3A_6 = arith.addi %scan3A_4, %scan3A_5 : i32
    %scan3A_7 = arith.constant 1 : i32
    scf.for %scan3A_36 = %scan3A_4 to %scan3A_6 step %scan3A_7  : i32 {
      %swap3A = arith.index_cast %scan3A_36 : i32 to index
      %swap3A_37 = arith.constant 0 : index
      %swap3A_38 = tpu.vector_load %arg10[%swap3A, %swap3A_37] {strides = array<i32>} : memref<128x128xf32, #tpu.memory_space<vmem>>, vector<1x16xf32>,
      %swap3A_39 = vector.shape_cast %swap3A_38 : vector<1x16xf32> to vector<16xf32>
      %swap3A_40 = vector.shape_cast %broadcast_in_dim3A_3 : vector<16xf32> to vector<1x16xf32>
      tpu.vector_store %arg10[%swap3A, %swap3A_37], %swap3A_40 {strides = array<i32>} : memref<128x128xf32, #tpu.memory_space<vmem>>, vector<1x16xf32>,
      %swap3A_41 = arith.index_cast %scan3A_36 : i32 to index
      %swap3A_42 = arith.constant 16 : index
      %swap3A_43 = tpu.vector_load %arg10[%swap3A_41, %swap3A_42] {strides = array<i32>} : memref<128x128xf32, #tpu.memory_space<vmem>>, vector<1x16xf32>,
      %swap3A_44 = vector.shape_cast %swap3A_43 : vector<1x16xf32> to vector<16xf32>
      %swap3A_45 = vector.shape_cast %broadcast_in_dim3A_3 : vector<16xf32> to vector<1x16xf32>
      tpu.vector_store %arg10[%swap3A_41, %swap3A_42], %swap3A_45 {strides = array<i32>} : memref<128x128xf32, #tpu.memory_space<vmem>>, vector<1x16xf32>,
      %swap3A_46 = arith.index_cast %scan3A_36 : i32 to index
      %swap3A_47 = arith.constant 32 : index
      %swap3A_48 = tpu.vector_load %arg10[%swap3A_46, %swap3A_47] {strides = array<i32>} : memref<128x128xf32, #tpu.memory_space<vmem>>, vector<1x16xf32>,
      %swap3A_49 = vector.shape_cast %swap3A_48 : vector<1x16xf32> to vector<16xf32>
      %swap3A_50 = vector.shape_cast %broadcast_in_dim3A_3 : vector<16xf32> to vector<1x16xf32>
      tpu.vector_store %arg10[%swap3A_46, %swap3A_47], %swap3A_50 {strides = array<i32>} : memref<128x128xf32, #tpu.memory_space<vmem>>, vector<1x16xf32>,
      %swap3A_51 = arith.index_cast %scan3A_36 : i32 to index
      %swap3A_52 = arith.constant 48 : index
      %swap3A_53 = tpu.vector_load %arg10[%swap3A_51, %swap3A_52] {strides = array<i32>} : memref<128x128xf32, #tpu.memory_space<vmem>>, vector<1x16xf32>,
      %swap3A_54 = vector.shape_cast %swap3A_53 : vector<1x16xf32> to vector<16xf32>
      %swap3A_55 = vector.shape_cast %broadcast_in_dim3A_3 : vector<16xf32> to vector<1x16xf32>
      tpu.vector_store %arg10[%swap3A_51, %swap3A_52], %swap3A_55 {strides = array<i32>} : memref<128x128xf32, #tpu.memory_space<vmem>>, vector<1x16xf32>,
      %swap3A_56 = arith.index_cast %scan3A_36 : i32 to index
      %swap3A_57 = arith.constant 64 : index
      %swap3A_58 = tpu.vector_load %arg10[%swap3A_56, %swap3A_57] {strides = array<i32>} : memref<128x128xf32, #tpu.memory_space<vmem>>, vector<1x16xf32>,
      %swap3A_59 = vector.shape_cast %swap3A_58 : vector<1x16xf32> to vector<16xf32>
      %swap3A_60 = vector.shape_cast %broadcast_in_dim3A_3 : vector<16xf32> to vector<1x16xf32>
      tpu.vector_store %arg10[%swap3A_56, %swap3A_57], %swap3A_60 {strides = array<i32>} : memref<128x128xf32, #tpu.memory_space<vmem>>, vector<1x16xf32>,
      %swap3A_61 = arith.index_cast %scan3A_36 : i32 to index
      %swap3A_62 = arith.constant 80 : index
      %swap3A_63 = tpu.vector_load %arg10[%swap3A_61, %swap3A_62] {strides = array<i32>} : memref<128x128xf32, #tpu.memory_space<vmem>>, vector<1x16xf32>,
      %swap3A_64 = vector.shape_cast %swap3A_63 : vector<1x16xf32> to vector<16xf32>
      %swap3A_65 = vector.shape_cast %broadcast_in_dim3A_3 : vector<16xf32> to vector<1x16xf32>
      tpu.vector_store %arg10[%swap3A_61, %swap3A_62], %swap3A_65 {strides = array<i32>} : memref<128x128xf32, #tpu.memory_space<vmem>>, vector<1x16xf32>,
      %swap3A_66 = arith.index_cast %scan3A_36 : i32 to index
      %swap3A_67 = arith.constant 96 : index
      %swap3A_68 = tpu.vector_load %arg10[%swap3A_66, %swap3A_67] {strides = array<i32>} : memref<128x128xf32, #tpu.memory_space<vmem>>, vector<1x16xf32>,
      %swap3A_69 = vector.shape_cast %swap3A_68 : vector<1x16xf32> to vector<16xf32>
      %swap3A_70 = vector.shape_cast %broadcast_in_dim3A_3 : vector<16xf32> to vector<1x16xf32>
      tpu.vector_store %arg10[%swap3A_66, %swap3A_67], %swap3A_70 {strides = array<i32>} : memref<128x128xf32, #tpu.memory_space<vmem>>, vector<1x16xf32>,
      %swap3A_71 = arith.index_cast %scan3A_36 : i32 to index
      %swap3A_72 = arith.constant 112 : index
      %swap3A_73 = tpu.vector_load %arg10[%swap3A_71, %swap3A_72] {strides = array<i32>} : memref<128x128xf32, #tpu.memory_space<vmem>>, vector<1x16xf32>,
      %swap3A_74 = vector.shape_cast %swap3A_73 : vector<1x16xf32> to vector<16xf32>
      %swap3A_75 = vector.shape_cast %broadcast_in_dim3A_3 : vector<16xf32> to vector<1x16xf32>
      tpu.vector_store %arg10[%swap3A_71, %swap3A_72], %swap3A_75 {strides = array<i32>} : memref<128x128xf32, #tpu.memory_space<vmem>>, vector<1x16xf32>,
    }
    %scan3A_8 = arith.constant 128 : i32
    %add3A_9 = arith.constant 0 : i32
    %add3A_10 = arith.addi %mul3A_2, %add3A_9 : i32
    "tpu.region"() ({
      %run_scoped3A = tpu.sem_alloc : memref<!tpu.dma_semaphore, #tpu.memory_space<semaphore_mem>>
      %dma_start3A = arith.constant 0 : i32
      %dma_start3A_36 = tpu.memref_slice %arg11[%add3A_10, %dma_start3A] : memref<10240x128xf32, #tpu.memory_space<vmem_shared>> -> memref<128x128xf32, #tpu.memory_space<vmem_shared>>
      %dma_start3A_37 = arith.constant 0 : i32
      %dma_start3A_38 = tpu.memref_slice %arg11[%add3A_10, %dma_start3A_37] : memref<10240x128xf32, #tpu.memory_space<vmem_shared>> -> memref<128x128xf32, #tpu.memory_space<vmem_shared>>
      tpu.enqueue_dma source(%arg10 : memref<128x128xf32, #tpu.memory_space<vmem>>) target(%dma_start3A_38 : memref<128x128xf32, #tpu.memory_space<vmem_shared>>) target_semaphore(%run_scoped3A : memref<!tpu.dma_semaphore, #tpu.memory_space<semaphore_mem>>)
      %dma_wait3A = arith.constant 0 : i32
      %dma_wait3A_39 = tpu.memref_slice %arg11[%add3A_10, %dma_wait3A] : memref<10240x128xf32, #tpu.memory_space<vmem_shared>> -> memref<128x128xf32, #tpu.memory_space<vmem_shared>>
      %dma_wait3A_40 = arith.constant 0 : i32
      %dma_wait3A_41 = tpu.memref_slice %arg11[%add3A_10, %dma_wait3A_40] : memref<10240x128xf32, #tpu.memory_space<vmem_shared>> -> memref<128x128xf32, #tpu.memory_space<vmem_shared>>
      tpu.wait_dma2 semaphore(%run_scoped3A : memref<!tpu.dma_semaphore, #tpu.memory_space<semaphore_mem>>) src(%arg10 : memref<128x128xf32, #tpu.memory_space<vmem>>) dst(%dma_wait3A_41 : memref<128x128xf32, #tpu.memory_space<vmem_shared>>)
      tpu.yield
    }) : () -> ()
    %add3A_11 = arith.constant 128 : i32
    %add3A_12 = arith.addi %mul3A_2, %add3A_11 : i32
    "tpu.region"() ({
      %run_scoped3A = tpu.sem_alloc : memref<!tpu.dma_semaphore, #tpu.memory_space<semaphore_mem>>
      %dma_start3A = arith.constant 0 : i32
      %dma_start3A_36 = tpu.memref_slice %arg11[%add3A_12, %dma_start3A] : memref<10240x128xf32, #tpu.memory_space<vmem_shared>> -> memref<128x128xf32, #tpu.memory_space<vmem_shared>>
      %dma_start3A_37 = arith.constant 0 : i32
      %dma_start3A_38 = tpu.memref_slice %arg11[%add3A_12, %dma_start3A_37] : memref<10240x128xf32, #tpu.memory_space<vmem_shared>> -> memref<128x128xf32, #tpu.memory_space<vmem_shared>>
      tpu.enqueue_dma source(%arg10 : memref<128x128xf32, #tpu.memory_space<vmem>>) target(%dma_start3A_38 : memref<128x128xf32, #tpu.memory_space<vmem_shared>>) target_semaphore(%run_scoped3A : memref<!tpu.dma_semaphore, #tpu.memory_space<semaphore_mem>>)
      %dma_wait3A = arith.constant 0 : i32
      %dma_wait3A_39 = tpu.memref_slice %arg11[%add3A_12, %dma_wait3A] : memref<10240x128xf32, #tpu.memory_space<vmem_shared>> -> memref<128x128xf32, #tpu.memory_space<vmem_shared>>
      %dma_wait3A_40 = arith.constant 0 : i32
      %dma_wait3A_41 = tpu.memref_slice %arg11[%add3A_12, %dma_wait3A_40] : memref<10240x128xf32, #tpu.memory_space<vmem_shared>> -> memref<128x128xf32, #tpu.memory_space<vmem_shared>>
      tpu.wait_dma2 semaphore(%run_scoped3A : memref<!tpu.dma_semaphore, #tpu.memory_space<semaphore_mem>>) src(%arg10 : memref<128x128xf32, #tpu.memory_space<vmem>>) dst(%dma_wait3A_41 : memref<128x128xf32, #tpu.memory_space<vmem_shared>>)
      tpu.yield
    }) : () -> ()
    %add3A_13 = arith.constant 256 : i32
    %add3A_14 = arith.addi %mul3A_2, %add3A_13 : i32
    "tpu.region"() ({
      %run_scoped3A = tpu.sem_alloc : memref<!tpu.dma_semaphore, #tpu.memory_space<semaphore_mem>>
      %dma_start3A = arith.constant 0 : i32
      %dma_start3A_36 = tpu.memref_slice %arg11[%add3A_14, %dma_start3A] : memref<10240x128xf32, #tpu.memory_space<vmem_shared>> -> memref<128x128xf32, #tpu.memory_space<vmem_shared>>
      %dma_start3A_37 = arith.constant 0 : i32
      %dma_start3A_38 = tpu.memref_slice %arg11[%add3A_14, %dma_start3A_37] : memref<10240x128xf32, #tpu.memory_space<vmem_shared>> -> memref<128x128xf32, #tpu.memory_space<vmem_shared>>
      tpu.enqueue_dma source(%arg10 : memref<128x128xf32, #tpu.memory_space<vmem>>) target(%dma_start3A_38 : memref<128x128xf32, #tpu.memory_space<vmem_shared>>) target_semaphore(%run_scoped3A : memref<!tpu.dma_semaphore, #tpu.memory_space<semaphore_mem>>)
      %dma_wait3A = arith.constant 0 : i32
      %dma_wait3A_39 = tpu.memref_slice %arg11[%add3A_14, %dma_wait3A] : memref<10240x128xf32, #tpu.memory_space<vmem_shared>> -> memref<128x128xf32, #tpu.memory_space<vmem_shared>>
      %dma_wait3A_40 = arith.constant 0 : i32
      %dma_wait3A_41 = tpu.memref_slice %arg11[%add3A_14, %dma_wait3A_40] : memref<10240x128xf32, #tpu.memory_space<vmem_shared>> -> memref<128x128xf32, #tpu.memory_space<vmem_shared>>
      tpu.wait_dma2 semaphore(%run_scoped3A : memref<!tpu.dma_semaphore, #tpu.memory_space<semaphore_mem>>) src(%arg10 : memref<128x128xf32, #tpu.memory_space<vmem>>) dst(%dma_wait3A_41 : memref<128x128xf32, #tpu.memory_space<vmem_shared>>)
      tpu.yield
    }) : () -> ()
    %add3A_15 = arith.constant 384 : i32
    %add3A_16 = arith.addi %mul3A_2, %add3A_15 : i32
    "tpu.region"() ({
      %run_scoped3A = tpu.sem_alloc : memref<!tpu.dma_semaphore, #tpu.memory_space<semaphore_mem>>
      %dma_start3A = arith.constant 0 : i32
      %dma_start3A_36 = tpu.memref_slice %arg11[%add3A_16, %dma_start3A] : memref<10240x128xf32, #tpu.memory_space<vmem_shared>> -> memref<128x128xf32, #tpu.memory_space<vmem_shared>>
      %dma_start3A_37 = arith.constant 0 : i32
      %dma_start3A_38 = tpu.memref_slice %arg11[%add3A_16, %dma_start3A_37] : memref<10240x128xf32, #tpu.memory_space<vmem_shared>> -> memref<128x128xf32, #tpu.memory_space<vmem_shared>>
      tpu.enqueue_dma source(%arg10 : memref<128x128xf32, #tpu.memory_space<vmem>>) target(%dma_start3A_38 : memref<128x128xf32, #tpu.memory_space<vmem_shared>>) target_semaphore(%run_scoped3A : memref<!tpu.dma_semaphore, #tpu.memory_space<semaphore_mem>>)
      %dma_wait3A = arith.constant 0 : i32
      %dma_wait3A_39 = tpu.memref_slice %arg11[%add3A_16, %dma_wait3A] : memref<10240x128xf32, #tpu.memory_space<vmem_shared>> -> memref<128x128xf32, #tpu.memory_space<vmem_shared>>
      %dma_wait3A_40 = arith.constant 0 : i32
      %dma_wait3A_41 = tpu.memref_slice %arg11[%add3A_16, %dma_wait3A_40] : memref<10240x128xf32, #tpu.memory_space<vmem_shared>> -> memref<128x128xf32, #tpu.memory_space<vmem_shared>>
      tpu.wait_dma2 semaphore(%run_scoped3A : memref<!tpu.dma_semaphore, #tpu.memory_space<semaphore_mem>>) src(%arg10 : memref<128x128xf32, #tpu.memory_space<vmem>>) dst(%dma_wait3A_41 : memref<128x128xf32, #tpu.memory_space<vmem_shared>>)
      tpu.yield
    }) : () -> ()
    %add3A_17 = arith.constant 512 : i32
    %add3A_18 = arith.addi %mul3A_2, %add3A_17 : i32
    "tpu.region"() ({
      %run_scoped3A = tpu.sem_alloc : memref<!tpu.dma_semaphore, #tpu.memory_space<semaphore_mem>>
      %dma_start3A = arith.constant 0 : i32
      %dma_start3A_36 = tpu.memref_slice %arg11[%add3A_18, %dma_start3A] : memref<10240x128xf32, #tpu.memory_space<vmem_shared>> -> memref<128x128xf32, #tpu.memory_space<vmem_shared>>
      %dma_start3A_37 = arith.constant 0 : i32
      %dma_start3A_38 = tpu.memref_slice %arg11[%add3A_18, %dma_start3A_37] : memref<10240x128xf32, #tpu.memory_space<vmem_shared>> -> memref<128x128xf32, #tpu.memory_space<vmem_shared>>
      tpu.enqueue_dma source(%arg10 : memref<128x128xf32, #tpu.memory_space<vmem>>) target(%dma_start3A_38 : memref<128x128xf32, #tpu.memory_space<vmem_shared>>) target_semaphore(%run_scoped3A : memref<!tpu.dma_semaphore, #tpu.memory_space<semaphore_mem>>)
      %dma_wait3A = arith.constant 0 : i32
      %dma_wait3A_39 = tpu.memref_slice %arg11[%add3A_18, %dma_wait3A] : memref<10240x128xf32, #tpu.memory_space<vmem_shared>> -> memref<128x128xf32, #tpu.memory_space<vmem_shared>>
      %dma_wait3A_40 = arith.constant 0 : i32
      %dma_wait3A_41 = tpu.memref_slice %arg11[%add3A_18, %dma_wait3A_40] : memref<10240x128xf32, #tpu.memory_space<vmem_shared>> -> memref<128x128xf32, #tpu.memory_space<vmem_shared>>
      tpu.wait_dma2 semaphore(%run_scoped3A : memref<!tpu.dma_semaphore, #tpu.memory_space<semaphore_mem>>) src(%arg10 : memref<128x128xf32, #tpu.memory_space<vmem>>) dst(%dma_wait3A_41 : memref<128x128xf32, #tpu.memory_space<vmem_shared>>)
      tpu.yield
    }) : () -> ()
    %barrier3A = arith.constant 0 : index
    tpu.barrier barrier_id(%barrier3A)
    %scan3A_19 = arith.constant 0 : i32
    %scan3A_20 = arith.constant 0 : i32
    %scan3A_21 = arith.constant 79 : i32
    %scan3A_22 = arith.addi %scan3A_20, %scan3A_21 : i32
    %scan3A_23 = arith.constant 1 : i32
    scf.for %scan3A_36 = %scan3A_20 to %scan3A_22 step %scan3A_23  : i32 {
      %dma_start3A = arith.constant 0 : i32
      %dma_start3A_37 = tpu.memref_slice %arg7[%scan3A_36, %dma_start3A] : memref<79x128xi32, #tpu.memory_space<vmem>> -> memref<1x128xi32, #tpu.memory_space<vmem>>
      %dma_start3A_38 = tpu.memref_squeeze %dma_start3A_37 : memref<1x128xi32, #tpu.memory_space<vmem>> -> memref<128xi32, #tpu.memory_space<vmem>>
      %dma_start3A_39 = arith.constant 0 : i32
      %dma_start3A_40 = arith.constant 0 : i32
      %dma_start3A_41 = tpu.memref_slice %arg2[%dma_start3A_39, %dma_start3A_40] : memref<10000x128xf32, #tpu.memory_space<hbm>> -> memref<10000x128xf32, #tpu.memory_space<hbm>>
      tpu.enqueue_indirect_dma source(%dma_start3A_41 : memref<10000x128xf32, #tpu.memory_space<hbm>>) target(%arg10 : memref<128x128xf32, #tpu.memory_space<vmem>>) offsets(%dma_start3A_38 : memref<128xi32, #tpu.memory_space<vmem>>) semaphore(%arg12 : memref<!tpu.dma_semaphore, #tpu.memory_space<semaphore_mem>>)
      %dma_wait3A = arith.constant 0 : i32
      %dma_wait3A_42 = tpu.memref_slice %arg7[%scan3A_36, %dma_wait3A] : memref<79x128xi32, #tpu.memory_space<vmem>> -> memref<1x128xi32, #tpu.memory_space<vmem>>
      %dma_wait3A_43 = tpu.memref_squeeze %dma_wait3A_42 : memref<1x128xi32, #tpu.memory_space<vmem>> -> memref<128xi32, #tpu.memory_space<vmem>>
      %dma_wait3A_44 = arith.constant 0 : i32
      %dma_wait3A_45 = arith.constant 0 : i32
      %dma_wait3A_46 = tpu.memref_slice %arg2[%dma_wait3A_44, %dma_wait3A_45] : memref<10000x128xf32, #tpu.memory_space<hbm>> -> memref<10000x128xf32, #tpu.memory_space<hbm>>
      tpu.wait_indirect_dma semaphore(%arg12 : memref<!tpu.dma_semaphore, #tpu.memory_space<semaphore_mem>>) src(%dma_wait3A_46 : memref<10000x128xf32, #tpu.memory_space<hbm>>) dst(%arg10 : memref<128x128xf32, #tpu.memory_space<vmem>>)
      %scan3A_47 = arith.constant 0 : i32
      %scan3A_48 = arith.constant 0 : i32
      %scan3A_49 = arith.constant 8 : i32
      %scan3A_50 = arith.addi %scan3A_48, %scan3A_49 : i32
      %scan3A_51 = arith.constant 1 : i32
      scf.for %scan3A_65 = %scan3A_48 to %scan3A_50 step %scan3A_51  : i32 {
        %mul3A_66 = arith.constant 16 : i32
        %mul3A_67 = arith.muli %scan3A_65, %mul3A_66 : i32
        %get3A = arith.index_cast %scan3A_36 : i32 to index
        %get3A_68 = arith.index_cast %mul3A_67 : i32 to index
        %get3A_69 = tpu.vector_load %arg9[%get3A, %get3A_68] {strides = array<i32>} : memref<79x128xf32, #tpu.memory_space<vmem>>, vector<1x16xf32>,
        %get3A_70 = vector.shape_cast %get3A_69 : vector<1x16xf32> to vector<16xf32>
        %broadcast_in_dim3A_71 = arith.constant 0 : i32
        %broadcast_in_dim3A_72 = vector.broadcast %broadcast_in_dim3A_71 : i32 to vector<16xi32>
        %lt3A = arith.constant 0 : i32
        %lt3A_73 = vector.broadcast %lt3A : i32 to vector<16xi32>
        %lt3A_74 = arith.cmpi slt, %broadcast_in_dim3A_72, %lt3A_73 : vector<16xi32>
        %add3A_75 = arith.constant 16 : i32
        %add3A_76 = vector.broadcast %add3A_75 : i32 to vector<16xi32>
        %add3A_77 = arith.addi %broadcast_in_dim3A_72, %add3A_76 : vector<16xi32>
        %select_n3A = arith.select %lt3A_74, %add3A_77, %broadcast_in_dim3A_72 : vector<16xi1>, vector<16xi32>
        %broadcast_in_dim3A_78 = vector.shape_cast %select_n3A : vector<16xi32> to vector<16x1xi32>
        %gather3A = vector.shape_cast %broadcast_in_dim3A_78 : vector<16x1xi32> to vector<16xi32>
        %gather3A_79 = tpu.dynamic_gather %get3A_70[%gather3A] in [0] : vector<16xf32>, vector<16xi32> -> vector<16xf32>
        %mul3A_80 = arith.constant 16 : i32
        %mul3A_81 = arith.muli %scan3A_65, %mul3A_80 : i32
        %add3A_82 = arith.constant 0 : i32
        %add3A_83 = arith.addi %mul3A_81, %add3A_82 : i32
        %get3A_84 = arith.index_cast %add3A_83 : i32 to index
        %get3A_85 = arith.constant 0 : index
        %get3A_86 = tpu.vector_load %arg10[%get3A_84, %get3A_85] {strides = array<i32>} : memref<128x128xf32, #tpu.memory_space<vmem>>, vector<1x16xf32>,
        %get3A_87 = vector.shape_cast %get3A_86 : vector<1x16xf32> to vector<16xf32>
        %mul3A_88 = arith.mulf %get3A_87, %gather3A_79 : vector<16xf32>
        %swap3A = arith.index_cast %add3A_83 : i32 to index
        %swap3A_89 = arith.constant 0 : index
        %swap3A_90 = tpu.vector_load %arg10[%swap3A, %swap3A_89] {strides = array<i32>} : memref<128x128xf32, #tpu.memory_space<vmem>>, vector<1x16xf32>,
        %swap3A_91 = vector.shape_cast %swap3A_90 : vector<1x16xf32> to vector<16xf32>
        %swap3A_92 = vector.shape_cast %mul3A_88 : vector<16xf32> to vector<1x16xf32>
        tpu.vector_store %arg10[%swap3A, %swap3A_89], %swap3A_92 {strides = array<i32>} : memref<128x128xf32, #tpu.memory_space<vmem>>, vector<1x16xf32>,
        %get3A_93 = arith.index_cast %add3A_83 : i32 to index
        %get3A_94 = arith.constant 16 : index
        %get3A_95 = tpu.vector_load %arg10[%get3A_93, %get3A_94] {strides = array<i32>} : memref<128x128xf32, #tpu.memory_space<vmem>>, vector<1x16xf32>,
        %get3A_96 = vector.shape_cast %get3A_95 : vector<1x16xf32> to vector<16xf32>
        %mul3A_97 = arith.mulf %get3A_96, %gather3A_79 : vector<16xf32>
        %swap3A_98 = arith.index_cast %add3A_83 : i32 to index
        %swap3A_99 = arith.constant 16 : index
        %swap3A_100 = tpu.vector_load %arg10[%swap3A_98, %swap3A_99] {strides = array<i32>} : memref<128x128xf32, #tpu.memory_space<vmem>>, vector<1x16xf32>,
        %swap3A_101 = vector.shape_cast %swap3A_100 : vector<1x16xf32> to vector<16xf32>
        %swap3A_102 = vector.shape_cast %mul3A_97 : vector<16xf32> to vector<1x16xf32>
        tpu.vector_store %arg10[%swap3A_98, %swap3A_99], %swap3A_102 {strides = array<i32>} : memref<128x128xf32, #tpu.memory_space<vmem>>, vector<1x16xf32>,
        %get3A_103 = arith.index_cast %add3A_83 : i32 to index
        %get3A_104 = arith.constant 32 : index
        %get3A_105 = tpu.vector_load %arg10[%get3A_103, %get3A_104] {strides = array<i32>} : memref<128x128xf32, #tpu.memory_space<vmem>>, vector<1x16xf32>,
        %get3A_106 = vector.shape_cast %get3A_105 : vector<1x16xf32> to vector<16xf32>
        %mul3A_107 = arith.mulf %get3A_106, %gather3A_79 : vector<16xf32>
        %swap3A_108 = arith.index_cast %add3A_83 : i32 to index
        %swap3A_109 = arith.constant 32 : index
        %swap3A_110 = tpu.vector_load %arg10[%swap3A_108, %swap3A_109] {strides = array<i32>} : memref<128x128xf32, #tpu.memory_space<vmem>>, vector<1x16xf32>,
        %swap3A_111 = vector.shape_cast %swap3A_110 : vector<1x16xf32> to vector<16xf32>
        %swap3A_112 = vector.shape_cast %mul3A_107 : vector<16xf32> to vector<1x16xf32>
        tpu.vector_store %arg10[%swap3A_108, %swap3A_109], %swap3A_112 {strides = array<i32>} : memref<128x128xf32, #tpu.memory_space<vmem>>, vector<1x16xf32>,
        %get3A_113 = arith.index_cast %add3A_83 : i32 to index
        %get3A_114 = arith.constant 48 : index
        %get3A_115 = tpu.vector_load %arg10[%get3A_113, %get3A_114] {strides = array<i32>} : memref<128x128xf32, #tpu.memory_space<vmem>>, vector<1x16xf32>,
        %get3A_116 = vector.shape_cast %get3A_115 : vector<1x16xf32> to vector<16xf32>
        %mul3A_117 = arith.mulf %get3A_116, %gather3A_79 : vector<16xf32>
        %swap3A_118 = arith.index_cast %add3A_83 : i32 to index
        %swap3A_119 = arith.constant 48 : index
        %swap3A_120 = tpu.vector_load %arg10[%swap3A_118, %swap3A_119] {strides = array<i32>} : memref<128x128xf32, #tpu.memory_space<vmem>>, vector<1x16xf32>,
        %swap3A_121 = vector.shape_cast %swap3A_120 : vector<1x16xf32> to vector<16xf32>
        %swap3A_122 = vector.shape_cast %mul3A_117 : vector<16xf32> to vector<1x16xf32>
        tpu.vector_store %arg10[%swap3A_118, %swap3A_119], %swap3A_122 {strides = array<i32>} : memref<128x128xf32, #tpu.memory_space<vmem>>, vector<1x16xf32>,
        %get3A_123 = arith.index_cast %add3A_83 : i32 to index
        %get3A_124 = arith.constant 64 : index
        %get3A_125 = tpu.vector_load %arg10[%get3A_123, %get3A_124] {strides = array<i32>} : memref<128x128xf32, #tpu.memory_space<vmem>>, vector<1x16xf32>,
        %get3A_126 = vector.shape_cast %get3A_125 : vector<1x16xf32> to vector<16xf32>
        %mul3A_127 = arith.mulf %get3A_126, %gather3A_79 : vector<16xf32>
        %swap3A_128 = arith.index_cast %add3A_83 : i32 to index
        %swap3A_129 = arith.constant 64 : index
        %swap3A_130 = tpu.vector_load %arg10[%swap3A_128, %swap3A_129] {strides = array<i32>} : memref<128x128xf32, #tpu.memory_space<vmem>>, vector<1x16xf32>,
        %swap3A_131 = vector.shape_cast %swap3A_130 : vector<1x16xf32> to vector<16xf32>
        %swap3A_132 = vector.shape_cast %mul3A_127 : vector<16xf32> to vector<1x16xf32>
        tpu.vector_store %arg10[%swap3A_128, %swap3A_129], %swap3A_132 {strides = array<i32>} : memref<128x128xf32, #tpu.memory_space<vmem>>, vector<1x16xf32>,
        %get3A_133 = arith.index_cast %add3A_83 : i32 to index
        %get3A_134 = arith.constant 80 : index
        %get3A_135 = tpu.vector_load %arg10[%get3A_133, %get3A_134] {strides = array<i32>} : memref<128x128xf32, #tpu.memory_space<vmem>>, vector<1x16xf32>,
        %get3A_136 = vector.shape_cast %get3A_135 : vector<1x16xf32> to vector<16xf32>
        %mul3A_137 = arith.mulf %get3A_136, %gather3A_79 : vector<16xf32>
        %swap3A_138 = arith.index_cast %add3A_83 : i32 to index
        %swap3A_139 = arith.constant 80 : index
        %swap3A_140 = tpu.vector_load %arg10[%swap3A_138, %swap3A_139] {strides = array<i32>} : memref<128x128xf32, #tpu.memory_space<vmem>>, vector<1x16xf32>,
        %swap3A_141 = vector.shape_cast %swap3A_140 : vector<1x16xf32> to vector<16xf32>
        %swap3A_142 = vector.shape_cast %mul3A_137 : vector<16xf32> to vector<1x16xf32>
        tpu.vector_store %arg10[%swap3A_138, %swap3A_139], %swap3A_142 {strides = array<i32>} : memref<128x128xf32, #tpu.memory_space<vmem>>, vector<1x16xf32>,
        %get3A_143 = arith.index_cast %add3A_83 : i32 to index
        %get3A_144 = arith.constant 96 : index
        %get3A_145 = tpu.vector_load %arg10[%get3A_143, %get3A_144] {strides = array<i32>} : memref<128x128xf32, #tpu.memory_space<vmem>>, vector<1x16xf32>,
        %get3A_146 = vector.shape_cast %get3A_145 : vector<1x16xf32> to vector<16xf32>
        %mul3A_147 = arith.mulf %get3A_146, %gather3A_79 : vector<16xf32>
        %swap3A_148 = arith.index_cast %add3A_83 : i32 to index
        %swap3A_149 = arith.constant 96 : index
        %swap3A_150 = tpu.vector_load %arg10[%swap3A_148, %swap3A_149] {strides = array<i32>} : memref<128x128xf32, #tpu.memory_space<vmem>>, vector<1x16xf32>,
        %swap3A_151 = vector.shape_cast %swap3A_150 : vector<1x16xf32> to vector<16xf32>
        %swap3A_152 = vector.shape_cast %mul3A_147 : vector<16xf32> to vector<1x16xf32>
        tpu.vector_store %arg10[%swap3A_148, %swap3A_149], %swap3A_152 {strides = array<i32>} : memref<128x128xf32, #tpu.memory_space<vmem>>, vector<1x16xf32>,
        %get3A_153 = arith.index_cast %add3A_83 : i32 to index
        %get3A_154 = arith.constant 112 : index
        %get3A_155 = tpu.vector_load %arg10[%get3A_153, %get3A_154] {strides = array<i32>} : memref<128x128xf32, #tpu.memory_space<vmem>>, vector<1x16xf32>,
        %get3A_156 = vector.shape_cast %get3A_155 : vector<1x16xf32> to vector<16xf32>
        %mul3A_157 = arith.mulf %get3A_156, %gather3A_79 : vector<16xf32>
        %swap3A_158 = arith.index_cast %add3A_83 : i32 to index
        %swap3A_159 = arith.constant 112 : index
        %swap3A_160 = tpu.vector_load %arg10[%swap3A_158, %swap3A_159] {strides = array<i32>} : memref<128x128xf32, #tpu.memory_space<vmem>>, vector<1x16xf32>,
        %swap3A_161 = vector.shape_cast %swap3A_160 : vector<1x16xf32> to vector<16xf32>
        %swap3A_162 = vector.shape_cast %mul3A_157 : vector<16xf32> to vector<1x16xf32>
        tpu.vector_store %arg10[%swap3A_158, %swap3A_159], %swap3A_162 {strides = array<i32>} : memref<128x128xf32, #tpu.memory_space<vmem>>, vector<1x16xf32>,
        %broadcast_in_dim3A_163 = arith.constant 1 : i32
        %broadcast_in_dim3A_164 = vector.broadcast %broadcast_in_dim3A_163 : i32 to vector<16xi32>
        %lt3A_165 = arith.constant 0 : i32
        %lt3A_166 = vector.broadcast %lt3A_165 : i32 to vector<16xi32>
        %lt3A_167 = arith.cmpi slt, %broadcast_in_dim3A_164, %lt3A_166 : vector<16xi32>
        %add3A_168 = arith.constant 16 : i32
        %add3A_169 = vector.broadcast %add3A_168 : i32 to vector<16xi32>
        %add3A_170 = arith.addi %broadcast_in_dim3A_164, %add3A_169 : vector<16xi32>
        %select_n3A_171 = arith.select %lt3A_167, %add3A_170, %broadcast_in_dim3A_164 : vector<16xi1>, vector<16xi32>
        %broadcast_in_dim3A_172 = vector.shape_cast %select_n3A_171 : vector<16xi32> to vector<16x1xi32>
        %gather3A_173 = vector.shape_cast %broadcast_in_dim3A_172 : vector<16x1xi32> to vector<16xi32>
        %gather3A_174 = tpu.dynamic_gather %get3A_70[%gather3A_173] in [0] : vector<16xf32>, vector<16xi32> -> vector<16xf32>
        %mul3A_175 = arith.constant 16 : i32
        %mul3A_176 = arith.muli %scan3A_65, %mul3A_175 : i32
        %add3A_177 = arith.constant 1 : i32
        %add3A_178 = arith.addi %mul3A_176, %add3A_177 : i32
        %get3A_179 = arith.index_cast %add3A_178 : i32 to index
        %get3A_180 = arith.constant 0 : index
        %get3A_181 = tpu.vector_load %arg10[%get3A_179, %get3A_180] {strides = array<i32>} : memref<128x128xf32, #tpu.memory_space<vmem>>, vector<1x16xf32>,
        %get3A_182 = vector.shape_cast %get3A_181 : vector<1x16xf32> to vector<16xf32>
        %mul3A_183 = arith.mulf %get3A_182, %gather3A_174 : vector<16xf32>
        %swap3A_184 = arith.index_cast %add3A_178 : i32 to index
        %swap3A_185 = arith.constant 0 : index
        %swap3A_186 = tpu.vector_load %arg10[%swap3A_184, %swap3A_185] {strides = array<i32>} : memref<128x128xf32, #tpu.memory_space<vmem>>, vector<1x16xf32>,
        %swap3A_187 = vector.shape_cast %swap3A_186 : vector<1x16xf32> to vector<16xf32>
        %swap3A_188 = vector.shape_cast %mul3A_183 : vector<16xf32> to vector<1x16xf32>
        tpu.vector_store %arg10[%swap3A_184, %swap3A_185], %swap3A_188 {strides = array<i32>} : memref<128x128xf32, #tpu.memory_space<vmem>>, vector<1x16xf32>,
        %get3A_189 = arith.index_cast %add3A_178 : i32 to index
        %get3A_190 = arith.constant 16 : index
        %get3A_191 = tpu.vector_load %arg10[%get3A_189, %get3A_190] {strides = array<i32>} : memref<128x128xf32, #tpu.memory_space<vmem>>, vector<1x16xf32>,
        %get3A_192 = vector.shape_cast %get3A_191 : vector<1x16xf32> to vector<16xf32>
        %mul3A_193 = arith.mulf %get3A_192, %gather3A_174 : vector<16xf32>
        %swap3A_194 = arith.index_cast %add3A_178 : i32 to index
        %swap3A_195 = arith.constant 16 : index
        %swap3A_196 = tpu.vector_load %arg10[%swap3A_194, %swap3A_195] {strides = array<i32>} : memref<128x128xf32, #tpu.memory_space<vmem>>, vector<1x16xf32>,
        %swap3A_197 = vector.shape_cast %swap3A_196 : vector<1x16xf32> to vector<16xf32>
        %swap3A_198 = vector.shape_cast %mul3A_193 : vector<16xf32> to vector<1x16xf32>
        tpu.vector_store %arg10[%swap3A_194, %swap3A_195], %swap3A_198 {strides = array<i32>} : memref<128x128xf32, #tpu.memory_space<vmem>>, vector<1x16xf32>,
        %get3A_199 = arith.index_cast %add3A_178 : i32 to index
        %get3A_200 = arith.constant 32 : index
        %get3A_201 = tpu.vector_load %arg10[%get3A_199, %get3A_200] {strides = array<i32>} : memref<128x128xf32, #tpu.memory_space<vmem>>, vector<1x16xf32>,
        %get3A_202 = vector.shape_cast %get3A_201 : vector<1x16xf32> to vector<16xf32>
        %mul3A_203 = arith.mulf %get3A_202, %gather3A_174 : vector<16xf32>
        %swap3A_204 = arith.index_cast %add3A_178 : i32 to index
        %swap3A_205 = arith.constant 32 : index
        %swap3A_206 = tpu.vector_load %arg10[%swap3A_204, %swap3A_205] {strides = array<i32>} : memref<128x128xf32, #tpu.memory_space<vmem>>, vector<1x16xf32>,
        %swap3A_207 = vector.shape_cast %swap3A_206 : vector<1x16xf32> to vector<16xf32>
        %swap3A_208 = vector.shape_cast %mul3A_203 : vector<16xf32> to vector<1x16xf32>
        tpu.vector_store %arg10[%swap3A_204, %swap3A_205], %swap3A_208 {strides = array<i32>} : memref<128x128xf32, #tpu.memory_space<vmem>>, vector<1x16xf32>,
        %get3A_209 = arith.index_cast %add3A_178 : i32 to index
        %get3A_210 = arith.constant 48 : index
        %get3A_211 = tpu.vector_load %arg10[%get3A_209, %get3A_210] {strides = array<i32>} : memref<128x128xf32, #tpu.memory_space<vmem>>, vector<1x16xf32>,
        %get3A_212 = vector.shape_cast %get3A_211 : vector<1x16xf32> to vector<16xf32>
        %mul3A_213 = arith.mulf %get3A_212, %gather3A_174 : vector<16xf32>
        %swap3A_214 = arith.index_cast %add3A_178 : i32 to index
        %swap3A_215 = arith.constant 48 : index
        %swap3A_216 = tpu.vector_load %arg10[%swap3A_214, %swap3A_215] {strides = array<i32>} : memref<128x128xf32, #tpu.memory_space<vmem>>, vector<1x16xf32>,
        %swap3A_217 = vector.shape_cast %swap3A_216 : vector<1x16xf32> to vector<16xf32>
        %swap3A_218 = vector.shape_cast %mul3A_213 : vector<16xf32> to vector<1x16xf32>
        tpu.vector_store %arg10[%swap3A_214, %swap3A_215], %swap3A_218 {strides = array<i32>} : memref<128x128xf32, #tpu.memory_space<vmem>>, vector<1x16xf32>,
        %get3A_219 = arith.index_cast %add3A_178 : i32 to index
        %get3A_220 = arith.constant 64 : index
        %get3A_221 = tpu.vector_load %arg10[%get3A_219, %get3A_220] {strides = array<i32>} : memref<128x128xf32, #tpu.memory_space<vmem>>, vector<1x16xf32>,
        %get3A_222 = vector.shape_cast %get3A_221 : vector<1x16xf32> to vector<16xf32>
        %mul3A_223 = arith.mulf %get3A_222, %gather3A_174 : vector<16xf32>
        %swap3A_224 = arith.index_cast %add3A_178 : i32 to index
        %swap3A_225 = arith.constant 64 : index
        %swap3A_226 = tpu.vector_load %arg10[%swap3A_224, %swap3A_225] {strides = array<i32>} : memref<128x128xf32, #tpu.memory_space<vmem>>, vector<1x16xf32>,
        %swap3A_227 = vector.shape_cast %swap3A_226 : vector<1x16xf32> to vector<16xf32>
        %swap3A_228 = vector.shape_cast %mul3A_223 : vector<16xf32> to vector<1x16xf32>
        tpu.vector_store %arg10[%swap3A_224, %swap3A_225], %swap3A_228 {strides = array<i32>} : memref<128x128xf32, #tpu.memory_space<vmem>>, vector<1x16xf32>,
        %get3A_229 = arith.index_cast %add3A_178 : i32 to index
        %get3A_230 = arith.constant 80 : index
        %get3A_231 = tpu.vector_load %arg10[%get3A_229, %get3A_230] {strides = array<i32>} : memref<128x128xf32, #tpu.memory_space<vmem>>, vector<1x16xf32>,
        %get3A_232 = vector.shape_cast %get3A_231 : vector<1x16xf32> to vector<16xf32>
        %mul3A_233 = arith.mulf %get3A_232, %gather3A_174 : vector<16xf32>
        %swap3A_234 = arith.index_cast %add3A_178 : i32 to index
        %swap3A_235 = arith.constant 80 : index
        %swap3A_236 = tpu.vector_load %arg10[%swap3A_234, %swap3A_235] {strides = array<i32>} : memref<128x128xf32, #tpu.memory_space<vmem>>, vector<1x16xf32>,
        %swap3A_237 = vector.shape_cast %swap3A_236 : vector<1x16xf32> to vector<16xf32>
        %swap3A_238 = vector.shape_cast %mul3A_233 : vector<16xf32> to vector<1x16xf32>
        tpu.vector_store %arg10[%swap3A_234, %swap3A_235], %swap3A_238 {strides = array<i32>} : memref<128x128xf32, #tpu.memory_space<vmem>>, vector<1x16xf32>,
        %get3A_239 = arith.index_cast %add3A_178 : i32 to index
        %get3A_240 = arith.constant 96 : index
        %get3A_241 = tpu.vector_load %arg10[%get3A_239, %get3A_240] {strides = array<i32>} : memref<128x128xf32, #tpu.memory_space<vmem>>, vector<1x16xf32>,
        %get3A_242 = vector.shape_cast %get3A_241 : vector<1x16xf32> to vector<16xf32>
        %mul3A_243 = arith.mulf %get3A_242, %gather3A_174 : vector<16xf32>
        %swap3A_244 = arith.index_cast %add3A_178 : i32 to index
        %swap3A_245 = arith.constant 96 : index
        %swap3A_246 = tpu.vector_load %arg10[%swap3A_244, %swap3A_245] {strides = array<i32>} : memref<128x128xf32, #tpu.memory_space<vmem>>, vector<1x16xf32>,
        %swap3A_247 = vector.shape_cast %swap3A_246 : vector<1x16xf32> to vector<16xf32>
        %swap3A_248 = vector.shape_cast %mul3A_243 : vector<16xf32> to vector<1x16xf32>
        tpu.vector_store %arg10[%swap3A_244, %swap3A_245], %swap3A_248 {strides = array<i32>} : memref<128x128xf32, #tpu.memory_space<vmem>>, vector<1x16xf32>,
        %get3A_249 = arith.index_cast %add3A_178 : i32 to index
        %get3A_250 = arith.constant 112 : index
        %get3A_251 = tpu.vector_load %arg10[%get3A_249, %get3A_250] {strides = array<i32>} : memref<128x128xf32, #tpu.memory_space<vmem>>, vector<1x16xf32>,
        %get3A_252 = vector.shape_cast %get3A_251 : vector<1x16xf32> to vector<16xf32>
        %mul3A_253 = arith.mulf %get3A_252, %gather3A_174 : vector<16xf32>
        %swap3A_254 = arith.index_cast %add3A_178 : i32 to index
        %swap3A_255 = arith.constant 112 : index
        %swap3A_256 = tpu.vector_load %arg10[%swap3A_254, %swap3A_255] {strides = array<i32>} : memref<128x128xf32, #tpu.memory_space<vmem>>, vector<1x16xf32>,
        %swap3A_257 = vector.shape_cast %swap3A_256 : vector<1x16xf32> to vector<16xf32>
        %swap3A_258 = vector.shape_cast %mul3A_253 : vector<16xf32> to vector<1x16xf32>
        tpu.vector_store %arg10[%swap3A_254, %swap3A_255], %swap3A_258 {strides = array<i32>} : memref<128x128xf32, #tpu.memory_space<vmem>>, vector<1x16xf32>,
        %broadcast_in_dim3A_259 = arith.constant 2 : i32
        %broadcast_in_dim3A_260 = vector.broadcast %broadcast_in_dim3A_259 : i32 to vector<16xi32>
        %lt3A_261 = arith.constant 0 : i32
        %lt3A_262 = vector.broadcast %lt3A_261 : i32 to vector<16xi32>
        %lt3A_263 = arith.cmpi slt, %broadcast_in_dim3A_260, %lt3A_262 : vector<16xi32>
        %add3A_264 = arith.constant 16 : i32
        %add3A_265 = vector.broadcast %add3A_264 : i32 to vector<16xi32>
        %add3A_266 = arith.addi %broadcast_in_dim3A_260, %add3A_265 : vector<16xi32>
        %select_n3A_267 = arith.select %lt3A_263, %add3A_266, %broadcast_in_dim3A_260 : vector<16xi1>, vector<16xi32>
        %broadcast_in_dim3A_268 = vector.shape_cast %select_n3A_267 : vector<16xi32> to vector<16x1xi32>
        %gather3A_269 = vector.shape_cast %broadcast_in_dim3A_268 : vector<16x1xi32> to vector<16xi32>
        %gather3A_270 = tpu.dynamic_gather %get3A_70[%gather3A_269] in [0] : vector<16xf32>, vector<16xi32> -> vector<16xf32>
        %mul3A_271 = arith.constant 16 : i32
        %mul3A_272 = arith.muli %scan3A_65, %mul3A_271 : i32
        %add3A_273 = arith.constant 2 : i32
        %add3A_274 = arith.addi %mul3A_272, %add3A_273 : i32
        %get3A_275 = arith.index_cast %add3A_274 : i32 to index
        %get3A_276 = arith.constant 0 : index
        %get3A_277 = tpu.vector_load %arg10[%get3A_275, %get3A_276] {strides = array<i32>} : memref<128x128xf32, #tpu.memory_space<vmem>>, vector<1x16xf32>,
        %get3A_278 = vector.shape_cast %get3A_277 : vector<1x16xf32> to vector<16xf32>
        %mul3A_279 = arith.mulf %get3A_278, %gather3A_270 : vector<16xf32>
        %swap3A_280 = arith.index_cast %add3A_274 : i32 to index
        %swap3A_281 = arith.constant 0 : index
        %swap3A_282 = tpu.vector_load %arg10[%swap3A_280, %swap3A_281] {strides = array<i32>} : memref<128x128xf32, #tpu.memory_space<vmem>>, vector<1x16xf32>,
        %swap3A_283 = vector.shape_cast %swap3A_282 : vector<1x16xf32> to vector<16xf32>
        %swap3A_284 = vector.shape_cast %mul3A_279 : vector<16xf32> to vector<1x16xf32>
        tpu.vector_store %arg10[%swap3A_280, %swap3A_281], %swap3A_284 {strides = array<i32>} : memref<128x128xf32, #tpu.memory_space<vmem>>, vector<1x16xf32>,
        %get3A_285 = arith.index_cast %add3A_274 : i32 to index
        %get3A_286 = arith.constant 16 : index
        %get3A_287 = tpu.vector_load %arg10[%get3A_285, %get3A_286] {strides = array<i32>} : memref<128x128xf32, #tpu.memory_space<vmem>>, vector<1x16xf32>,
        %get3A_288 = vector.shape_cast %get3A_287 : vector<1x16xf32> to vector<16xf32>
        %mul3A_289 = arith.mulf %get3A_288, %gather3A_270 : vector<16xf32>
        %swap3A_290 = arith.index_cast %add3A_274 : i32 to index
        %swap3A_291 = arith.constant 16 : index
        %swap3A_292 = tpu.vector_load %arg10[%swap3A_290, %swap3A_291] {strides = array<i32>} : memref<128x128xf32, #tpu.memory_space<vmem>>, vector<1x16xf32>,
        %swap3A_293 = vector.shape_cast %swap3A_292 : vector<1x16xf32> to vector<16xf32>
        %swap3A_294 = vector.shape_cast %mul3A_289 : vector<16xf32> to vector<1x16xf32>
        tpu.vector_store %arg10[%swap3A_290, %swap3A_291], %swap3A_294 {strides = array<i32>} : memref<128x128xf32, #tpu.memory_space<vmem>>, vector<1x16xf32>,
        %get3A_295 = arith.index_cast %add3A_274 : i32 to index
        %get3A_296 = arith.constant 32 : index
        %get3A_297 = tpu.vector_load %arg10[%get3A_295, %get3A_296] {strides = array<i32>} : memref<128x128xf32, #tpu.memory_space<vmem>>, vector<1x16xf32>,
        %get3A_298 = vector.shape_cast %get3A_297 : vector<1x16xf32> to vector<16xf32>
        %mul3A_299 = arith.mulf %get3A_298, %gather3A_270 : vector<16xf32>
        %swap3A_300 = arith.index_cast %add3A_274 : i32 to index
        %swap3A_301 = arith.constant 32 : index
        %swap3A_302 = tpu.vector_load %arg10[%swap3A_300, %swap3A_301] {strides = array<i32>} : memref<128x128xf32, #tpu.memory_space<vmem>>, vector<1x16xf32>,
        %swap3A_303 = vector.shape_cast %swap3A_302 : vector<1x16xf32> to vector<16xf32>
        %swap3A_304 = vector.shape_cast %mul3A_299 : vector<16xf32> to vector<1x16xf32>
        tpu.vector_store %arg10[%swap3A_300, %swap3A_301], %swap3A_304 {strides = array<i32>} : memref<128x128xf32, #tpu.memory_space<vmem>>, vector<1x16xf32>,
        %get3A_305 = arith.index_cast %add3A_274 : i32 to index
        %get3A_306 = arith.constant 48 : index
        %get3A_307 = tpu.vector_load %arg10[%get3A_305, %get3A_306] {strides = array<i32>} : memref<128x128xf32, #tpu.memory_space<vmem>>, vector<1x16xf32>,
        %get3A_308 = vector.shape_cast %get3A_307 : vector<1x16xf32> to vector<16xf32>
        %mul3A_309 = arith.mulf %get3A_308, %gather3A_270 : vector<16xf32>
        %swap3A_310 = arith.index_cast %add3A_274 : i32 to index
        %swap3A_311 = arith.constant 48 : index
        %swap3A_312 = tpu.vector_load %arg10[%swap3A_310, %swap3A_311] {strides = array<i32>} : memref<128x128xf32, #tpu.memory_space<vmem>>, vector<1x16xf32>,
        %swap3A_313 = vector.shape_cast %swap3A_312 : vector<1x16xf32> to vector<16xf32>
        %swap3A_314 = vector.shape_cast %mul3A_309 : vector<16xf32> to vector<1x16xf32>
        tpu.vector_store %arg10[%swap3A_310, %swap3A_311], %swap3A_314 {strides = array<i32>} : memref<128x128xf32, #tpu.memory_space<vmem>>, vector<1x16xf32>,
        %get3A_315 = arith.index_cast %add3A_274 : i32 to index
        %get3A_316 = arith.constant 64 : index
        %get3A_317 = tpu.vector_load %arg10[%get3A_315, %get3A_316] {strides = array<i32>} : memref<128x128xf32, #tpu.memory_space<vmem>>, vector<1x16xf32>,
        %get3A_318 = vector.shape_cast %get3A_317 : vector<1x16xf32> to vector<16xf32>
        %mul3A_319 = arith.mulf %get3A_318, %gather3A_270 : vector<16xf32>
        %swap3A_320 = arith.index_cast %add3A_274 : i32 to index
        %swap3A_321 = arith.constant 64 : index
        %swap3A_322 = tpu.vector_load %arg10[%swap3A_320, %swap3A_321] {strides = array<i32>} : memref<128x128xf32, #tpu.memory_space<vmem>>, vector<1x16xf32>,
        %swap3A_323 = vector.shape_cast %swap3A_322 : vector<1x16xf32> to vector<16xf32>
        %swap3A_324 = vector.shape_cast %mul3A_319 : vector<16xf32> to vector<1x16xf32>
        tpu.vector_store %arg10[%swap3A_320, %swap3A_321], %swap3A_324 {strides = array<i32>} : memref<128x128xf32, #tpu.memory_space<vmem>>, vector<1x16xf32>,
        %get3A_325 = arith.index_cast %add3A_274 : i32 to index
        %get3A_326 = arith.constant 80 : index
        %get3A_327 = tpu.vector_load %arg10[%get3A_325, %get3A_326] {strides = array<i32>} : memref<128x128xf32, #tpu.memory_space<vmem>>, vector<1x16xf32>,
        %get3A_328 = vector.shape_cast %get3A_327 : vector<1x16xf32> to vector<16xf32>
        %mul3A_329 = arith.mulf %get3A_328, %gather3A_270 : vector<16xf32>
        %swap3A_330 = arith.index_cast %add3A_274 : i32 to index
        %swap3A_331 = arith.constant 80 : index
        %swap3A_332 = tpu.vector_load %arg10[%swap3A_330, %swap3A_331] {strides = array<i32>} : memref<128x128xf32, #tpu.memory_space<vmem>>, vector<1x16xf32>,
        %swap3A_333 = vector.shape_cast %swap3A_332 : vector<1x16xf32> to vector<16xf32>
        %swap3A_334 = vector.shape_cast %mul3A_329 : vector<16xf32> to vector<1x16xf32>
        tpu.vector_store %arg10[%swap3A_330, %swap3A_331], %swap3A_334 {strides = array<i32>} : memref<128x128xf32, #tpu.memory_space<vmem>>, vector<1x16xf32>,
        %get3A_335 = arith.index_cast %add3A_274 : i32 to index
        %get3A_336 = arith.constant 96 : index
        %get3A_337 = tpu.vector_load %arg10[%get3A_335, %get3A_336] {strides = array<i32>} : memref<128x128xf32, #tpu.memory_space<vmem>>, vector<1x16xf32>,
        %get3A_338 = vector.shape_cast %get3A_337 : vector<1x16xf32> to vector<16xf32>
        %mul3A_339 = arith.mulf %get3A_338, %gather3A_270 : vector<16xf32>
        %swap3A_340 = arith.index_cast %add3A_274 : i32 to index
        %swap3A_341 = arith.constant 96 : index
        %swap3A_342 = tpu.vector_load %arg10[%swap3A_340, %swap3A_341] {strides = array<i32>} : memref<128x128xf32, #tpu.memory_space<vmem>>, vector<1x16xf32>,
        %swap3A_343 = vector.shape_cast %swap3A_342 : vector<1x16xf32> to vector<16xf32>
        %swap3A_344 = vector.shape_cast %mul3A_339 : vector<16xf32> to vector<1x16xf32>
        tpu.vector_store %arg10[%swap3A_340, %swap3A_341], %swap3A_344 {strides = array<i32>} : memref<128x128xf32, #tpu.memory_space<vmem>>, vector<1x16xf32>,
        %get3A_345 = arith.index_cast %add3A_274 : i32 to index
        %get3A_346 = arith.constant 112 : index
        %get3A_347 = tpu.vector_load %arg10[%get3A_345, %get3A_346] {strides = array<i32>} : memref<128x128xf32, #tpu.memory_space<vmem>>, vector<1x16xf32>,
        %get3A_348 = vector.shape_cast %get3A_347 : vector<1x16xf32> to vector<16xf32>
        %mul3A_349 = arith.mulf %get3A_348, %gather3A_270 : vector<16xf32>
        %swap3A_350 = arith.index_cast %add3A_274 : i32 to index
        %swap3A_351 = arith.constant 112 : index
        %swap3A_352 = tpu.vector_load %arg10[%swap3A_350, %swap3A_351] {strides = array<i32>} : memref<128x128xf32, #tpu.memory_space<vmem>>, vector<1x16xf32>,
        %swap3A_353 = vector.shape_cast %swap3A_352 : vector<1x16xf32> to vector<16xf32>
        %swap3A_354 = vector.shape_cast %mul3A_349 : vector<16xf32> to vector<1x16xf32>
        tpu.vector_store %arg10[%swap3A_350, %swap3A_351], %swap3A_354 {strides = array<i32>} : memref<128x128xf32, #tpu.memory_space<vmem>>, vector<1x16xf32>,
        %broadcast_in_dim3A_355 = arith.constant 3 : i32
        %broadcast_in_dim3A_356 = vector.broadcast %broadcast_in_dim3A_355 : i32 to vector<16xi32>
        %lt3A_357 = arith.constant 0 : i32
        %lt3A_358 = vector.broadcast %lt3A_357 : i32 to vector<16xi32>
        %lt3A_359 = arith.cmpi slt, %broadcast_in_dim3A_356, %lt3A_358 : vector<16xi32>
        %add3A_360 = arith.constant 16 : i32
        %add3A_361 = vector.broadcast %add3A_360 : i32 to vector<16xi32>
        %add3A_362 = arith.addi %broadcast_in_dim3A_356, %add3A_361 : vector<16xi32>
        %select_n3A_363 = arith.select %lt3A_359, %add3A_362, %broadcast_in_dim3A_356 : vector<16xi1>, vector<16xi32>
        %broadcast_in_dim3A_364 = vector.shape_cast %select_n3A_363 : vector<16xi32> to vector<16x1xi32>
        %gather3A_365 = vector.shape_cast %broadcast_in_dim3A_364 : vector<16x1xi32> to vector<16xi32>
        %gather3A_366 = tpu.dynamic_gather %get3A_70[%gather3A_365] in [0] : vector<16xf32>, vector<16xi32> -> vector<16xf32>
        %mul3A_367 = arith.constant 16 : i32
        %mul3A_368 = arith.muli %scan3A_65, %mul3A_367 : i32
        %add3A_369 = arith.constant 3 : i32
        %add3A_370 = arith.addi %mul3A_368, %add3A_369 : i32
        %get3A_371 = arith.index_cast %add3A_370 : i32 to index
        %get3A_372 = arith.constant 0 : index
        %get3A_373 = tpu.vector_load %arg10[%get3A_371, %get3A_372] {strides = array<i32>} : memref<128x128xf32, #tpu.memory_space<vmem>>, vector<1x16xf32>,
        %get3A_374 = vector.shape_cast %get3A_373 : vector<1x16xf32> to vector<16xf32>
        %mul3A_375 = arith.mulf %get3A_374, %gather3A_366 : vector<16xf32>
        %swap3A_376 = arith.index_cast %add3A_370 : i32 to index
        %swap3A_377 = arith.constant 0 : index
        %swap3A_378 = tpu.vector_load %arg10[%swap3A_376, %swap3A_377] {strides = array<i32>} : memref<128x128xf32, #tpu.memory_space<vmem>>, vector<1x16xf32>,
        %swap3A_379 = vector.shape_cast %swap3A_378 : vector<1x16xf32> to vector<16xf32>
        %swap3A_380 = vector.shape_cast %mul3A_375 : vector<16xf32> to vector<1x16xf32>
        tpu.vector_store %arg10[%swap3A_376, %swap3A_377], %swap3A_380 {strides = array<i32>} : memref<128x128xf32, #tpu.memory_space<vmem>>, vector<1x16xf32>,
        %get3A_381 = arith.index_cast %add3A_370 : i32 to index
        %get3A_382 = arith.constant 16 : index
        %get3A_383 = tpu.vector_load %arg10[%get3A_381, %get3A_382] {strides = array<i32>} : memref<128x128xf32, #tpu.memory_space<vmem>>, vector<1x16xf32>,
        %get3A_384 = vector.shape_cast %get3A_383 : vector<1x16xf32> to vector<16xf32>
        %mul3A_385 = arith.mulf %get3A_384, %gather3A_366 : vector<16xf32>
        %swap3A_386 = arith.index_cast %add3A_370 : i32 to index
        %swap3A_387 = arith.constant 16 : index
        %swap3A_388 = tpu.vector_load %arg10[%swap3A_386, %swap3A_387] {strides = array<i32>} : memref<128x128xf32, #tpu.memory_space<vmem>>, vector<1x16xf32>,
        %swap3A_389 = vector.shape_cast %swap3A_388 : vector<1x16xf32> to vector<16xf32>
        %swap3A_390 = vector.shape_cast %mul3A_385 : vector<16xf32> to vector<1x16xf32>
        tpu.vector_store %arg10[%swap3A_386, %swap3A_387], %swap3A_390 {strides = array<i32>} : memref<128x128xf32, #tpu.memory_space<vmem>>, vector<1x16xf32>,
        %get3A_391 = arith.index_cast %add3A_370 : i32 to index
        %get3A_392 = arith.constant 32 : index
        %get3A_393 = tpu.vector_load %arg10[%get3A_391, %get3A_392] {strides = array<i32>} : memref<128x128xf32, #tpu.memory_space<vmem>>, vector<1x16xf32>,
        %get3A_394 = vector.shape_cast %get3A_393 : vector<1x16xf32> to vector<16xf32>
        %mul3A_395 = arith.mulf %get3A_394, %gather3A_366 : vector<16xf32>
        %swap3A_396 = arith.index_cast %add3A_370 : i32 to index
        %swap3A_397 = arith.constant 32 : index
        %swap3A_398 = tpu.vector_load %arg10[%swap3A_396, %swap3A_397] {strides = array<i32>} : memref<128x128xf32, #tpu.memory_space<vmem>>, vector<1x16xf32>,
        %swap3A_399 = vector.shape_cast %swap3A_398 : vector<1x16xf32> to vector<16xf32>
        %swap3A_400 = vector.shape_cast %mul3A_395 : vector<16xf32> to vector<1x16xf32>
        tpu.vector_store %arg10[%swap3A_396, %swap3A_397], %swap3A_400 {strides = array<i32>} : memref<128x128xf32, #tpu.memory_space<vmem>>, vector<1x16xf32>,
        %get3A_401 = arith.index_cast %add3A_370 : i32 to index
        %get3A_402 = arith.constant 48 : index
        %get3A_403 = tpu.vector_load %arg10[%get3A_401, %get3A_402] {strides = array<i32>} : memref<128x128xf32, #tpu.memory_space<vmem>>, vector<1x16xf32>,
        %get3A_404 = vector.shape_cast %get3A_403 : vector<1x16xf32> to vector<16xf32>
        %mul3A_405 = arith.mulf %get3A_404, %gather3A_366 : vector<16xf32>
        %swap3A_406 = arith.index_cast %add3A_370 : i32 to index
        %swap3A_407 = arith.constant 48 : index
        %swap3A_408 = tpu.vector_load %arg10[%swap3A_406, %swap3A_407] {strides = array<i32>} : memref<128x128xf32, #tpu.memory_space<vmem>>, vector<1x16xf32>,
        %swap3A_409 = vector.shape_cast %swap3A_408 : vector<1x16xf32> to vector<16xf32>
        %swap3A_410 = vector.shape_cast %mul3A_405 : vector<16xf32> to vector<1x16xf32>
        tpu.vector_store %arg10[%swap3A_406, %swap3A_407], %swap3A_410 {strides = array<i32>} : memref<128x128xf32, #tpu.memory_space<vmem>>, vector<1x16xf32>,
        %get3A_411 = arith.index_cast %add3A_370 : i32 to index
        %get3A_412 = arith.constant 64 : index
        %get3A_413 = tpu.vector_load %arg10[%get3A_411, %get3A_412] {strides = array<i32>} : memref<128x128xf32, #tpu.memory_space<vmem>>, vector<1x16xf32>,
        %get3A_414 = vector.shape_cast %get3A_413 : vector<1x16xf32> to vector<16xf32>
        %mul3A_415 = arith.mulf %get3A_414, %gather3A_366 : vector<16xf32>
        %swap3A_416 = arith.index_cast %add3A_370 : i32 to index
        %swap3A_417 = arith.constant 64 : index
        %swap3A_418 = tpu.vector_load %arg10[%swap3A_416, %swap3A_417] {strides = array<i32>} : memref<128x128xf32, #tpu.memory_space<vmem>>, vector<1x16xf32>,
        %swap3A_419 = vector.shape_cast %swap3A_418 : vector<1x16xf32> to vector<16xf32>
        %swap3A_420 = vector.shape_cast %mul3A_415 : vector<16xf32> to vector<1x16xf32>
        tpu.vector_store %arg10[%swap3A_416, %swap3A_417], %swap3A_420 {strides = array<i32>} : memref<128x128xf32, #tpu.memory_space<vmem>>, vector<1x16xf32>,
        %get3A_421 = arith.index_cast %add3A_370 : i32 to index
        %get3A_422 = arith.constant 80 : index
        %get3A_423 = tpu.vector_load %arg10[%get3A_421, %get3A_422] {strides = array<i32>} : memref<128x128xf32, #tpu.memory_space<vmem>>, vector<1x16xf32>,
        %get3A_424 = vector.shape_cast %get3A_423 : vector<1x16xf32> to vector<16xf32>
        %mul3A_425 = arith.mulf %get3A_424, %gather3A_366 : vector<16xf32>
        %swap3A_426 = arith.index_cast %add3A_370 : i32 to index
        %swap3A_427 = arith.constant 80 : index
        %swap3A_428 = tpu.vector_load %arg10[%swap3A_426, %swap3A_427] {strides = array<i32>} : memref<128x128xf32, #tpu.memory_space<vmem>>, vector<1x16xf32>,
        %swap3A_429 = vector.shape_cast %swap3A_428 : vector<1x16xf32> to vector<16xf32>
        %swap3A_430 = vector.shape_cast %mul3A_425 : vector<16xf32> to vector<1x16xf32>
        tpu.vector_store %arg10[%swap3A_426, %swap3A_427], %swap3A_430 {strides = array<i32>} : memref<128x128xf32, #tpu.memory_space<vmem>>, vector<1x16xf32>,
        %get3A_431 = arith.index_cast %add3A_370 : i32 to index
        %get3A_432 = arith.constant 96 : index
        %get3A_433 = tpu.vector_load %arg10[%get3A_431, %get3A_432] {strides = array<i32>} : memref<128x128xf32, #tpu.memory_space<vmem>>, vector<1x16xf32>,
        %get3A_434 = vector.shape_cast %get3A_433 : vector<1x16xf32> to vector<16xf32>
        %mul3A_435 = arith.mulf %get3A_434, %gather3A_366 : vector<16xf32>
        %swap3A_436 = arith.index_cast %add3A_370 : i32 to index
        %swap3A_437 = arith.constant 96 : index
        %swap3A_438 = tpu.vector_load %arg10[%swap3A_436, %swap3A_437] {strides = array<i32>} : memref<128x128xf32, #tpu.memory_space<vmem>>, vector<1x16xf32>,
        %swap3A_439 = vector.shape_cast %swap3A_438 : vector<1x16xf32> to vector<16xf32>
        %swap3A_440 = vector.shape_cast %mul3A_435 : vector<16xf32> to vector<1x16xf32>
        tpu.vector_store %arg10[%swap3A_436, %swap3A_437], %swap3A_440 {strides = array<i32>} : memref<128x128xf32, #tpu.memory_space<vmem>>, vector<1x16xf32>,
        %get3A_441 = arith.index_cast %add3A_370 : i32 to index
        %get3A_442 = arith.constant 112 : index
        %get3A_443 = tpu.vector_load %arg10[%get3A_441, %get3A_442] {strides = array<i32>} : memref<128x128xf32, #tpu.memory_space<vmem>>, vector<1x16xf32>,
        %get3A_444 = vector.shape_cast %get3A_443 : vector<1x16xf32> to vector<16xf32>
        %mul3A_445 = arith.mulf %get3A_444, %gather3A_366 : vector<16xf32>
        %swap3A_446 = arith.index_cast %add3A_370 : i32 to index
        %swap3A_447 = arith.constant 112 : index
        %swap3A_448 = tpu.vector_load %arg10[%swap3A_446, %swap3A_447] {strides = array<i32>} : memref<128x128xf32, #tpu.memory_space<vmem>>, vector<1x16xf32>,
        %swap3A_449 = vector.shape_cast %swap3A_448 : vector<1x16xf32> to vector<16xf32>
        %swap3A_450 = vector.shape_cast %mul3A_445 : vector<16xf32> to vector<1x16xf32>
        tpu.vector_store %arg10[%swap3A_446, %swap3A_447], %swap3A_450 {strides = array<i32>} : memref<128x128xf32, #tpu.memory_space<vmem>>, vector<1x16xf32>,
        %broadcast_in_dim3A_451 = arith.constant 4 : i32
        %broadcast_in_dim3A_452 = vector.broadcast %broadcast_in_dim3A_451 : i32 to vector<16xi32>
        %lt3A_453 = arith.constant 0 : i32
        %lt3A_454 = vector.broadcast %lt3A_453 : i32 to vector<16xi32>
        %lt3A_455 = arith.cmpi slt, %broadcast_in_dim3A_452, %lt3A_454 : vector<16xi32>
        %add3A_456 = arith.constant 16 : i32
        %add3A_457 = vector.broadcast %add3A_456 : i32 to vector<16xi32>
        %add3A_458 = arith.addi %broadcast_in_dim3A_452, %add3A_457 : vector<16xi32>
        %select_n3A_459 = arith.select %lt3A_455, %add3A_458, %broadcast_in_dim3A_452 : vector<16xi1>, vector<16xi32>
        %broadcast_in_dim3A_460 = vector.shape_cast %select_n3A_459 : vector<16xi32> to vector<16x1xi32>
        %gather3A_461 = vector.shape_cast %broadcast_in_dim3A_460 : vector<16x1xi32> to vector<16xi32>
        %gather3A_462 = tpu.dynamic_gather %get3A_70[%gather3A_461] in [0] : vector<16xf32>, vector<16xi32> -> vector<16xf32>
        %mul3A_463 = arith.constant 16 : i32
        %mul3A_464 = arith.muli %scan3A_65, %mul3A_463 : i32
        %add3A_465 = arith.constant 4 : i32
        %add3A_466 = arith.addi %mul3A_464, %add3A_465 : i32
        %get3A_467 = arith.index_cast %add3A_466 : i32 to index
        %get3A_468 = arith.constant 0 : index
        %get3A_469 = tpu.vector_load %arg10[%get3A_467, %get3A_468] {strides = array<i32>} : memref<128x128xf32, #tpu.memory_space<vmem>>, vector<1x16xf32>,
        %get3A_470 = vector.shape_cast %get3A_469 : vector<1x16xf32> to vector<16xf32>
        %mul3A_471 = arith.mulf %get3A_470, %gather3A_462 : vector<16xf32>
        %swap3A_472 = arith.index_cast %add3A_466 : i32 to index
        %swap3A_473 = arith.constant 0 : index
        %swap3A_474 = tpu.vector_load %arg10[%swap3A_472, %swap3A_473] {strides = array<i32>} : memref<128x128xf32, #tpu.memory_space<vmem>>, vector<1x16xf32>,
        %swap3A_475 = vector.shape_cast %swap3A_474 : vector<1x16xf32> to vector<16xf32>
        %swap3A_476 = vector.shape_cast %mul3A_471 : vector<16xf32> to vector<1x16xf32>
        tpu.vector_store %arg10[%swap3A_472, %swap3A_473], %swap3A_476 {strides = array<i32>} : memref<128x128xf32, #tpu.memory_space<vmem>>, vector<1x16xf32>,
        %get3A_477 = arith.index_cast %add3A_466 : i32 to index
        %get3A_478 = arith.constant 16 : index
        %get3A_479 = tpu.vector_load %arg10[%get3A_477, %get3A_478] {strides = array<i32>} : memref<128x128xf32, #tpu.memory_space<vmem>>, vector<1x16xf32>,
        %get3A_480 = vector.shape_cast %get3A_479 : vector<1x16xf32> to vector<16xf32>
        %mul3A_481 = arith.mulf %get3A_480, %gather3A_462 : vector<16xf32>
        %swap3A_482 = arith.index_cast %add3A_466 : i32 to index
        %swap3A_483 = arith.constant 16 : index
        %swap3A_484 = tpu.vector_load %arg10[%swap3A_482, %swap3A_483] {strides = array<i32>} : memref<128x128xf32, #tpu.memory_space<vmem>>, vector<1x16xf32>,
        %swap3A_485 = vector.shape_cast %swap3A_484 : vector<1x16xf32> to vector<16xf32>
        %swap3A_486 = vector.shape_cast %mul3A_481 : vector<16xf32> to vector<1x16xf32>
        tpu.vector_store %arg10[%swap3A_482, %swap3A_483], %swap3A_486 {strides = array<i32>} : memref<128x128xf32, #tpu.memory_space<vmem>>, vector<1x16xf32>,
        %get3A_487 = arith.index_cast %add3A_466 : i32 to index
        %get3A_488 = arith.constant 32 : index
        %get3A_489 = tpu.vector_load %arg10[%get3A_487, %get3A_488] {strides = array<i32>} : memref<128x128xf32, #tpu.memory_space<vmem>>, vector<1x16xf32>,
        %get3A_490 = vector.shape_cast %get3A_489 : vector<1x16xf32> to vector<16xf32>
        %mul3A_491 = arith.mulf %get3A_490, %gather3A_462 : vector<16xf32>
        %swap3A_492 = arith.index_cast %add3A_466 : i32 to index
        %swap3A_493 = arith.constant 32 : index
        %swap3A_494 = tpu.vector_load %arg10[%swap3A_492, %swap3A_493] {strides = array<i32>} : memref<128x128xf32, #tpu.memory_space<vmem>>, vector<1x16xf32>,
        %swap3A_495 = vector.shape_cast %swap3A_494 : vector<1x16xf32> to vector<16xf32>
        %swap3A_496 = vector.shape_cast %mul3A_491 : vector<16xf32> to vector<1x16xf32>
        tpu.vector_store %arg10[%swap3A_492, %swap3A_493], %swap3A_496 {strides = array<i32>} : memref<128x128xf32, #tpu.memory_space<vmem>>, vector<1x16xf32>,
        %get3A_497 = arith.index_cast %add3A_466 : i32 to index
        %get3A_498 = arith.constant 48 : index
        %get3A_499 = tpu.vector_load %arg10[%get3A_497, %get3A_498] {strides = array<i32>} : memref<128x128xf32, #tpu.memory_space<vmem>>, vector<1x16xf32>,
        %get3A_500 = vector.shape_cast %get3A_499 : vector<1x16xf32> to vector<16xf32>
        %mul3A_501 = arith.mulf %get3A_500, %gather3A_462 : vector<16xf32>
        %swap3A_502 = arith.index_cast %add3A_466 : i32 to index
        %swap3A_503 = arith.constant 48 : index
        %swap3A_504 = tpu.vector_load %arg10[%swap3A_502, %swap3A_503] {strides = array<i32>} : memref<128x128xf32, #tpu.memory_space<vmem>>, vector<1x16xf32>,
        %swap3A_505 = vector.shape_cast %swap3A_504 : vector<1x16xf32> to vector<16xf32>
        %swap3A_506 = vector.shape_cast %mul3A_501 : vector<16xf32> to vector<1x16xf32>
        tpu.vector_store %arg10[%swap3A_502, %swap3A_503], %swap3A_506 {strides = array<i32>} : memref<128x128xf32, #tpu.memory_space<vmem>>, vector<1x16xf32>,
        %get3A_507 = arith.index_cast %add3A_466 : i32 to index
        %get3A_508 = arith.constant 64 : index
        %get3A_509 = tpu.vector_load %arg10[%get3A_507, %get3A_508] {strides = array<i32>} : memref<128x128xf32, #tpu.memory_space<vmem>>, vector<1x16xf32>,
        %get3A_510 = vector.shape_cast %get3A_509 : vector<1x16xf32> to vector<16xf32>
        %mul3A_511 = arith.mulf %get3A_510, %gather3A_462 : vector<16xf32>
        %swap3A_512 = arith.index_cast %add3A_466 : i32 to index
        %swap3A_513 = arith.constant 64 : index
        %swap3A_514 = tpu.vector_load %arg10[%swap3A_512, %swap3A_513] {strides = array<i32>} : memref<128x128xf32, #tpu.memory_space<vmem>>, vector<1x16xf32>,
        %swap3A_515 = vector.shape_cast %swap3A_514 : vector<1x16xf32> to vector<16xf32>
        %swap3A_516 = vector.shape_cast %mul3A_511 : vector<16xf32> to vector<1x16xf32>
        tpu.vector_store %arg10[%swap3A_512, %swap3A_513], %swap3A_516 {strides = array<i32>} : memref<128x128xf32, #tpu.memory_space<vmem>>, vector<1x16xf32>,
        %get3A_517 = arith.index_cast %add3A_466 : i32 to index
        %get3A_518 = arith.constant 80 : index
        %get3A_519 = tpu.vector_load %arg10[%get3A_517, %get3A_518] {strides = array<i32>} : memref<128x128xf32, #tpu.memory_space<vmem>>, vector<1x16xf32>,
        %get3A_520 = vector.shape_cast %get3A_519 : vector<1x16xf32> to vector<16xf32>
        %mul3A_521 = arith.mulf %get3A_520, %gather3A_462 : vector<16xf32>
        %swap3A_522 = arith.index_cast %add3A_466 : i32 to index
        %swap3A_523 = arith.constant 80 : index
        %swap3A_524 = tpu.vector_load %arg10[%swap3A_522, %swap3A_523] {strides = array<i32>} : memref<128x128xf32, #tpu.memory_space<vmem>>, vector<1x16xf32>,
        %swap3A_525 = vector.shape_cast %swap3A_524 : vector<1x16xf32> to vector<16xf32>
        %swap3A_526 = vector.shape_cast %mul3A_521 : vector<16xf32> to vector<1x16xf32>
        tpu.vector_store %arg10[%swap3A_522, %swap3A_523], %swap3A_526 {strides = array<i32>} : memref<128x128xf32, #tpu.memory_space<vmem>>, vector<1x16xf32>,
        %get3A_527 = arith.index_cast %add3A_466 : i32 to index
        %get3A_528 = arith.constant 96 : index
        %get3A_529 = tpu.vector_load %arg10[%get3A_527, %get3A_528] {strides = array<i32>} : memref<128x128xf32, #tpu.memory_space<vmem>>, vector<1x16xf32>,
        %get3A_530 = vector.shape_cast %get3A_529 : vector<1x16xf32> to vector<16xf32>
        %mul3A_531 = arith.mulf %get3A_530, %gather3A_462 : vector<16xf32>
        %swap3A_532 = arith.index_cast %add3A_466 : i32 to index
        %swap3A_533 = arith.constant 96 : index
        %swap3A_534 = tpu.vector_load %arg10[%swap3A_532, %swap3A_533] {strides = array<i32>} : memref<128x128xf32, #tpu.memory_space<vmem>>, vector<1x16xf32>,
        %swap3A_535 = vector.shape_cast %swap3A_534 : vector<1x16xf32> to vector<16xf32>
        %swap3A_536 = vector.shape_cast %mul3A_531 : vector<16xf32> to vector<1x16xf32>
        tpu.vector_store %arg10[%swap3A_532, %swap3A_533], %swap3A_536 {strides = array<i32>} : memref<128x128xf32, #tpu.memory_space<vmem>>, vector<1x16xf32>,
        %get3A_537 = arith.index_cast %add3A_466 : i32 to index
        %get3A_538 = arith.constant 112 : index
        %get3A_539 = tpu.vector_load %arg10[%get3A_537, %get3A_538] {strides = array<i32>} : memref<128x128xf32, #tpu.memory_space<vmem>>, vector<1x16xf32>,
        %get3A_540 = vector.shape_cast %get3A_539 : vector<1x16xf32> to vector<16xf32>
        %mul3A_541 = arith.mulf %get3A_540, %gather3A_462 : vector<16xf32>
        %swap3A_542 = arith.index_cast %add3A_466 : i32 to index
        %swap3A_543 = arith.constant 112 : index
        %swap3A_544 = tpu.vector_load %arg10[%swap3A_542, %swap3A_543] {strides = array<i32>} : memref<128x128xf32, #tpu.memory_space<vmem>>, vector<1x16xf32>,
        %swap3A_545 = vector.shape_cast %swap3A_544 : vector<1x16xf32> to vector<16xf32>
        %swap3A_546 = vector.shape_cast %mul3A_541 : vector<16xf32> to vector<1x16xf32>
        tpu.vector_store %arg10[%swap3A_542, %swap3A_543], %swap3A_546 {strides = array<i32>} : memref<128x128xf32, #tpu.memory_space<vmem>>, vector<1x16xf32>,
        %broadcast_in_dim3A_547 = arith.constant 5 : i32
        %broadcast_in_dim3A_548 = vector.broadcast %broadcast_in_dim3A_547 : i32 to vector<16xi32>
        %lt3A_549 = arith.constant 0 : i32
        %lt3A_550 = vector.broadcast %lt3A_549 : i32 to vector<16xi32>
        %lt3A_551 = arith.cmpi slt, %broadcast_in_dim3A_548, %lt3A_550 : vector<16xi32>
        %add3A_552 = arith.constant 16 : i32
        %add3A_553 = vector.broadcast %add3A_552 : i32 to vector<16xi32>
        %add3A_554 = arith.addi %broadcast_in_dim3A_548, %add3A_553 : vector<16xi32>
        %select_n3A_555 = arith.select %lt3A_551, %add3A_554, %broadcast_in_dim3A_548 : vector<16xi1>, vector<16xi32>
        %broadcast_in_dim3A_556 = vector.shape_cast %select_n3A_555 : vector<16xi32> to vector<16x1xi32>
        %gather3A_557 = vector.shape_cast %broadcast_in_dim3A_556 : vector<16x1xi32> to vector<16xi32>
        %gather3A_558 = tpu.dynamic_gather %get3A_70[%gather3A_557] in [0] : vector<16xf32>, vector<16xi32> -> vector<16xf32>
        %mul3A_559 = arith.constant 16 : i32
        %mul3A_560 = arith.muli %scan3A_65, %mul3A_559 : i32
        %add3A_561 = arith.constant 5 : i32
        %add3A_562 = arith.addi %mul3A_560, %add3A_561 : i32
        %get3A_563 = arith.index_cast %add3A_562 : i32 to index
        %get3A_564 = arith.constant 0 : index
        %get3A_565 = tpu.vector_load %arg10[%get3A_563, %get3A_564] {strides = array<i32>} : memref<128x128xf32, #tpu.memory_space<vmem>>, vector<1x16xf32>,
        %get3A_566 = vector.shape_cast %get3A_565 : vector<1x16xf32> to vector<16xf32>
        %mul3A_567 = arith.mulf %get3A_566, %gather3A_558 : vector<16xf32>
        %swap3A_568 = arith.index_cast %add3A_562 : i32 to index
        %swap3A_569 = arith.constant 0 : index
        %swap3A_570 = tpu.vector_load %arg10[%swap3A_568, %swap3A_569] {strides = array<i32>} : memref<128x128xf32, #tpu.memory_space<vmem>>, vector<1x16xf32>,
        %swap3A_571 = vector.shape_cast %swap3A_570 : vector<1x16xf32> to vector<16xf32>
        %swap3A_572 = vector.shape_cast %mul3A_567 : vector<16xf32> to vector<1x16xf32>
        tpu.vector_store %arg10[%swap3A_568, %swap3A_569], %swap3A_572 {strides = array<i32>} : memref<128x128xf32, #tpu.memory_space<vmem>>, vector<1x16xf32>,
        %get3A_573 = arith.index_cast %add3A_562 : i32 to index
        %get3A_574 = arith.constant 16 : index
        %get3A_575 = tpu.vector_load %arg10[%get3A_573, %get3A_574] {strides = array<i32>} : memref<128x128xf32, #tpu.memory_space<vmem>>, vector<1x16xf32>,
        %get3A_576 = vector.shape_cast %get3A_575 : vector<1x16xf32> to vector<16xf32>
        %mul3A_577 = arith.mulf %get3A_576, %gather3A_558 : vector<16xf32>
        %swap3A_578 = arith.index_cast %add3A_562 : i32 to index
        %swap3A_579 = arith.constant 16 : index
        %swap3A_580 = tpu.vector_load %arg10[%swap3A_578, %swap3A_579] {strides = array<i32>} : memref<128x128xf32, #tpu.memory_space<vmem>>, vector<1x16xf32>,
        %swap3A_581 = vector.shape_cast %swap3A_580 : vector<1x16xf32> to vector<16xf32>
        %swap3A_582 = vector.shape_cast %mul3A_577 : vector<16xf32> to vector<1x16xf32>
        tpu.vector_store %arg10[%swap3A_578, %swap3A_579], %swap3A_582 {strides = array<i32>} : memref<128x128xf32, #tpu.memory_space<vmem>>, vector<1x16xf32>,
        %get3A_583 = arith.index_cast %add3A_562 : i32 to index
        %get3A_584 = arith.constant 32 : index
        %get3A_585 = tpu.vector_load %arg10[%get3A_583, %get3A_584] {strides = array<i32>} : memref<128x128xf32, #tpu.memory_space<vmem>>, vector<1x16xf32>,
        %get3A_586 = vector.shape_cast %get3A_585 : vector<1x16xf32> to vector<16xf32>
        %mul3A_587 = arith.mulf %get3A_586, %gather3A_558 : vector<16xf32>
        %swap3A_588 = arith.index_cast %add3A_562 : i32 to index
        %swap3A_589 = arith.constant 32 : index
        %swap3A_590 = tpu.vector_load %arg10[%swap3A_588, %swap3A_589] {strides = array<i32>} : memref<128x128xf32, #tpu.memory_space<vmem>>, vector<1x16xf32>,
        %swap3A_591 = vector.shape_cast %swap3A_590 : vector<1x16xf32> to vector<16xf32>
        %swap3A_592 = vector.shape_cast %mul3A_587 : vector<16xf32> to vector<1x16xf32>
        tpu.vector_store %arg10[%swap3A_588, %swap3A_589], %swap3A_592 {strides = array<i32>} : memref<128x128xf32, #tpu.memory_space<vmem>>, vector<1x16xf32>,
        %get3A_593 = arith.index_cast %add3A_562 : i32 to index
        %get3A_594 = arith.constant 48 : index
        %get3A_595 = tpu.vector_load %arg10[%get3A_593, %get3A_594] {strides = array<i32>} : memref<128x128xf32, #tpu.memory_space<vmem>>, vector<1x16xf32>,
        %get3A_596 = vector.shape_cast %get3A_595 : vector<1x16xf32> to vector<16xf32>
        %mul3A_597 = arith.mulf %get3A_596, %gather3A_558 : vector<16xf32>
        %swap3A_598 = arith.index_cast %add3A_562 : i32 to index
        %swap3A_599 = arith.constant 48 : index
        %swap3A_600 = tpu.vector_load %arg10[%swap3A_598, %swap3A_599] {strides = array<i32>} : memref<128x128xf32, #tpu.memory_space<vmem>>, vector<1x16xf32>,
        %swap3A_601 = vector.shape_cast %swap3A_600 : vector<1x16xf32> to vector<16xf32>
        %swap3A_602 = vector.shape_cast %mul3A_597 : vector<16xf32> to vector<1x16xf32>
        tpu.vector_store %arg10[%swap3A_598, %swap3A_599], %swap3A_602 {strides = array<i32>} : memref<128x128xf32, #tpu.memory_space<vmem>>, vector<1x16xf32>,
        %get3A_603 = arith.index_cast %add3A_562 : i32 to index
        %get3A_604 = arith.constant 64 : index
        %get3A_605 = tpu.vector_load %arg10[%get3A_603, %get3A_604] {strides = array<i32>} : memref<128x128xf32, #tpu.memory_space<vmem>>, vector<1x16xf32>,
        %get3A_606 = vector.shape_cast %get3A_605 : vector<1x16xf32> to vector<16xf32>
        %mul3A_607 = arith.mulf %get3A_606, %gather3A_558 : vector<16xf32>
        %swap3A_608 = arith.index_cast %add3A_562 : i32 to index
        %swap3A_609 = arith.constant 64 : index
        %swap3A_610 = tpu.vector_load %arg10[%swap3A_608, %swap3A_609] {strides = array<i32>} : memref<128x128xf32, #tpu.memory_space<vmem>>, vector<1x16xf32>,
        %swap3A_611 = vector.shape_cast %swap3A_610 : vector<1x16xf32> to vector<16xf32>
        %swap3A_612 = vector.shape_cast %mul3A_607 : vector<16xf32> to vector<1x16xf32>
        tpu.vector_store %arg10[%swap3A_608, %swap3A_609], %swap3A_612 {strides = array<i32>} : memref<128x128xf32, #tpu.memory_space<vmem>>, vector<1x16xf32>,
        %get3A_613 = arith.index_cast %add3A_562 : i32 to index
        %get3A_614 = arith.constant 80 : index
        %get3A_615 = tpu.vector_load %arg10[%get3A_613, %get3A_614] {strides = array<i32>} : memref<128x128xf32, #tpu.memory_space<vmem>>, vector<1x16xf32>,
        %get3A_616 = vector.shape_cast %get3A_615 : vector<1x16xf32> to vector<16xf32>
        %mul3A_617 = arith.mulf %get3A_616, %gather3A_558 : vector<16xf32>
        %swap3A_618 = arith.index_cast %add3A_562 : i32 to index
        %swap3A_619 = arith.constant 80 : index
        %swap3A_620 = tpu.vector_load %arg10[%swap3A_618, %swap3A_619] {strides = array<i32>} : memref<128x128xf32, #tpu.memory_space<vmem>>, vector<1x16xf32>,
        %swap3A_621 = vector.shape_cast %swap3A_620 : vector<1x16xf32> to vector<16xf32>
        %swap3A_622 = vector.shape_cast %mul3A_617 : vector<16xf32> to vector<1x16xf32>
        tpu.vector_store %arg10[%swap3A_618, %swap3A_619], %swap3A_622 {strides = array<i32>} : memref<128x128xf32, #tpu.memory_space<vmem>>, vector<1x16xf32>,
        %get3A_623 = arith.index_cast %add3A_562 : i32 to index
        %get3A_624 = arith.constant 96 : index
        %get3A_625 = tpu.vector_load %arg10[%get3A_623, %get3A_624] {strides = array<i32>} : memref<128x128xf32, #tpu.memory_space<vmem>>, vector<1x16xf32>,
        %get3A_626 = vector.shape_cast %get3A_625 : vector<1x16xf32> to vector<16xf32>
        %mul3A_627 = arith.mulf %get3A_626, %gather3A_558 : vector<16xf32>
        %swap3A_628 = arith.index_cast %add3A_562 : i32 to index
        %swap3A_629 = arith.constant 96 : index
        %swap3A_630 = tpu.vector_load %arg10[%swap3A_628, %swap3A_629] {strides = array<i32>} : memref<128x128xf32, #tpu.memory_space<vmem>>, vector<1x16xf32>,
        %swap3A_631 = vector.shape_cast %swap3A_630 : vector<1x16xf32> to vector<16xf32>
        %swap3A_632 = vector.shape_cast %mul3A_627 : vector<16xf32> to vector<1x16xf32>
        tpu.vector_store %arg10[%swap3A_628, %swap3A_629], %swap3A_632 {strides = array<i32>} : memref<128x128xf32, #tpu.memory_space<vmem>>, vector<1x16xf32>,
        %get3A_633 = arith.index_cast %add3A_562 : i32 to index
        %get3A_634 = arith.constant 112 : index
        %get3A_635 = tpu.vector_load %arg10[%get3A_633, %get3A_634] {strides = array<i32>} : memref<128x128xf32, #tpu.memory_space<vmem>>, vector<1x16xf32>,
        %get3A_636 = vector.shape_cast %get3A_635 : vector<1x16xf32> to vector<16xf32>
        %mul3A_637 = arith.mulf %get3A_636, %gather3A_558 : vector<16xf32>
        %swap3A_638 = arith.index_cast %add3A_562 : i32 to index
        %swap3A_639 = arith.constant 112 : index
        %swap3A_640 = tpu.vector_load %arg10[%swap3A_638, %swap3A_639] {strides = array<i32>} : memref<128x128xf32, #tpu.memory_space<vmem>>, vector<1x16xf32>,
        %swap3A_641 = vector.shape_cast %swap3A_640 : vector<1x16xf32> to vector<16xf32>
        %swap3A_642 = vector.shape_cast %mul3A_637 : vector<16xf32> to vector<1x16xf32>
        tpu.vector_store %arg10[%swap3A_638, %swap3A_639], %swap3A_642 {strides = array<i32>} : memref<128x128xf32, #tpu.memory_space<vmem>>, vector<1x16xf32>,
        %broadcast_in_dim3A_643 = arith.constant 6 : i32
        %broadcast_in_dim3A_644 = vector.broadcast %broadcast_in_dim3A_643 : i32 to vector<16xi32>
        %lt3A_645 = arith.constant 0 : i32
        %lt3A_646 = vector.broadcast %lt3A_645 : i32 to vector<16xi32>
        %lt3A_647 = arith.cmpi slt, %broadcast_in_dim3A_644, %lt3A_646 : vector<16xi32>
        %add3A_648 = arith.constant 16 : i32
        %add3A_649 = vector.broadcast %add3A_648 : i32 to vector<16xi32>
        %add3A_650 = arith.addi %broadcast_in_dim3A_644, %add3A_649 : vector<16xi32>
        %select_n3A_651 = arith.select %lt3A_647, %add3A_650, %broadcast_in_dim3A_644 : vector<16xi1>, vector<16xi32>
        %broadcast_in_dim3A_652 = vector.shape_cast %select_n3A_651 : vector<16xi32> to vector<16x1xi32>
        %gather3A_653 = vector.shape_cast %broadcast_in_dim3A_652 : vector<16x1xi32> to vector<16xi32>
        %gather3A_654 = tpu.dynamic_gather %get3A_70[%gather3A_653] in [0] : vector<16xf32>, vector<16xi32> -> vector<16xf32>
        %mul3A_655 = arith.constant 16 : i32
        %mul3A_656 = arith.muli %scan3A_65, %mul3A_655 : i32
        %add3A_657 = arith.constant 6 : i32
        %add3A_658 = arith.addi %mul3A_656, %add3A_657 : i32
        %get3A_659 = arith.index_cast %add3A_658 : i32 to index
        %get3A_660 = arith.constant 0 : index
        %get3A_661 = tpu.vector_load %arg10[%get3A_659, %get3A_660] {strides = array<i32>} : memref<128x128xf32, #tpu.memory_space<vmem>>, vector<1x16xf32>,
        %get3A_662 = vector.shape_cast %get3A_661 : vector<1x16xf32> to vector<16xf32>
        %mul3A_663 = arith.mulf %get3A_662, %gather3A_654 : vector<16xf32>
        %swap3A_664 = arith.index_cast %add3A_658 : i32 to index
        %swap3A_665 = arith.constant 0 : index
        %swap3A_666 = tpu.vector_load %arg10[%swap3A_664, %swap3A_665] {strides = array<i32>} : memref<128x128xf32, #tpu.memory_space<vmem>>, vector<1x16xf32>,
        %swap3A_667 = vector.shape_cast %swap3A_666 : vector<1x16xf32> to vector<16xf32>
        %swap3A_668 = vector.shape_cast %mul3A_663 : vector<16xf32> to vector<1x16xf32>
        tpu.vector_store %arg10[%swap3A_664, %swap3A_665], %swap3A_668 {strides = array<i32>} : memref<128x128xf32, #tpu.memory_space<vmem>>, vector<1x16xf32>,
        %get3A_669 = arith.index_cast %add3A_658 : i32 to index
        %get3A_670 = arith.constant 16 : index
        %get3A_671 = tpu.vector_load %arg10[%get3A_669, %get3A_670] {strides = array<i32>} : memref<128x128xf32, #tpu.memory_space<vmem>>, vector<1x16xf32>,
        %get3A_672 = vector.shape_cast %get3A_671 : vector<1x16xf32> to vector<16xf32>
        %mul3A_673 = arith.mulf %get3A_672, %gather3A_654 : vector<16xf32>
        %swap3A_674 = arith.index_cast %add3A_658 : i32 to index
        %swap3A_675 = arith.constant 16 : index
        %swap3A_676 = tpu.vector_load %arg10[%swap3A_674, %swap3A_675] {strides = array<i32>} : memref<128x128xf32, #tpu.memory_space<vmem>>, vector<1x16xf32>,
        %swap3A_677 = vector.shape_cast %swap3A_676 : vector<1x16xf32> to vector<16xf32>
        %swap3A_678 = vector.shape_cast %mul3A_673 : vector<16xf32> to vector<1x16xf32>
        tpu.vector_store %arg10[%swap3A_674, %swap3A_675], %swap3A_678 {strides = array<i32>} : memref<128x128xf32, #tpu.memory_space<vmem>>, vector<1x16xf32>,
        %get3A_679 = arith.index_cast %add3A_658 : i32 to index
        %get3A_680 = arith.constant 32 : index
        %get3A_681 = tpu.vector_load %arg10[%get3A_679, %get3A_680] {strides = array<i32>} : memref<128x128xf32, #tpu.memory_space<vmem>>, vector<1x16xf32>,
        %get3A_682 = vector.shape_cast %get3A_681 : vector<1x16xf32> to vector<16xf32>
        %mul3A_683 = arith.mulf %get3A_682, %gather3A_654 : vector<16xf32>
        %swap3A_684 = arith.index_cast %add3A_658 : i32 to index
        %swap3A_685 = arith.constant 32 : index
        %swap3A_686 = tpu.vector_load %arg10[%swap3A_684, %swap3A_685] {strides = array<i32>} : memref<128x128xf32, #tpu.memory_space<vmem>>, vector<1x16xf32>,
        %swap3A_687 = vector.shape_cast %swap3A_686 : vector<1x16xf32> to vector<16xf32>
        %swap3A_688 = vector.shape_cast %mul3A_683 : vector<16xf32> to vector<1x16xf32>
        tpu.vector_store %arg10[%swap3A_684, %swap3A_685], %swap3A_688 {strides = array<i32>} : memref<128x128xf32, #tpu.memory_space<vmem>>, vector<1x16xf32>,
        %get3A_689 = arith.index_cast %add3A_658 : i32 to index
        %get3A_690 = arith.constant 48 : index
        %get3A_691 = tpu.vector_load %arg10[%get3A_689, %get3A_690] {strides = array<i32>} : memref<128x128xf32, #tpu.memory_space<vmem>>, vector<1x16xf32>,
        %get3A_692 = vector.shape_cast %get3A_691 : vector<1x16xf32> to vector<16xf32>
        %mul3A_693 = arith.mulf %get3A_692, %gather3A_654 : vector<16xf32>
        %swap3A_694 = arith.index_cast %add3A_658 : i32 to index
        %swap3A_695 = arith.constant 48 : index
        %swap3A_696 = tpu.vector_load %arg10[%swap3A_694, %swap3A_695] {strides = array<i32>} : memref<128x128xf32, #tpu.memory_space<vmem>>, vector<1x16xf32>,
        %swap3A_697 = vector.shape_cast %swap3A_696 : vector<1x16xf32> to vector<16xf32>
        %swap3A_698 = vector.shape_cast %mul3A_693 : vector<16xf32> to vector<1x16xf32>
        tpu.vector_store %arg10[%swap3A_694, %swap3A_695], %swap3A_698 {strides = array<i32>} : memref<128x128xf32, #tpu.memory_space<vmem>>, vector<1x16xf32>,
        %get3A_699 = arith.index_cast %add3A_658 : i32 to index
        %get3A_700 = arith.constant 64 : index
        %get3A_701 = tpu.vector_load %arg10[%get3A_699, %get3A_700] {strides = array<i32>} : memref<128x128xf32, #tpu.memory_space<vmem>>, vector<1x16xf32>,
        %get3A_702 = vector.shape_cast %get3A_701 : vector<1x16xf32> to vector<16xf32>
        %mul3A_703 = arith.mulf %get3A_702, %gather3A_654 : vector<16xf32>
        %swap3A_704 = arith.index_cast %add3A_658 : i32 to index
        %swap3A_705 = arith.constant 64 : index
        %swap3A_706 = tpu.vector_load %arg10[%swap3A_704, %swap3A_705] {strides = array<i32>} : memref<128x128xf32, #tpu.memory_space<vmem>>, vector<1x16xf32>,
        %swap3A_707 = vector.shape_cast %swap3A_706 : vector<1x16xf32> to vector<16xf32>
        %swap3A_708 = vector.shape_cast %mul3A_703 : vector<16xf32> to vector<1x16xf32>
        tpu.vector_store %arg10[%swap3A_704, %swap3A_705], %swap3A_708 {strides = array<i32>} : memref<128x128xf32, #tpu.memory_space<vmem>>, vector<1x16xf32>,
        %get3A_709 = arith.index_cast %add3A_658 : i32 to index
        %get3A_710 = arith.constant 80 : index
        %get3A_711 = tpu.vector_load %arg10[%get3A_709, %get3A_710] {strides = array<i32>} : memref<128x128xf32, #tpu.memory_space<vmem>>, vector<1x16xf32>,
        %get3A_712 = vector.shape_cast %get3A_711 : vector<1x16xf32> to vector<16xf32>
        %mul3A_713 = arith.mulf %get3A_712, %gather3A_654 : vector<16xf32>
        %swap3A_714 = arith.index_cast %add3A_658 : i32 to index
        %swap3A_715 = arith.constant 80 : index
        %swap3A_716 = tpu.vector_load %arg10[%swap3A_714, %swap3A_715] {strides = array<i32>} : memref<128x128xf32, #tpu.memory_space<vmem>>, vector<1x16xf32>,
        %swap3A_717 = vector.shape_cast %swap3A_716 : vector<1x16xf32> to vector<16xf32>
        %swap3A_718 = vector.shape_cast %mul3A_713 : vector<16xf32> to vector<1x16xf32>
        tpu.vector_store %arg10[%swap3A_714, %swap3A_715], %swap3A_718 {strides = array<i32>} : memref<128x128xf32, #tpu.memory_space<vmem>>, vector<1x16xf32>,
        %get3A_719 = arith.index_cast %add3A_658 : i32 to index
        %get3A_720 = arith.constant 96 : index
        %get3A_721 = tpu.vector_load %arg10[%get3A_719, %get3A_720] {strides = array<i32>} : memref<128x128xf32, #tpu.memory_space<vmem>>, vector<1x16xf32>,
        %get3A_722 = vector.shape_cast %get3A_721 : vector<1x16xf32> to vector<16xf32>
        %mul3A_723 = arith.mulf %get3A_722, %gather3A_654 : vector<16xf32>
        %swap3A_724 = arith.index_cast %add3A_658 : i32 to index
        %swap3A_725 = arith.constant 96 : index
        %swap3A_726 = tpu.vector_load %arg10[%swap3A_724, %swap3A_725] {strides = array<i32>} : memref<128x128xf32, #tpu.memory_space<vmem>>, vector<1x16xf32>,
        %swap3A_727 = vector.shape_cast %swap3A_726 : vector<1x16xf32> to vector<16xf32>
        %swap3A_728 = vector.shape_cast %mul3A_723 : vector<16xf32> to vector<1x16xf32>
        tpu.vector_store %arg10[%swap3A_724, %swap3A_725], %swap3A_728 {strides = array<i32>} : memref<128x128xf32, #tpu.memory_space<vmem>>, vector<1x16xf32>,
        %get3A_729 = arith.index_cast %add3A_658 : i32 to index
        %get3A_730 = arith.constant 112 : index
        %get3A_731 = tpu.vector_load %arg10[%get3A_729, %get3A_730] {strides = array<i32>} : memref<128x128xf32, #tpu.memory_space<vmem>>, vector<1x16xf32>,
        %get3A_732 = vector.shape_cast %get3A_731 : vector<1x16xf32> to vector<16xf32>
        %mul3A_733 = arith.mulf %get3A_732, %gather3A_654 : vector<16xf32>
        %swap3A_734 = arith.index_cast %add3A_658 : i32 to index
        %swap3A_735 = arith.constant 112 : index
        %swap3A_736 = tpu.vector_load %arg10[%swap3A_734, %swap3A_735] {strides = array<i32>} : memref<128x128xf32, #tpu.memory_space<vmem>>, vector<1x16xf32>,
        %swap3A_737 = vector.shape_cast %swap3A_736 : vector<1x16xf32> to vector<16xf32>
        %swap3A_738 = vector.shape_cast %mul3A_733 : vector<16xf32> to vector<1x16xf32>
        tpu.vector_store %arg10[%swap3A_734, %swap3A_735], %swap3A_738 {strides = array<i32>} : memref<128x128xf32, #tpu.memory_space<vmem>>, vector<1x16xf32>,
        %broadcast_in_dim3A_739 = arith.constant 7 : i32
        %broadcast_in_dim3A_740 = vector.broadcast %broadcast_in_dim3A_739 : i32 to vector<16xi32>
        %lt3A_741 = arith.constant 0 : i32
        %lt3A_742 = vector.broadcast %lt3A_741 : i32 to vector<16xi32>
        %lt3A_743 = arith.cmpi slt, %broadcast_in_dim3A_740, %lt3A_742 : vector<16xi32>
        %add3A_744 = arith.constant 16 : i32
        %add3A_745 = vector.broadcast %add3A_744 : i32 to vector<16xi32>
        %add3A_746 = arith.addi %broadcast_in_dim3A_740, %add3A_745 : vector<16xi32>
        %select_n3A_747 = arith.select %lt3A_743, %add3A_746, %broadcast_in_dim3A_740 : vector<16xi1>, vector<16xi32>
        %broadcast_in_dim3A_748 = vector.shape_cast %select_n3A_747 : vector<16xi32> to vector<16x1xi32>
        %gather3A_749 = vector.shape_cast %broadcast_in_dim3A_748 : vector<16x1xi32> to vector<16xi32>
        %gather3A_750 = tpu.dynamic_gather %get3A_70[%gather3A_749] in [0] : vector<16xf32>, vector<16xi32> -> vector<16xf32>
        %mul3A_751 = arith.constant 16 : i32
        %mul3A_752 = arith.muli %scan3A_65, %mul3A_751 : i32
        %add3A_753 = arith.constant 7 : i32
        %add3A_754 = arith.addi %mul3A_752, %add3A_753 : i32
        %get3A_755 = arith.index_cast %add3A_754 : i32 to index
        %get3A_756 = arith.constant 0 : index
        %get3A_757 = tpu.vector_load %arg10[%get3A_755, %get3A_756] {strides = array<i32>} : memref<128x128xf32, #tpu.memory_space<vmem>>, vector<1x16xf32>,
        %get3A_758 = vector.shape_cast %get3A_757 : vector<1x16xf32> to vector<16xf32>
        %mul3A_759 = arith.mulf %get3A_758, %gather3A_750 : vector<16xf32>
        %swap3A_760 = arith.index_cast %add3A_754 : i32 to index
        %swap3A_761 = arith.constant 0 : index
        %swap3A_762 = tpu.vector_load %arg10[%swap3A_760, %swap3A_761] {strides = array<i32>} : memref<128x128xf32, #tpu.memory_space<vmem>>, vector<1x16xf32>,
        %swap3A_763 = vector.shape_cast %swap3A_762 : vector<1x16xf32> to vector<16xf32>
        %swap3A_764 = vector.shape_cast %mul3A_759 : vector<16xf32> to vector<1x16xf32>
        tpu.vector_store %arg10[%swap3A_760, %swap3A_761], %swap3A_764 {strides = array<i32>} : memref<128x128xf32, #tpu.memory_space<vmem>>, vector<1x16xf32>,
        %get3A_765 = arith.index_cast %add3A_754 : i32 to index
        %get3A_766 = arith.constant 16 : index
        %get3A_767 = tpu.vector_load %arg10[%get3A_765, %get3A_766] {strides = array<i32>} : memref<128x128xf32, #tpu.memory_space<vmem>>, vector<1x16xf32>,
        %get3A_768 = vector.shape_cast %get3A_767 : vector<1x16xf32> to vector<16xf32>
        %mul3A_769 = arith.mulf %get3A_768, %gather3A_750 : vector<16xf32>
        %swap3A_770 = arith.index_cast %add3A_754 : i32 to index
        %swap3A_771 = arith.constant 16 : index
        %swap3A_772 = tpu.vector_load %arg10[%swap3A_770, %swap3A_771] {strides = array<i32>} : memref<128x128xf32, #tpu.memory_space<vmem>>, vector<1x16xf32>,
        %swap3A_773 = vector.shape_cast %swap3A_772 : vector<1x16xf32> to vector<16xf32>
        %swap3A_774 = vector.shape_cast %mul3A_769 : vector<16xf32> to vector<1x16xf32>
        tpu.vector_store %arg10[%swap3A_770, %swap3A_771], %swap3A_774 {strides = array<i32>} : memref<128x128xf32, #tpu.memory_space<vmem>>, vector<1x16xf32>,
        %get3A_775 = arith.index_cast %add3A_754 : i32 to index
        %get3A_776 = arith.constant 32 : index
        %get3A_777 = tpu.vector_load %arg10[%get3A_775, %get3A_776] {strides = array<i32>} : memref<128x128xf32, #tpu.memory_space<vmem>>, vector<1x16xf32>,
        %get3A_778 = vector.shape_cast %get3A_777 : vector<1x16xf32> to vector<16xf32>
        %mul3A_779 = arith.mulf %get3A_778, %gather3A_750 : vector<16xf32>
        %swap3A_780 = arith.index_cast %add3A_754 : i32 to index
        %swap3A_781 = arith.constant 32 : index
        %swap3A_782 = tpu.vector_load %arg10[%swap3A_780, %swap3A_781] {strides = array<i32>} : memref<128x128xf32, #tpu.memory_space<vmem>>, vector<1x16xf32>,
        %swap3A_783 = vector.shape_cast %swap3A_782 : vector<1x16xf32> to vector<16xf32>
        %swap3A_784 = vector.shape_cast %mul3A_779 : vector<16xf32> to vector<1x16xf32>
        tpu.vector_store %arg10[%swap3A_780, %swap3A_781], %swap3A_784 {strides = array<i32>} : memref<128x128xf32, #tpu.memory_space<vmem>>, vector<1x16xf32>,
        %get3A_785 = arith.index_cast %add3A_754 : i32 to index
        %get3A_786 = arith.constant 48 : index
        %get3A_787 = tpu.vector_load %arg10[%get3A_785, %get3A_786] {strides = array<i32>} : memref<128x128xf32, #tpu.memory_space<vmem>>, vector<1x16xf32>,
        %get3A_788 = vector.shape_cast %get3A_787 : vector<1x16xf32> to vector<16xf32>
        %mul3A_789 = arith.mulf %get3A_788, %gather3A_750 : vector<16xf32>
        %swap3A_790 = arith.index_cast %add3A_754 : i32 to index
        %swap3A_791 = arith.constant 48 : index
        %swap3A_792 = tpu.vector_load %arg10[%swap3A_790, %swap3A_791] {strides = array<i32>} : memref<128x128xf32, #tpu.memory_space<vmem>>, vector<1x16xf32>,
        %swap3A_793 = vector.shape_cast %swap3A_792 : vector<1x16xf32> to vector<16xf32>
        %swap3A_794 = vector.shape_cast %mul3A_789 : vector<16xf32> to vector<1x16xf32>
        tpu.vector_store %arg10[%swap3A_790, %swap3A_791], %swap3A_794 {strides = array<i32>} : memref<128x128xf32, #tpu.memory_space<vmem>>, vector<1x16xf32>,
        %get3A_795 = arith.index_cast %add3A_754 : i32 to index
        %get3A_796 = arith.constant 64 : index
        %get3A_797 = tpu.vector_load %arg10[%get3A_795, %get3A_796] {strides = array<i32>} : memref<128x128xf32, #tpu.memory_space<vmem>>, vector<1x16xf32>,
        %get3A_798 = vector.shape_cast %get3A_797 : vector<1x16xf32> to vector<16xf32>
        %mul3A_799 = arith.mulf %get3A_798, %gather3A_750 : vector<16xf32>
        %swap3A_800 = arith.index_cast %add3A_754 : i32 to index
        %swap3A_801 = arith.constant 64 : index
        %swap3A_802 = tpu.vector_load %arg10[%swap3A_800, %swap3A_801] {strides = array<i32>} : memref<128x128xf32, #tpu.memory_space<vmem>>, vector<1x16xf32>,
        %swap3A_803 = vector.shape_cast %swap3A_802 : vector<1x16xf32> to vector<16xf32>
        %swap3A_804 = vector.shape_cast %mul3A_799 : vector<16xf32> to vector<1x16xf32>
        tpu.vector_store %arg10[%swap3A_800, %swap3A_801], %swap3A_804 {strides = array<i32>} : memref<128x128xf32, #tpu.memory_space<vmem>>, vector<1x16xf32>,
        %get3A_805 = arith.index_cast %add3A_754 : i32 to index
        %get3A_806 = arith.constant 80 : index
        %get3A_807 = tpu.vector_load %arg10[%get3A_805, %get3A_806] {strides = array<i32>} : memref<128x128xf32, #tpu.memory_space<vmem>>, vector<1x16xf32>,
        %get3A_808 = vector.shape_cast %get3A_807 : vector<1x16xf32> to vector<16xf32>
        %mul3A_809 = arith.mulf %get3A_808, %gather3A_750 : vector<16xf32>
        %swap3A_810 = arith.index_cast %add3A_754 : i32 to index
        %swap3A_811 = arith.constant 80 : index
        %swap3A_812 = tpu.vector_load %arg10[%swap3A_810, %swap3A_811] {strides = array<i32>} : memref<128x128xf32, #tpu.memory_space<vmem>>, vector<1x16xf32>,
        %swap3A_813 = vector.shape_cast %swap3A_812 : vector<1x16xf32> to vector<16xf32>
        %swap3A_814 = vector.shape_cast %mul3A_809 : vector<16xf32> to vector<1x16xf32>
        tpu.vector_store %arg10[%swap3A_810, %swap3A_811], %swap3A_814 {strides = array<i32>} : memref<128x128xf32, #tpu.memory_space<vmem>>, vector<1x16xf32>,
        %get3A_815 = arith.index_cast %add3A_754 : i32 to index
        %get3A_816 = arith.constant 96 : index
        %get3A_817 = tpu.vector_load %arg10[%get3A_815, %get3A_816] {strides = array<i32>} : memref<128x128xf32, #tpu.memory_space<vmem>>, vector<1x16xf32>,
        %get3A_818 = vector.shape_cast %get3A_817 : vector<1x16xf32> to vector<16xf32>
        %mul3A_819 = arith.mulf %get3A_818, %gather3A_750 : vector<16xf32>
        %swap3A_820 = arith.index_cast %add3A_754 : i32 to index
        %swap3A_821 = arith.constant 96 : index
        %swap3A_822 = tpu.vector_load %arg10[%swap3A_820, %swap3A_821] {strides = array<i32>} : memref<128x128xf32, #tpu.memory_space<vmem>>, vector<1x16xf32>,
        %swap3A_823 = vector.shape_cast %swap3A_822 : vector<1x16xf32> to vector<16xf32>
        %swap3A_824 = vector.shape_cast %mul3A_819 : vector<16xf32> to vector<1x16xf32>
        tpu.vector_store %arg10[%swap3A_820, %swap3A_821], %swap3A_824 {strides = array<i32>} : memref<128x128xf32, #tpu.memory_space<vmem>>, vector<1x16xf32>,
        %get3A_825 = arith.index_cast %add3A_754 : i32 to index
        %get3A_826 = arith.constant 112 : index
        %get3A_827 = tpu.vector_load %arg10[%get3A_825, %get3A_826] {strides = array<i32>} : memref<128x128xf32, #tpu.memory_space<vmem>>, vector<1x16xf32>,
        %get3A_828 = vector.shape_cast %get3A_827 : vector<1x16xf32> to vector<16xf32>
        %mul3A_829 = arith.mulf %get3A_828, %gather3A_750 : vector<16xf32>
        %swap3A_830 = arith.index_cast %add3A_754 : i32 to index
        %swap3A_831 = arith.constant 112 : index
        %swap3A_832 = tpu.vector_load %arg10[%swap3A_830, %swap3A_831] {strides = array<i32>} : memref<128x128xf32, #tpu.memory_space<vmem>>, vector<1x16xf32>,
        %swap3A_833 = vector.shape_cast %swap3A_832 : vector<1x16xf32> to vector<16xf32>
        %swap3A_834 = vector.shape_cast %mul3A_829 : vector<16xf32> to vector<1x16xf32>
        tpu.vector_store %arg10[%swap3A_830, %swap3A_831], %swap3A_834 {strides = array<i32>} : memref<128x128xf32, #tpu.memory_space<vmem>>, vector<1x16xf32>,
        %broadcast_in_dim3A_835 = arith.constant 8 : i32
        %broadcast_in_dim3A_836 = vector.broadcast %broadcast_in_dim3A_835 : i32 to vector<16xi32>
        %lt3A_837 = arith.constant 0 : i32
        %lt3A_838 = vector.broadcast %lt3A_837 : i32 to vector<16xi32>
        %lt3A_839 = arith.cmpi slt, %broadcast_in_dim3A_836, %lt3A_838 : vector<16xi32>
        %add3A_840 = arith.constant 16 : i32
        %add3A_841 = vector.broadcast %add3A_840 : i32 to vector<16xi32>
        %add3A_842 = arith.addi %broadcast_in_dim3A_836, %add3A_841 : vector<16xi32>
        %select_n3A_843 = arith.select %lt3A_839, %add3A_842, %broadcast_in_dim3A_836 : vector<16xi1>, vector<16xi32>
        %broadcast_in_dim3A_844 = vector.shape_cast %select_n3A_843 : vector<16xi32> to vector<16x1xi32>
        %gather3A_845 = vector.shape_cast %broadcast_in_dim3A_844 : vector<16x1xi32> to vector<16xi32>
        %gather3A_846 = tpu.dynamic_gather %get3A_70[%gather3A_845] in [0] : vector<16xf32>, vector<16xi32> -> vector<16xf32>
        %mul3A_847 = arith.constant 16 : i32
        %mul3A_848 = arith.muli %scan3A_65, %mul3A_847 : i32
        %add3A_849 = arith.constant 8 : i32
        %add3A_850 = arith.addi %mul3A_848, %add3A_849 : i32
        %get3A_851 = arith.index_cast %add3A_850 : i32 to index
        %get3A_852 = arith.constant 0 : index
        %get3A_853 = tpu.vector_load %arg10[%get3A_851, %get3A_852] {strides = array<i32>} : memref<128x128xf32, #tpu.memory_space<vmem>>, vector<1x16xf32>,
        %get3A_854 = vector.shape_cast %get3A_853 : vector<1x16xf32> to vector<16xf32>
        %mul3A_855 = arith.mulf %get3A_854, %gather3A_846 : vector<16xf32>
        %swap3A_856 = arith.index_cast %add3A_850 : i32 to index
        %swap3A_857 = arith.constant 0 : index
        %swap3A_858 = tpu.vector_load %arg10[%swap3A_856, %swap3A_857] {strides = array<i32>} : memref<128x128xf32, #tpu.memory_space<vmem>>, vector<1x16xf32>,
        %swap3A_859 = vector.shape_cast %swap3A_858 : vector<1x16xf32> to vector<16xf32>
        %swap3A_860 = vector.shape_cast %mul3A_855 : vector<16xf32> to vector<1x16xf32>
        tpu.vector_store %arg10[%swap3A_856, %swap3A_857], %swap3A_860 {strides = array<i32>} : memref<128x128xf32, #tpu.memory_space<vmem>>, vector<1x16xf32>,
        %get3A_861 = arith.index_cast %add3A_850 : i32 to index
        %get3A_862 = arith.constant 16 : index
        %get3A_863 = tpu.vector_load %arg10[%get3A_861, %get3A_862] {strides = array<i32>} : memref<128x128xf32, #tpu.memory_space<vmem>>, vector<1x16xf32>,
        %get3A_864 = vector.shape_cast %get3A_863 : vector<1x16xf32> to vector<16xf32>
        %mul3A_865 = arith.mulf %get3A_864, %gather3A_846 : vector<16xf32>
        %swap3A_866 = arith.index_cast %add3A_850 : i32 to index
        %swap3A_867 = arith.constant 16 : index
        %swap3A_868 = tpu.vector_load %arg10[%swap3A_866, %swap3A_867] {strides = array<i32>} : memref<128x128xf32, #tpu.memory_space<vmem>>, vector<1x16xf32>,
        %swap3A_869 = vector.shape_cast %swap3A_868 : vector<1x16xf32> to vector<16xf32>
        %swap3A_870 = vector.shape_cast %mul3A_865 : vector<16xf32> to vector<1x16xf32>
        tpu.vector_store %arg10[%swap3A_866, %swap3A_867], %swap3A_870 {strides = array<i32>} : memref<128x128xf32, #tpu.memory_space<vmem>>, vector<1x16xf32>,
        %get3A_871 = arith.index_cast %add3A_850 : i32 to index
        %get3A_872 = arith.constant 32 : index
        %get3A_873 = tpu.vector_load %arg10[%get3A_871, %get3A_872] {strides = array<i32>} : memref<128x128xf32, #tpu.memory_space<vmem>>, vector<1x16xf32>,
        %get3A_874 = vector.shape_cast %get3A_873 : vector<1x16xf32> to vector<16xf32>
        %mul3A_875 = arith.mulf %get3A_874, %gather3A_846 : vector<16xf32>
        %swap3A_876 = arith.index_cast %add3A_850 : i32 to index
        %swap3A_877 = arith.constant 32 : index
        %swap3A_878 = tpu.vector_load %arg10[%swap3A_876, %swap3A_877] {strides = array<i32>} : memref<128x128xf32, #tpu.memory_space<vmem>>, vector<1x16xf32>,
        %swap3A_879 = vector.shape_cast %swap3A_878 : vector<1x16xf32> to vector<16xf32>
        %swap3A_880 = vector.shape_cast %mul3A_875 : vector<16xf32> to vector<1x16xf32>
        tpu.vector_store %arg10[%swap3A_876, %swap3A_877], %swap3A_880 {strides = array<i32>} : memref<128x128xf32, #tpu.memory_space<vmem>>, vector<1x16xf32>,
        %get3A_881 = arith.index_cast %add3A_850 : i32 to index
        %get3A_882 = arith.constant 48 : index
        %get3A_883 = tpu.vector_load %arg10[%get3A_881, %get3A_882] {strides = array<i32>} : memref<128x128xf32, #tpu.memory_space<vmem>>, vector<1x16xf32>,
        %get3A_884 = vector.shape_cast %get3A_883 : vector<1x16xf32> to vector<16xf32>
        %mul3A_885 = arith.mulf %get3A_884, %gather3A_846 : vector<16xf32>
        %swap3A_886 = arith.index_cast %add3A_850 : i32 to index
        %swap3A_887 = arith.constant 48 : index
        %swap3A_888 = tpu.vector_load %arg10[%swap3A_886, %swap3A_887] {strides = array<i32>} : memref<128x128xf32, #tpu.memory_space<vmem>>, vector<1x16xf32>,
        %swap3A_889 = vector.shape_cast %swap3A_888 : vector<1x16xf32> to vector<16xf32>
        %swap3A_890 = vector.shape_cast %mul3A_885 : vector<16xf32> to vector<1x16xf32>
        tpu.vector_store %arg10[%swap3A_886, %swap3A_887], %swap3A_890 {strides = array<i32>} : memref<128x128xf32, #tpu.memory_space<vmem>>, vector<1x16xf32>,
        %get3A_891 = arith.index_cast %add3A_850 : i32 to index
        %get3A_892 = arith.constant 64 : index
        %get3A_893 = tpu.vector_load %arg10[%get3A_891, %get3A_892] {strides = array<i32>} : memref<128x128xf32, #tpu.memory_space<vmem>>, vector<1x16xf32>,
        %get3A_894 = vector.shape_cast %get3A_893 : vector<1x16xf32> to vector<16xf32>
        %mul3A_895 = arith.mulf %get3A_894, %gather3A_846 : vector<16xf32>
        %swap3A_896 = arith.index_cast %add3A_850 : i32 to index
        %swap3A_897 = arith.constant 64 : index
        %swap3A_898 = tpu.vector_load %arg10[%swap3A_896, %swap3A_897] {strides = array<i32>} : memref<128x128xf32, #tpu.memory_space<vmem>>, vector<1x16xf32>,
        %swap3A_899 = vector.shape_cast %swap3A_898 : vector<1x16xf32> to vector<16xf32>
        %swap3A_900 = vector.shape_cast %mul3A_895 : vector<16xf32> to vector<1x16xf32>
        tpu.vector_store %arg10[%swap3A_896, %swap3A_897], %swap3A_900 {strides = array<i32>} : memref<128x128xf32, #tpu.memory_space<vmem>>, vector<1x16xf32>,
        %get3A_901 = arith.index_cast %add3A_850 : i32 to index
        %get3A_902 = arith.constant 80 : index
        %get3A_903 = tpu.vector_load %arg10[%get3A_901, %get3A_902] {strides = array<i32>} : memref<128x128xf32, #tpu.memory_space<vmem>>, vector<1x16xf32>,
        %get3A_904 = vector.shape_cast %get3A_903 : vector<1x16xf32> to vector<16xf32>
        %mul3A_905 = arith.mulf %get3A_904, %gather3A_846 : vector<16xf32>
        %swap3A_906 = arith.index_cast %add3A_850 : i32 to index
        %swap3A_907 = arith.constant 80 : index
        %swap3A_908 = tpu.vector_load %arg10[%swap3A_906, %swap3A_907] {strides = array<i32>} : memref<128x128xf32, #tpu.memory_space<vmem>>, vector<1x16xf32>,
        %swap3A_909 = vector.shape_cast %swap3A_908 : vector<1x16xf32> to vector<16xf32>
        %swap3A_910 = vector.shape_cast %mul3A_905 : vector<16xf32> to vector<1x16xf32>
        tpu.vector_store %arg10[%swap3A_906, %swap3A_907], %swap3A_910 {strides = array<i32>} : memref<128x128xf32, #tpu.memory_space<vmem>>, vector<1x16xf32>,
        %get3A_911 = arith.index_cast %add3A_850 : i32 to index
        %get3A_912 = arith.constant 96 : index
        %get3A_913 = tpu.vector_load %arg10[%get3A_911, %get3A_912] {strides = array<i32>} : memref<128x128xf32, #tpu.memory_space<vmem>>, vector<1x16xf32>,
        %get3A_914 = vector.shape_cast %get3A_913 : vector<1x16xf32> to vector<16xf32>
        %mul3A_915 = arith.mulf %get3A_914, %gather3A_846 : vector<16xf32>
        %swap3A_916 = arith.index_cast %add3A_850 : i32 to index
        %swap3A_917 = arith.constant 96 : index
        %swap3A_918 = tpu.vector_load %arg10[%swap3A_916, %swap3A_917] {strides = array<i32>} : memref<128x128xf32, #tpu.memory_space<vmem>>, vector<1x16xf32>,
        %swap3A_919 = vector.shape_cast %swap3A_918 : vector<1x16xf32> to vector<16xf32>
        %swap3A_920 = vector.shape_cast %mul3A_915 : vector<16xf32> to vector<1x16xf32>
        tpu.vector_store %arg10[%swap3A_916, %swap3A_917], %swap3A_920 {strides = array<i32>} : memref<128x128xf32, #tpu.memory_space<vmem>>, vector<1x16xf32>,
        %get3A_921 = arith.index_cast %add3A_850 : i32 to index
        %get3A_922 = arith.constant 112 : index
        %get3A_923 = tpu.vector_load %arg10[%get3A_921, %get3A_922] {strides = array<i32>} : memref<128x128xf32, #tpu.memory_space<vmem>>, vector<1x16xf32>,
        %get3A_924 = vector.shape_cast %get3A_923 : vector<1x16xf32> to vector<16xf32>
        %mul3A_925 = arith.mulf %get3A_924, %gather3A_846 : vector<16xf32>
        %swap3A_926 = arith.index_cast %add3A_850 : i32 to index
        %swap3A_927 = arith.constant 112 : index
        %swap3A_928 = tpu.vector_load %arg10[%swap3A_926, %swap3A_927] {strides = array<i32>} : memref<128x128xf32, #tpu.memory_space<vmem>>, vector<1x16xf32>,
        %swap3A_929 = vector.shape_cast %swap3A_928 : vector<1x16xf32> to vector<16xf32>
        %swap3A_930 = vector.shape_cast %mul3A_925 : vector<16xf32> to vector<1x16xf32>
        tpu.vector_store %arg10[%swap3A_926, %swap3A_927], %swap3A_930 {strides = array<i32>} : memref<128x128xf32, #tpu.memory_space<vmem>>, vector<1x16xf32>,
        %broadcast_in_dim3A_931 = arith.constant 9 : i32
        %broadcast_in_dim3A_932 = vector.broadcast %broadcast_in_dim3A_931 : i32 to vector<16xi32>
        %lt3A_933 = arith.constant 0 : i32
        %lt3A_934 = vector.broadcast %lt3A_933 : i32 to vector<16xi32>
        %lt3A_935 = arith.cmpi slt, %broadcast_in_dim3A_932, %lt3A_934 : vector<16xi32>
        %add3A_936 = arith.constant 16 : i32
        %add3A_937 = vector.broadcast %add3A_936 : i32 to vector<16xi32>
        %add3A_938 = arith.addi %broadcast_in_dim3A_932, %add3A_937 : vector<16xi32>
        %select_n3A_939 = arith.select %lt3A_935, %add3A_938, %broadcast_in_dim3A_932 : vector<16xi1>, vector<16xi32>
        %broadcast_in_dim3A_940 = vector.shape_cast %select_n3A_939 : vector<16xi32> to vector<16x1xi32>
        %gather3A_941 = vector.shape_cast %broadcast_in_dim3A_940 : vector<16x1xi32> to vector<16xi32>
        %gather3A_942 = tpu.dynamic_gather %get3A_70[%gather3A_941] in [0] : vector<16xf32>, vector<16xi32> -> vector<16xf32>
        %mul3A_943 = arith.constant 16 : i32
        %mul3A_944 = arith.muli %scan3A_65, %mul3A_943 : i32
        %add3A_945 = arith.constant 9 : i32
        %add3A_946 = arith.addi %mul3A_944, %add3A_945 : i32
        %get3A_947 = arith.index_cast %add3A_946 : i32 to index
        %get3A_948 = arith.constant 0 : index
        %get3A_949 = tpu.vector_load %arg10[%get3A_947, %get3A_948] {strides = array<i32>} : memref<128x128xf32, #tpu.memory_space<vmem>>, vector<1x16xf32>,
        %get3A_950 = vector.shape_cast %get3A_949 : vector<1x16xf32> to vector<16xf32>
        %mul3A_951 = arith.mulf %get3A_950, %gather3A_942 : vector<16xf32>
        %swap3A_952 = arith.index_cast %add3A_946 : i32 to index
        %swap3A_953 = arith.constant 0 : index
        %swap3A_954 = tpu.vector_load %arg10[%swap3A_952, %swap3A_953] {strides = array<i32>} : memref<128x128xf32, #tpu.memory_space<vmem>>, vector<1x16xf32>,
        %swap3A_955 = vector.shape_cast %swap3A_954 : vector<1x16xf32> to vector<16xf32>
        %swap3A_956 = vector.shape_cast %mul3A_951 : vector<16xf32> to vector<1x16xf32>
        tpu.vector_store %arg10[%swap3A_952, %swap3A_953], %swap3A_956 {strides = array<i32>} : memref<128x128xf32, #tpu.memory_space<vmem>>, vector<1x16xf32>,
        %get3A_957 = arith.index_cast %add3A_946 : i32 to index
        %get3A_958 = arith.constant 16 : index
        %get3A_959 = tpu.vector_load %arg10[%get3A_957, %get3A_958] {strides = array<i32>} : memref<128x128xf32, #tpu.memory_space<vmem>>, vector<1x16xf32>,
        %get3A_960 = vector.shape_cast %get3A_959 : vector<1x16xf32> to vector<16xf32>
        %mul3A_961 = arith.mulf %get3A_960, %gather3A_942 : vector<16xf32>
        %swap3A_962 = arith.index_cast %add3A_946 : i32 to index
        %swap3A_963 = arith.constant 16 : index
        %swap3A_964 = tpu.vector_load %arg10[%swap3A_962, %swap3A_963] {strides = array<i32>} : memref<128x128xf32, #tpu.memory_space<vmem>>, vector<1x16xf32>,
        %swap3A_965 = vector.shape_cast %swap3A_964 : vector<1x16xf32> to vector<16xf32>
        %swap3A_966 = vector.shape_cast %mul3A_961 : vector<16xf32> to vector<1x16xf32>
        tpu.vector_store %arg10[%swap3A_962, %swap3A_963], %swap3A_966 {strides = array<i32>} : memref<128x128xf32, #tpu.memory_space<vmem>>, vector<1x16xf32>,
        %get3A_967 = arith.index_cast %add3A_946 : i32 to index
        %get3A_968 = arith.constant 32 : index
        %get3A_969 = tpu.vector_load %arg10[%get3A_967, %get3A_968] {strides = array<i32>} : memref<128x128xf32, #tpu.memory_space<vmem>>, vector<1x16xf32>,
        %get3A_970 = vector.shape_cast %get3A_969 : vector<1x16xf32> to vector<16xf32>
        %mul3A_971 = arith.mulf %get3A_970, %gather3A_942 : vector<16xf32>
        %swap3A_972 = arith.index_cast %add3A_946 : i32 to index
        %swap3A_973 = arith.constant 32 : index
        %swap3A_974 = tpu.vector_load %arg10[%swap3A_972, %swap3A_973] {strides = array<i32>} : memref<128x128xf32, #tpu.memory_space<vmem>>, vector<1x16xf32>,
        %swap3A_975 = vector.shape_cast %swap3A_974 : vector<1x16xf32> to vector<16xf32>
        %swap3A_976 = vector.shape_cast %mul3A_971 : vector<16xf32> to vector<1x16xf32>
        tpu.vector_store %arg10[%swap3A_972, %swap3A_973], %swap3A_976 {strides = array<i32>} : memref<128x128xf32, #tpu.memory_space<vmem>>, vector<1x16xf32>,
        %get3A_977 = arith.index_cast %add3A_946 : i32 to index
        %get3A_978 = arith.constant 48 : index
        %get3A_979 = tpu.vector_load %arg10[%get3A_977, %get3A_978] {strides = array<i32>} : memref<128x128xf32, #tpu.memory_space<vmem>>, vector<1x16xf32>,
        %get3A_980 = vector.shape_cast %get3A_979 : vector<1x16xf32> to vector<16xf32>
        %mul3A_981 = arith.mulf %get3A_980, %gather3A_942 : vector<16xf32>
        %swap3A_982 = arith.index_cast %add3A_946 : i32 to index
        %swap3A_983 = arith.constant 48 : index
        %swap3A_984 = tpu.vector_load %arg10[%swap3A_982, %swap3A_983] {strides = array<i32>} : memref<128x128xf32, #tpu.memory_space<vmem>>, vector<1x16xf32>,
        %swap3A_985 = vector.shape_cast %swap3A_984 : vector<1x16xf32> to vector<16xf32>
        %swap3A_986 = vector.shape_cast %mul3A_981 : vector<16xf32> to vector<1x16xf32>
        tpu.vector_store %arg10[%swap3A_982, %swap3A_983], %swap3A_986 {strides = array<i32>} : memref<128x128xf32, #tpu.memory_space<vmem>>, vector<1x16xf32>,
        %get3A_987 = arith.index_cast %add3A_946 : i32 to index
        %get3A_988 = arith.constant 64 : index
        %get3A_989 = tpu.vector_load %arg10[%get3A_987, %get3A_988] {strides = array<i32>} : memref<128x128xf32, #tpu.memory_space<vmem>>, vector<1x16xf32>,
        %get3A_990 = vector.shape_cast %get3A_989 : vector<1x16xf32> to vector<16xf32>
        %mul3A_991 = arith.mulf %get3A_990, %gather3A_942 : vector<16xf32>
        %swap3A_992 = arith.index_cast %add3A_946 : i32 to index
        %swap3A_993 = arith.constant 64 : index
        %swap3A_994 = tpu.vector_load %arg10[%swap3A_992, %swap3A_993] {strides = array<i32>} : memref<128x128xf32, #tpu.memory_space<vmem>>, vector<1x16xf32>,
        %swap3A_995 = vector.shape_cast %swap3A_994 : vector<1x16xf32> to vector<16xf32>
        %swap3A_996 = vector.shape_cast %mul3A_991 : vector<16xf32> to vector<1x16xf32>
        tpu.vector_store %arg10[%swap3A_992, %swap3A_993], %swap3A_996 {strides = array<i32>} : memref<128x128xf32, #tpu.memory_space<vmem>>, vector<1x16xf32>,
        %get3A_997 = arith.index_cast %add3A_946 : i32 to index
        %get3A_998 = arith.constant 80 : index
        %get3A_999 = tpu.vector_load %arg10[%get3A_997, %get3A_998] {strides = array<i32>} : memref<128x128xf32, #tpu.memory_space<vmem>>, vector<1x16xf32>,
        %get3A_1000 = vector.shape_cast %get3A_999 : vector<1x16xf32> to vector<16xf32>
        %mul3A_1001 = arith.mulf %get3A_1000, %gather3A_942 : vector<16xf32>
        %swap3A_1002 = arith.index_cast %add3A_946 : i32 to index
        %swap3A_1003 = arith.constant 80 : index
        %swap3A_1004 = tpu.vector_load %arg10[%swap3A_1002, %swap3A_1003] {strides = array<i32>} : memref<128x128xf32, #tpu.memory_space<vmem>>, vector<1x16xf32>,
        %swap3A_1005 = vector.shape_cast %swap3A_1004 : vector<1x16xf32> to vector<16xf32>
        %swap3A_1006 = vector.shape_cast %mul3A_1001 : vector<16xf32> to vector<1x16xf32>
        tpu.vector_store %arg10[%swap3A_1002, %swap3A_1003], %swap3A_1006 {strides = array<i32>} : memref<128x128xf32, #tpu.memory_space<vmem>>, vector<1x16xf32>,
        %get3A_1007 = arith.index_cast %add3A_946 : i32 to index
        %get3A_1008 = arith.constant 96 : index
        %get3A_1009 = tpu.vector_load %arg10[%get3A_1007, %get3A_1008] {strides = array<i32>} : memref<128x128xf32, #tpu.memory_space<vmem>>, vector<1x16xf32>,
        %get3A_1010 = vector.shape_cast %get3A_1009 : vector<1x16xf32> to vector<16xf32>
        %mul3A_1011 = arith.mulf %get3A_1010, %gather3A_942 : vector<16xf32>
        %swap3A_1012 = arith.index_cast %add3A_946 : i32 to index
        %swap3A_1013 = arith.constant 96 : index
        %swap3A_1014 = tpu.vector_load %arg10[%swap3A_1012, %swap3A_1013] {strides = array<i32>} : memref<128x128xf32, #tpu.memory_space<vmem>>, vector<1x16xf32>,
        %swap3A_1015 = vector.shape_cast %swap3A_1014 : vector<1x16xf32> to vector<16xf32>
        %swap3A_1016 = vector.shape_cast %mul3A_1011 : vector<16xf32> to vector<1x16xf32>
        tpu.vector_store %arg10[%swap3A_1012, %swap3A_1013], %swap3A_1016 {strides = array<i32>} : memref<128x128xf32, #tpu.memory_space<vmem>>, vector<1x16xf32>,
        %get3A_1017 = arith.index_cast %add3A_946 : i32 to index
        %get3A_1018 = arith.constant 112 : index
        %get3A_1019 = tpu.vector_load %arg10[%get3A_1017, %get3A_1018] {strides = array<i32>} : memref<128x128xf32, #tpu.memory_space<vmem>>, vector<1x16xf32>,
        %get3A_1020 = vector.shape_cast %get3A_1019 : vector<1x16xf32> to vector<16xf32>
        %mul3A_1021 = arith.mulf %get3A_1020, %gather3A_942 : vector<16xf32>
        %swap3A_1022 = arith.index_cast %add3A_946 : i32 to index
        %swap3A_1023 = arith.constant 112 : index
        %swap3A_1024 = tpu.vector_load %arg10[%swap3A_1022, %swap3A_1023] {strides = array<i32>} : memref<128x128xf32, #tpu.memory_space<vmem>>, vector<1x16xf32>,
        %swap3A_1025 = vector.shape_cast %swap3A_1024 : vector<1x16xf32> to vector<16xf32>
        %swap3A_1026 = vector.shape_cast %mul3A_1021 : vector<16xf32> to vector<1x16xf32>
        tpu.vector_store %arg10[%swap3A_1022, %swap3A_1023], %swap3A_1026 {strides = array<i32>} : memref<128x128xf32, #tpu.memory_space<vmem>>, vector<1x16xf32>,
        %broadcast_in_dim3A_1027 = arith.constant 10 : i32
        %broadcast_in_dim3A_1028 = vector.broadcast %broadcast_in_dim3A_1027 : i32 to vector<16xi32>
        %lt3A_1029 = arith.constant 0 : i32
        %lt3A_1030 = vector.broadcast %lt3A_1029 : i32 to vector<16xi32>
        %lt3A_1031 = arith.cmpi slt, %broadcast_in_dim3A_1028, %lt3A_1030 : vector<16xi32>
        %add3A_1032 = arith.constant 16 : i32
        %add3A_1033 = vector.broadcast %add3A_1032 : i32 to vector<16xi32>
        %add3A_1034 = arith.addi %broadcast_in_dim3A_1028, %add3A_1033 : vector<16xi32>
        %select_n3A_1035 = arith.select %lt3A_1031, %add3A_1034, %broadcast_in_dim3A_1028 : vector<16xi1>, vector<16xi32>
        %broadcast_in_dim3A_1036 = vector.shape_cast %select_n3A_1035 : vector<16xi32> to vector<16x1xi32>
        %gather3A_1037 = vector.shape_cast %broadcast_in_dim3A_1036 : vector<16x1xi32> to vector<16xi32>
        %gather3A_1038 = tpu.dynamic_gather %get3A_70[%gather3A_1037] in [0] : vector<16xf32>, vector<16xi32> -> vector<16xf32>
        %mul3A_1039 = arith.constant 16 : i32
        %mul3A_1040 = arith.muli %scan3A_65, %mul3A_1039 : i32
        %add3A_1041 = arith.constant 10 : i32
        %add3A_1042 = arith.addi %mul3A_1040, %add3A_1041 : i32
        %get3A_1043 = arith.index_cast %add3A_1042 : i32 to index
        %get3A_1044 = arith.constant 0 : index
        %get3A_1045 = tpu.vector_load %arg10[%get3A_1043, %get3A_1044] {strides = array<i32>} : memref<128x128xf32, #tpu.memory_space<vmem>>, vector<1x16xf32>,
        %get3A_1046 = vector.shape_cast %get3A_1045 : vector<1x16xf32> to vector<16xf32>
        %mul3A_1047 = arith.mulf %get3A_1046, %gather3A_1038 : vector<16xf32>
        %swap3A_1048 = arith.index_cast %add3A_1042 : i32 to index
        %swap3A_1049 = arith.constant 0 : index
        %swap3A_1050 = tpu.vector_load %arg10[%swap3A_1048, %swap3A_1049] {strides = array<i32>} : memref<128x128xf32, #tpu.memory_space<vmem>>, vector<1x16xf32>,
        %swap3A_1051 = vector.shape_cast %swap3A_1050 : vector<1x16xf32> to vector<16xf32>
        %swap3A_1052 = vector.shape_cast %mul3A_1047 : vector<16xf32> to vector<1x16xf32>
        tpu.vector_store %arg10[%swap3A_1048, %swap3A_1049], %swap3A_1052 {strides = array<i32>} : memref<128x128xf32, #tpu.memory_space<vmem>>, vector<1x16xf32>,
        %get3A_1053 = arith.index_cast %add3A_1042 : i32 to index
        %get3A_1054 = arith.constant 16 : index
        %get3A_1055 = tpu.vector_load %arg10[%get3A_1053, %get3A_1054] {strides = array<i32>} : memref<128x128xf32, #tpu.memory_space<vmem>>, vector<1x16xf32>,
        %get3A_1056 = vector.shape_cast %get3A_1055 : vector<1x16xf32> to vector<16xf32>
        %mul3A_1057 = arith.mulf %get3A_1056, %gather3A_1038 : vector<16xf32>
        %swap3A_1058 = arith.index_cast %add3A_1042 : i32 to index
        %swap3A_1059 = arith.constant 16 : index
        %swap3A_1060 = tpu.vector_load %arg10[%swap3A_1058, %swap3A_1059] {strides = array<i32>} : memref<128x128xf32, #tpu.memory_space<vmem>>, vector<1x16xf32>,
        %swap3A_1061 = vector.shape_cast %swap3A_1060 : vector<1x16xf32> to vector<16xf32>
        %swap3A_1062 = vector.shape_cast %mul3A_1057 : vector<16xf32> to vector<1x16xf32>
        tpu.vector_store %arg10[%swap3A_1058, %swap3A_1059], %swap3A_1062 {strides = array<i32>} : memref<128x128xf32, #tpu.memory_space<vmem>>, vector<1x16xf32>,
        %get3A_1063 = arith.index_cast %add3A_1042 : i32 to index
        %get3A_1064 = arith.constant 32 : index
        %get3A_1065 = tpu.vector_load %arg10[%get3A_1063, %get3A_1064] {strides = array<i32>} : memref<128x128xf32, #tpu.memory_space<vmem>>, vector<1x16xf32>,
        %get3A_1066 = vector.shape_cast %get3A_1065 : vector<1x16xf32> to vector<16xf32>
        %mul3A_1067 = arith.mulf %get3A_1066, %gather3A_1038 : vector<16xf32>
        %swap3A_1068 = arith.index_cast %add3A_1042 : i32 to index
        %swap3A_1069 = arith.constant 32 : index
        %swap3A_1070 = tpu.vector_load %arg10[%swap3A_1068, %swap3A_1069] {strides = array<i32>} : memref<128x128xf32, #tpu.memory_space<vmem>>, vector<1x16xf32>,
        %swap3A_1071 = vector.shape_cast %swap3A_1070 : vector<1x16xf32> to vector<16xf32>
        %swap3A_1072 = vector.shape_cast %mul3A_1067 : vector<16xf32> to vector<1x16xf32>
        tpu.vector_store %arg10[%swap3A_1068, %swap3A_1069], %swap3A_1072 {strides = array<i32>} : memref<128x128xf32, #tpu.memory_space<vmem>>, vector<1x16xf32>,
        %get3A_1073 = arith.index_cast %add3A_1042 : i32 to index
        %get3A_1074 = arith.constant 48 : index
        %get3A_1075 = tpu.vector_load %arg10[%get3A_1073, %get3A_1074] {strides = array<i32>} : memref<128x128xf32, #tpu.memory_space<vmem>>, vector<1x16xf32>,
        %get3A_1076 = vector.shape_cast %get3A_1075 : vector<1x16xf32> to vector<16xf32>
        %mul3A_1077 = arith.mulf %get3A_1076, %gather3A_1038 : vector<16xf32>
        %swap3A_1078 = arith.index_cast %add3A_1042 : i32 to index
        %swap3A_1079 = arith.constant 48 : index
        %swap3A_1080 = tpu.vector_load %arg10[%swap3A_1078, %swap3A_1079] {strides = array<i32>} : memref<128x128xf32, #tpu.memory_space<vmem>>, vector<1x16xf32>,
        %swap3A_1081 = vector.shape_cast %swap3A_1080 : vector<1x16xf32> to vector<16xf32>
        %swap3A_1082 = vector.shape_cast %mul3A_1077 : vector<16xf32> to vector<1x16xf32>
        tpu.vector_store %arg10[%swap3A_1078, %swap3A_1079], %swap3A_1082 {strides = array<i32>} : memref<128x128xf32, #tpu.memory_space<vmem>>, vector<1x16xf32>,
        %get3A_1083 = arith.index_cast %add3A_1042 : i32 to index
        %get3A_1084 = arith.constant 64 : index
        %get3A_1085 = tpu.vector_load %arg10[%get3A_1083, %get3A_1084] {strides = array<i32>} : memref<128x128xf32, #tpu.memory_space<vmem>>, vector<1x16xf32>,
        %get3A_1086 = vector.shape_cast %get3A_1085 : vector<1x16xf32> to vector<16xf32>
        %mul3A_1087 = arith.mulf %get3A_1086, %gather3A_1038 : vector<16xf32>
        %swap3A_1088 = arith.index_cast %add3A_1042 : i32 to index
        %swap3A_1089 = arith.constant 64 : index
        %swap3A_1090 = tpu.vector_load %arg10[%swap3A_1088, %swap3A_1089] {strides = array<i32>} : memref<128x128xf32, #tpu.memory_space<vmem>>, vector<1x16xf32>,
        %swap3A_1091 = vector.shape_cast %swap3A_1090 : vector<1x16xf32> to vector<16xf32>
        %swap3A_1092 = vector.shape_cast %mul3A_1087 : vector<16xf32> to vector<1x16xf32>
        tpu.vector_store %arg10[%swap3A_1088, %swap3A_1089], %swap3A_1092 {strides = array<i32>} : memref<128x128xf32, #tpu.memory_space<vmem>>, vector<1x16xf32>,
        %get3A_1093 = arith.index_cast %add3A_1042 : i32 to index
        %get3A_1094 = arith.constant 80 : index
        %get3A_1095 = tpu.vector_load %arg10[%get3A_1093, %get3A_1094] {strides = array<i32>} : memref<128x128xf32, #tpu.memory_space<vmem>>, vector<1x16xf32>,
        %get3A_1096 = vector.shape_cast %get3A_1095 : vector<1x16xf32> to vector<16xf32>
        %mul3A_1097 = arith.mulf %get3A_1096, %gather3A_1038 : vector<16xf32>
        %swap3A_1098 = arith.index_cast %add3A_1042 : i32 to index
        %swap3A_1099 = arith.constant 80 : index
        %swap3A_1100 = tpu.vector_load %arg10[%swap3A_1098, %swap3A_1099] {strides = array<i32>} : memref<128x128xf32, #tpu.memory_space<vmem>>, vector<1x16xf32>,
        %swap3A_1101 = vector.shape_cast %swap3A_1100 : vector<1x16xf32> to vector<16xf32>
        %swap3A_1102 = vector.shape_cast %mul3A_1097 : vector<16xf32> to vector<1x16xf32>
        tpu.vector_store %arg10[%swap3A_1098, %swap3A_1099], %swap3A_1102 {strides = array<i32>} : memref<128x128xf32, #tpu.memory_space<vmem>>, vector<1x16xf32>,
        %get3A_1103 = arith.index_cast %add3A_1042 : i32 to index
        %get3A_1104 = arith.constant 96 : index
        %get3A_1105 = tpu.vector_load %arg10[%get3A_1103, %get3A_1104] {strides = array<i32>} : memref<128x128xf32, #tpu.memory_space<vmem>>, vector<1x16xf32>,
        %get3A_1106 = vector.shape_cast %get3A_1105 : vector<1x16xf32> to vector<16xf32>
        %mul3A_1107 = arith.mulf %get3A_1106, %gather3A_1038 : vector<16xf32>
        %swap3A_1108 = arith.index_cast %add3A_1042 : i32 to index
        %swap3A_1109 = arith.constant 96 : index
        %swap3A_1110 = tpu.vector_load %arg10[%swap3A_1108, %swap3A_1109] {strides = array<i32>} : memref<128x128xf32, #tpu.memory_space<vmem>>, vector<1x16xf32>,
        %swap3A_1111 = vector.shape_cast %swap3A_1110 : vector<1x16xf32> to vector<16xf32>
        %swap3A_1112 = vector.shape_cast %mul3A_1107 : vector<16xf32> to vector<1x16xf32>
        tpu.vector_store %arg10[%swap3A_1108, %swap3A_1109], %swap3A_1112 {strides = array<i32>} : memref<128x128xf32, #tpu.memory_space<vmem>>, vector<1x16xf32>,
        %get3A_1113 = arith.index_cast %add3A_1042 : i32 to index
        %get3A_1114 = arith.constant 112 : index
        %get3A_1115 = tpu.vector_load %arg10[%get3A_1113, %get3A_1114] {strides = array<i32>} : memref<128x128xf32, #tpu.memory_space<vmem>>, vector<1x16xf32>,
        %get3A_1116 = vector.shape_cast %get3A_1115 : vector<1x16xf32> to vector<16xf32>
        %mul3A_1117 = arith.mulf %get3A_1116, %gather3A_1038 : vector<16xf32>
        %swap3A_1118 = arith.index_cast %add3A_1042 : i32 to index
        %swap3A_1119 = arith.constant 112 : index
        %swap3A_1120 = tpu.vector_load %arg10[%swap3A_1118, %swap3A_1119] {strides = array<i32>} : memref<128x128xf32, #tpu.memory_space<vmem>>, vector<1x16xf32>,
        %swap3A_1121 = vector.shape_cast %swap3A_1120 : vector<1x16xf32> to vector<16xf32>
        %swap3A_1122 = vector.shape_cast %mul3A_1117 : vector<16xf32> to vector<1x16xf32>
        tpu.vector_store %arg10[%swap3A_1118, %swap3A_1119], %swap3A_1122 {strides = array<i32>} : memref<128x128xf32, #tpu.memory_space<vmem>>, vector<1x16xf32>,
        %broadcast_in_dim3A_1123 = arith.constant 11 : i32
        %broadcast_in_dim3A_1124 = vector.broadcast %broadcast_in_dim3A_1123 : i32 to vector<16xi32>
        %lt3A_1125 = arith.constant 0 : i32
        %lt3A_1126 = vector.broadcast %lt3A_1125 : i32 to vector<16xi32>
        %lt3A_1127 = arith.cmpi slt, %broadcast_in_dim3A_1124, %lt3A_1126 : vector<16xi32>
        %add3A_1128 = arith.constant 16 : i32
        %add3A_1129 = vector.broadcast %add3A_1128 : i32 to vector<16xi32>
        %add3A_1130 = arith.addi %broadcast_in_dim3A_1124, %add3A_1129 : vector<16xi32>
        %select_n3A_1131 = arith.select %lt3A_1127, %add3A_1130, %broadcast_in_dim3A_1124 : vector<16xi1>, vector<16xi32>
        %broadcast_in_dim3A_1132 = vector.shape_cast %select_n3A_1131 : vector<16xi32> to vector<16x1xi32>
        %gather3A_1133 = vector.shape_cast %broadcast_in_dim3A_1132 : vector<16x1xi32> to vector<16xi32>
        %gather3A_1134 = tpu.dynamic_gather %get3A_70[%gather3A_1133] in [0] : vector<16xf32>, vector<16xi32> -> vector<16xf32>
        %mul3A_1135 = arith.constant 16 : i32
        %mul3A_1136 = arith.muli %scan3A_65, %mul3A_1135 : i32
        %add3A_1137 = arith.constant 11 : i32
        %add3A_1138 = arith.addi %mul3A_1136, %add3A_1137 : i32
        %get3A_1139 = arith.index_cast %add3A_1138 : i32 to index
        %get3A_1140 = arith.constant 0 : index
        %get3A_1141 = tpu.vector_load %arg10[%get3A_1139, %get3A_1140] {strides = array<i32>} : memref<128x128xf32, #tpu.memory_space<vmem>>, vector<1x16xf32>,
        %get3A_1142 = vector.shape_cast %get3A_1141 : vector<1x16xf32> to vector<16xf32>
        %mul3A_1143 = arith.mulf %get3A_1142, %gather3A_1134 : vector<16xf32>
        %swap3A_1144 = arith.index_cast %add3A_1138 : i32 to index
        %swap3A_1145 = arith.constant 0 : index
        %swap3A_1146 = tpu.vector_load %arg10[%swap3A_1144, %swap3A_1145] {strides = array<i32>} : memref<128x128xf32, #tpu.memory_space<vmem>>, vector<1x16xf32>,
        %swap3A_1147 = vector.shape_cast %swap3A_1146 : vector<1x16xf32> to vector<16xf32>
        %swap3A_1148 = vector.shape_cast %mul3A_1143 : vector<16xf32> to vector<1x16xf32>
        tpu.vector_store %arg10[%swap3A_1144, %swap3A_1145], %swap3A_1148 {strides = array<i32>} : memref<128x128xf32, #tpu.memory_space<vmem>>, vector<1x16xf32>,
        %get3A_1149 = arith.index_cast %add3A_1138 : i32 to index
        %get3A_1150 = arith.constant 16 : index
        %get3A_1151 = tpu.vector_load %arg10[%get3A_1149, %get3A_1150] {strides = array<i32>} : memref<128x128xf32, #tpu.memory_space<vmem>>, vector<1x16xf32>,
        %get3A_1152 = vector.shape_cast %get3A_1151 : vector<1x16xf32> to vector<16xf32>
        %mul3A_1153 = arith.mulf %get3A_1152, %gather3A_1134 : vector<16xf32>
        %swap3A_1154 = arith.index_cast %add3A_1138 : i32 to index
        %swap3A_1155 = arith.constant 16 : index
        %swap3A_1156 = tpu.vector_load %arg10[%swap3A_1154, %swap3A_1155] {strides = array<i32>} : memref<128x128xf32, #tpu.memory_space<vmem>>, vector<1x16xf32>,
        %swap3A_1157 = vector.shape_cast %swap3A_1156 : vector<1x16xf32> to vector<16xf32>
        %swap3A_1158 = vector.shape_cast %mul3A_1153 : vector<16xf32> to vector<1x16xf32>
        tpu.vector_store %arg10[%swap3A_1154, %swap3A_1155], %swap3A_1158 {strides = array<i32>} : memref<128x128xf32, #tpu.memory_space<vmem>>, vector<1x16xf32>,
        %get3A_1159 = arith.index_cast %add3A_1138 : i32 to index
        %get3A_1160 = arith.constant 32 : index
        %get3A_1161 = tpu.vector_load %arg10[%get3A_1159, %get3A_1160] {strides = array<i32>} : memref<128x128xf32, #tpu.memory_space<vmem>>, vector<1x16xf32>,
        %get3A_1162 = vector.shape_cast %get3A_1161 : vector<1x16xf32> to vector<16xf32>
        %mul3A_1163 = arith.mulf %get3A_1162, %gather3A_1134 : vector<16xf32>
        %swap3A_1164 = arith.index_cast %add3A_1138 : i32 to index
        %swap3A_1165 = arith.constant 32 : index
        %swap3A_1166 = tpu.vector_load %arg10[%swap3A_1164, %swap3A_1165] {strides = array<i32>} : memref<128x128xf32, #tpu.memory_space<vmem>>, vector<1x16xf32>,
        %swap3A_1167 = vector.shape_cast %swap3A_1166 : vector<1x16xf32> to vector<16xf32>
        %swap3A_1168 = vector.shape_cast %mul3A_1163 : vector<16xf32> to vector<1x16xf32>
        tpu.vector_store %arg10[%swap3A_1164, %swap3A_1165], %swap3A_1168 {strides = array<i32>} : memref<128x128xf32, #tpu.memory_space<vmem>>, vector<1x16xf32>,
        %get3A_1169 = arith.index_cast %add3A_1138 : i32 to index
        %get3A_1170 = arith.constant 48 : index
        %get3A_1171 = tpu.vector_load %arg10[%get3A_1169, %get3A_1170] {strides = array<i32>} : memref<128x128xf32, #tpu.memory_space<vmem>>, vector<1x16xf32>,
        %get3A_1172 = vector.shape_cast %get3A_1171 : vector<1x16xf32> to vector<16xf32>
        %mul3A_1173 = arith.mulf %get3A_1172, %gather3A_1134 : vector<16xf32>
        %swap3A_1174 = arith.index_cast %add3A_1138 : i32 to index
        %swap3A_1175 = arith.constant 48 : index
        %swap3A_1176 = tpu.vector_load %arg10[%swap3A_1174, %swap3A_1175] {strides = array<i32>} : memref<128x128xf32, #tpu.memory_space<vmem>>, vector<1x16xf32>,
        %swap3A_1177 = vector.shape_cast %swap3A_1176 : vector<1x16xf32> to vector<16xf32>
        %swap3A_1178 = vector.shape_cast %mul3A_1173 : vector<16xf32> to vector<1x16xf32>
        tpu.vector_store %arg10[%swap3A_1174, %swap3A_1175], %swap3A_1178 {strides = array<i32>} : memref<128x128xf32, #tpu.memory_space<vmem>>, vector<1x16xf32>,
        %get3A_1179 = arith.index_cast %add3A_1138 : i32 to index
        %get3A_1180 = arith.constant 64 : index
        %get3A_1181 = tpu.vector_load %arg10[%get3A_1179, %get3A_1180] {strides = array<i32>} : memref<128x128xf32, #tpu.memory_space<vmem>>, vector<1x16xf32>,
        %get3A_1182 = vector.shape_cast %get3A_1181 : vector<1x16xf32> to vector<16xf32>
        %mul3A_1183 = arith.mulf %get3A_1182, %gather3A_1134 : vector<16xf32>
        %swap3A_1184 = arith.index_cast %add3A_1138 : i32 to index
        %swap3A_1185 = arith.constant 64 : index
        %swap3A_1186 = tpu.vector_load %arg10[%swap3A_1184, %swap3A_1185] {strides = array<i32>} : memref<128x128xf32, #tpu.memory_space<vmem>>, vector<1x16xf32>,
        %swap3A_1187 = vector.shape_cast %swap3A_1186 : vector<1x16xf32> to vector<16xf32>
        %swap3A_1188 = vector.shape_cast %mul3A_1183 : vector<16xf32> to vector<1x16xf32>
        tpu.vector_store %arg10[%swap3A_1184, %swap3A_1185], %swap3A_1188 {strides = array<i32>} : memref<128x128xf32, #tpu.memory_space<vmem>>, vector<1x16xf32>,
        %get3A_1189 = arith.index_cast %add3A_1138 : i32 to index
        %get3A_1190 = arith.constant 80 : index
        %get3A_1191 = tpu.vector_load %arg10[%get3A_1189, %get3A_1190] {strides = array<i32>} : memref<128x128xf32, #tpu.memory_space<vmem>>, vector<1x16xf32>,
        %get3A_1192 = vector.shape_cast %get3A_1191 : vector<1x16xf32> to vector<16xf32>
        %mul3A_1193 = arith.mulf %get3A_1192, %gather3A_1134 : vector<16xf32>
        %swap3A_1194 = arith.index_cast %add3A_1138 : i32 to index
        %swap3A_1195 = arith.constant 80 : index
        %swap3A_1196 = tpu.vector_load %arg10[%swap3A_1194, %swap3A_1195] {strides = array<i32>} : memref<128x128xf32, #tpu.memory_space<vmem>>, vector<1x16xf32>,
        %swap3A_1197 = vector.shape_cast %swap3A_1196 : vector<1x16xf32> to vector<16xf32>
        %swap3A_1198 = vector.shape_cast %mul3A_1193 : vector<16xf32> to vector<1x16xf32>
        tpu.vector_store %arg10[%swap3A_1194, %swap3A_1195], %swap3A_1198 {strides = array<i32>} : memref<128x128xf32, #tpu.memory_space<vmem>>, vector<1x16xf32>,
        %get3A_1199 = arith.index_cast %add3A_1138 : i32 to index
        %get3A_1200 = arith.constant 96 : index
        %get3A_1201 = tpu.vector_load %arg10[%get3A_1199, %get3A_1200] {strides = array<i32>} : memref<128x128xf32, #tpu.memory_space<vmem>>, vector<1x16xf32>,
        %get3A_1202 = vector.shape_cast %get3A_1201 : vector<1x16xf32> to vector<16xf32>
        %mul3A_1203 = arith.mulf %get3A_1202, %gather3A_1134 : vector<16xf32>
        %swap3A_1204 = arith.index_cast %add3A_1138 : i32 to index
        %swap3A_1205 = arith.constant 96 : index
        %swap3A_1206 = tpu.vector_load %arg10[%swap3A_1204, %swap3A_1205] {strides = array<i32>} : memref<128x128xf32, #tpu.memory_space<vmem>>, vector<1x16xf32>,
        %swap3A_1207 = vector.shape_cast %swap3A_1206 : vector<1x16xf32> to vector<16xf32>
        %swap3A_1208 = vector.shape_cast %mul3A_1203 : vector<16xf32> to vector<1x16xf32>
        tpu.vector_store %arg10[%swap3A_1204, %swap3A_1205], %swap3A_1208 {strides = array<i32>} : memref<128x128xf32, #tpu.memory_space<vmem>>, vector<1x16xf32>,
        %get3A_1209 = arith.index_cast %add3A_1138 : i32 to index
        %get3A_1210 = arith.constant 112 : index
        %get3A_1211 = tpu.vector_load %arg10[%get3A_1209, %get3A_1210] {strides = array<i32>} : memref<128x128xf32, #tpu.memory_space<vmem>>, vector<1x16xf32>,
        %get3A_1212 = vector.shape_cast %get3A_1211 : vector<1x16xf32> to vector<16xf32>
        %mul3A_1213 = arith.mulf %get3A_1212, %gather3A_1134 : vector<16xf32>
        %swap3A_1214 = arith.index_cast %add3A_1138 : i32 to index
        %swap3A_1215 = arith.constant 112 : index
        %swap3A_1216 = tpu.vector_load %arg10[%swap3A_1214, %swap3A_1215] {strides = array<i32>} : memref<128x128xf32, #tpu.memory_space<vmem>>, vector<1x16xf32>,
        %swap3A_1217 = vector.shape_cast %swap3A_1216 : vector<1x16xf32> to vector<16xf32>
        %swap3A_1218 = vector.shape_cast %mul3A_1213 : vector<16xf32> to vector<1x16xf32>
        tpu.vector_store %arg10[%swap3A_1214, %swap3A_1215], %swap3A_1218 {strides = array<i32>} : memref<128x128xf32, #tpu.memory_space<vmem>>, vector<1x16xf32>,
        %broadcast_in_dim3A_1219 = arith.constant 12 : i32
        %broadcast_in_dim3A_1220 = vector.broadcast %broadcast_in_dim3A_1219 : i32 to vector<16xi32>
        %lt3A_1221 = arith.constant 0 : i32
        %lt3A_1222 = vector.broadcast %lt3A_1221 : i32 to vector<16xi32>
        %lt3A_1223 = arith.cmpi slt, %broadcast_in_dim3A_1220, %lt3A_1222 : vector<16xi32>
        %add3A_1224 = arith.constant 16 : i32
        %add3A_1225 = vector.broadcast %add3A_1224 : i32 to vector<16xi32>
        %add3A_1226 = arith.addi %broadcast_in_dim3A_1220, %add3A_1225 : vector<16xi32>
        %select_n3A_1227 = arith.select %lt3A_1223, %add3A_1226, %broadcast_in_dim3A_1220 : vector<16xi1>, vector<16xi32>
        %broadcast_in_dim3A_1228 = vector.shape_cast %select_n3A_1227 : vector<16xi32> to vector<16x1xi32>
        %gather3A_1229 = vector.shape_cast %broadcast_in_dim3A_1228 : vector<16x1xi32> to vector<16xi32>
        %gather3A_1230 = tpu.dynamic_gather %get3A_70[%gather3A_1229] in [0] : vector<16xf32>, vector<16xi32> -> vector<16xf32>
        %mul3A_1231 = arith.constant 16 : i32
        %mul3A_1232 = arith.muli %scan3A_65, %mul3A_1231 : i32
        %add3A_1233 = arith.constant 12 : i32
        %add3A_1234 = arith.addi %mul3A_1232, %add3A_1233 : i32
        %get3A_1235 = arith.index_cast %add3A_1234 : i32 to index
        %get3A_1236 = arith.constant 0 : index
        %get3A_1237 = tpu.vector_load %arg10[%get3A_1235, %get3A_1236] {strides = array<i32>} : memref<128x128xf32, #tpu.memory_space<vmem>>, vector<1x16xf32>,
        %get3A_1238 = vector.shape_cast %get3A_1237 : vector<1x16xf32> to vector<16xf32>
        %mul3A_1239 = arith.mulf %get3A_1238, %gather3A_1230 : vector<16xf32>
        %swap3A_1240 = arith.index_cast %add3A_1234 : i32 to index
        %swap3A_1241 = arith.constant 0 : index
        %swap3A_1242 = tpu.vector_load %arg10[%swap3A_1240, %swap3A_1241] {strides = array<i32>} : memref<128x128xf32, #tpu.memory_space<vmem>>, vector<1x16xf32>,
        %swap3A_1243 = vector.shape_cast %swap3A_1242 : vector<1x16xf32> to vector<16xf32>
        %swap3A_1244 = vector.shape_cast %mul3A_1239 : vector<16xf32> to vector<1x16xf32>
        tpu.vector_store %arg10[%swap3A_1240, %swap3A_1241], %swap3A_1244 {strides = array<i32>} : memref<128x128xf32, #tpu.memory_space<vmem>>, vector<1x16xf32>,
        %get3A_1245 = arith.index_cast %add3A_1234 : i32 to index
        %get3A_1246 = arith.constant 16 : index
        %get3A_1247 = tpu.vector_load %arg10[%get3A_1245, %get3A_1246] {strides = array<i32>} : memref<128x128xf32, #tpu.memory_space<vmem>>, vector<1x16xf32>,
        %get3A_1248 = vector.shape_cast %get3A_1247 : vector<1x16xf32> to vector<16xf32>
        %mul3A_1249 = arith.mulf %get3A_1248, %gather3A_1230 : vector<16xf32>
        %swap3A_1250 = arith.index_cast %add3A_1234 : i32 to index
        %swap3A_1251 = arith.constant 16 : index
        %swap3A_1252 = tpu.vector_load %arg10[%swap3A_1250, %swap3A_1251] {strides = array<i32>} : memref<128x128xf32, #tpu.memory_space<vmem>>, vector<1x16xf32>,
        %swap3A_1253 = vector.shape_cast %swap3A_1252 : vector<1x16xf32> to vector<16xf32>
        %swap3A_1254 = vector.shape_cast %mul3A_1249 : vector<16xf32> to vector<1x16xf32>
        tpu.vector_store %arg10[%swap3A_1250, %swap3A_1251], %swap3A_1254 {strides = array<i32>} : memref<128x128xf32, #tpu.memory_space<vmem>>, vector<1x16xf32>,
        %get3A_1255 = arith.index_cast %add3A_1234 : i32 to index
        %get3A_1256 = arith.constant 32 : index
        %get3A_1257 = tpu.vector_load %arg10[%get3A_1255, %get3A_1256] {strides = array<i32>} : memref<128x128xf32, #tpu.memory_space<vmem>>, vector<1x16xf32>,
        %get3A_1258 = vector.shape_cast %get3A_1257 : vector<1x16xf32> to vector<16xf32>
        %mul3A_1259 = arith.mulf %get3A_1258, %gather3A_1230 : vector<16xf32>
        %swap3A_1260 = arith.index_cast %add3A_1234 : i32 to index
        %swap3A_1261 = arith.constant 32 : index
        %swap3A_1262 = tpu.vector_load %arg10[%swap3A_1260, %swap3A_1261] {strides = array<i32>} : memref<128x128xf32, #tpu.memory_space<vmem>>, vector<1x16xf32>,
        %swap3A_1263 = vector.shape_cast %swap3A_1262 : vector<1x16xf32> to vector<16xf32>
        %swap3A_1264 = vector.shape_cast %mul3A_1259 : vector<16xf32> to vector<1x16xf32>
        tpu.vector_store %arg10[%swap3A_1260, %swap3A_1261], %swap3A_1264 {strides = array<i32>} : memref<128x128xf32, #tpu.memory_space<vmem>>, vector<1x16xf32>,
        %get3A_1265 = arith.index_cast %add3A_1234 : i32 to index
        %get3A_1266 = arith.constant 48 : index
        %get3A_1267 = tpu.vector_load %arg10[%get3A_1265, %get3A_1266] {strides = array<i32>} : memref<128x128xf32, #tpu.memory_space<vmem>>, vector<1x16xf32>,
        %get3A_1268 = vector.shape_cast %get3A_1267 : vector<1x16xf32> to vector<16xf32>
        %mul3A_1269 = arith.mulf %get3A_1268, %gather3A_1230 : vector<16xf32>
        %swap3A_1270 = arith.index_cast %add3A_1234 : i32 to index
        %swap3A_1271 = arith.constant 48 : index
        %swap3A_1272 = tpu.vector_load %arg10[%swap3A_1270, %swap3A_1271] {strides = array<i32>} : memref<128x128xf32, #tpu.memory_space<vmem>>, vector<1x16xf32>,
        %swap3A_1273 = vector.shape_cast %swap3A_1272 : vector<1x16xf32> to vector<16xf32>
        %swap3A_1274 = vector.shape_cast %mul3A_1269 : vector<16xf32> to vector<1x16xf32>
        tpu.vector_store %arg10[%swap3A_1270, %swap3A_1271], %swap3A_1274 {strides = array<i32>} : memref<128x128xf32, #tpu.memory_space<vmem>>, vector<1x16xf32>,
        %get3A_1275 = arith.index_cast %add3A_1234 : i32 to index
        %get3A_1276 = arith.constant 64 : index
        %get3A_1277 = tpu.vector_load %arg10[%get3A_1275, %get3A_1276] {strides = array<i32>} : memref<128x128xf32, #tpu.memory_space<vmem>>, vector<1x16xf32>,
        %get3A_1278 = vector.shape_cast %get3A_1277 : vector<1x16xf32> to vector<16xf32>
        %mul3A_1279 = arith.mulf %get3A_1278, %gather3A_1230 : vector<16xf32>
        %swap3A_1280 = arith.index_cast %add3A_1234 : i32 to index
        %swap3A_1281 = arith.constant 64 : index
        %swap3A_1282 = tpu.vector_load %arg10[%swap3A_1280, %swap3A_1281] {strides = array<i32>} : memref<128x128xf32, #tpu.memory_space<vmem>>, vector<1x16xf32>,
        %swap3A_1283 = vector.shape_cast %swap3A_1282 : vector<1x16xf32> to vector<16xf32>
        %swap3A_1284 = vector.shape_cast %mul3A_1279 : vector<16xf32> to vector<1x16xf32>
        tpu.vector_store %arg10[%swap3A_1280, %swap3A_1281], %swap3A_1284 {strides = array<i32>} : memref<128x128xf32, #tpu.memory_space<vmem>>, vector<1x16xf32>,
        %get3A_1285 = arith.index_cast %add3A_1234 : i32 to index
        %get3A_1286 = arith.constant 80 : index
        %get3A_1287 = tpu.vector_load %arg10[%get3A_1285, %get3A_1286] {strides = array<i32>} : memref<128x128xf32, #tpu.memory_space<vmem>>, vector<1x16xf32>,
        %get3A_1288 = vector.shape_cast %get3A_1287 : vector<1x16xf32> to vector<16xf32>
        %mul3A_1289 = arith.mulf %get3A_1288, %gather3A_1230 : vector<16xf32>
        %swap3A_1290 = arith.index_cast %add3A_1234 : i32 to index
        %swap3A_1291 = arith.constant 80 : index
        %swap3A_1292 = tpu.vector_load %arg10[%swap3A_1290, %swap3A_1291] {strides = array<i32>} : memref<128x128xf32, #tpu.memory_space<vmem>>, vector<1x16xf32>,
        %swap3A_1293 = vector.shape_cast %swap3A_1292 : vector<1x16xf32> to vector<16xf32>
        %swap3A_1294 = vector.shape_cast %mul3A_1289 : vector<16xf32> to vector<1x16xf32>
        tpu.vector_store %arg10[%swap3A_1290, %swap3A_1291], %swap3A_1294 {strides = array<i32>} : memref<128x128xf32, #tpu.memory_space<vmem>>, vector<1x16xf32>,
        %get3A_1295 = arith.index_cast %add3A_1234 : i32 to index
        %get3A_1296 = arith.constant 96 : index
        %get3A_1297 = tpu.vector_load %arg10[%get3A_1295, %get3A_1296] {strides = array<i32>} : memref<128x128xf32, #tpu.memory_space<vmem>>, vector<1x16xf32>,
        %get3A_1298 = vector.shape_cast %get3A_1297 : vector<1x16xf32> to vector<16xf32>
        %mul3A_1299 = arith.mulf %get3A_1298, %gather3A_1230 : vector<16xf32>
        %swap3A_1300 = arith.index_cast %add3A_1234 : i32 to index
        %swap3A_1301 = arith.constant 96 : index
        %swap3A_1302 = tpu.vector_load %arg10[%swap3A_1300, %swap3A_1301] {strides = array<i32>} : memref<128x128xf32, #tpu.memory_space<vmem>>, vector<1x16xf32>,
        %swap3A_1303 = vector.shape_cast %swap3A_1302 : vector<1x16xf32> to vector<16xf32>
        %swap3A_1304 = vector.shape_cast %mul3A_1299 : vector<16xf32> to vector<1x16xf32>
        tpu.vector_store %arg10[%swap3A_1300, %swap3A_1301], %swap3A_1304 {strides = array<i32>} : memref<128x128xf32, #tpu.memory_space<vmem>>, vector<1x16xf32>,
        %get3A_1305 = arith.index_cast %add3A_1234 : i32 to index
        %get3A_1306 = arith.constant 112 : index
        %get3A_1307 = tpu.vector_load %arg10[%get3A_1305, %get3A_1306] {strides = array<i32>} : memref<128x128xf32, #tpu.memory_space<vmem>>, vector<1x16xf32>,
        %get3A_1308 = vector.shape_cast %get3A_1307 : vector<1x16xf32> to vector<16xf32>
        %mul3A_1309 = arith.mulf %get3A_1308, %gather3A_1230 : vector<16xf32>
        %swap3A_1310 = arith.index_cast %add3A_1234 : i32 to index
        %swap3A_1311 = arith.constant 112 : index
        %swap3A_1312 = tpu.vector_load %arg10[%swap3A_1310, %swap3A_1311] {strides = array<i32>} : memref<128x128xf32, #tpu.memory_space<vmem>>, vector<1x16xf32>,
        %swap3A_1313 = vector.shape_cast %swap3A_1312 : vector<1x16xf32> to vector<16xf32>
        %swap3A_1314 = vector.shape_cast %mul3A_1309 : vector<16xf32> to vector<1x16xf32>
        tpu.vector_store %arg10[%swap3A_1310, %swap3A_1311], %swap3A_1314 {strides = array<i32>} : memref<128x128xf32, #tpu.memory_space<vmem>>, vector<1x16xf32>,
        %broadcast_in_dim3A_1315 = arith.constant 13 : i32
        %broadcast_in_dim3A_1316 = vector.broadcast %broadcast_in_dim3A_1315 : i32 to vector<16xi32>
        %lt3A_1317 = arith.constant 0 : i32
        %lt3A_1318 = vector.broadcast %lt3A_1317 : i32 to vector<16xi32>
        %lt3A_1319 = arith.cmpi slt, %broadcast_in_dim3A_1316, %lt3A_1318 : vector<16xi32>
        %add3A_1320 = arith.constant 16 : i32
        %add3A_1321 = vector.broadcast %add3A_1320 : i32 to vector<16xi32>
        %add3A_1322 = arith.addi %broadcast_in_dim3A_1316, %add3A_1321 : vector<16xi32>
        %select_n3A_1323 = arith.select %lt3A_1319, %add3A_1322, %broadcast_in_dim3A_1316 : vector<16xi1>, vector<16xi32>
        %broadcast_in_dim3A_1324 = vector.shape_cast %select_n3A_1323 : vector<16xi32> to vector<16x1xi32>
        %gather3A_1325 = vector.shape_cast %broadcast_in_dim3A_1324 : vector<16x1xi32> to vector<16xi32>
        %gather3A_1326 = tpu.dynamic_gather %get3A_70[%gather3A_1325] in [0] : vector<16xf32>, vector<16xi32> -> vector<16xf32>
        %mul3A_1327 = arith.constant 16 : i32
        %mul3A_1328 = arith.muli %scan3A_65, %mul3A_1327 : i32
        %add3A_1329 = arith.constant 13 : i32
        %add3A_1330 = arith.addi %mul3A_1328, %add3A_1329 : i32
        %get3A_1331 = arith.index_cast %add3A_1330 : i32 to index
        %get3A_1332 = arith.constant 0 : index
        %get3A_1333 = tpu.vector_load %arg10[%get3A_1331, %get3A_1332] {strides = array<i32>} : memref<128x128xf32, #tpu.memory_space<vmem>>, vector<1x16xf32>,
        %get3A_1334 = vector.shape_cast %get3A_1333 : vector<1x16xf32> to vector<16xf32>
        %mul3A_1335 = arith.mulf %get3A_1334, %gather3A_1326 : vector<16xf32>
        %swap3A_1336 = arith.index_cast %add3A_1330 : i32 to index
        %swap3A_1337 = arith.constant 0 : index
        %swap3A_1338 = tpu.vector_load %arg10[%swap3A_1336, %swap3A_1337] {strides = array<i32>} : memref<128x128xf32, #tpu.memory_space<vmem>>, vector<1x16xf32>,
        %swap3A_1339 = vector.shape_cast %swap3A_1338 : vector<1x16xf32> to vector<16xf32>
        %swap3A_1340 = vector.shape_cast %mul3A_1335 : vector<16xf32> to vector<1x16xf32>
        tpu.vector_store %arg10[%swap3A_1336, %swap3A_1337], %swap3A_1340 {strides = array<i32>} : memref<128x128xf32, #tpu.memory_space<vmem>>, vector<1x16xf32>,
        %get3A_1341 = arith.index_cast %add3A_1330 : i32 to index
        %get3A_1342 = arith.constant 16 : index
        %get3A_1343 = tpu.vector_load %arg10[%get3A_1341, %get3A_1342] {strides = array<i32>} : memref<128x128xf32, #tpu.memory_space<vmem>>, vector<1x16xf32>,
        %get3A_1344 = vector.shape_cast %get3A_1343 : vector<1x16xf32> to vector<16xf32>
        %mul3A_1345 = arith.mulf %get3A_1344, %gather3A_1326 : vector<16xf32>
        %swap3A_1346 = arith.index_cast %add3A_1330 : i32 to index
        %swap3A_1347 = arith.constant 16 : index
        %swap3A_1348 = tpu.vector_load %arg10[%swap3A_1346, %swap3A_1347] {strides = array<i32>} : memref<128x128xf32, #tpu.memory_space<vmem>>, vector<1x16xf32>,
        %swap3A_1349 = vector.shape_cast %swap3A_1348 : vector<1x16xf32> to vector<16xf32>
        %swap3A_1350 = vector.shape_cast %mul3A_1345 : vector<16xf32> to vector<1x16xf32>
        tpu.vector_store %arg10[%swap3A_1346, %swap3A_1347], %swap3A_1350 {strides = array<i32>} : memref<128x128xf32, #tpu.memory_space<vmem>>, vector<1x16xf32>,
        %get3A_1351 = arith.index_cast %add3A_1330 : i32 to index
        %get3A_1352 = arith.constant 32 : index
        %get3A_1353 = tpu.vector_load %arg10[%get3A_1351, %get3A_1352] {strides = array<i32>} : memref<128x128xf32, #tpu.memory_space<vmem>>, vector<1x16xf32>,
        %get3A_1354 = vector.shape_cast %get3A_1353 : vector<1x16xf32> to vector<16xf32>
        %mul3A_1355 = arith.mulf %get3A_1354, %gather3A_1326 : vector<16xf32>
        %swap3A_1356 = arith.index_cast %add3A_1330 : i32 to index
        %swap3A_1357 = arith.constant 32 : index
        %swap3A_1358 = tpu.vector_load %arg10[%swap3A_1356, %swap3A_1357] {strides = array<i32>} : memref<128x128xf32, #tpu.memory_space<vmem>>, vector<1x16xf32>,
        %swap3A_1359 = vector.shape_cast %swap3A_1358 : vector<1x16xf32> to vector<16xf32>
        %swap3A_1360 = vector.shape_cast %mul3A_1355 : vector<16xf32> to vector<1x16xf32>
        tpu.vector_store %arg10[%swap3A_1356, %swap3A_1357], %swap3A_1360 {strides = array<i32>} : memref<128x128xf32, #tpu.memory_space<vmem>>, vector<1x16xf32>,
        %get3A_1361 = arith.index_cast %add3A_1330 : i32 to index
        %get3A_1362 = arith.constant 48 : index
        %get3A_1363 = tpu.vector_load %arg10[%get3A_1361, %get3A_1362] {strides = array<i32>} : memref<128x128xf32, #tpu.memory_space<vmem>>, vector<1x16xf32>,
        %get3A_1364 = vector.shape_cast %get3A_1363 : vector<1x16xf32> to vector<16xf32>
        %mul3A_1365 = arith.mulf %get3A_1364, %gather3A_1326 : vector<16xf32>
        %swap3A_1366 = arith.index_cast %add3A_1330 : i32 to index
        %swap3A_1367 = arith.constant 48 : index
        %swap3A_1368 = tpu.vector_load %arg10[%swap3A_1366, %swap3A_1367] {strides = array<i32>} : memref<128x128xf32, #tpu.memory_space<vmem>>, vector<1x16xf32>,
        %swap3A_1369 = vector.shape_cast %swap3A_1368 : vector<1x16xf32> to vector<16xf32>
        %swap3A_1370 = vector.shape_cast %mul3A_1365 : vector<16xf32> to vector<1x16xf32>
        tpu.vector_store %arg10[%swap3A_1366, %swap3A_1367], %swap3A_1370 {strides = array<i32>} : memref<128x128xf32, #tpu.memory_space<vmem>>, vector<1x16xf32>,
        %get3A_1371 = arith.index_cast %add3A_1330 : i32 to index
        %get3A_1372 = arith.constant 64 : index
        %get3A_1373 = tpu.vector_load %arg10[%get3A_1371, %get3A_1372] {strides = array<i32>} : memref<128x128xf32, #tpu.memory_space<vmem>>, vector<1x16xf32>,
        %get3A_1374 = vector.shape_cast %get3A_1373 : vector<1x16xf32> to vector<16xf32>
        %mul3A_1375 = arith.mulf %get3A_1374, %gather3A_1326 : vector<16xf32>
        %swap3A_1376 = arith.index_cast %add3A_1330 : i32 to index
        %swap3A_1377 = arith.constant 64 : index
        %swap3A_1378 = tpu.vector_load %arg10[%swap3A_1376, %swap3A_1377] {strides = array<i32>} : memref<128x128xf32, #tpu.memory_space<vmem>>, vector<1x16xf32>,
        %swap3A_1379 = vector.shape_cast %swap3A_1378 : vector<1x16xf32> to vector<16xf32>
        %swap3A_1380 = vector.shape_cast %mul3A_1375 : vector<16xf32> to vector<1x16xf32>
        tpu.vector_store %arg10[%swap3A_1376, %swap3A_1377], %swap3A_1380 {strides = array<i32>} : memref<128x128xf32, #tpu.memory_space<vmem>>, vector<1x16xf32>,
        %get3A_1381 = arith.index_cast %add3A_1330 : i32 to index
        %get3A_1382 = arith.constant 80 : index
        %get3A_1383 = tpu.vector_load %arg10[%get3A_1381, %get3A_1382] {strides = array<i32>} : memref<128x128xf32, #tpu.memory_space<vmem>>, vector<1x16xf32>,
        %get3A_1384 = vector.shape_cast %get3A_1383 : vector<1x16xf32> to vector<16xf32>
        %mul3A_1385 = arith.mulf %get3A_1384, %gather3A_1326 : vector<16xf32>
        %swap3A_1386 = arith.index_cast %add3A_1330 : i32 to index
        %swap3A_1387 = arith.constant 80 : index
        %swap3A_1388 = tpu.vector_load %arg10[%swap3A_1386, %swap3A_1387] {strides = array<i32>} : memref<128x128xf32, #tpu.memory_space<vmem>>, vector<1x16xf32>,
        %swap3A_1389 = vector.shape_cast %swap3A_1388 : vector<1x16xf32> to vector<16xf32>
        %swap3A_1390 = vector.shape_cast %mul3A_1385 : vector<16xf32> to vector<1x16xf32>
        tpu.vector_store %arg10[%swap3A_1386, %swap3A_1387], %swap3A_1390 {strides = array<i32>} : memref<128x128xf32, #tpu.memory_space<vmem>>, vector<1x16xf32>,
        %get3A_1391 = arith.index_cast %add3A_1330 : i32 to index
        %get3A_1392 = arith.constant 96 : index
        %get3A_1393 = tpu.vector_load %arg10[%get3A_1391, %get3A_1392] {strides = array<i32>} : memref<128x128xf32, #tpu.memory_space<vmem>>, vector<1x16xf32>,
        %get3A_1394 = vector.shape_cast %get3A_1393 : vector<1x16xf32> to vector<16xf32>
        %mul3A_1395 = arith.mulf %get3A_1394, %gather3A_1326 : vector<16xf32>
        %swap3A_1396 = arith.index_cast %add3A_1330 : i32 to index
        %swap3A_1397 = arith.constant 96 : index
        %swap3A_1398 = tpu.vector_load %arg10[%swap3A_1396, %swap3A_1397] {strides = array<i32>} : memref<128x128xf32, #tpu.memory_space<vmem>>, vector<1x16xf32>,
        %swap3A_1399 = vector.shape_cast %swap3A_1398 : vector<1x16xf32> to vector<16xf32>
        %swap3A_1400 = vector.shape_cast %mul3A_1395 : vector<16xf32> to vector<1x16xf32>
        tpu.vector_store %arg10[%swap3A_1396, %swap3A_1397], %swap3A_1400 {strides = array<i32>} : memref<128x128xf32, #tpu.memory_space<vmem>>, vector<1x16xf32>,
        %get3A_1401 = arith.index_cast %add3A_1330 : i32 to index
        %get3A_1402 = arith.constant 112 : index
        %get3A_1403 = tpu.vector_load %arg10[%get3A_1401, %get3A_1402] {strides = array<i32>} : memref<128x128xf32, #tpu.memory_space<vmem>>, vector<1x16xf32>,
        %get3A_1404 = vector.shape_cast %get3A_1403 : vector<1x16xf32> to vector<16xf32>
        %mul3A_1405 = arith.mulf %get3A_1404, %gather3A_1326 : vector<16xf32>
        %swap3A_1406 = arith.index_cast %add3A_1330 : i32 to index
        %swap3A_1407 = arith.constant 112 : index
        %swap3A_1408 = tpu.vector_load %arg10[%swap3A_1406, %swap3A_1407] {strides = array<i32>} : memref<128x128xf32, #tpu.memory_space<vmem>>, vector<1x16xf32>,
        %swap3A_1409 = vector.shape_cast %swap3A_1408 : vector<1x16xf32> to vector<16xf32>
        %swap3A_1410 = vector.shape_cast %mul3A_1405 : vector<16xf32> to vector<1x16xf32>
        tpu.vector_store %arg10[%swap3A_1406, %swap3A_1407], %swap3A_1410 {strides = array<i32>} : memref<128x128xf32, #tpu.memory_space<vmem>>, vector<1x16xf32>,
        %broadcast_in_dim3A_1411 = arith.constant 14 : i32
        %broadcast_in_dim3A_1412 = vector.broadcast %broadcast_in_dim3A_1411 : i32 to vector<16xi32>
        %lt3A_1413 = arith.constant 0 : i32
        %lt3A_1414 = vector.broadcast %lt3A_1413 : i32 to vector<16xi32>
        %lt3A_1415 = arith.cmpi slt, %broadcast_in_dim3A_1412, %lt3A_1414 : vector<16xi32>
        %add3A_1416 = arith.constant 16 : i32
        %add3A_1417 = vector.broadcast %add3A_1416 : i32 to vector<16xi32>
        %add3A_1418 = arith.addi %broadcast_in_dim3A_1412, %add3A_1417 : vector<16xi32>
        %select_n3A_1419 = arith.select %lt3A_1415, %add3A_1418, %broadcast_in_dim3A_1412 : vector<16xi1>, vector<16xi32>
        %broadcast_in_dim3A_1420 = vector.shape_cast %select_n3A_1419 : vector<16xi32> to vector<16x1xi32>
        %gather3A_1421 = vector.shape_cast %broadcast_in_dim3A_1420 : vector<16x1xi32> to vector<16xi32>
        %gather3A_1422 = tpu.dynamic_gather %get3A_70[%gather3A_1421] in [0] : vector<16xf32>, vector<16xi32> -> vector<16xf32>
        %mul3A_1423 = arith.constant 16 : i32
        %mul3A_1424 = arith.muli %scan3A_65, %mul3A_1423 : i32
        %add3A_1425 = arith.constant 14 : i32
        %add3A_1426 = arith.addi %mul3A_1424, %add3A_1425 : i32
        %get3A_1427 = arith.index_cast %add3A_1426 : i32 to index
        %get3A_1428 = arith.constant 0 : index
        %get3A_1429 = tpu.vector_load %arg10[%get3A_1427, %get3A_1428] {strides = array<i32>} : memref<128x128xf32, #tpu.memory_space<vmem>>, vector<1x16xf32>,
        %get3A_1430 = vector.shape_cast %get3A_1429 : vector<1x16xf32> to vector<16xf32>
        %mul3A_1431 = arith.mulf %get3A_1430, %gather3A_1422 : vector<16xf32>
        %swap3A_1432 = arith.index_cast %add3A_1426 : i32 to index
        %swap3A_1433 = arith.constant 0 : index
        %swap3A_1434 = tpu.vector_load %arg10[%swap3A_1432, %swap3A_1433] {strides = array<i32>} : memref<128x128xf32, #tpu.memory_space<vmem>>, vector<1x16xf32>,
        %swap3A_1435 = vector.shape_cast %swap3A_1434 : vector<1x16xf32> to vector<16xf32>
        %swap3A_1436 = vector.shape_cast %mul3A_1431 : vector<16xf32> to vector<1x16xf32>
        tpu.vector_store %arg10[%swap3A_1432, %swap3A_1433], %swap3A_1436 {strides = array<i32>} : memref<128x128xf32, #tpu.memory_space<vmem>>, vector<1x16xf32>,
        %get3A_1437 = arith.index_cast %add3A_1426 : i32 to index
        %get3A_1438 = arith.constant 16 : index
        %get3A_1439 = tpu.vector_load %arg10[%get3A_1437, %get3A_1438] {strides = array<i32>} : memref<128x128xf32, #tpu.memory_space<vmem>>, vector<1x16xf32>,
        %get3A_1440 = vector.shape_cast %get3A_1439 : vector<1x16xf32> to vector<16xf32>
        %mul3A_1441 = arith.mulf %get3A_1440, %gather3A_1422 : vector<16xf32>
        %swap3A_1442 = arith.index_cast %add3A_1426 : i32 to index
        %swap3A_1443 = arith.constant 16 : index
        %swap3A_1444 = tpu.vector_load %arg10[%swap3A_1442, %swap3A_1443] {strides = array<i32>} : memref<128x128xf32, #tpu.memory_space<vmem>>, vector<1x16xf32>,
        %swap3A_1445 = vector.shape_cast %swap3A_1444 : vector<1x16xf32> to vector<16xf32>
        %swap3A_1446 = vector.shape_cast %mul3A_1441 : vector<16xf32> to vector<1x16xf32>
        tpu.vector_store %arg10[%swap3A_1442, %swap3A_1443], %swap3A_1446 {strides = array<i32>} : memref<128x128xf32, #tpu.memory_space<vmem>>, vector<1x16xf32>,
        %get3A_1447 = arith.index_cast %add3A_1426 : i32 to index
        %get3A_1448 = arith.constant 32 : index
        %get3A_1449 = tpu.vector_load %arg10[%get3A_1447, %get3A_1448] {strides = array<i32>} : memref<128x128xf32, #tpu.memory_space<vmem>>, vector<1x16xf32>,
        %get3A_1450 = vector.shape_cast %get3A_1449 : vector<1x16xf32> to vector<16xf32>
        %mul3A_1451 = arith.mulf %get3A_1450, %gather3A_1422 : vector<16xf32>
        %swap3A_1452 = arith.index_cast %add3A_1426 : i32 to index
        %swap3A_1453 = arith.constant 32 : index
        %swap3A_1454 = tpu.vector_load %arg10[%swap3A_1452, %swap3A_1453] {strides = array<i32>} : memref<128x128xf32, #tpu.memory_space<vmem>>, vector<1x16xf32>,
        %swap3A_1455 = vector.shape_cast %swap3A_1454 : vector<1x16xf32> to vector<16xf32>
        %swap3A_1456 = vector.shape_cast %mul3A_1451 : vector<16xf32> to vector<1x16xf32>
        tpu.vector_store %arg10[%swap3A_1452, %swap3A_1453], %swap3A_1456 {strides = array<i32>} : memref<128x128xf32, #tpu.memory_space<vmem>>, vector<1x16xf32>,
        %get3A_1457 = arith.index_cast %add3A_1426 : i32 to index
        %get3A_1458 = arith.constant 48 : index
        %get3A_1459 = tpu.vector_load %arg10[%get3A_1457, %get3A_1458] {strides = array<i32>} : memref<128x128xf32, #tpu.memory_space<vmem>>, vector<1x16xf32>,
        %get3A_1460 = vector.shape_cast %get3A_1459 : vector<1x16xf32> to vector<16xf32>
        %mul3A_1461 = arith.mulf %get3A_1460, %gather3A_1422 : vector<16xf32>
        %swap3A_1462 = arith.index_cast %add3A_1426 : i32 to index
        %swap3A_1463 = arith.constant 48 : index
        %swap3A_1464 = tpu.vector_load %arg10[%swap3A_1462, %swap3A_1463] {strides = array<i32>} : memref<128x128xf32, #tpu.memory_space<vmem>>, vector<1x16xf32>,
        %swap3A_1465 = vector.shape_cast %swap3A_1464 : vector<1x16xf32> to vector<16xf32>
        %swap3A_1466 = vector.shape_cast %mul3A_1461 : vector<16xf32> to vector<1x16xf32>
        tpu.vector_store %arg10[%swap3A_1462, %swap3A_1463], %swap3A_1466 {strides = array<i32>} : memref<128x128xf32, #tpu.memory_space<vmem>>, vector<1x16xf32>,
        %get3A_1467 = arith.index_cast %add3A_1426 : i32 to index
        %get3A_1468 = arith.constant 64 : index
        %get3A_1469 = tpu.vector_load %arg10[%get3A_1467, %get3A_1468] {strides = array<i32>} : memref<128x128xf32, #tpu.memory_space<vmem>>, vector<1x16xf32>,
        %get3A_1470 = vector.shape_cast %get3A_1469 : vector<1x16xf32> to vector<16xf32>
        %mul3A_1471 = arith.mulf %get3A_1470, %gather3A_1422 : vector<16xf32>
        %swap3A_1472 = arith.index_cast %add3A_1426 : i32 to index
        %swap3A_1473 = arith.constant 64 : index
        %swap3A_1474 = tpu.vector_load %arg10[%swap3A_1472, %swap3A_1473] {strides = array<i32>} : memref<128x128xf32, #tpu.memory_space<vmem>>, vector<1x16xf32>,
        %swap3A_1475 = vector.shape_cast %swap3A_1474 : vector<1x16xf32> to vector<16xf32>
        %swap3A_1476 = vector.shape_cast %mul3A_1471 : vector<16xf32> to vector<1x16xf32>
        tpu.vector_store %arg10[%swap3A_1472, %swap3A_1473], %swap3A_1476 {strides = array<i32>} : memref<128x128xf32, #tpu.memory_space<vmem>>, vector<1x16xf32>,
        %get3A_1477 = arith.index_cast %add3A_1426 : i32 to index
        %get3A_1478 = arith.constant 80 : index
        %get3A_1479 = tpu.vector_load %arg10[%get3A_1477, %get3A_1478] {strides = array<i32>} : memref<128x128xf32, #tpu.memory_space<vmem>>, vector<1x16xf32>,
        %get3A_1480 = vector.shape_cast %get3A_1479 : vector<1x16xf32> to vector<16xf32>
        %mul3A_1481 = arith.mulf %get3A_1480, %gather3A_1422 : vector<16xf32>
        %swap3A_1482 = arith.index_cast %add3A_1426 : i32 to index
        %swap3A_1483 = arith.constant 80 : index
        %swap3A_1484 = tpu.vector_load %arg10[%swap3A_1482, %swap3A_1483] {strides = array<i32>} : memref<128x128xf32, #tpu.memory_space<vmem>>, vector<1x16xf32>,
        %swap3A_1485 = vector.shape_cast %swap3A_1484 : vector<1x16xf32> to vector<16xf32>
        %swap3A_1486 = vector.shape_cast %mul3A_1481 : vector<16xf32> to vector<1x16xf32>
        tpu.vector_store %arg10[%swap3A_1482, %swap3A_1483], %swap3A_1486 {strides = array<i32>} : memref<128x128xf32, #tpu.memory_space<vmem>>, vector<1x16xf32>,
        %get3A_1487 = arith.index_cast %add3A_1426 : i32 to index
        %get3A_1488 = arith.constant 96 : index
        %get3A_1489 = tpu.vector_load %arg10[%get3A_1487, %get3A_1488] {strides = array<i32>} : memref<128x128xf32, #tpu.memory_space<vmem>>, vector<1x16xf32>,
        %get3A_1490 = vector.shape_cast %get3A_1489 : vector<1x16xf32> to vector<16xf32>
        %mul3A_1491 = arith.mulf %get3A_1490, %gather3A_1422 : vector<16xf32>
        %swap3A_1492 = arith.index_cast %add3A_1426 : i32 to index
        %swap3A_1493 = arith.constant 96 : index
        %swap3A_1494 = tpu.vector_load %arg10[%swap3A_1492, %swap3A_1493] {strides = array<i32>} : memref<128x128xf32, #tpu.memory_space<vmem>>, vector<1x16xf32>,
        %swap3A_1495 = vector.shape_cast %swap3A_1494 : vector<1x16xf32> to vector<16xf32>
        %swap3A_1496 = vector.shape_cast %mul3A_1491 : vector<16xf32> to vector<1x16xf32>
        tpu.vector_store %arg10[%swap3A_1492, %swap3A_1493], %swap3A_1496 {strides = array<i32>} : memref<128x128xf32, #tpu.memory_space<vmem>>, vector<1x16xf32>,
        %get3A_1497 = arith.index_cast %add3A_1426 : i32 to index
        %get3A_1498 = arith.constant 112 : index
        %get3A_1499 = tpu.vector_load %arg10[%get3A_1497, %get3A_1498] {strides = array<i32>} : memref<128x128xf32, #tpu.memory_space<vmem>>, vector<1x16xf32>,
        %get3A_1500 = vector.shape_cast %get3A_1499 : vector<1x16xf32> to vector<16xf32>
        %mul3A_1501 = arith.mulf %get3A_1500, %gather3A_1422 : vector<16xf32>
        %swap3A_1502 = arith.index_cast %add3A_1426 : i32 to index
        %swap3A_1503 = arith.constant 112 : index
        %swap3A_1504 = tpu.vector_load %arg10[%swap3A_1502, %swap3A_1503] {strides = array<i32>} : memref<128x128xf32, #tpu.memory_space<vmem>>, vector<1x16xf32>,
        %swap3A_1505 = vector.shape_cast %swap3A_1504 : vector<1x16xf32> to vector<16xf32>
        %swap3A_1506 = vector.shape_cast %mul3A_1501 : vector<16xf32> to vector<1x16xf32>
        tpu.vector_store %arg10[%swap3A_1502, %swap3A_1503], %swap3A_1506 {strides = array<i32>} : memref<128x128xf32, #tpu.memory_space<vmem>>, vector<1x16xf32>,
        %broadcast_in_dim3A_1507 = arith.constant 15 : i32
        %broadcast_in_dim3A_1508 = vector.broadcast %broadcast_in_dim3A_1507 : i32 to vector<16xi32>
        %lt3A_1509 = arith.constant 0 : i32
        %lt3A_1510 = vector.broadcast %lt3A_1509 : i32 to vector<16xi32>
        %lt3A_1511 = arith.cmpi slt, %broadcast_in_dim3A_1508, %lt3A_1510 : vector<16xi32>
        %add3A_1512 = arith.constant 16 : i32
        %add3A_1513 = vector.broadcast %add3A_1512 : i32 to vector<16xi32>
        %add3A_1514 = arith.addi %broadcast_in_dim3A_1508, %add3A_1513 : vector<16xi32>
        %select_n3A_1515 = arith.select %lt3A_1511, %add3A_1514, %broadcast_in_dim3A_1508 : vector<16xi1>, vector<16xi32>
        %broadcast_in_dim3A_1516 = vector.shape_cast %select_n3A_1515 : vector<16xi32> to vector<16x1xi32>
        %gather3A_1517 = vector.shape_cast %broadcast_in_dim3A_1516 : vector<16x1xi32> to vector<16xi32>
        %gather3A_1518 = tpu.dynamic_gather %get3A_70[%gather3A_1517] in [0] : vector<16xf32>, vector<16xi32> -> vector<16xf32>
        %mul3A_1519 = arith.constant 16 : i32
        %mul3A_1520 = arith.muli %scan3A_65, %mul3A_1519 : i32
        %add3A_1521 = arith.constant 15 : i32
        %add3A_1522 = arith.addi %mul3A_1520, %add3A_1521 : i32
        %get3A_1523 = arith.index_cast %add3A_1522 : i32 to index
        %get3A_1524 = arith.constant 0 : index
        %get3A_1525 = tpu.vector_load %arg10[%get3A_1523, %get3A_1524] {strides = array<i32>} : memref<128x128xf32, #tpu.memory_space<vmem>>, vector<1x16xf32>,
        %get3A_1526 = vector.shape_cast %get3A_1525 : vector<1x16xf32> to vector<16xf32>
        %mul3A_1527 = arith.mulf %get3A_1526, %gather3A_1518 : vector<16xf32>
        %swap3A_1528 = arith.index_cast %add3A_1522 : i32 to index
        %swap3A_1529 = arith.constant 0 : index
        %swap3A_1530 = tpu.vector_load %arg10[%swap3A_1528, %swap3A_1529] {strides = array<i32>} : memref<128x128xf32, #tpu.memory_space<vmem>>, vector<1x16xf32>,
        %swap3A_1531 = vector.shape_cast %swap3A_1530 : vector<1x16xf32> to vector<16xf32>
        %swap3A_1532 = vector.shape_cast %mul3A_1527 : vector<16xf32> to vector<1x16xf32>
        tpu.vector_store %arg10[%swap3A_1528, %swap3A_1529], %swap3A_1532 {strides = array<i32>} : memref<128x128xf32, #tpu.memory_space<vmem>>, vector<1x16xf32>,
        %get3A_1533 = arith.index_cast %add3A_1522 : i32 to index
        %get3A_1534 = arith.constant 16 : index
        %get3A_1535 = tpu.vector_load %arg10[%get3A_1533, %get3A_1534] {strides = array<i32>} : memref<128x128xf32, #tpu.memory_space<vmem>>, vector<1x16xf32>,
        %get3A_1536 = vector.shape_cast %get3A_1535 : vector<1x16xf32> to vector<16xf32>
        %mul3A_1537 = arith.mulf %get3A_1536, %gather3A_1518 : vector<16xf32>
        %swap3A_1538 = arith.index_cast %add3A_1522 : i32 to index
        %swap3A_1539 = arith.constant 16 : index
        %swap3A_1540 = tpu.vector_load %arg10[%swap3A_1538, %swap3A_1539] {strides = array<i32>} : memref<128x128xf32, #tpu.memory_space<vmem>>, vector<1x16xf32>,
        %swap3A_1541 = vector.shape_cast %swap3A_1540 : vector<1x16xf32> to vector<16xf32>
        %swap3A_1542 = vector.shape_cast %mul3A_1537 : vector<16xf32> to vector<1x16xf32>
        tpu.vector_store %arg10[%swap3A_1538, %swap3A_1539], %swap3A_1542 {strides = array<i32>} : memref<128x128xf32, #tpu.memory_space<vmem>>, vector<1x16xf32>,
        %get3A_1543 = arith.index_cast %add3A_1522 : i32 to index
        %get3A_1544 = arith.constant 32 : index
        %get3A_1545 = tpu.vector_load %arg10[%get3A_1543, %get3A_1544] {strides = array<i32>} : memref<128x128xf32, #tpu.memory_space<vmem>>, vector<1x16xf32>,
        %get3A_1546 = vector.shape_cast %get3A_1545 : vector<1x16xf32> to vector<16xf32>
        %mul3A_1547 = arith.mulf %get3A_1546, %gather3A_1518 : vector<16xf32>
        %swap3A_1548 = arith.index_cast %add3A_1522 : i32 to index
        %swap3A_1549 = arith.constant 32 : index
        %swap3A_1550 = tpu.vector_load %arg10[%swap3A_1548, %swap3A_1549] {strides = array<i32>} : memref<128x128xf32, #tpu.memory_space<vmem>>, vector<1x16xf32>,
        %swap3A_1551 = vector.shape_cast %swap3A_1550 : vector<1x16xf32> to vector<16xf32>
        %swap3A_1552 = vector.shape_cast %mul3A_1547 : vector<16xf32> to vector<1x16xf32>
        tpu.vector_store %arg10[%swap3A_1548, %swap3A_1549], %swap3A_1552 {strides = array<i32>} : memref<128x128xf32, #tpu.memory_space<vmem>>, vector<1x16xf32>,
        %get3A_1553 = arith.index_cast %add3A_1522 : i32 to index
        %get3A_1554 = arith.constant 48 : index
        %get3A_1555 = tpu.vector_load %arg10[%get3A_1553, %get3A_1554] {strides = array<i32>} : memref<128x128xf32, #tpu.memory_space<vmem>>, vector<1x16xf32>,
        %get3A_1556 = vector.shape_cast %get3A_1555 : vector<1x16xf32> to vector<16xf32>
        %mul3A_1557 = arith.mulf %get3A_1556, %gather3A_1518 : vector<16xf32>
        %swap3A_1558 = arith.index_cast %add3A_1522 : i32 to index
        %swap3A_1559 = arith.constant 48 : index
        %swap3A_1560 = tpu.vector_load %arg10[%swap3A_1558, %swap3A_1559] {strides = array<i32>} : memref<128x128xf32, #tpu.memory_space<vmem>>, vector<1x16xf32>,
        %swap3A_1561 = vector.shape_cast %swap3A_1560 : vector<1x16xf32> to vector<16xf32>
        %swap3A_1562 = vector.shape_cast %mul3A_1557 : vector<16xf32> to vector<1x16xf32>
        tpu.vector_store %arg10[%swap3A_1558, %swap3A_1559], %swap3A_1562 {strides = array<i32>} : memref<128x128xf32, #tpu.memory_space<vmem>>, vector<1x16xf32>,
        %get3A_1563 = arith.index_cast %add3A_1522 : i32 to index
        %get3A_1564 = arith.constant 64 : index
        %get3A_1565 = tpu.vector_load %arg10[%get3A_1563, %get3A_1564] {strides = array<i32>} : memref<128x128xf32, #tpu.memory_space<vmem>>, vector<1x16xf32>,
        %get3A_1566 = vector.shape_cast %get3A_1565 : vector<1x16xf32> to vector<16xf32>
        %mul3A_1567 = arith.mulf %get3A_1566, %gather3A_1518 : vector<16xf32>
        %swap3A_1568 = arith.index_cast %add3A_1522 : i32 to index
        %swap3A_1569 = arith.constant 64 : index
        %swap3A_1570 = tpu.vector_load %arg10[%swap3A_1568, %swap3A_1569] {strides = array<i32>} : memref<128x128xf32, #tpu.memory_space<vmem>>, vector<1x16xf32>,
        %swap3A_1571 = vector.shape_cast %swap3A_1570 : vector<1x16xf32> to vector<16xf32>
        %swap3A_1572 = vector.shape_cast %mul3A_1567 : vector<16xf32> to vector<1x16xf32>
        tpu.vector_store %arg10[%swap3A_1568, %swap3A_1569], %swap3A_1572 {strides = array<i32>} : memref<128x128xf32, #tpu.memory_space<vmem>>, vector<1x16xf32>,
        %get3A_1573 = arith.index_cast %add3A_1522 : i32 to index
        %get3A_1574 = arith.constant 80 : index
        %get3A_1575 = tpu.vector_load %arg10[%get3A_1573, %get3A_1574] {strides = array<i32>} : memref<128x128xf32, #tpu.memory_space<vmem>>, vector<1x16xf32>,
        %get3A_1576 = vector.shape_cast %get3A_1575 : vector<1x16xf32> to vector<16xf32>
        %mul3A_1577 = arith.mulf %get3A_1576, %gather3A_1518 : vector<16xf32>
        %swap3A_1578 = arith.index_cast %add3A_1522 : i32 to index
        %swap3A_1579 = arith.constant 80 : index
        %swap3A_1580 = tpu.vector_load %arg10[%swap3A_1578, %swap3A_1579] {strides = array<i32>} : memref<128x128xf32, #tpu.memory_space<vmem>>, vector<1x16xf32>,
        %swap3A_1581 = vector.shape_cast %swap3A_1580 : vector<1x16xf32> to vector<16xf32>
        %swap3A_1582 = vector.shape_cast %mul3A_1577 : vector<16xf32> to vector<1x16xf32>
        tpu.vector_store %arg10[%swap3A_1578, %swap3A_1579], %swap3A_1582 {strides = array<i32>} : memref<128x128xf32, #tpu.memory_space<vmem>>, vector<1x16xf32>,
        %get3A_1583 = arith.index_cast %add3A_1522 : i32 to index
        %get3A_1584 = arith.constant 96 : index
        %get3A_1585 = tpu.vector_load %arg10[%get3A_1583, %get3A_1584] {strides = array<i32>} : memref<128x128xf32, #tpu.memory_space<vmem>>, vector<1x16xf32>,
        %get3A_1586 = vector.shape_cast %get3A_1585 : vector<1x16xf32> to vector<16xf32>
        %mul3A_1587 = arith.mulf %get3A_1586, %gather3A_1518 : vector<16xf32>
        %swap3A_1588 = arith.index_cast %add3A_1522 : i32 to index
        %swap3A_1589 = arith.constant 96 : index
        %swap3A_1590 = tpu.vector_load %arg10[%swap3A_1588, %swap3A_1589] {strides = array<i32>} : memref<128x128xf32, #tpu.memory_space<vmem>>, vector<1x16xf32>,
        %swap3A_1591 = vector.shape_cast %swap3A_1590 : vector<1x16xf32> to vector<16xf32>
        %swap3A_1592 = vector.shape_cast %mul3A_1587 : vector<16xf32> to vector<1x16xf32>
        tpu.vector_store %arg10[%swap3A_1588, %swap3A_1589], %swap3A_1592 {strides = array<i32>} : memref<128x128xf32, #tpu.memory_space<vmem>>, vector<1x16xf32>,
        %get3A_1593 = arith.index_cast %add3A_1522 : i32 to index
        %get3A_1594 = arith.constant 112 : index
        %get3A_1595 = tpu.vector_load %arg10[%get3A_1593, %get3A_1594] {strides = array<i32>} : memref<128x128xf32, #tpu.memory_space<vmem>>, vector<1x16xf32>,
        %get3A_1596 = vector.shape_cast %get3A_1595 : vector<1x16xf32> to vector<16xf32>
        %mul3A_1597 = arith.mulf %get3A_1596, %gather3A_1518 : vector<16xf32>
        %swap3A_1598 = arith.index_cast %add3A_1522 : i32 to index
        %swap3A_1599 = arith.constant 112 : index
        %swap3A_1600 = tpu.vector_load %arg10[%swap3A_1598, %swap3A_1599] {strides = array<i32>} : memref<128x128xf32, #tpu.memory_space<vmem>>, vector<1x16xf32>,
        %swap3A_1601 = vector.shape_cast %swap3A_1600 : vector<1x16xf32> to vector<16xf32>
        %swap3A_1602 = vector.shape_cast %mul3A_1597 : vector<16xf32> to vector<1x16xf32>
        tpu.vector_store %arg10[%swap3A_1598, %swap3A_1599], %swap3A_1602 {strides = array<i32>} : memref<128x128xf32, #tpu.memory_space<vmem>>, vector<1x16xf32>,
      }
      %scan3A_52 = arith.constant 8 : i32
      %dma_start3A_53 = arith.constant 0 : i32
      %dma_start3A_54 = tpu.memref_slice %arg8[%scan3A_36, %dma_start3A_53] : memref<79x128xi32, #tpu.memory_space<vmem>> -> memref<1x128xi32, #tpu.memory_space<vmem>>
      %dma_start3A_55 = tpu.memref_squeeze %dma_start3A_54 : memref<1x128xi32, #tpu.memory_space<vmem>> -> memref<128xi32, #tpu.memory_space<vmem>>
      %dma_start3A_56 = arith.constant 0 : i32
      %dma_start3A_57 = arith.constant 0 : i32
      %dma_start3A_58 = tpu.memref_slice %arg11[%dma_start3A_56, %dma_start3A_57] : memref<10240x128xf32, #tpu.memory_space<vmem_shared>> -> memref<10240x128xf32, #tpu.memory_space<vmem_shared>>
      tpu.enqueue_indirect_dma source(%arg10 : memref<128x128xf32, #tpu.memory_space<vmem>>) target(%dma_start3A_58 : memref<10240x128xf32, #tpu.memory_space<vmem_shared>>) offsets(%dma_start3A_55 : memref<128xi32, #tpu.memory_space<vmem>>) semaphore(%arg13 : memref<!tpu.dma_semaphore, #tpu.memory_space<semaphore_mem>>) {add = true}
      %dma_wait3A_59 = arith.constant 0 : i32
      %dma_wait3A_60 = tpu.memref_slice %arg8[%scan3A_36, %dma_wait3A_59] : memref<79x128xi32, #tpu.memory_space<vmem>> -> memref<1x128xi32, #tpu.memory_space<vmem>>
      %dma_wait3A_61 = tpu.memref_squeeze %dma_wait3A_60 : memref<1x128xi32, #tpu.memory_space<vmem>> -> memref<128xi32, #tpu.memory_space<vmem>>
      %dma_wait3A_62 = arith.constant 0 : i32
      %dma_wait3A_63 = arith.constant 0 : i32
      %dma_wait3A_64 = tpu.memref_slice %arg11[%dma_wait3A_62, %dma_wait3A_63] : memref<10240x128xf32, #tpu.memory_space<vmem_shared>> -> memref<10240x128xf32, #tpu.memory_space<vmem_shared>>
      tpu.wait_indirect_dma semaphore(%arg13 : memref<!tpu.dma_semaphore, #tpu.memory_space<semaphore_mem>>) src(%arg10 : memref<128x128xf32, #tpu.memory_space<vmem>>) dst(%dma_wait3A_64 : memref<10240x128xf32, #tpu.memory_space<vmem_shared>>)
    }
    %scan3A_24 = arith.constant 79 : i32
    %barrier3A_25 = arith.constant 0 : index
    tpu.barrier barrier_id(%barrier3A_25)
    %add3A_26 = arith.constant 0 : i32
    %add3A_27 = arith.addi %mul3A_2, %add3A_26 : i32
    "tpu.region"() ({
      %run_scoped3A = tpu.sem_alloc : memref<!tpu.dma_semaphore, #tpu.memory_space<semaphore_mem>>
      %dma_start3A = arith.constant 0 : i32
      %dma_start3A_36 = tpu.memref_slice %arg11[%add3A_27, %dma_start3A] : memref<10240x128xf32, #tpu.memory_space<vmem_shared>> -> memref<128x128xf32, #tpu.memory_space<vmem_shared>>
      %dma_start3A_37 = arith.constant 0 : i32
      %dma_start3A_38 = tpu.memref_slice %arg11[%add3A_27, %dma_start3A_37] : memref<10240x128xf32, #tpu.memory_space<vmem_shared>> -> memref<128x128xf32, #tpu.memory_space<vmem_shared>>
      tpu.enqueue_dma source(%dma_start3A_38 : memref<128x128xf32, #tpu.memory_space<vmem_shared>>) target(%arg10 : memref<128x128xf32, #tpu.memory_space<vmem>>) target_semaphore(%run_scoped3A : memref<!tpu.dma_semaphore, #tpu.memory_space<semaphore_mem>>)
      %dma_wait3A = arith.constant 0 : i32
      %dma_wait3A_39 = tpu.memref_slice %arg11[%add3A_27, %dma_wait3A] : memref<10240x128xf32, #tpu.memory_space<vmem_shared>> -> memref<128x128xf32, #tpu.memory_space<vmem_shared>>
      %dma_wait3A_40 = arith.constant 0 : i32
      %dma_wait3A_41 = tpu.memref_slice %arg11[%add3A_27, %dma_wait3A_40] : memref<10240x128xf32, #tpu.memory_space<vmem_shared>> -> memref<128x128xf32, #tpu.memory_space<vmem_shared>>
      tpu.wait_dma2 semaphore(%run_scoped3A : memref<!tpu.dma_semaphore, #tpu.memory_space<semaphore_mem>>) src(%dma_wait3A_41 : memref<128x128xf32, #tpu.memory_space<vmem_shared>>) dst(%arg10 : memref<128x128xf32, #tpu.memory_space<vmem>>)
      tpu.yield
    }) : () -> ()
    "tpu.region"() ({
      %run_scoped3A = tpu.sem_alloc : memref<!tpu.dma_semaphore, #tpu.memory_space<semaphore_mem>>
      %dma_start3A = arith.constant 0 : i32
      %dma_start3A_36 = tpu.memref_slice %arg6[%arg0, %add3A_27, %dma_start3A] : memref<2x10240x128xf32, #tpu.memory_space<hbm>> -> memref<1x128x128xf32, #tpu.memory_space<hbm>>
      %dma_start3A_37 = tpu.memref_squeeze %dma_start3A_36 : memref<1x128x128xf32, #tpu.memory_space<hbm>> -> memref<128x128xf32, #tpu.memory_space<hbm>>
      %dma_start3A_38 = arith.constant 0 : i32
      %dma_start3A_39 = tpu.memref_slice %arg6[%arg0, %add3A_27, %dma_start3A_38] : memref<2x10240x128xf32, #tpu.memory_space<hbm>> -> memref<1x128x128xf32, #tpu.memory_space<hbm>>
      %dma_start3A_40 = tpu.memref_squeeze %dma_start3A_39 : memref<1x128x128xf32, #tpu.memory_space<hbm>> -> memref<128x128xf32, #tpu.memory_space<hbm>>
      tpu.enqueue_dma source(%arg10 : memref<128x128xf32, #tpu.memory_space<vmem>>) target(%dma_start3A_40 : memref<128x128xf32, #tpu.memory_space<hbm>>) target_semaphore(%run_scoped3A : memref<!tpu.dma_semaphore, #tpu.memory_space<semaphore_mem>>)
      %dma_wait3A = arith.constant 0 : i32
      %dma_wait3A_41 = tpu.memref_slice %arg6[%arg0, %add3A_27, %dma_wait3A] : memref<2x10240x128xf32, #tpu.memory_space<hbm>> -> memref<1x128x128xf32, #tpu.memory_space<hbm>>
      %dma_wait3A_42 = tpu.memref_squeeze %dma_wait3A_41 : memref<1x128x128xf32, #tpu.memory_space<hbm>> -> memref<128x128xf32, #tpu.memory_space<hbm>>
      %dma_wait3A_43 = arith.constant 0 : i32
      %dma_wait3A_44 = tpu.memref_slice %arg6[%arg0, %add3A_27, %dma_wait3A_43] : memref<2x10240x128xf32, #tpu.memory_space<hbm>> -> memref<1x128x128xf32, #tpu.memory_space<hbm>>
      %dma_wait3A_45 = tpu.memref_squeeze %dma_wait3A_44 : memref<1x128x128xf32, #tpu.memory_space<hbm>> -> memref<128x128xf32, #tpu.memory_space<hbm>>
      tpu.wait_dma2 semaphore(%run_scoped3A : memref<!tpu.dma_semaphore, #tpu.memory_space<semaphore_mem>>) src(%arg10 : memref<128x128xf32, #tpu.memory_space<vmem>>) dst(%dma_wait3A_45 : memref<128x128xf32, #tpu.memory_space<hbm>>)
      tpu.yield
    }) : () -> ()
    %add3A_28 = arith.constant 128 : i32
    %add3A_29 = arith.addi %mul3A_2, %add3A_28 : i32
    "tpu.region"() ({
      %run_scoped3A = tpu.sem_alloc : memref<!tpu.dma_semaphore, #tpu.memory_space<semaphore_mem>>
      %dma_start3A = arith.constant 0 : i32
      %dma_start3A_36 = tpu.memref_slice %arg11[%add3A_29, %dma_start3A] : memref<10240x128xf32, #tpu.memory_space<vmem_shared>> -> memref<128x128xf32, #tpu.memory_space<vmem_shared>>
      %dma_start3A_37 = arith.constant 0 : i32
      %dma_start3A_38 = tpu.memref_slice %arg11[%add3A_29, %dma_start3A_37] : memref<10240x128xf32, #tpu.memory_space<vmem_shared>> -> memref<128x128xf32, #tpu.memory_space<vmem_shared>>
      tpu.enqueue_dma source(%dma_start3A_38 : memref<128x128xf32, #tpu.memory_space<vmem_shared>>) target(%arg10 : memref<128x128xf32, #tpu.memory_space<vmem>>) target_semaphore(%run_scoped3A : memref<!tpu.dma_semaphore, #tpu.memory_space<semaphore_mem>>)
      %dma_wait3A = arith.constant 0 : i32
      %dma_wait3A_39 = tpu.memref_slice %arg11[%add3A_29, %dma_wait3A] : memref<10240x128xf32, #tpu.memory_space<vmem_shared>> -> memref<128x128xf32, #tpu.memory_space<vmem_shared>>
      %dma_wait3A_40 = arith.constant 0 : i32
      %dma_wait3A_41 = tpu.memref_slice %arg11[%add3A_29, %dma_wait3A_40] : memref<10240x128xf32, #tpu.memory_space<vmem_shared>> -> memref<128x128xf32, #tpu.memory_space<vmem_shared>>
      tpu.wait_dma2 semaphore(%run_scoped3A : memref<!tpu.dma_semaphore, #tpu.memory_space<semaphore_mem>>) src(%dma_wait3A_41 : memref<128x128xf32, #tpu.memory_space<vmem_shared>>) dst(%arg10 : memref<128x128xf32, #tpu.memory_space<vmem>>)
      tpu.yield
    }) : () -> ()
    "tpu.region"() ({
      %run_scoped3A = tpu.sem_alloc : memref<!tpu.dma_semaphore, #tpu.memory_space<semaphore_mem>>
      %dma_start3A = arith.constant 0 : i32
      %dma_start3A_36 = tpu.memref_slice %arg6[%arg0, %add3A_29, %dma_start3A] : memref<2x10240x128xf32, #tpu.memory_space<hbm>> -> memref<1x128x128xf32, #tpu.memory_space<hbm>>
      %dma_start3A_37 = tpu.memref_squeeze %dma_start3A_36 : memref<1x128x128xf32, #tpu.memory_space<hbm>> -> memref<128x128xf32, #tpu.memory_space<hbm>>
      %dma_start3A_38 = arith.constant 0 : i32
      %dma_start3A_39 = tpu.memref_slice %arg6[%arg0, %add3A_29, %dma_start3A_38] : memref<2x10240x128xf32, #tpu.memory_space<hbm>> -> memref<1x128x128xf32, #tpu.memory_space<hbm>>
      %dma_start3A_40 = tpu.memref_squeeze %dma_start3A_39 : memref<1x128x128xf32, #tpu.memory_space<hbm>> -> memref<128x128xf32, #tpu.memory_space<hbm>>
      tpu.enqueue_dma source(%arg10 : memref<128x128xf32, #tpu.memory_space<vmem>>) target(%dma_start3A_40 : memref<128x128xf32, #tpu.memory_space<hbm>>) target_semaphore(%run_scoped3A : memref<!tpu.dma_semaphore, #tpu.memory_space<semaphore_mem>>)
      %dma_wait3A = arith.constant 0 : i32
      %dma_wait3A_41 = tpu.memref_slice %arg6[%arg0, %add3A_29, %dma_wait3A] : memref<2x10240x128xf32, #tpu.memory_space<hbm>> -> memref<1x128x128xf32, #tpu.memory_space<hbm>>
      %dma_wait3A_42 = tpu.memref_squeeze %dma_wait3A_41 : memref<1x128x128xf32, #tpu.memory_space<hbm>> -> memref<128x128xf32, #tpu.memory_space<hbm>>
      %dma_wait3A_43 = arith.constant 0 : i32
      %dma_wait3A_44 = tpu.memref_slice %arg6[%arg0, %add3A_29, %dma_wait3A_43] : memref<2x10240x128xf32, #tpu.memory_space<hbm>> -> memref<1x128x128xf32, #tpu.memory_space<hbm>>
      %dma_wait3A_45 = tpu.memref_squeeze %dma_wait3A_44 : memref<1x128x128xf32, #tpu.memory_space<hbm>> -> memref<128x128xf32, #tpu.memory_space<hbm>>
      tpu.wait_dma2 semaphore(%run_scoped3A : memref<!tpu.dma_semaphore, #tpu.memory_space<semaphore_mem>>) src(%arg10 : memref<128x128xf32, #tpu.memory_space<vmem>>) dst(%dma_wait3A_45 : memref<128x128xf32, #tpu.memory_space<hbm>>)
      tpu.yield
    }) : () -> ()
    %add3A_30 = arith.constant 256 : i32
    %add3A_31 = arith.addi %mul3A_2, %add3A_30 : i32
    "tpu.region"() ({
      %run_scoped3A = tpu.sem_alloc : memref<!tpu.dma_semaphore, #tpu.memory_space<semaphore_mem>>
      %dma_start3A = arith.constant 0 : i32
      %dma_start3A_36 = tpu.memref_slice %arg11[%add3A_31, %dma_start3A] : memref<10240x128xf32, #tpu.memory_space<vmem_shared>> -> memref<128x128xf32, #tpu.memory_space<vmem_shared>>
      %dma_start3A_37 = arith.constant 0 : i32
      %dma_start3A_38 = tpu.memref_slice %arg11[%add3A_31, %dma_start3A_37] : memref<10240x128xf32, #tpu.memory_space<vmem_shared>> -> memref<128x128xf32, #tpu.memory_space<vmem_shared>>
      tpu.enqueue_dma source(%dma_start3A_38 : memref<128x128xf32, #tpu.memory_space<vmem_shared>>) target(%arg10 : memref<128x128xf32, #tpu.memory_space<vmem>>) target_semaphore(%run_scoped3A : memref<!tpu.dma_semaphore, #tpu.memory_space<semaphore_mem>>)
      %dma_wait3A = arith.constant 0 : i32
      %dma_wait3A_39 = tpu.memref_slice %arg11[%add3A_31, %dma_wait3A] : memref<10240x128xf32, #tpu.memory_space<vmem_shared>> -> memref<128x128xf32, #tpu.memory_space<vmem_shared>>
      %dma_wait3A_40 = arith.constant 0 : i32
      %dma_wait3A_41 = tpu.memref_slice %arg11[%add3A_31, %dma_wait3A_40] : memref<10240x128xf32, #tpu.memory_space<vmem_shared>> -> memref<128x128xf32, #tpu.memory_space<vmem_shared>>
      tpu.wait_dma2 semaphore(%run_scoped3A : memref<!tpu.dma_semaphore, #tpu.memory_space<semaphore_mem>>) src(%dma_wait3A_41 : memref<128x128xf32, #tpu.memory_space<vmem_shared>>) dst(%arg10 : memref<128x128xf32, #tpu.memory_space<vmem>>)
      tpu.yield
    }) : () -> ()
    "tpu.region"() ({
      %run_scoped3A = tpu.sem_alloc : memref<!tpu.dma_semaphore, #tpu.memory_space<semaphore_mem>>
      %dma_start3A = arith.constant 0 : i32
      %dma_start3A_36 = tpu.memref_slice %arg6[%arg0, %add3A_31, %dma_start3A] : memref<2x10240x128xf32, #tpu.memory_space<hbm>> -> memref<1x128x128xf32, #tpu.memory_space<hbm>>
      %dma_start3A_37 = tpu.memref_squeeze %dma_start3A_36 : memref<1x128x128xf32, #tpu.memory_space<hbm>> -> memref<128x128xf32, #tpu.memory_space<hbm>>
      %dma_start3A_38 = arith.constant 0 : i32
      %dma_start3A_39 = tpu.memref_slice %arg6[%arg0, %add3A_31, %dma_start3A_38] : memref<2x10240x128xf32, #tpu.memory_space<hbm>> -> memref<1x128x128xf32, #tpu.memory_space<hbm>>
      %dma_start3A_40 = tpu.memref_squeeze %dma_start3A_39 : memref<1x128x128xf32, #tpu.memory_space<hbm>> -> memref<128x128xf32, #tpu.memory_space<hbm>>
      tpu.enqueue_dma source(%arg10 : memref<128x128xf32, #tpu.memory_space<vmem>>) target(%dma_start3A_40 : memref<128x128xf32, #tpu.memory_space<hbm>>) target_semaphore(%run_scoped3A : memref<!tpu.dma_semaphore, #tpu.memory_space<semaphore_mem>>)
      %dma_wait3A = arith.constant 0 : i32
      %dma_wait3A_41 = tpu.memref_slice %arg6[%arg0, %add3A_31, %dma_wait3A] : memref<2x10240x128xf32, #tpu.memory_space<hbm>> -> memref<1x128x128xf32, #tpu.memory_space<hbm>>
      %dma_wait3A_42 = tpu.memref_squeeze %dma_wait3A_41 : memref<1x128x128xf32, #tpu.memory_space<hbm>> -> memref<128x128xf32, #tpu.memory_space<hbm>>
      %dma_wait3A_43 = arith.constant 0 : i32
      %dma_wait3A_44 = tpu.memref_slice %arg6[%arg0, %add3A_31, %dma_wait3A_43] : memref<2x10240x128xf32, #tpu.memory_space<hbm>> -> memref<1x128x128xf32, #tpu.memory_space<hbm>>
      %dma_wait3A_45 = tpu.memref_squeeze %dma_wait3A_44 : memref<1x128x128xf32, #tpu.memory_space<hbm>> -> memref<128x128xf32, #tpu.memory_space<hbm>>
      tpu.wait_dma2 semaphore(%run_scoped3A : memref<!tpu.dma_semaphore, #tpu.memory_space<semaphore_mem>>) src(%arg10 : memref<128x128xf32, #tpu.memory_space<vmem>>) dst(%dma_wait3A_45 : memref<128x128xf32, #tpu.memory_space<hbm>>)
      tpu.yield
    }) : () -> ()
    %add3A_32 = arith.constant 384 : i32
    %add3A_33 = arith.addi %mul3A_2, %add3A_32 : i32
    "tpu.region"() ({
      %run_scoped3A = tpu.sem_alloc : memref<!tpu.dma_semaphore, #tpu.memory_space<semaphore_mem>>
      %dma_start3A = arith.constant 0 : i32
      %dma_start3A_36 = tpu.memref_slice %arg11[%add3A_33, %dma_start3A] : memref<10240x128xf32, #tpu.memory_space<vmem_shared>> -> memref<128x128xf32, #tpu.memory_space<vmem_shared>>
      %dma_start3A_37 = arith.constant 0 : i32
      %dma_start3A_38 = tpu.memref_slice %arg11[%add3A_33, %dma_start3A_37] : memref<10240x128xf32, #tpu.memory_space<vmem_shared>> -> memref<128x128xf32, #tpu.memory_space<vmem_shared>>
      tpu.enqueue_dma source(%dma_start3A_38 : memref<128x128xf32, #tpu.memory_space<vmem_shared>>) target(%arg10 : memref<128x128xf32, #tpu.memory_space<vmem>>) target_semaphore(%run_scoped3A : memref<!tpu.dma_semaphore, #tpu.memory_space<semaphore_mem>>)
      %dma_wait3A = arith.constant 0 : i32
      %dma_wait3A_39 = tpu.memref_slice %arg11[%add3A_33, %dma_wait3A] : memref<10240x128xf32, #tpu.memory_space<vmem_shared>> -> memref<128x128xf32, #tpu.memory_space<vmem_shared>>
      %dma_wait3A_40 = arith.constant 0 : i32
      %dma_wait3A_41 = tpu.memref_slice %arg11[%add3A_33, %dma_wait3A_40] : memref<10240x128xf32, #tpu.memory_space<vmem_shared>> -> memref<128x128xf32, #tpu.memory_space<vmem_shared>>
      tpu.wait_dma2 semaphore(%run_scoped3A : memref<!tpu.dma_semaphore, #tpu.memory_space<semaphore_mem>>) src(%dma_wait3A_41 : memref<128x128xf32, #tpu.memory_space<vmem_shared>>) dst(%arg10 : memref<128x128xf32, #tpu.memory_space<vmem>>)
      tpu.yield
    }) : () -> ()
    "tpu.region"() ({
      %run_scoped3A = tpu.sem_alloc : memref<!tpu.dma_semaphore, #tpu.memory_space<semaphore_mem>>
      %dma_start3A = arith.constant 0 : i32
      %dma_start3A_36 = tpu.memref_slice %arg6[%arg0, %add3A_33, %dma_start3A] : memref<2x10240x128xf32, #tpu.memory_space<hbm>> -> memref<1x128x128xf32, #tpu.memory_space<hbm>>
      %dma_start3A_37 = tpu.memref_squeeze %dma_start3A_36 : memref<1x128x128xf32, #tpu.memory_space<hbm>> -> memref<128x128xf32, #tpu.memory_space<hbm>>
      %dma_start3A_38 = arith.constant 0 : i32
      %dma_start3A_39 = tpu.memref_slice %arg6[%arg0, %add3A_33, %dma_start3A_38] : memref<2x10240x128xf32, #tpu.memory_space<hbm>> -> memref<1x128x128xf32, #tpu.memory_space<hbm>>
      %dma_start3A_40 = tpu.memref_squeeze %dma_start3A_39 : memref<1x128x128xf32, #tpu.memory_space<hbm>> -> memref<128x128xf32, #tpu.memory_space<hbm>>
      tpu.enqueue_dma source(%arg10 : memref<128x128xf32, #tpu.memory_space<vmem>>) target(%dma_start3A_40 : memref<128x128xf32, #tpu.memory_space<hbm>>) target_semaphore(%run_scoped3A : memref<!tpu.dma_semaphore, #tpu.memory_space<semaphore_mem>>)
      %dma_wait3A = arith.constant 0 : i32
      %dma_wait3A_41 = tpu.memref_slice %arg6[%arg0, %add3A_33, %dma_wait3A] : memref<2x10240x128xf32, #tpu.memory_space<hbm>> -> memref<1x128x128xf32, #tpu.memory_space<hbm>>
      %dma_wait3A_42 = tpu.memref_squeeze %dma_wait3A_41 : memref<1x128x128xf32, #tpu.memory_space<hbm>> -> memref<128x128xf32, #tpu.memory_space<hbm>>
      %dma_wait3A_43 = arith.constant 0 : i32
      %dma_wait3A_44 = tpu.memref_slice %arg6[%arg0, %add3A_33, %dma_wait3A_43] : memref<2x10240x128xf32, #tpu.memory_space<hbm>> -> memref<1x128x128xf32, #tpu.memory_space<hbm>>
      %dma_wait3A_45 = tpu.memref_squeeze %dma_wait3A_44 : memref<1x128x128xf32, #tpu.memory_space<hbm>> -> memref<128x128xf32, #tpu.memory_space<hbm>>
      tpu.wait_dma2 semaphore(%run_scoped3A : memref<!tpu.dma_semaphore, #tpu.memory_space<semaphore_mem>>) src(%arg10 : memref<128x128xf32, #tpu.memory_space<vmem>>) dst(%dma_wait3A_45 : memref<128x128xf32, #tpu.memory_space<hbm>>)
      tpu.yield
    }) : () -> ()
    %add3A_34 = arith.constant 512 : i32
    %add3A_35 = arith.addi %mul3A_2, %add3A_34 : i32
    "tpu.region"() ({
      %run_scoped3A = tpu.sem_alloc : memref<!tpu.dma_semaphore, #tpu.memory_space<semaphore_mem>>
      %dma_start3A = arith.constant 0 : i32
      %dma_start3A_36 = tpu.memref_slice %arg11[%add3A_35, %dma_start3A] : memref<10240x128xf32, #tpu.memory_space<vmem_shared>> -> memref<128x128xf32, #tpu.memory_space<vmem_shared>>
      %dma_start3A_37 = arith.constant 0 : i32
      %dma_start3A_38 = tpu.memref_slice %arg11[%add3A_35, %dma_start3A_37] : memref<10240x128xf32, #tpu.memory_space<vmem_shared>> -> memref<128x128xf32, #tpu.memory_space<vmem_shared>>
      tpu.enqueue_dma source(%dma_start3A_38 : memref<128x128xf32, #tpu.memory_space<vmem_shared>>) target(%arg10 : memref<128x128xf32, #tpu.memory_space<vmem>>) target_semaphore(%run_scoped3A : memref<!tpu.dma_semaphore, #tpu.memory_space<semaphore_mem>>)
      %dma_wait3A = arith.constant 0 : i32
      %dma_wait3A_39 = tpu.memref_slice %arg11[%add3A_35, %dma_wait3A] : memref<10240x128xf32, #tpu.memory_space<vmem_shared>> -> memref<128x128xf32, #tpu.memory_space<vmem_shared>>
      %dma_wait3A_40 = arith.constant 0 : i32
      %dma_wait3A_41 = tpu.memref_slice %arg11[%add3A_35, %dma_wait3A_40] : memref<10240x128xf32, #tpu.memory_space<vmem_shared>> -> memref<128x128xf32, #tpu.memory_space<vmem_shared>>
      tpu.wait_dma2 semaphore(%run_scoped3A : memref<!tpu.dma_semaphore, #tpu.memory_space<semaphore_mem>>) src(%dma_wait3A_41 : memref<128x128xf32, #tpu.memory_space<vmem_shared>>) dst(%arg10 : memref<128x128xf32, #tpu.memory_space<vmem>>)
      tpu.yield
    }) : () -> ()
    "tpu.region"() ({
      %run_scoped3A = tpu.sem_alloc : memref<!tpu.dma_semaphore, #tpu.memory_space<semaphore_mem>>
      %dma_start3A = arith.constant 0 : i32
      %dma_start3A_36 = tpu.memref_slice %arg6[%arg0, %add3A_35, %dma_start3A] : memref<2x10240x128xf32, #tpu.memory_space<hbm>> -> memref<1x128x128xf32, #tpu.memory_space<hbm>>
      %dma_start3A_37 = tpu.memref_squeeze %dma_start3A_36 : memref<1x128x128xf32, #tpu.memory_space<hbm>> -> memref<128x128xf32, #tpu.memory_space<hbm>>
      %dma_start3A_38 = arith.constant 0 : i32
      %dma_start3A_39 = tpu.memref_slice %arg6[%arg0, %add3A_35, %dma_start3A_38] : memref<2x10240x128xf32, #tpu.memory_space<hbm>> -> memref<1x128x128xf32, #tpu.memory_space<hbm>>
      %dma_start3A_40 = tpu.memref_squeeze %dma_start3A_39 : memref<1x128x128xf32, #tpu.memory_space<hbm>> -> memref<128x128xf32, #tpu.memory_space<hbm>>
      tpu.enqueue_dma source(%arg10 : memref<128x128xf32, #tpu.memory_space<vmem>>) target(%dma_start3A_40 : memref<128x128xf32, #tpu.memory_space<hbm>>) target_semaphore(%run_scoped3A : memref<!tpu.dma_semaphore, #tpu.memory_space<semaphore_mem>>)
      %dma_wait3A = arith.constant 0 : i32
      %dma_wait3A_41 = tpu.memref_slice %arg6[%arg0, %add3A_35, %dma_wait3A] : memref<2x10240x128xf32, #tpu.memory_space<hbm>> -> memref<1x128x128xf32, #tpu.memory_space<hbm>>
      %dma_wait3A_42 = tpu.memref_squeeze %dma_wait3A_41 : memref<1x128x128xf32, #tpu.memory_space<hbm>> -> memref<128x128xf32, #tpu.memory_space<hbm>>
      %dma_wait3A_43 = arith.constant 0 : i32
      %dma_wait3A_44 = tpu.memref_slice %arg6[%arg0, %add3A_35, %dma_wait3A_43] : memref<2x10240x128xf32, #tpu.memory_space<hbm>> -> memref<1x128x128xf32, #tpu.memory_space<hbm>>
      %dma_wait3A_45 = tpu.memref_squeeze %dma_wait3A_44 : memref<1x128x128xf32, #tpu.memory_space<hbm>> -> memref<128x128xf32, #tpu.memory_space<hbm>>
      tpu.wait_dma2 semaphore(%run_scoped3A : memref<!tpu.dma_semaphore, #tpu.memory_space<semaphore_mem>>) src(%arg10 : memref<128x128xf32, #tpu.memory_space<vmem>>) dst(%dma_wait3A_45 : memref<128x128xf32, #tpu.memory_space<hbm>>)
      tpu.yield
    }) : () -> ()
    return
  }
}

#map = affine_map<(d0, d1) -> (0, 0)>
#map1 = affine_map<(d0, d1) -> (0, 0, 0)>
module attributes {stable_mosaic.version = 14 : i64} {
  func.func @edge_agg(%arg0: i32, %arg1: i32, %arg2: memref<10000x128xf32, #tpu.memory_space<hbm>>, %arg3: memref<32x79x128xi32, #tpu.memory_space<hbm>>, %arg4: memref<32x79x128xi32, #tpu.memory_space<hbm>>, %arg5: memref<32x79x128xf32, #tpu.memory_space<hbm>>, %arg6: memref<2x10240x128xf32, #tpu.memory_space<hbm>>, %arg7: memref<79x128xi32, #tpu.memory_space<vmem>>, %arg8: memref<79x128xi32, #tpu.memory_space<vmem>>, %arg9: memref<79x128xf32, #tpu.memory_space<vmem>>, %arg10: memref<128x128xf32, #tpu.memory_space<vmem>>, %arg11: memref<10240x128xf32, #tpu.memory_space<vmem_shared>>, %arg12: memref<!tpu.dma_semaphore, #tpu.memory_space<semaphore_mem>>, %arg13: memref<!tpu.dma_semaphore, #tpu.memory_space<semaphore_mem>>) attributes {dimension_semantics = [#tpu.dimension_semantics<core_parallel>, #tpu.dimension_semantics<subcore_parallel>], iteration_bounds = array<i64: 2, 16>, scalar_prefetch = 0 : i64, scratch_operands = 7 : i64, tpu.core_type = #tpu.core_type<sc_vector_subcore>, window_params = [{transform_indices = #map}, {transform_indices = #map1}, {transform_indices = #map1}, {transform_indices = #map1}, {transform_indices = #map1}]} {
    %mul3A = arith.constant 16 : i32
    %mul3A_0 = arith.muli %arg0, %mul3A : i32
    %add3A = arith.addi %mul3A_0, %arg1 : i32
    %mul3A_1 = arith.constant 640 : i32
    %mul3A_2 = arith.muli %arg1, %mul3A_1 : i32
    "tpu.region"() ({
      %run_scoped3A = tpu.sem_alloc : memref<!tpu.dma_semaphore, #tpu.memory_space<semaphore_mem>>
      %dma_start3A = arith.constant 0 : i32
      %dma_start3A_36 = arith.constant 0 : i32
      %dma_start3A_37 = tpu.memref_slice %arg3[%add3A, %dma_start3A, %dma_start3A_36] : memref<32x79x128xi32, #tpu.memory_space<hbm>> -> memref<1x79x128xi32, #tpu.memory_space<hbm>>
      %dma_start3A_38 = tpu.memref_squeeze %dma_start3A_37 : memref<1x79x128xi32, #tpu.memory_space<hbm>> -> memref<79x128xi32, #tpu.memory_space<hbm>>
      %dma_start3A_39 = arith.constant 0 : i32
      %dma_start3A_40 = arith.constant 0 : i32
      %dma_start3A_41 = tpu.memref_slice %arg3[%add3A, %dma_start3A_39, %dma_start3A_40] : memref<32x79x128xi32, #tpu.memory_space<hbm>> -> memref<1x79x128xi32, #tpu.memory_space<hbm>>
      %dma_start3A_42 = tpu.memref_squeeze %dma_start3A_41 : memref<1x79x128xi32, #tpu.memory_space<hbm>> -> memref<79x128xi32, #tpu.memory_space<hbm>>
      tpu.enqueue_dma source(%dma_start3A_42 : memref<79x128xi32, #tpu.memory_space<hbm>>) target(%arg7 : memref<79x128xi32, #tpu.memory_space<vmem>>) target_semaphore(%run_scoped3A : memref<!tpu.dma_semaphore, #tpu.memory_space<semaphore_mem>>)
      %dma_wait3A = arith.constant 0 : i32
      %dma_wait3A_43 = arith.constant 0 : i32
      %dma_wait3A_44 = tpu.memref_slice %arg3[%add3A, %dma_wait3A, %dma_wait3A_43] : memref<32x79x128xi32, #tpu.memory_space<hbm>> -> memref<1x79x128xi32, #tpu.memory_space<hbm>>
      %dma_wait3A_45 = tpu.memref_squeeze %dma_wait3A_44 : memref<1x79x128xi32, #tpu.memory_space<hbm>> -> memref<79x128xi32, #tpu.memory_space<hbm>>
      %dma_wait3A_46 = arith.constant 0 : i32
      %dma_wait3A_47 = arith.constant 0 : i32
      %dma_wait3A_48 = tpu.memref_slice %arg3[%add3A, %dma_wait3A_46, %dma_wait3A_47] : memref<32x79x128xi32, #tpu.memory_space<hbm>> -> memref<1x79x128xi32, #tpu.memory_space<hbm>>
      %dma_wait3A_49 = tpu.memref_squeeze %dma_wait3A_48 : memref<1x79x128xi32, #tpu.memory_space<hbm>> -> memref<79x128xi32, #tpu.memory_space<hbm>>
      tpu.wait_dma2 semaphore(%run_scoped3A : memref<!tpu.dma_semaphore, #tpu.memory_space<semaphore_mem>>) src(%dma_wait3A_49 : memref<79x128xi32, #tpu.memory_space<hbm>>) dst(%arg7 : memref<79x128xi32, #tpu.memory_space<vmem>>)
      tpu.yield
    }) : () -> ()
    "tpu.region"() ({
      %run_scoped3A = tpu.sem_alloc : memref<!tpu.dma_semaphore, #tpu.memory_space<semaphore_mem>>
      %dma_start3A = arith.constant 0 : i32
      %dma_start3A_36 = arith.constant 0 : i32
      %dma_start3A_37 = tpu.memref_slice %arg4[%add3A, %dma_start3A, %dma_start3A_36] : memref<32x79x128xi32, #tpu.memory_space<hbm>> -> memref<1x79x128xi32, #tpu.memory_space<hbm>>
      %dma_start3A_38 = tpu.memref_squeeze %dma_start3A_37 : memref<1x79x128xi32, #tpu.memory_space<hbm>> -> memref<79x128xi32, #tpu.memory_space<hbm>>
      %dma_start3A_39 = arith.constant 0 : i32
      %dma_start3A_40 = arith.constant 0 : i32
      %dma_start3A_41 = tpu.memref_slice %arg4[%add3A, %dma_start3A_39, %dma_start3A_40] : memref<32x79x128xi32, #tpu.memory_space<hbm>> -> memref<1x79x128xi32, #tpu.memory_space<hbm>>
      %dma_start3A_42 = tpu.memref_squeeze %dma_start3A_41 : memref<1x79x128xi32, #tpu.memory_space<hbm>> -> memref<79x128xi32, #tpu.memory_space<hbm>>
      tpu.enqueue_dma source(%dma_start3A_42 : memref<79x128xi32, #tpu.memory_space<hbm>>) target(%arg8 : memref<79x128xi32, #tpu.memory_space<vmem>>) target_semaphore(%run_scoped3A : memref<!tpu.dma_semaphore, #tpu.memory_space<semaphore_mem>>)
      %dma_wait3A = arith.constant 0 : i32
      %dma_wait3A_43 = arith.constant 0 : i32
      %dma_wait3A_44 = tpu.memref_slice %arg4[%add3A, %dma_wait3A, %dma_wait3A_43] : memref<32x79x128xi32, #tpu.memory_space<hbm>> -> memref<1x79x128xi32, #tpu.memory_space<hbm>>
      %dma_wait3A_45 = tpu.memref_squeeze %dma_wait3A_44 : memref<1x79x128xi32, #tpu.memory_space<hbm>> -> memref<79x128xi32, #tpu.memory_space<hbm>>
      %dma_wait3A_46 = arith.constant 0 : i32
      %dma_wait3A_47 = arith.constant 0 : i32
      %dma_wait3A_48 = tpu.memref_slice %arg4[%add3A, %dma_wait3A_46, %dma_wait3A_47] : memref<32x79x128xi32, #tpu.memory_space<hbm>> -> memref<1x79x128xi32, #tpu.memory_space<hbm>>
      %dma_wait3A_49 = tpu.memref_squeeze %dma_wait3A_48 : memref<1x79x128xi32, #tpu.memory_space<hbm>> -> memref<79x128xi32, #tpu.memory_space<hbm>>
      tpu.wait_dma2 semaphore(%run_scoped3A : memref<!tpu.dma_semaphore, #tpu.memory_space<semaphore_mem>>) src(%dma_wait3A_49 : memref<79x128xi32, #tpu.memory_space<hbm>>) dst(%arg8 : memref<79x128xi32, #tpu.memory_space<vmem>>)
      tpu.yield
    }) : () -> ()
    "tpu.region"() ({
      %run_scoped3A = tpu.sem_alloc : memref<!tpu.dma_semaphore, #tpu.memory_space<semaphore_mem>>
      %dma_start3A = arith.constant 0 : i32
      %dma_start3A_36 = arith.constant 0 : i32
      %dma_start3A_37 = tpu.memref_slice %arg5[%add3A, %dma_start3A, %dma_start3A_36] : memref<32x79x128xf32, #tpu.memory_space<hbm>> -> memref<1x79x128xf32, #tpu.memory_space<hbm>>
      %dma_start3A_38 = tpu.memref_squeeze %dma_start3A_37 : memref<1x79x128xf32, #tpu.memory_space<hbm>> -> memref<79x128xf32, #tpu.memory_space<hbm>>
      %dma_start3A_39 = arith.constant 0 : i32
      %dma_start3A_40 = arith.constant 0 : i32
      %dma_start3A_41 = tpu.memref_slice %arg5[%add3A, %dma_start3A_39, %dma_start3A_40] : memref<32x79x128xf32, #tpu.memory_space<hbm>> -> memref<1x79x128xf32, #tpu.memory_space<hbm>>
      %dma_start3A_42 = tpu.memref_squeeze %dma_start3A_41 : memref<1x79x128xf32, #tpu.memory_space<hbm>> -> memref<79x128xf32, #tpu.memory_space<hbm>>
      tpu.enqueue_dma source(%dma_start3A_42 : memref<79x128xf32, #tpu.memory_space<hbm>>) target(%arg9 : memref<79x128xf32, #tpu.memory_space<vmem>>) target_semaphore(%run_scoped3A : memref<!tpu.dma_semaphore, #tpu.memory_space<semaphore_mem>>)
      %dma_wait3A = arith.constant 0 : i32
      %dma_wait3A_43 = arith.constant 0 : i32
      %dma_wait3A_44 = tpu.memref_slice %arg5[%add3A, %dma_wait3A, %dma_wait3A_43] : memref<32x79x128xf32, #tpu.memory_space<hbm>> -> memref<1x79x128xf32, #tpu.memory_space<hbm>>
      %dma_wait3A_45 = tpu.memref_squeeze %dma_wait3A_44 : memref<1x79x128xf32, #tpu.memory_space<hbm>> -> memref<79x128xf32, #tpu.memory_space<hbm>>
      %dma_wait3A_46 = arith.constant 0 : i32
      %dma_wait3A_47 = arith.constant 0 : i32
      %dma_wait3A_48 = tpu.memref_slice %arg5[%add3A, %dma_wait3A_46, %dma_wait3A_47] : memref<32x79x128xf32, #tpu.memory_space<hbm>> -> memref<1x79x128xf32, #tpu.memory_space<hbm>>
      %dma_wait3A_49 = tpu.memref_squeeze %dma_wait3A_48 : memref<1x79x128xf32, #tpu.memory_space<hbm>> -> memref<79x128xf32, #tpu.memory_space<hbm>>
      tpu.wait_dma2 semaphore(%run_scoped3A : memref<!tpu.dma_semaphore, #tpu.memory_space<semaphore_mem>>) src(%dma_wait3A_49 : memref<79x128xf32, #tpu.memory_space<hbm>>) dst(%arg9 : memref<79x128xf32, #tpu.memory_space<vmem>>)
      tpu.yield
    }) : () -> ()
    %broadcast_in_dim3A = arith.constant 0.000000e+00 : f32
    %broadcast_in_dim3A_3 = vector.broadcast %broadcast_in_dim3A : f32 to vector<16xf32>
    %scan3A = arith.constant 0 : i32
    %scan3A_4 = arith.constant 0 : i32
    %scan3A_5 = arith.constant 128 : i32
    %scan3A_6 = arith.addi %scan3A_4, %scan3A_5 : i32
    %scan3A_7 = arith.constant 1 : i32
    scf.for %scan3A_36 = %scan3A_4 to %scan3A_6 step %scan3A_7  : i32 {
      %swap3A = arith.index_cast %scan3A_36 : i32 to index
      %swap3A_37 = arith.constant 0 : index
      %swap3A_38 = tpu.vector_load %arg10[%swap3A, %swap3A_37] {strides = array<i32>} : memref<128x128xf32, #tpu.memory_space<vmem>>, vector<1x16xf32>,
      %swap3A_39 = vector.shape_cast %swap3A_38 : vector<1x16xf32> to vector<16xf32>
      %swap3A_40 = vector.shape_cast %broadcast_in_dim3A_3 : vector<16xf32> to vector<1x16xf32>
      tpu.vector_store %arg10[%swap3A, %swap3A_37], %swap3A_40 {strides = array<i32>} : memref<128x128xf32, #tpu.memory_space<vmem>>, vector<1x16xf32>,
      %swap3A_41 = arith.index_cast %scan3A_36 : i32 to index
      %swap3A_42 = arith.constant 16 : index
      %swap3A_43 = tpu.vector_load %arg10[%swap3A_41, %swap3A_42] {strides = array<i32>} : memref<128x128xf32, #tpu.memory_space<vmem>>, vector<1x16xf32>,
      %swap3A_44 = vector.shape_cast %swap3A_43 : vector<1x16xf32> to vector<16xf32>
      %swap3A_45 = vector.shape_cast %broadcast_in_dim3A_3 : vector<16xf32> to vector<1x16xf32>
      tpu.vector_store %arg10[%swap3A_41, %swap3A_42], %swap3A_45 {strides = array<i32>} : memref<128x128xf32, #tpu.memory_space<vmem>>, vector<1x16xf32>,
      %swap3A_46 = arith.index_cast %scan3A_36 : i32 to index
      %swap3A_47 = arith.constant 32 : index
      %swap3A_48 = tpu.vector_load %arg10[%swap3A_46, %swap3A_47] {strides = array<i32>} : memref<128x128xf32, #tpu.memory_space<vmem>>, vector<1x16xf32>,
      %swap3A_49 = vector.shape_cast %swap3A_48 : vector<1x16xf32> to vector<16xf32>
      %swap3A_50 = vector.shape_cast %broadcast_in_dim3A_3 : vector<16xf32> to vector<1x16xf32>
      tpu.vector_store %arg10[%swap3A_46, %swap3A_47], %swap3A_50 {strides = array<i32>} : memref<128x128xf32, #tpu.memory_space<vmem>>, vector<1x16xf32>,
      %swap3A_51 = arith.index_cast %scan3A_36 : i32 to index
      %swap3A_52 = arith.constant 48 : index
      %swap3A_53 = tpu.vector_load %arg10[%swap3A_51, %swap3A_52] {strides = array<i32>} : memref<128x128xf32, #tpu.memory_space<vmem>>, vector<1x16xf32>,
      %swap3A_54 = vector.shape_cast %swap3A_53 : vector<1x16xf32> to vector<16xf32>
      %swap3A_55 = vector.shape_cast %broadcast_in_dim3A_3 : vector<16xf32> to vector<1x16xf32>
      tpu.vector_store %arg10[%swap3A_51, %swap3A_52], %swap3A_55 {strides = array<i32>} : memref<128x128xf32, #tpu.memory_space<vmem>>, vector<1x16xf32>,
      %swap3A_56 = arith.index_cast %scan3A_36 : i32 to index
      %swap3A_57 = arith.constant 64 : index
      %swap3A_58 = tpu.vector_load %arg10[%swap3A_56, %swap3A_57] {strides = array<i32>} : memref<128x128xf32, #tpu.memory_space<vmem>>, vector<1x16xf32>,
      %swap3A_59 = vector.shape_cast %swap3A_58 : vector<1x16xf32> to vector<16xf32>
      %swap3A_60 = vector.shape_cast %broadcast_in_dim3A_3 : vector<16xf32> to vector<1x16xf32>
      tpu.vector_store %arg10[%swap3A_56, %swap3A_57], %swap3A_60 {strides = array<i32>} : memref<128x128xf32, #tpu.memory_space<vmem>>, vector<1x16xf32>,
      %swap3A_61 = arith.index_cast %scan3A_36 : i32 to index
      %swap3A_62 = arith.constant 80 : index
      %swap3A_63 = tpu.vector_load %arg10[%swap3A_61, %swap3A_62] {strides = array<i32>} : memref<128x128xf32, #tpu.memory_space<vmem>>, vector<1x16xf32>,
      %swap3A_64 = vector.shape_cast %swap3A_63 : vector<1x16xf32> to vector<16xf32>
      %swap3A_65 = vector.shape_cast %broadcast_in_dim3A_3 : vector<16xf32> to vector<1x16xf32>
      tpu.vector_store %arg10[%swap3A_61, %swap3A_62], %swap3A_65 {strides = array<i32>} : memref<128x128xf32, #tpu.memory_space<vmem>>, vector<1x16xf32>,
      %swap3A_66 = arith.index_cast %scan3A_36 : i32 to index
      %swap3A_67 = arith.constant 96 : index
      %swap3A_68 = tpu.vector_load %arg10[%swap3A_66, %swap3A_67] {strides = array<i32>} : memref<128x128xf32, #tpu.memory_space<vmem>>, vector<1x16xf32>,
      %swap3A_69 = vector.shape_cast %swap3A_68 : vector<1x16xf32> to vector<16xf32>
      %swap3A_70 = vector.shape_cast %broadcast_in_dim3A_3 : vector<16xf32> to vector<1x16xf32>
      tpu.vector_store %arg10[%swap3A_66, %swap3A_67], %swap3A_70 {strides = array<i32>} : memref<128x128xf32, #tpu.memory_space<vmem>>, vector<1x16xf32>,
      %swap3A_71 = arith.index_cast %scan3A_36 : i32 to index
      %swap3A_72 = arith.constant 112 : index
      %swap3A_73 = tpu.vector_load %arg10[%swap3A_71, %swap3A_72] {strides = array<i32>} : memref<128x128xf32, #tpu.memory_space<vmem>>, vector<1x16xf32>,
      %swap3A_74 = vector.shape_cast %swap3A_73 : vector<1x16xf32> to vector<16xf32>
      %swap3A_75 = vector.shape_cast %broadcast_in_dim3A_3 : vector<16xf32> to vector<1x16xf32>
      tpu.vector_store %arg10[%swap3A_71, %swap3A_72], %swap3A_75 {strides = array<i32>} : memref<128x128xf32, #tpu.memory_space<vmem>>, vector<1x16xf32>,
    }
    %scan3A_8 = arith.constant 128 : i32
    %add3A_9 = arith.constant 0 : i32
    %add3A_10 = arith.addi %mul3A_2, %add3A_9 : i32
    "tpu.region"() ({
      %run_scoped3A = tpu.sem_alloc : memref<!tpu.dma_semaphore, #tpu.memory_space<semaphore_mem>>
      %dma_start3A = arith.constant 0 : i32
      %dma_start3A_36 = tpu.memref_slice %arg11[%add3A_10, %dma_start3A] : memref<10240x128xf32, #tpu.memory_space<vmem_shared>> -> memref<128x128xf32, #tpu.memory_space<vmem_shared>>
      %dma_start3A_37 = arith.constant 0 : i32
      %dma_start3A_38 = tpu.memref_slice %arg11[%add3A_10, %dma_start3A_37] : memref<10240x128xf32, #tpu.memory_space<vmem_shared>> -> memref<128x128xf32, #tpu.memory_space<vmem_shared>>
      tpu.enqueue_dma source(%arg10 : memref<128x128xf32, #tpu.memory_space<vmem>>) target(%dma_start3A_38 : memref<128x128xf32, #tpu.memory_space<vmem_shared>>) target_semaphore(%run_scoped3A : memref<!tpu.dma_semaphore, #tpu.memory_space<semaphore_mem>>)
      %dma_wait3A = arith.constant 0 : i32
      %dma_wait3A_39 = tpu.memref_slice %arg11[%add3A_10, %dma_wait3A] : memref<10240x128xf32, #tpu.memory_space<vmem_shared>> -> memref<128x128xf32, #tpu.memory_space<vmem_shared>>
      %dma_wait3A_40 = arith.constant 0 : i32
      %dma_wait3A_41 = tpu.memref_slice %arg11[%add3A_10, %dma_wait3A_40] : memref<10240x128xf32, #tpu.memory_space<vmem_shared>> -> memref<128x128xf32, #tpu.memory_space<vmem_shared>>
      tpu.wait_dma2 semaphore(%run_scoped3A : memref<!tpu.dma_semaphore, #tpu.memory_space<semaphore_mem>>) src(%arg10 : memref<128x128xf32, #tpu.memory_space<vmem>>) dst(%dma_wait3A_41 : memref<128x128xf32, #tpu.memory_space<vmem_shared>>)
      tpu.yield
    }) : () -> ()
    %add3A_11 = arith.constant 128 : i32
    %add3A_12 = arith.addi %mul3A_2, %add3A_11 : i32
    "tpu.region"() ({
      %run_scoped3A = tpu.sem_alloc : memref<!tpu.dma_semaphore, #tpu.memory_space<semaphore_mem>>
      %dma_start3A = arith.constant 0 : i32
      %dma_start3A_36 = tpu.memref_slice %arg11[%add3A_12, %dma_start3A] : memref<10240x128xf32, #tpu.memory_space<vmem_shared>> -> memref<128x128xf32, #tpu.memory_space<vmem_shared>>
      %dma_start3A_37 = arith.constant 0 : i32
      %dma_start3A_38 = tpu.memref_slice %arg11[%add3A_12, %dma_start3A_37] : memref<10240x128xf32, #tpu.memory_space<vmem_shared>> -> memref<128x128xf32, #tpu.memory_space<vmem_shared>>
      tpu.enqueue_dma source(%arg10 : memref<128x128xf32, #tpu.memory_space<vmem>>) target(%dma_start3A_38 : memref<128x128xf32, #tpu.memory_space<vmem_shared>>) target_semaphore(%run_scoped3A : memref<!tpu.dma_semaphore, #tpu.memory_space<semaphore_mem>>)
      %dma_wait3A = arith.constant 0 : i32
      %dma_wait3A_39 = tpu.memref_slice %arg11[%add3A_12, %dma_wait3A] : memref<10240x128xf32, #tpu.memory_space<vmem_shared>> -> memref<128x128xf32, #tpu.memory_space<vmem_shared>>
      %dma_wait3A_40 = arith.constant 0 : i32
      %dma_wait3A_41 = tpu.memref_slice %arg11[%add3A_12, %dma_wait3A_40] : memref<10240x128xf32, #tpu.memory_space<vmem_shared>> -> memref<128x128xf32, #tpu.memory_space<vmem_shared>>
      tpu.wait_dma2 semaphore(%run_scoped3A : memref<!tpu.dma_semaphore, #tpu.memory_space<semaphore_mem>>) src(%arg10 : memref<128x128xf32, #tpu.memory_space<vmem>>) dst(%dma_wait3A_41 : memref<128x128xf32, #tpu.memory_space<vmem_shared>>)
      tpu.yield
    }) : () -> ()
    %add3A_13 = arith.constant 256 : i32
    %add3A_14 = arith.addi %mul3A_2, %add3A_13 : i32
    "tpu.region"() ({
      %run_scoped3A = tpu.sem_alloc : memref<!tpu.dma_semaphore, #tpu.memory_space<semaphore_mem>>
      %dma_start3A = arith.constant 0 : i32
      %dma_start3A_36 = tpu.memref_slice %arg11[%add3A_14, %dma_start3A] : memref<10240x128xf32, #tpu.memory_space<vmem_shared>> -> memref<128x128xf32, #tpu.memory_space<vmem_shared>>
      %dma_start3A_37 = arith.constant 0 : i32
      %dma_start3A_38 = tpu.memref_slice %arg11[%add3A_14, %dma_start3A_37] : memref<10240x128xf32, #tpu.memory_space<vmem_shared>> -> memref<128x128xf32, #tpu.memory_space<vmem_shared>>
      tpu.enqueue_dma source(%arg10 : memref<128x128xf32, #tpu.memory_space<vmem>>) target(%dma_start3A_38 : memref<128x128xf32, #tpu.memory_space<vmem_shared>>) target_semaphore(%run_scoped3A : memref<!tpu.dma_semaphore, #tpu.memory_space<semaphore_mem>>)
      %dma_wait3A = arith.constant 0 : i32
      %dma_wait3A_39 = tpu.memref_slice %arg11[%add3A_14, %dma_wait3A] : memref<10240x128xf32, #tpu.memory_space<vmem_shared>> -> memref<128x128xf32, #tpu.memory_space<vmem_shared>>
      %dma_wait3A_40 = arith.constant 0 : i32
      %dma_wait3A_41 = tpu.memref_slice %arg11[%add3A_14, %dma_wait3A_40] : memref<10240x128xf32, #tpu.memory_space<vmem_shared>> -> memref<128x128xf32, #tpu.memory_space<vmem_shared>>
      tpu.wait_dma2 semaphore(%run_scoped3A : memref<!tpu.dma_semaphore, #tpu.memory_space<semaphore_mem>>) src(%arg10 : memref<128x128xf32, #tpu.memory_space<vmem>>) dst(%dma_wait3A_41 : memref<128x128xf32, #tpu.memory_space<vmem_shared>>)
      tpu.yield
    }) : () -> ()
    %add3A_15 = arith.constant 384 : i32
    %add3A_16 = arith.addi %mul3A_2, %add3A_15 : i32
    "tpu.region"() ({
      %run_scoped3A = tpu.sem_alloc : memref<!tpu.dma_semaphore, #tpu.memory_space<semaphore_mem>>
      %dma_start3A = arith.constant 0 : i32
      %dma_start3A_36 = tpu.memref_slice %arg11[%add3A_16, %dma_start3A] : memref<10240x128xf32, #tpu.memory_space<vmem_shared>> -> memref<128x128xf32, #tpu.memory_space<vmem_shared>>
      %dma_start3A_37 = arith.constant 0 : i32
      %dma_start3A_38 = tpu.memref_slice %arg11[%add3A_16, %dma_start3A_37] : memref<10240x128xf32, #tpu.memory_space<vmem_shared>> -> memref<128x128xf32, #tpu.memory_space<vmem_shared>>
      tpu.enqueue_dma source(%arg10 : memref<128x128xf32, #tpu.memory_space<vmem>>) target(%dma_start3A_38 : memref<128x128xf32, #tpu.memory_space<vmem_shared>>) target_semaphore(%run_scoped3A : memref<!tpu.dma_semaphore, #tpu.memory_space<semaphore_mem>>)
      %dma_wait3A = arith.constant 0 : i32
      %dma_wait3A_39 = tpu.memref_slice %arg11[%add3A_16, %dma_wait3A] : memref<10240x128xf32, #tpu.memory_space<vmem_shared>> -> memref<128x128xf32, #tpu.memory_space<vmem_shared>>
      %dma_wait3A_40 = arith.constant 0 : i32
      %dma_wait3A_41 = tpu.memref_slice %arg11[%add3A_16, %dma_wait3A_40] : memref<10240x128xf32, #tpu.memory_space<vmem_shared>> -> memref<128x128xf32, #tpu.memory_space<vmem_shared>>
      tpu.wait_dma2 semaphore(%run_scoped3A : memref<!tpu.dma_semaphore, #tpu.memory_space<semaphore_mem>>) src(%arg10 : memref<128x128xf32, #tpu.memory_space<vmem>>) dst(%dma_wait3A_41 : memref<128x128xf32, #tpu.memory_space<vmem_shared>>)
      tpu.yield
    }) : () -> ()
    %add3A_17 = arith.constant 512 : i32
    %add3A_18 = arith.addi %mul3A_2, %add3A_17 : i32
    "tpu.region"() ({
      %run_scoped3A = tpu.sem_alloc : memref<!tpu.dma_semaphore, #tpu.memory_space<semaphore_mem>>
      %dma_start3A = arith.constant 0 : i32
      %dma_start3A_36 = tpu.memref_slice %arg11[%add3A_18, %dma_start3A] : memref<10240x128xf32, #tpu.memory_space<vmem_shared>> -> memref<128x128xf32, #tpu.memory_space<vmem_shared>>
      %dma_start3A_37 = arith.constant 0 : i32
      %dma_start3A_38 = tpu.memref_slice %arg11[%add3A_18, %dma_start3A_37] : memref<10240x128xf32, #tpu.memory_space<vmem_shared>> -> memref<128x128xf32, #tpu.memory_space<vmem_shared>>
      tpu.enqueue_dma source(%arg10 : memref<128x128xf32, #tpu.memory_space<vmem>>) target(%dma_start3A_38 : memref<128x128xf32, #tpu.memory_space<vmem_shared>>) target_semaphore(%run_scoped3A : memref<!tpu.dma_semaphore, #tpu.memory_space<semaphore_mem>>)
      %dma_wait3A = arith.constant 0 : i32
      %dma_wait3A_39 = tpu.memref_slice %arg11[%add3A_18, %dma_wait3A] : memref<10240x128xf32, #tpu.memory_space<vmem_shared>> -> memref<128x128xf32, #tpu.memory_space<vmem_shared>>
      %dma_wait3A_40 = arith.constant 0 : i32
      %dma_wait3A_41 = tpu.memref_slice %arg11[%add3A_18, %dma_wait3A_40] : memref<10240x128xf32, #tpu.memory_space<vmem_shared>> -> memref<128x128xf32, #tpu.memory_space<vmem_shared>>
      tpu.wait_dma2 semaphore(%run_scoped3A : memref<!tpu.dma_semaphore, #tpu.memory_space<semaphore_mem>>) src(%arg10 : memref<128x128xf32, #tpu.memory_space<vmem>>) dst(%dma_wait3A_41 : memref<128x128xf32, #tpu.memory_space<vmem_shared>>)
      tpu.yield
    }) : () -> ()
    %barrier3A = arith.constant 0 : index
    tpu.barrier barrier_id(%barrier3A)
    %scan3A_19 = arith.constant 0 : i32
    %scan3A_20 = arith.constant 0 : i32
    %scan3A_21 = arith.constant 79 : i32
    %scan3A_22 = arith.addi %scan3A_20, %scan3A_21 : i32
    %scan3A_23 = arith.constant 1 : i32
    scf.for %scan3A_36 = %scan3A_20 to %scan3A_22 step %scan3A_23  : i32 {
      %dma_start3A = arith.constant 0 : i32
      %dma_start3A_37 = tpu.memref_slice %arg7[%scan3A_36, %dma_start3A] : memref<79x128xi32, #tpu.memory_space<vmem>> -> memref<1x128xi32, #tpu.memory_space<vmem>>
      %dma_start3A_38 = tpu.memref_squeeze %dma_start3A_37 : memref<1x128xi32, #tpu.memory_space<vmem>> -> memref<128xi32, #tpu.memory_space<vmem>>
      %dma_start3A_39 = arith.constant 0 : i32
      %dma_start3A_40 = arith.constant 0 : i32
      %dma_start3A_41 = tpu.memref_slice %arg2[%dma_start3A_39, %dma_start3A_40] : memref<10000x128xf32, #tpu.memory_space<hbm>> -> memref<10000x128xf32, #tpu.memory_space<hbm>>
      tpu.enqueue_indirect_dma source(%dma_start3A_41 : memref<10000x128xf32, #tpu.memory_space<hbm>>) target(%arg10 : memref<128x128xf32, #tpu.memory_space<vmem>>) offsets(%dma_start3A_38 : memref<128xi32, #tpu.memory_space<vmem>>) semaphore(%arg12 : memref<!tpu.dma_semaphore, #tpu.memory_space<semaphore_mem>>)
      %dma_wait3A = arith.constant 0 : i32
      %dma_wait3A_42 = tpu.memref_slice %arg7[%scan3A_36, %dma_wait3A] : memref<79x128xi32, #tpu.memory_space<vmem>> -> memref<1x128xi32, #tpu.memory_space<vmem>>
      %dma_wait3A_43 = tpu.memref_squeeze %dma_wait3A_42 : memref<1x128xi32, #tpu.memory_space<vmem>> -> memref<128xi32, #tpu.memory_space<vmem>>
      %dma_wait3A_44 = arith.constant 0 : i32
      %dma_wait3A_45 = arith.constant 0 : i32
      %dma_wait3A_46 = tpu.memref_slice %arg2[%dma_wait3A_44, %dma_wait3A_45] : memref<10000x128xf32, #tpu.memory_space<hbm>> -> memref<10000x128xf32, #tpu.memory_space<hbm>>
      tpu.wait_indirect_dma semaphore(%arg12 : memref<!tpu.dma_semaphore, #tpu.memory_space<semaphore_mem>>) src(%dma_wait3A_46 : memref<10000x128xf32, #tpu.memory_space<hbm>>) dst(%arg10 : memref<128x128xf32, #tpu.memory_space<vmem>>)
      %scan3A_47 = arith.constant 0 : i32
      %scan3A_48 = arith.constant 0 : i32
      %scan3A_49 = arith.constant 8 : i32
      %scan3A_50 = arith.addi %scan3A_48, %scan3A_49 : i32
      %scan3A_51 = arith.constant 1 : i32
      scf.for %scan3A_65 = %scan3A_48 to %scan3A_50 step %scan3A_51  : i32 {
        %mul3A_66 = arith.constant 16 : i32
        %mul3A_67 = arith.muli %scan3A_65, %mul3A_66 : i32
        %get3A = arith.index_cast %scan3A_36 : i32 to index
        %get3A_68 = arith.index_cast %mul3A_67 : i32 to index
        %get3A_69 = tpu.vector_load %arg9[%get3A, %get3A_68] {strides = array<i32>} : memref<79x128xf32, #tpu.memory_space<vmem>>, vector<1x16xf32>,
        %get3A_70 = vector.shape_cast %get3A_69 : vector<1x16xf32> to vector<16xf32>
        %broadcast_in_dim3A_71 = arith.constant 0 : i32
        %broadcast_in_dim3A_72 = vector.broadcast %broadcast_in_dim3A_71 : i32 to vector<16xi32>
        %lt3A = arith.constant 0 : i32
        %lt3A_73 = vector.broadcast %lt3A : i32 to vector<16xi32>
        %lt3A_74 = arith.cmpi slt, %broadcast_in_dim3A_72, %lt3A_73 : vector<16xi32>
        %add3A_75 = arith.constant 16 : i32
        %add3A_76 = vector.broadcast %add3A_75 : i32 to vector<16xi32>
        %add3A_77 = arith.addi %broadcast_in_dim3A_72, %add3A_76 : vector<16xi32>
        %select_n3A = arith.select %lt3A_74, %add3A_77, %broadcast_in_dim3A_72 : vector<16xi1>, vector<16xi32>
        %broadcast_in_dim3A_78 = vector.shape_cast %select_n3A : vector<16xi32> to vector<16x1xi32>
        %gather3A = vector.shape_cast %broadcast_in_dim3A_78 : vector<16x1xi32> to vector<16xi32>
        %gather3A_79 = tpu.dynamic_gather %get3A_70[%gather3A] in [0] : vector<16xf32>, vector<16xi32> -> vector<16xf32>
        %mul3A_80 = arith.constant 16 : i32
        %mul3A_81 = arith.muli %scan3A_65, %mul3A_80 : i32
        %add3A_82 = arith.constant 0 : i32
        %add3A_83 = arith.addi %mul3A_81, %add3A_82 : i32
        %get3A_84 = arith.index_cast %add3A_83 : i32 to index
        %get3A_85 = arith.constant 0 : index
        %get3A_86 = tpu.vector_load %arg10[%get3A_84, %get3A_85] {strides = array<i32>} : memref<128x128xf32, #tpu.memory_space<vmem>>, vector<1x16xf32>,
        %get3A_87 = vector.shape_cast %get3A_86 : vector<1x16xf32> to vector<16xf32>
        %mul3A_88 = arith.mulf %get3A_87, %gather3A_79 : vector<16xf32>
        %swap3A = arith.index_cast %add3A_83 : i32 to index
        %swap3A_89 = arith.constant 0 : index
        %swap3A_90 = tpu.vector_load %arg10[%swap3A, %swap3A_89] {strides = array<i32>} : memref<128x128xf32, #tpu.memory_space<vmem>>, vector<1x16xf32>,
        %swap3A_91 = vector.shape_cast %swap3A_90 : vector<1x16xf32> to vector<16xf32>
        %swap3A_92 = vector.shape_cast %mul3A_88 : vector<16xf32> to vector<1x16xf32>
        tpu.vector_store %arg10[%swap3A, %swap3A_89], %swap3A_92 {strides = array<i32>} : memref<128x128xf32, #tpu.memory_space<vmem>>, vector<1x16xf32>,
        %get3A_93 = arith.index_cast %add3A_83 : i32 to index
        %get3A_94 = arith.constant 16 : index
        %get3A_95 = tpu.vector_load %arg10[%get3A_93, %get3A_94] {strides = array<i32>} : memref<128x128xf32, #tpu.memory_space<vmem>>, vector<1x16xf32>,
        %get3A_96 = vector.shape_cast %get3A_95 : vector<1x16xf32> to vector<16xf32>
        %mul3A_97 = arith.mulf %get3A_96, %gather3A_79 : vector<16xf32>
        %swap3A_98 = arith.index_cast %add3A_83 : i32 to index
        %swap3A_99 = arith.constant 16 : index
        %swap3A_100 = tpu.vector_load %arg10[%swap3A_98, %swap3A_99] {strides = array<i32>} : memref<128x128xf32, #tpu.memory_space<vmem>>, vector<1x16xf32>,
        %swap3A_101 = vector.shape_cast %swap3A_100 : vector<1x16xf32> to vector<16xf32>
        %swap3A_102 = vector.shape_cast %mul3A_97 : vector<16xf32> to vector<1x16xf32>
        tpu.vector_store %arg10[%swap3A_98, %swap3A_99], %swap3A_102 {strides = array<i32>} : memref<128x128xf32, #tpu.memory_space<vmem>>, vector<1x16xf32>,
        %get3A_103 = arith.index_cast %add3A_83 : i32 to index
        %get3A_104 = arith.constant 32 : index
        %get3A_105 = tpu.vector_load %arg10[%get3A_103, %get3A_104] {strides = array<i32>} : memref<128x128xf32, #tpu.memory_space<vmem>>, vector<1x16xf32>,
        %get3A_106 = vector.shape_cast %get3A_105 : vector<1x16xf32> to vector<16xf32>
        %mul3A_107 = arith.mulf %get3A_106, %gather3A_79 : vector<16xf32>
        %swap3A_108 = arith.index_cast %add3A_83 : i32 to index
        %swap3A_109 = arith.constant 32 : index
        %swap3A_110 = tpu.vector_load %arg10[%swap3A_108, %swap3A_109] {strides = array<i32>} : memref<128x128xf32, #tpu.memory_space<vmem>>, vector<1x16xf32>,
        %swap3A_111 = vector.shape_cast %swap3A_110 : vector<1x16xf32> to vector<16xf32>
        %swap3A_112 = vector.shape_cast %mul3A_107 : vector<16xf32> to vector<1x16xf32>
        tpu.vector_store %arg10[%swap3A_108, %swap3A_109], %swap3A_112 {strides = array<i32>} : memref<128x128xf32, #tpu.memory_space<vmem>>, vector<1x16xf32>,
        %get3A_113 = arith.index_cast %add3A_83 : i32 to index
        %get3A_114 = arith.constant 48 : index
        %get3A_115 = tpu.vector_load %arg10[%get3A_113, %get3A_114] {strides = array<i32>} : memref<128x128xf32, #tpu.memory_space<vmem>>, vector<1x16xf32>,
        %get3A_116 = vector.shape_cast %get3A_115 : vector<1x16xf32> to vector<16xf32>
        %mul3A_117 = arith.mulf %get3A_116, %gather3A_79 : vector<16xf32>
        %swap3A_118 = arith.index_cast %add3A_83 : i32 to index
        %swap3A_119 = arith.constant 48 : index
        %swap3A_120 = tpu.vector_load %arg10[%swap3A_118, %swap3A_119] {strides = array<i32>} : memref<128x128xf32, #tpu.memory_space<vmem>>, vector<1x16xf32>,
        %swap3A_121 = vector.shape_cast %swap3A_120 : vector<1x16xf32> to vector<16xf32>
        %swap3A_122 = vector.shape_cast %mul3A_117 : vector<16xf32> to vector<1x16xf32>
        tpu.vector_store %arg10[%swap3A_118, %swap3A_119], %swap3A_122 {strides = array<i32>} : memref<128x128xf32, #tpu.memory_space<vmem>>, vector<1x16xf32>,
        %get3A_123 = arith.index_cast %add3A_83 : i32 to index
        %get3A_124 = arith.constant 64 : index
        %get3A_125 = tpu.vector_load %arg10[%get3A_123, %get3A_124] {strides = array<i32>} : memref<128x128xf32, #tpu.memory_space<vmem>>, vector<1x16xf32>,
        %get3A_126 = vector.shape_cast %get3A_125 : vector<1x16xf32> to vector<16xf32>
        %mul3A_127 = arith.mulf %get3A_126, %gather3A_79 : vector<16xf32>
        %swap3A_128 = arith.index_cast %add3A_83 : i32 to index
        %swap3A_129 = arith.constant 64 : index
        %swap3A_130 = tpu.vector_load %arg10[%swap3A_128, %swap3A_129] {strides = array<i32>} : memref<128x128xf32, #tpu.memory_space<vmem>>, vector<1x16xf32>,
        %swap3A_131 = vector.shape_cast %swap3A_130 : vector<1x16xf32> to vector<16xf32>
        %swap3A_132 = vector.shape_cast %mul3A_127 : vector<16xf32> to vector<1x16xf32>
        tpu.vector_store %arg10[%swap3A_128, %swap3A_129], %swap3A_132 {strides = array<i32>} : memref<128x128xf32, #tpu.memory_space<vmem>>, vector<1x16xf32>,
        %get3A_133 = arith.index_cast %add3A_83 : i32 to index
        %get3A_134 = arith.constant 80 : index
        %get3A_135 = tpu.vector_load %arg10[%get3A_133, %get3A_134] {strides = array<i32>} : memref<128x128xf32, #tpu.memory_space<vmem>>, vector<1x16xf32>,
        %get3A_136 = vector.shape_cast %get3A_135 : vector<1x16xf32> to vector<16xf32>
        %mul3A_137 = arith.mulf %get3A_136, %gather3A_79 : vector<16xf32>
        %swap3A_138 = arith.index_cast %add3A_83 : i32 to index
        %swap3A_139 = arith.constant 80 : index
        %swap3A_140 = tpu.vector_load %arg10[%swap3A_138, %swap3A_139] {strides = array<i32>} : memref<128x128xf32, #tpu.memory_space<vmem>>, vector<1x16xf32>,
        %swap3A_141 = vector.shape_cast %swap3A_140 : vector<1x16xf32> to vector<16xf32>
        %swap3A_142 = vector.shape_cast %mul3A_137 : vector<16xf32> to vector<1x16xf32>
        tpu.vector_store %arg10[%swap3A_138, %swap3A_139], %swap3A_142 {strides = array<i32>} : memref<128x128xf32, #tpu.memory_space<vmem>>, vector<1x16xf32>,
        %get3A_143 = arith.index_cast %add3A_83 : i32 to index
        %get3A_144 = arith.constant 96 : index
        %get3A_145 = tpu.vector_load %arg10[%get3A_143, %get3A_144] {strides = array<i32>} : memref<128x128xf32, #tpu.memory_space<vmem>>, vector<1x16xf32>,
        %get3A_146 = vector.shape_cast %get3A_145 : vector<1x16xf32> to vector<16xf32>
        %mul3A_147 = arith.mulf %get3A_146, %gather3A_79 : vector<16xf32>
        %swap3A_148 = arith.index_cast %add3A_83 : i32 to index
        %swap3A_149 = arith.constant 96 : index
        %swap3A_150 = tpu.vector_load %arg10[%swap3A_148, %swap3A_149] {strides = array<i32>} : memref<128x128xf32, #tpu.memory_space<vmem>>, vector<1x16xf32>,
        %swap3A_151 = vector.shape_cast %swap3A_150 : vector<1x16xf32> to vector<16xf32>
        %swap3A_152 = vector.shape_cast %mul3A_147 : vector<16xf32> to vector<1x16xf32>
        tpu.vector_store %arg10[%swap3A_148, %swap3A_149], %swap3A_152 {strides = array<i32>} : memref<128x128xf32, #tpu.memory_space<vmem>>, vector<1x16xf32>,
        %get3A_153 = arith.index_cast %add3A_83 : i32 to index
        %get3A_154 = arith.constant 112 : index
        %get3A_155 = tpu.vector_load %arg10[%get3A_153, %get3A_154] {strides = array<i32>} : memref<128x128xf32, #tpu.memory_space<vmem>>, vector<1x16xf32>,
        %get3A_156 = vector.shape_cast %get3A_155 : vector<1x16xf32> to vector<16xf32>
        %mul3A_157 = arith.mulf %get3A_156, %gather3A_79 : vector<16xf32>
        %swap3A_158 = arith.index_cast %add3A_83 : i32 to index
        %swap3A_159 = arith.constant 112 : index
        %swap3A_160 = tpu.vector_load %arg10[%swap3A_158, %swap3A_159] {strides = array<i32>} : memref<128x128xf32, #tpu.memory_space<vmem>>, vector<1x16xf32>,
        %swap3A_161 = vector.shape_cast %swap3A_160 : vector<1x16xf32> to vector<16xf32>
        %swap3A_162 = vector.shape_cast %mul3A_157 : vector<16xf32> to vector<1x16xf32>
        tpu.vector_store %arg10[%swap3A_158, %swap3A_159], %swap3A_162 {strides = array<i32>} : memref<128x128xf32, #tpu.memory_space<vmem>>, vector<1x16xf32>,
        %broadcast_in_dim3A_163 = arith.constant 1 : i32
        %broadcast_in_dim3A_164 = vector.broadcast %broadcast_in_dim3A_163 : i32 to vector<16xi32>
        %lt3A_165 = arith.constant 0 : i32
        %lt3A_166 = vector.broadcast %lt3A_165 : i32 to vector<16xi32>
        %lt3A_167 = arith.cmpi slt, %broadcast_in_dim3A_164, %lt3A_166 : vector<16xi32>
        %add3A_168 = arith.constant 16 : i32
        %add3A_169 = vector.broadcast %add3A_168 : i32 to vector<16xi32>
        %add3A_170 = arith.addi %broadcast_in_dim3A_164, %add3A_169 : vector<16xi32>
        %select_n3A_171 = arith.select %lt3A_167, %add3A_170, %broadcast_in_dim3A_164 : vector<16xi1>, vector<16xi32>
        %broadcast_in_dim3A_172 = vector.shape_cast %select_n3A_171 : vector<16xi32> to vector<16x1xi32>
        %gather3A_173 = vector.shape_cast %broadcast_in_dim3A_172 : vector<16x1xi32> to vector<16xi32>
        %gather3A_174 = tpu.dynamic_gather %get3A_70[%gather3A_173] in [0] : vector<16xf32>, vector<16xi32> -> vector<16xf32>
        %mul3A_175 = arith.constant 16 : i32
        %mul3A_176 = arith.muli %scan3A_65, %mul3A_175 : i32
        %add3A_177 = arith.constant 1 : i32
        %add3A_178 = arith.addi %mul3A_176, %add3A_177 : i32
        %get3A_179 = arith.index_cast %add3A_178 : i32 to index
        %get3A_180 = arith.constant 0 : index
        %get3A_181 = tpu.vector_load %arg10[%get3A_179, %get3A_180] {strides = array<i32>} : memref<128x128xf32, #tpu.memory_space<vmem>>, vector<1x16xf32>,
        %get3A_182 = vector.shape_cast %get3A_181 : vector<1x16xf32> to vector<16xf32>
        %mul3A_183 = arith.mulf %get3A_182, %gather3A_174 : vector<16xf32>
        %swap3A_184 = arith.index_cast %add3A_178 : i32 to index
        %swap3A_185 = arith.constant 0 : index
        %swap3A_186 = tpu.vector_load %arg10[%swap3A_184, %swap3A_185] {strides = array<i32>} : memref<128x128xf32, #tpu.memory_space<vmem>>, vector<1x16xf32>,
        %swap3A_187 = vector.shape_cast %swap3A_186 : vector<1x16xf32> to vector<16xf32>
        %swap3A_188 = vector.shape_cast %mul3A_183 : vector<16xf32> to vector<1x16xf32>
        tpu.vector_store %arg10[%swap3A_184, %swap3A_185], %swap3A_188 {strides = array<i32>} : memref<128x128xf32, #tpu.memory_space<vmem>>, vector<1x16xf32>,
        %get3A_189 = arith.index_cast %add3A_178 : i32 to index
        %get3A_190 = arith.constant 16 : index
        %get3A_191 = tpu.vector_load %arg10[%get3A_189, %get3A_190] {strides = array<i32>} : memref<128x128xf32, #tpu.memory_space<vmem>>, vector<1x16xf32>,
        %get3A_192 = vector.shape_cast %get3A_191 : vector<1x16xf32> to vector<16xf32>
        %mul3A_193 = arith.mulf %get3A_192, %gather3A_174 : vector<16xf32>
        %swap3A_194 = arith.index_cast %add3A_178 : i32 to index
        %swap3A_195 = arith.constant 16 : index
        %swap3A_196 = tpu.vector_load %arg10[%swap3A_194, %swap3A_195] {strides = array<i32>} : memref<128x128xf32, #tpu.memory_space<vmem>>, vector<1x16xf32>,
        %swap3A_197 = vector.shape_cast %swap3A_196 : vector<1x16xf32> to vector<16xf32>
        %swap3A_198 = vector.shape_cast %mul3A_193 : vector<16xf32> to vector<1x16xf32>
        tpu.vector_store %arg10[%swap3A_194, %swap3A_195], %swap3A_198 {strides = array<i32>} : memref<128x128xf32, #tpu.memory_space<vmem>>, vector<1x16xf32>,
        %get3A_199 = arith.index_cast %add3A_178 : i32 to index
        %get3A_200 = arith.constant 32 : index
        %get3A_201 = tpu.vector_load %arg10[%get3A_199, %get3A_200] {strides = array<i32>} : memref<128x128xf32, #tpu.memory_space<vmem>>, vector<1x16xf32>,
        %get3A_202 = vector.shape_cast %get3A_201 : vector<1x16xf32> to vector<16xf32>
        %mul3A_203 = arith.mulf %get3A_202, %gather3A_174 : vector<16xf32>
        %swap3A_204 = arith.index_cast %add3A_178 : i32 to index
        %swap3A_205 = arith.constant 32 : index
        %swap3A_206 = tpu.vector_load %arg10[%swap3A_204, %swap3A_205] {strides = array<i32>} : memref<128x128xf32, #tpu.memory_space<vmem>>, vector<1x16xf32>,
        %swap3A_207 = vector.shape_cast %swap3A_206 : vector<1x16xf32> to vector<16xf32>
        %swap3A_208 = vector.shape_cast %mul3A_203 : vector<16xf32> to vector<1x16xf32>
        tpu.vector_store %arg10[%swap3A_204, %swap3A_205], %swap3A_208 {strides = array<i32>} : memref<128x128xf32, #tpu.memory_space<vmem>>, vector<1x16xf32>,
        %get3A_209 = arith.index_cast %add3A_178 : i32 to index
        %get3A_210 = arith.constant 48 : index
        %get3A_211 = tpu.vector_load %arg10[%get3A_209, %get3A_210] {strides = array<i32>} : memref<128x128xf32, #tpu.memory_space<vmem>>, vector<1x16xf32>,
        %get3A_212 = vector.shape_cast %get3A_211 : vector<1x16xf32> to vector<16xf32>
        %mul3A_213 = arith.mulf %get3A_212, %gather3A_174 : vector<16xf32>
        %swap3A_214 = arith.index_cast %add3A_178 : i32 to index
        %swap3A_215 = arith.constant 48 : index
        %swap3A_216 = tpu.vector_load %arg10[%swap3A_214, %swap3A_215] {strides = array<i32>} : memref<128x128xf32, #tpu.memory_space<vmem>>, vector<1x16xf32>,
        %swap3A_217 = vector.shape_cast %swap3A_216 : vector<1x16xf32> to vector<16xf32>
        %swap3A_218 = vector.shape_cast %mul3A_213 : vector<16xf32> to vector<1x16xf32>
        tpu.vector_store %arg10[%swap3A_214, %swap3A_215], %swap3A_218 {strides = array<i32>} : memref<128x128xf32, #tpu.memory_space<vmem>>, vector<1x16xf32>,
        %get3A_219 = arith.index_cast %add3A_178 : i32 to index
        %get3A_220 = arith.constant 64 : index
        %get3A_221 = tpu.vector_load %arg10[%get3A_219, %get3A_220] {strides = array<i32>} : memref<128x128xf32, #tpu.memory_space<vmem>>, vector<1x16xf32>,
        %get3A_222 = vector.shape_cast %get3A_221 : vector<1x16xf32> to vector<16xf32>
        %mul3A_223 = arith.mulf %get3A_222, %gather3A_174 : vector<16xf32>
        %swap3A_224 = arith.index_cast %add3A_178 : i32 to index
        %swap3A_225 = arith.constant 64 : index
        %swap3A_226 = tpu.vector_load %arg10[%swap3A_224, %swap3A_225] {strides = array<i32>} : memref<128x128xf32, #tpu.memory_space<vmem>>, vector<1x16xf32>,
        %swap3A_227 = vector.shape_cast %swap3A_226 : vector<1x16xf32> to vector<16xf32>
        %swap3A_228 = vector.shape_cast %mul3A_223 : vector<16xf32> to vector<1x16xf32>
        tpu.vector_store %arg10[%swap3A_224, %swap3A_225], %swap3A_228 {strides = array<i32>} : memref<128x128xf32, #tpu.memory_space<vmem>>, vector<1x16xf32>,
        %get3A_229 = arith.index_cast %add3A_178 : i32 to index
        %get3A_230 = arith.constant 80 : index
        %get3A_231 = tpu.vector_load %arg10[%get3A_229, %get3A_230] {strides = array<i32>} : memref<128x128xf32, #tpu.memory_space<vmem>>, vector<1x16xf32>,
        %get3A_232 = vector.shape_cast %get3A_231 : vector<1x16xf32> to vector<16xf32>
        %mul3A_233 = arith.mulf %get3A_232, %gather3A_174 : vector<16xf32>
        %swap3A_234 = arith.index_cast %add3A_178 : i32 to index
        %swap3A_235 = arith.constant 80 : index
        %swap3A_236 = tpu.vector_load %arg10[%swap3A_234, %swap3A_235] {strides = array<i32>} : memref<128x128xf32, #tpu.memory_space<vmem>>, vector<1x16xf32>,
        %swap3A_237 = vector.shape_cast %swap3A_236 : vector<1x16xf32> to vector<16xf32>
        %swap3A_238 = vector.shape_cast %mul3A_233 : vector<16xf32> to vector<1x16xf32>
        tpu.vector_store %arg10[%swap3A_234, %swap3A_235], %swap3A_238 {strides = array<i32>} : memref<128x128xf32, #tpu.memory_space<vmem>>, vector<1x16xf32>,
        %get3A_239 = arith.index_cast %add3A_178 : i32 to index
        %get3A_240 = arith.constant 96 : index
        %get3A_241 = tpu.vector_load %arg10[%get3A_239, %get3A_240] {strides = array<i32>} : memref<128x128xf32, #tpu.memory_space<vmem>>, vector<1x16xf32>,
        %get3A_242 = vector.shape_cast %get3A_241 : vector<1x16xf32> to vector<16xf32>
        %mul3A_243 = arith.mulf %get3A_242, %gather3A_174 : vector<16xf32>
        %swap3A_244 = arith.index_cast %add3A_178 : i32 to index
        %swap3A_245 = arith.constant 96 : index
        %swap3A_246 = tpu.vector_load %arg10[%swap3A_244, %swap3A_245] {strides = array<i32>} : memref<128x128xf32, #tpu.memory_space<vmem>>, vector<1x16xf32>,
        %swap3A_247 = vector.shape_cast %swap3A_246 : vector<1x16xf32> to vector<16xf32>
        %swap3A_248 = vector.shape_cast %mul3A_243 : vector<16xf32> to vector<1x16xf32>
        tpu.vector_store %arg10[%swap3A_244, %swap3A_245], %swap3A_248 {strides = array<i32>} : memref<128x128xf32, #tpu.memory_space<vmem>>, vector<1x16xf32>,
        %get3A_249 = arith.index_cast %add3A_178 : i32 to index
        %get3A_250 = arith.constant 112 : index
        %get3A_251 = tpu.vector_load %arg10[%get3A_249, %get3A_250] {strides = array<i32>} : memref<128x128xf32, #tpu.memory_space<vmem>>, vector<1x16xf32>,
        %get3A_252 = vector.shape_cast %get3A_251 : vector<1x16xf32> to vector<16xf32>
        %mul3A_253 = arith.mulf %get3A_252, %gather3A_174 : vector<16xf32>
        %swap3A_254 = arith.index_cast %add3A_178 : i32 to index
        %swap3A_255 = arith.constant 112 : index
        %swap3A_256 = tpu.vector_load %arg10[%swap3A_254, %swap3A_255] {strides = array<i32>} : memref<128x128xf32, #tpu.memory_space<vmem>>, vector<1x16xf32>,
        %swap3A_257 = vector.shape_cast %swap3A_256 : vector<1x16xf32> to vector<16xf32>
        %swap3A_258 = vector.shape_cast %mul3A_253 : vector<16xf32> to vector<1x16xf32>
        tpu.vector_store %arg10[%swap3A_254, %swap3A_255], %swap3A_258 {strides = array<i32>} : memref<128x128xf32, #tpu.memory_space<vmem>>, vector<1x16xf32>,
        %broadcast_in_dim3A_259 = arith.constant 2 : i32
        %broadcast_in_dim3A_260 = vector.broadcast %broadcast_in_dim3A_259 : i32 to vector<16xi32>
        %lt3A_261 = arith.constant 0 : i32
        %lt3A_262 = vector.broadcast %lt3A_261 : i32 to vector<16xi32>
        %lt3A_263 = arith.cmpi slt, %broadcast_in_dim3A_260, %lt3A_262 : vector<16xi32>
        %add3A_264 = arith.constant 16 : i32
        %add3A_265 = vector.broadcast %add3A_264 : i32 to vector<16xi32>
        %add3A_266 = arith.addi %broadcast_in_dim3A_260, %add3A_265 : vector<16xi32>
        %select_n3A_267 = arith.select %lt3A_263, %add3A_266, %broadcast_in_dim3A_260 : vector<16xi1>, vector<16xi32>
        %broadcast_in_dim3A_268 = vector.shape_cast %select_n3A_267 : vector<16xi32> to vector<16x1xi32>
        %gather3A_269 = vector.shape_cast %broadcast_in_dim3A_268 : vector<16x1xi32> to vector<16xi32>
        %gather3A_270 = tpu.dynamic_gather %get3A_70[%gather3A_269] in [0] : vector<16xf32>, vector<16xi32> -> vector<16xf32>
        %mul3A_271 = arith.constant 16 : i32
        %mul3A_272 = arith.muli %scan3A_65, %mul3A_271 : i32
        %add3A_273 = arith.constant 2 : i32
        %add3A_274 = arith.addi %mul3A_272, %add3A_273 : i32
        %get3A_275 = arith.index_cast %add3A_274 : i32 to index
        %get3A_276 = arith.constant 0 : index
        %get3A_277 = tpu.vector_load %arg10[%get3A_275, %get3A_276] {strides = array<i32>} : memref<128x128xf32, #tpu.memory_space<vmem>>, vector<1x16xf32>,
        %get3A_278 = vector.shape_cast %get3A_277 : vector<1x16xf32> to vector<16xf32>
        %mul3A_279 = arith.mulf %get3A_278, %gather3A_270 : vector<16xf32>
        %swap3A_280 = arith.index_cast %add3A_274 : i32 to index
        %swap3A_281 = arith.constant 0 : index
        %swap3A_282 = tpu.vector_load %arg10[%swap3A_280, %swap3A_281] {strides = array<i32>} : memref<128x128xf32, #tpu.memory_space<vmem>>, vector<1x16xf32>,
        %swap3A_283 = vector.shape_cast %swap3A_282 : vector<1x16xf32> to vector<16xf32>
        %swap3A_284 = vector.shape_cast %mul3A_279 : vector<16xf32> to vector<1x16xf32>
        tpu.vector_store %arg10[%swap3A_280, %swap3A_281], %swap3A_284 {strides = array<i32>} : memref<128x128xf32, #tpu.memory_space<vmem>>, vector<1x16xf32>,
        %get3A_285 = arith.index_cast %add3A_274 : i32 to index
        %get3A_286 = arith.constant 16 : index
        %get3A_287 = tpu.vector_load %arg10[%get3A_285, %get3A_286] {strides = array<i32>} : memref<128x128xf32, #tpu.memory_space<vmem>>, vector<1x16xf32>,
        %get3A_288 = vector.shape_cast %get3A_287 : vector<1x16xf32> to vector<16xf32>
        %mul3A_289 = arith.mulf %get3A_288, %gather3A_270 : vector<16xf32>
        %swap3A_290 = arith.index_cast %add3A_274 : i32 to index
        %swap3A_291 = arith.constant 16 : index
        %swap3A_292 = tpu.vector_load %arg10[%swap3A_290, %swap3A_291] {strides = array<i32>} : memref<128x128xf32, #tpu.memory_space<vmem>>, vector<1x16xf32>,
        %swap3A_293 = vector.shape_cast %swap3A_292 : vector<1x16xf32> to vector<16xf32>
        %swap3A_294 = vector.shape_cast %mul3A_289 : vector<16xf32> to vector<1x16xf32>
        tpu.vector_store %arg10[%swap3A_290, %swap3A_291], %swap3A_294 {strides = array<i32>} : memref<128x128xf32, #tpu.memory_space<vmem>>, vector<1x16xf32>,
        %get3A_295 = arith.index_cast %add3A_274 : i32 to index
        %get3A_296 = arith.constant 32 : index
        %get3A_297 = tpu.vector_load %arg10[%get3A_295, %get3A_296] {strides = array<i32>} : memref<128x128xf32, #tpu.memory_space<vmem>>, vector<1x16xf32>,
        %get3A_298 = vector.shape_cast %get3A_297 : vector<1x16xf32> to vector<16xf32>
        %mul3A_299 = arith.mulf %get3A_298, %gather3A_270 : vector<16xf32>
        %swap3A_300 = arith.index_cast %add3A_274 : i32 to index
        %swap3A_301 = arith.constant 32 : index
        %swap3A_302 = tpu.vector_load %arg10[%swap3A_300, %swap3A_301] {strides = array<i32>} : memref<128x128xf32, #tpu.memory_space<vmem>>, vector<1x16xf32>,
        %swap3A_303 = vector.shape_cast %swap3A_302 : vector<1x16xf32> to vector<16xf32>
        %swap3A_304 = vector.shape_cast %mul3A_299 : vector<16xf32> to vector<1x16xf32>
        tpu.vector_store %arg10[%swap3A_300, %swap3A_301], %swap3A_304 {strides = array<i32>} : memref<128x128xf32, #tpu.memory_space<vmem>>, vector<1x16xf32>,
        %get3A_305 = arith.index_cast %add3A_274 : i32 to index
        %get3A_306 = arith.constant 48 : index
        %get3A_307 = tpu.vector_load %arg10[%get3A_305, %get3A_306] {strides = array<i32>} : memref<128x128xf32, #tpu.memory_space<vmem>>, vector<1x16xf32>,
        %get3A_308 = vector.shape_cast %get3A_307 : vector<1x16xf32> to vector<16xf32>
        %mul3A_309 = arith.mulf %get3A_308, %gather3A_270 : vector<16xf32>
        %swap3A_310 = arith.index_cast %add3A_274 : i32 to index
        %swap3A_311 = arith.constant 48 : index
        %swap3A_312 = tpu.vector_load %arg10[%swap3A_310, %swap3A_311] {strides = array<i32>} : memref<128x128xf32, #tpu.memory_space<vmem>>, vector<1x16xf32>,
        %swap3A_313 = vector.shape_cast %swap3A_312 : vector<1x16xf32> to vector<16xf32>
        %swap3A_314 = vector.shape_cast %mul3A_309 : vector<16xf32> to vector<1x16xf32>
        tpu.vector_store %arg10[%swap3A_310, %swap3A_311], %swap3A_314 {strides = array<i32>} : memref<128x128xf32, #tpu.memory_space<vmem>>, vector<1x16xf32>,
        %get3A_315 = arith.index_cast %add3A_274 : i32 to index
        %get3A_316 = arith.constant 64 : index
        %get3A_317 = tpu.vector_load %arg10[%get3A_315, %get3A_316] {strides = array<i32>} : memref<128x128xf32, #tpu.memory_space<vmem>>, vector<1x16xf32>,
        %get3A_318 = vector.shape_cast %get3A_317 : vector<1x16xf32> to vector<16xf32>
        %mul3A_319 = arith.mulf %get3A_318, %gather3A_270 : vector<16xf32>
        %swap3A_320 = arith.index_cast %add3A_274 : i32 to index
        %swap3A_321 = arith.constant 64 : index
        %swap3A_322 = tpu.vector_load %arg10[%swap3A_320, %swap3A_321] {strides = array<i32>} : memref<128x128xf32, #tpu.memory_space<vmem>>, vector<1x16xf32>,
        %swap3A_323 = vector.shape_cast %swap3A_322 : vector<1x16xf32> to vector<16xf32>
        %swap3A_324 = vector.shape_cast %mul3A_319 : vector<16xf32> to vector<1x16xf32>
        tpu.vector_store %arg10[%swap3A_320, %swap3A_321], %swap3A_324 {strides = array<i32>} : memref<128x128xf32, #tpu.memory_space<vmem>>, vector<1x16xf32>,
        %get3A_325 = arith.index_cast %add3A_274 : i32 to index
        %get3A_326 = arith.constant 80 : index
        %get3A_327 = tpu.vector_load %arg10[%get3A_325, %get3A_326] {strides = array<i32>} : memref<128x128xf32, #tpu.memory_space<vmem>>, vector<1x16xf32>,
        %get3A_328 = vector.shape_cast %get3A_327 : vector<1x16xf32> to vector<16xf32>
        %mul3A_329 = arith.mulf %get3A_328, %gather3A_270 : vector<16xf32>
        %swap3A_330 = arith.index_cast %add3A_274 : i32 to index
        %swap3A_331 = arith.constant 80 : index
        %swap3A_332 = tpu.vector_load %arg10[%swap3A_330, %swap3A_331] {strides = array<i32>} : memref<128x128xf32, #tpu.memory_space<vmem>>, vector<1x16xf32>,
        %swap3A_333 = vector.shape_cast %swap3A_332 : vector<1x16xf32> to vector<16xf32>
        %swap3A_334 = vector.shape_cast %mul3A_329 : vector<16xf32> to vector<1x16xf32>
        tpu.vector_store %arg10[%swap3A_330, %swap3A_331], %swap3A_334 {strides = array<i32>} : memref<128x128xf32, #tpu.memory_space<vmem>>, vector<1x16xf32>,
        %get3A_335 = arith.index_cast %add3A_274 : i32 to index
        %get3A_336 = arith.constant 96 : index
        %get3A_337 = tpu.vector_load %arg10[%get3A_335, %get3A_336] {strides = array<i32>} : memref<128x128xf32, #tpu.memory_space<vmem>>, vector<1x16xf32>,
        %get3A_338 = vector.shape_cast %get3A_337 : vector<1x16xf32> to vector<16xf32>
        %mul3A_339 = arith.mulf %get3A_338, %gather3A_270 : vector<16xf32>
        %swap3A_340 = arith.index_cast %add3A_274 : i32 to index
        %swap3A_341 = arith.constant 96 : index
        %swap3A_342 = tpu.vector_load %arg10[%swap3A_340, %swap3A_341] {strides = array<i32>} : memref<128x128xf32, #tpu.memory_space<vmem>>, vector<1x16xf32>,
        %swap3A_343 = vector.shape_cast %swap3A_342 : vector<1x16xf32> to vector<16xf32>
        %swap3A_344 = vector.shape_cast %mul3A_339 : vector<16xf32> to vector<1x16xf32>
        tpu.vector_store %arg10[%swap3A_340, %swap3A_341], %swap3A_344 {strides = array<i32>} : memref<128x128xf32, #tpu.memory_space<vmem>>, vector<1x16xf32>,
        %get3A_345 = arith.index_cast %add3A_274 : i32 to index
        %get3A_346 = arith.constant 112 : index
        %get3A_347 = tpu.vector_load %arg10[%get3A_345, %get3A_346] {strides = array<i32>} : memref<128x128xf32, #tpu.memory_space<vmem>>, vector<1x16xf32>,
        %get3A_348 = vector.shape_cast %get3A_347 : vector<1x16xf32> to vector<16xf32>
        %mul3A_349 = arith.mulf %get3A_348, %gather3A_270 : vector<16xf32>
        %swap3A_350 = arith.index_cast %add3A_274 : i32 to index
        %swap3A_351 = arith.constant 112 : index
        %swap3A_352 = tpu.vector_load %arg10[%swap3A_350, %swap3A_351] {strides = array<i32>} : memref<128x128xf32, #tpu.memory_space<vmem>>, vector<1x16xf32>,
        %swap3A_353 = vector.shape_cast %swap3A_352 : vector<1x16xf32> to vector<16xf32>
        %swap3A_354 = vector.shape_cast %mul3A_349 : vector<16xf32> to vector<1x16xf32>
        tpu.vector_store %arg10[%swap3A_350, %swap3A_351], %swap3A_354 {strides = array<i32>} : memref<128x128xf32, #tpu.memory_space<vmem>>, vector<1x16xf32>,
        %broadcast_in_dim3A_355 = arith.constant 3 : i32
        %broadcast_in_dim3A_356 = vector.broadcast %broadcast_in_dim3A_355 : i32 to vector<16xi32>
        %lt3A_357 = arith.constant 0 : i32
        %lt3A_358 = vector.broadcast %lt3A_357 : i32 to vector<16xi32>
        %lt3A_359 = arith.cmpi slt, %broadcast_in_dim3A_356, %lt3A_358 : vector<16xi32>
        %add3A_360 = arith.constant 16 : i32
        %add3A_361 = vector.broadcast %add3A_360 : i32 to vector<16xi32>
        %add3A_362 = arith.addi %broadcast_in_dim3A_356, %add3A_361 : vector<16xi32>
        %select_n3A_363 = arith.select %lt3A_359, %add3A_362, %broadcast_in_dim3A_356 : vector<16xi1>, vector<16xi32>
        %broadcast_in_dim3A_364 = vector.shape_cast %select_n3A_363 : vector<16xi32> to vector<16x1xi32>
        %gather3A_365 = vector.shape_cast %broadcast_in_dim3A_364 : vector<16x1xi32> to vector<16xi32>
        %gather3A_366 = tpu.dynamic_gather %get3A_70[%gather3A_365] in [0] : vector<16xf32>, vector<16xi32> -> vector<16xf32>
        %mul3A_367 = arith.constant 16 : i32
        %mul3A_368 = arith.muli %scan3A_65, %mul3A_367 : i32
        %add3A_369 = arith.constant 3 : i32
        %add3A_370 = arith.addi %mul3A_368, %add3A_369 : i32
        %get3A_371 = arith.index_cast %add3A_370 : i32 to index
        %get3A_372 = arith.constant 0 : index
        %get3A_373 = tpu.vector_load %arg10[%get3A_371, %get3A_372] {strides = array<i32>} : memref<128x128xf32, #tpu.memory_space<vmem>>, vector<1x16xf32>,
        %get3A_374 = vector.shape_cast %get3A_373 : vector<1x16xf32> to vector<16xf32>
        %mul3A_375 = arith.mulf %get3A_374, %gather3A_366 : vector<16xf32>
        %swap3A_376 = arith.index_cast %add3A_370 : i32 to index
        %swap3A_377 = arith.constant 0 : index
        %swap3A_378 = tpu.vector_load %arg10[%swap3A_376, %swap3A_377] {strides = array<i32>} : memref<128x128xf32, #tpu.memory_space<vmem>>, vector<1x16xf32>,
        %swap3A_379 = vector.shape_cast %swap3A_378 : vector<1x16xf32> to vector<16xf32>
        %swap3A_380 = vector.shape_cast %mul3A_375 : vector<16xf32> to vector<1x16xf32>
        tpu.vector_store %arg10[%swap3A_376, %swap3A_377], %swap3A_380 {strides = array<i32>} : memref<128x128xf32, #tpu.memory_space<vmem>>, vector<1x16xf32>,
        %get3A_381 = arith.index_cast %add3A_370 : i32 to index
        %get3A_382 = arith.constant 16 : index
        %get3A_383 = tpu.vector_load %arg10[%get3A_381, %get3A_382] {strides = array<i32>} : memref<128x128xf32, #tpu.memory_space<vmem>>, vector<1x16xf32>,
        %get3A_384 = vector.shape_cast %get3A_383 : vector<1x16xf32> to vector<16xf32>
        %mul3A_385 = arith.mulf %get3A_384, %gather3A_366 : vector<16xf32>
        %swap3A_386 = arith.index_cast %add3A_370 : i32 to index
        %swap3A_387 = arith.constant 16 : index
        %swap3A_388 = tpu.vector_load %arg10[%swap3A_386, %swap3A_387] {strides = array<i32>} : memref<128x128xf32, #tpu.memory_space<vmem>>, vector<1x16xf32>,
        %swap3A_389 = vector.shape_cast %swap3A_388 : vector<1x16xf32> to vector<16xf32>
        %swap3A_390 = vector.shape_cast %mul3A_385 : vector<16xf32> to vector<1x16xf32>
        tpu.vector_store %arg10[%swap3A_386, %swap3A_387], %swap3A_390 {strides = array<i32>} : memref<128x128xf32, #tpu.memory_space<vmem>>, vector<1x16xf32>,
        %get3A_391 = arith.index_cast %add3A_370 : i32 to index
        %get3A_392 = arith.constant 32 : index
        %get3A_393 = tpu.vector_load %arg10[%get3A_391, %get3A_392] {strides = array<i32>} : memref<128x128xf32, #tpu.memory_space<vmem>>, vector<1x16xf32>,
        %get3A_394 = vector.shape_cast %get3A_393 : vector<1x16xf32> to vector<16xf32>
        %mul3A_395 = arith.mulf %get3A_394, %gather3A_366 : vector<16xf32>
        %swap3A_396 = arith.index_cast %add3A_370 : i32 to index
        %swap3A_397 = arith.constant 32 : index
        %swap3A_398 = tpu.vector_load %arg10[%swap3A_396, %swap3A_397] {strides = array<i32>} : memref<128x128xf32, #tpu.memory_space<vmem>>, vector<1x16xf32>,
        %swap3A_399 = vector.shape_cast %swap3A_398 : vector<1x16xf32> to vector<16xf32>
        %swap3A_400 = vector.shape_cast %mul3A_395 : vector<16xf32> to vector<1x16xf32>
        tpu.vector_store %arg10[%swap3A_396, %swap3A_397], %swap3A_400 {strides = array<i32>} : memref<128x128xf32, #tpu.memory_space<vmem>>, vector<1x16xf32>,
        %get3A_401 = arith.index_cast %add3A_370 : i32 to index
        %get3A_402 = arith.constant 48 : index
        %get3A_403 = tpu.vector_load %arg10[%get3A_401, %get3A_402] {strides = array<i32>} : memref<128x128xf32, #tpu.memory_space<vmem>>, vector<1x16xf32>,
        %get3A_404 = vector.shape_cast %get3A_403 : vector<1x16xf32> to vector<16xf32>
        %mul3A_405 = arith.mulf %get3A_404, %gather3A_366 : vector<16xf32>
        %swap3A_406 = arith.index_cast %add3A_370 : i32 to index
        %swap3A_407 = arith.constant 48 : index
        %swap3A_408 = tpu.vector_load %arg10[%swap3A_406, %swap3A_407] {strides = array<i32>} : memref<128x128xf32, #tpu.memory_space<vmem>>, vector<1x16xf32>,
        %swap3A_409 = vector.shape_cast %swap3A_408 : vector<1x16xf32> to vector<16xf32>
        %swap3A_410 = vector.shape_cast %mul3A_405 : vector<16xf32> to vector<1x16xf32>
        tpu.vector_store %arg10[%swap3A_406, %swap3A_407], %swap3A_410 {strides = array<i32>} : memref<128x128xf32, #tpu.memory_space<vmem>>, vector<1x16xf32>,
        %get3A_411 = arith.index_cast %add3A_370 : i32 to index
        %get3A_412 = arith.constant 64 : index
        %get3A_413 = tpu.vector_load %arg10[%get3A_411, %get3A_412] {strides = array<i32>} : memref<128x128xf32, #tpu.memory_space<vmem>>, vector<1x16xf32>,
        %get3A_414 = vector.shape_cast %get3A_413 : vector<1x16xf32> to vector<16xf32>
        %mul3A_415 = arith.mulf %get3A_414, %gather3A_366 : vector<16xf32>
        %swap3A_416 = arith.index_cast %add3A_370 : i32 to index
        %swap3A_417 = arith.constant 64 : index
        %swap3A_418 = tpu.vector_load %arg10[%swap3A_416, %swap3A_417] {strides = array<i32>} : memref<128x128xf32, #tpu.memory_space<vmem>>, vector<1x16xf32>,
        %swap3A_419 = vector.shape_cast %swap3A_418 : vector<1x16xf32> to vector<16xf32>
        %swap3A_420 = vector.shape_cast %mul3A_415 : vector<16xf32> to vector<1x16xf32>
        tpu.vector_store %arg10[%swap3A_416, %swap3A_417], %swap3A_420 {strides = array<i32>} : memref<128x128xf32, #tpu.memory_space<vmem>>, vector<1x16xf32>,
        %get3A_421 = arith.index_cast %add3A_370 : i32 to index
        %get3A_422 = arith.constant 80 : index
        %get3A_423 = tpu.vector_load %arg10[%get3A_421, %get3A_422] {strides = array<i32>} : memref<128x128xf32, #tpu.memory_space<vmem>>, vector<1x16xf32>,
        %get3A_424 = vector.shape_cast %get3A_423 : vector<1x16xf32> to vector<16xf32>
        %mul3A_425 = arith.mulf %get3A_424, %gather3A_366 : vector<16xf32>
        %swap3A_426 = arith.index_cast %add3A_370 : i32 to index
        %swap3A_427 = arith.constant 80 : index
        %swap3A_428 = tpu.vector_load %arg10[%swap3A_426, %swap3A_427] {strides = array<i32>} : memref<128x128xf32, #tpu.memory_space<vmem>>, vector<1x16xf32>,
        %swap3A_429 = vector.shape_cast %swap3A_428 : vector<1x16xf32> to vector<16xf32>
        %swap3A_430 = vector.shape_cast %mul3A_425 : vector<16xf32> to vector<1x16xf32>
        tpu.vector_store %arg10[%swap3A_426, %swap3A_427], %swap3A_430 {strides = array<i32>} : memref<128x128xf32, #tpu.memory_space<vmem>>, vector<1x16xf32>,
        %get3A_431 = arith.index_cast %add3A_370 : i32 to index
        %get3A_432 = arith.constant 96 : index
        %get3A_433 = tpu.vector_load %arg10[%get3A_431, %get3A_432] {strides = array<i32>} : memref<128x128xf32, #tpu.memory_space<vmem>>, vector<1x16xf32>,
        %get3A_434 = vector.shape_cast %get3A_433 : vector<1x16xf32> to vector<16xf32>
        %mul3A_435 = arith.mulf %get3A_434, %gather3A_366 : vector<16xf32>
        %swap3A_436 = arith.index_cast %add3A_370 : i32 to index
        %swap3A_437 = arith.constant 96 : index
        %swap3A_438 = tpu.vector_load %arg10[%swap3A_436, %swap3A_437] {strides = array<i32>} : memref<128x128xf32, #tpu.memory_space<vmem>>, vector<1x16xf32>,
        %swap3A_439 = vector.shape_cast %swap3A_438 : vector<1x16xf32> to vector<16xf32>
        %swap3A_440 = vector.shape_cast %mul3A_435 : vector<16xf32> to vector<1x16xf32>
        tpu.vector_store %arg10[%swap3A_436, %swap3A_437], %swap3A_440 {strides = array<i32>} : memref<128x128xf32, #tpu.memory_space<vmem>>, vector<1x16xf32>,
        %get3A_441 = arith.index_cast %add3A_370 : i32 to index
        %get3A_442 = arith.constant 112 : index
        %get3A_443 = tpu.vector_load %arg10[%get3A_441, %get3A_442] {strides = array<i32>} : memref<128x128xf32, #tpu.memory_space<vmem>>, vector<1x16xf32>,
        %get3A_444 = vector.shape_cast %get3A_443 : vector<1x16xf32> to vector<16xf32>
        %mul3A_445 = arith.mulf %get3A_444, %gather3A_366 : vector<16xf32>
        %swap3A_446 = arith.index_cast %add3A_370 : i32 to index
        %swap3A_447 = arith.constant 112 : index
        %swap3A_448 = tpu.vector_load %arg10[%swap3A_446, %swap3A_447] {strides = array<i32>} : memref<128x128xf32, #tpu.memory_space<vmem>>, vector<1x16xf32>,
        %swap3A_449 = vector.shape_cast %swap3A_448 : vector<1x16xf32> to vector<16xf32>
        %swap3A_450 = vector.shape_cast %mul3A_445 : vector<16xf32> to vector<1x16xf32>
        tpu.vector_store %arg10[%swap3A_446, %swap3A_447], %swap3A_450 {strides = array<i32>} : memref<128x128xf32, #tpu.memory_space<vmem>>, vector<1x16xf32>,
        %broadcast_in_dim3A_451 = arith.constant 4 : i32
        %broadcast_in_dim3A_452 = vector.broadcast %broadcast_in_dim3A_451 : i32 to vector<16xi32>
        %lt3A_453 = arith.constant 0 : i32
        %lt3A_454 = vector.broadcast %lt3A_453 : i32 to vector<16xi32>
        %lt3A_455 = arith.cmpi slt, %broadcast_in_dim3A_452, %lt3A_454 : vector<16xi32>
        %add3A_456 = arith.constant 16 : i32
        %add3A_457 = vector.broadcast %add3A_456 : i32 to vector<16xi32>
        %add3A_458 = arith.addi %broadcast_in_dim3A_452, %add3A_457 : vector<16xi32>
        %select_n3A_459 = arith.select %lt3A_455, %add3A_458, %broadcast_in_dim3A_452 : vector<16xi1>, vector<16xi32>
        %broadcast_in_dim3A_460 = vector.shape_cast %select_n3A_459 : vector<16xi32> to vector<16x1xi32>
        %gather3A_461 = vector.shape_cast %broadcast_in_dim3A_460 : vector<16x1xi32> to vector<16xi32>
        %gather3A_462 = tpu.dynamic_gather %get3A_70[%gather3A_461] in [0] : vector<16xf32>, vector<16xi32> -> vector<16xf32>
        %mul3A_463 = arith.constant 16 : i32
        %mul3A_464 = arith.muli %scan3A_65, %mul3A_463 : i32
        %add3A_465 = arith.constant 4 : i32
        %add3A_466 = arith.addi %mul3A_464, %add3A_465 : i32
        %get3A_467 = arith.index_cast %add3A_466 : i32 to index
        %get3A_468 = arith.constant 0 : index
        %get3A_469 = tpu.vector_load %arg10[%get3A_467, %get3A_468] {strides = array<i32>} : memref<128x128xf32, #tpu.memory_space<vmem>>, vector<1x16xf32>,
        %get3A_470 = vector.shape_cast %get3A_469 : vector<1x16xf32> to vector<16xf32>
        %mul3A_471 = arith.mulf %get3A_470, %gather3A_462 : vector<16xf32>
        %swap3A_472 = arith.index_cast %add3A_466 : i32 to index
        %swap3A_473 = arith.constant 0 : index
        %swap3A_474 = tpu.vector_load %arg10[%swap3A_472, %swap3A_473] {strides = array<i32>} : memref<128x128xf32, #tpu.memory_space<vmem>>, vector<1x16xf32>,
        %swap3A_475 = vector.shape_cast %swap3A_474 : vector<1x16xf32> to vector<16xf32>
        %swap3A_476 = vector.shape_cast %mul3A_471 : vector<16xf32> to vector<1x16xf32>
        tpu.vector_store %arg10[%swap3A_472, %swap3A_473], %swap3A_476 {strides = array<i32>} : memref<128x128xf32, #tpu.memory_space<vmem>>, vector<1x16xf32>,
        %get3A_477 = arith.index_cast %add3A_466 : i32 to index
        %get3A_478 = arith.constant 16 : index
        %get3A_479 = tpu.vector_load %arg10[%get3A_477, %get3A_478] {strides = array<i32>} : memref<128x128xf32, #tpu.memory_space<vmem>>, vector<1x16xf32>,
        %get3A_480 = vector.shape_cast %get3A_479 : vector<1x16xf32> to vector<16xf32>
        %mul3A_481 = arith.mulf %get3A_480, %gather3A_462 : vector<16xf32>
        %swap3A_482 = arith.index_cast %add3A_466 : i32 to index
        %swap3A_483 = arith.constant 16 : index
        %swap3A_484 = tpu.vector_load %arg10[%swap3A_482, %swap3A_483] {strides = array<i32>} : memref<128x128xf32, #tpu.memory_space<vmem>>, vector<1x16xf32>,
        %swap3A_485 = vector.shape_cast %swap3A_484 : vector<1x16xf32> to vector<16xf32>
        %swap3A_486 = vector.shape_cast %mul3A_481 : vector<16xf32> to vector<1x16xf32>
        tpu.vector_store %arg10[%swap3A_482, %swap3A_483], %swap3A_486 {strides = array<i32>} : memref<128x128xf32, #tpu.memory_space<vmem>>, vector<1x16xf32>,
        %get3A_487 = arith.index_cast %add3A_466 : i32 to index
        %get3A_488 = arith.constant 32 : index
        %get3A_489 = tpu.vector_load %arg10[%get3A_487, %get3A_488] {strides = array<i32>} : memref<128x128xf32, #tpu.memory_space<vmem>>, vector<1x16xf32>,
        %get3A_490 = vector.shape_cast %get3A_489 : vector<1x16xf32> to vector<16xf32>
        %mul3A_491 = arith.mulf %get3A_490, %gather3A_462 : vector<16xf32>
        %swap3A_492 = arith.index_cast %add3A_466 : i32 to index
        %swap3A_493 = arith.constant 32 : index
        %swap3A_494 = tpu.vector_load %arg10[%swap3A_492, %swap3A_493] {strides = array<i32>} : memref<128x128xf32, #tpu.memory_space<vmem>>, vector<1x16xf32>,
        %swap3A_495 = vector.shape_cast %swap3A_494 : vector<1x16xf32> to vector<16xf32>
        %swap3A_496 = vector.shape_cast %mul3A_491 : vector<16xf32> to vector<1x16xf32>
        tpu.vector_store %arg10[%swap3A_492, %swap3A_493], %swap3A_496 {strides = array<i32>} : memref<128x128xf32, #tpu.memory_space<vmem>>, vector<1x16xf32>,
        %get3A_497 = arith.index_cast %add3A_466 : i32 to index
        %get3A_498 = arith.constant 48 : index
        %get3A_499 = tpu.vector_load %arg10[%get3A_497, %get3A_498] {strides = array<i32>} : memref<128x128xf32, #tpu.memory_space<vmem>>, vector<1x16xf32>,
        %get3A_500 = vector.shape_cast %get3A_499 : vector<1x16xf32> to vector<16xf32>
        %mul3A_501 = arith.mulf %get3A_500, %gather3A_462 : vector<16xf32>
        %swap3A_502 = arith.index_cast %add3A_466 : i32 to index
        %swap3A_503 = arith.constant 48 : index
        %swap3A_504 = tpu.vector_load %arg10[%swap3A_502, %swap3A_503] {strides = array<i32>} : memref<128x128xf32, #tpu.memory_space<vmem>>, vector<1x16xf32>,
        %swap3A_505 = vector.shape_cast %swap3A_504 : vector<1x16xf32> to vector<16xf32>
        %swap3A_506 = vector.shape_cast %mul3A_501 : vector<16xf32> to vector<1x16xf32>
        tpu.vector_store %arg10[%swap3A_502, %swap3A_503], %swap3A_506 {strides = array<i32>} : memref<128x128xf32, #tpu.memory_space<vmem>>, vector<1x16xf32>,
        %get3A_507 = arith.index_cast %add3A_466 : i32 to index
        %get3A_508 = arith.constant 64 : index
        %get3A_509 = tpu.vector_load %arg10[%get3A_507, %get3A_508] {strides = array<i32>} : memref<128x128xf32, #tpu.memory_space<vmem>>, vector<1x16xf32>,
        %get3A_510 = vector.shape_cast %get3A_509 : vector<1x16xf32> to vector<16xf32>
        %mul3A_511 = arith.mulf %get3A_510, %gather3A_462 : vector<16xf32>
        %swap3A_512 = arith.index_cast %add3A_466 : i32 to index
        %swap3A_513 = arith.constant 64 : index
        %swap3A_514 = tpu.vector_load %arg10[%swap3A_512, %swap3A_513] {strides = array<i32>} : memref<128x128xf32, #tpu.memory_space<vmem>>, vector<1x16xf32>,
        %swap3A_515 = vector.shape_cast %swap3A_514 : vector<1x16xf32> to vector<16xf32>
        %swap3A_516 = vector.shape_cast %mul3A_511 : vector<16xf32> to vector<1x16xf32>
        tpu.vector_store %arg10[%swap3A_512, %swap3A_513], %swap3A_516 {strides = array<i32>} : memref<128x128xf32, #tpu.memory_space<vmem>>, vector<1x16xf32>,
        %get3A_517 = arith.index_cast %add3A_466 : i32 to index
        %get3A_518 = arith.constant 80 : index
        %get3A_519 = tpu.vector_load %arg10[%get3A_517, %get3A_518] {strides = array<i32>} : memref<128x128xf32, #tpu.memory_space<vmem>>, vector<1x16xf32>,
        %get3A_520 = vector.shape_cast %get3A_519 : vector<1x16xf32> to vector<16xf32>
        %mul3A_521 = arith.mulf %get3A_520, %gather3A_462 : vector<16xf32>
        %swap3A_522 = arith.index_cast %add3A_466 : i32 to index
        %swap3A_523 = arith.constant 80 : index
        %swap3A_524 = tpu.vector_load %arg10[%swap3A_522, %swap3A_523] {strides = array<i32>} : memref<128x128xf32, #tpu.memory_space<vmem>>, vector<1x16xf32>,
        %swap3A_525 = vector.shape_cast %swap3A_524 : vector<1x16xf32> to vector<16xf32>
        %swap3A_526 = vector.shape_cast %mul3A_521 : vector<16xf32> to vector<1x16xf32>
        tpu.vector_store %arg10[%swap3A_522, %swap3A_523], %swap3A_526 {strides = array<i32>} : memref<128x128xf32, #tpu.memory_space<vmem>>, vector<1x16xf32>,
        %get3A_527 = arith.index_cast %add3A_466 : i32 to index
        %get3A_528 = arith.constant 96 : index
        %get3A_529 = tpu.vector_load %arg10[%get3A_527, %get3A_528] {strides = array<i32>} : memref<128x128xf32, #tpu.memory_space<vmem>>, vector<1x16xf32>,
        %get3A_530 = vector.shape_cast %get3A_529 : vector<1x16xf32> to vector<16xf32>
        %mul3A_531 = arith.mulf %get3A_530, %gather3A_462 : vector<16xf32>
        %swap3A_532 = arith.index_cast %add3A_466 : i32 to index
        %swap3A_533 = arith.constant 96 : index
        %swap3A_534 = tpu.vector_load %arg10[%swap3A_532, %swap3A_533] {strides = array<i32>} : memref<128x128xf32, #tpu.memory_space<vmem>>, vector<1x16xf32>,
        %swap3A_535 = vector.shape_cast %swap3A_534 : vector<1x16xf32> to vector<16xf32>
        %swap3A_536 = vector.shape_cast %mul3A_531 : vector<16xf32> to vector<1x16xf32>
        tpu.vector_store %arg10[%swap3A_532, %swap3A_533], %swap3A_536 {strides = array<i32>} : memref<128x128xf32, #tpu.memory_space<vmem>>, vector<1x16xf32>,
        %get3A_537 = arith.index_cast %add3A_466 : i32 to index
        %get3A_538 = arith.constant 112 : index
        %get3A_539 = tpu.vector_load %arg10[%get3A_537, %get3A_538] {strides = array<i32>} : memref<128x128xf32, #tpu.memory_space<vmem>>, vector<1x16xf32>,
        %get3A_540 = vector.shape_cast %get3A_539 : vector<1x16xf32> to vector<16xf32>
        %mul3A_541 = arith.mulf %get3A_540, %gather3A_462 : vector<16xf32>
        %swap3A_542 = arith.index_cast %add3A_466 : i32 to index
        %swap3A_543 = arith.constant 112 : index
        %swap3A_544 = tpu.vector_load %arg10[%swap3A_542, %swap3A_543] {strides = array<i32>} : memref<128x128xf32, #tpu.memory_space<vmem>>, vector<1x16xf32>,
        %swap3A_545 = vector.shape_cast %swap3A_544 : vector<1x16xf32> to vector<16xf32>
        %swap3A_546 = vector.shape_cast %mul3A_541 : vector<16xf32> to vector<1x16xf32>
        tpu.vector_store %arg10[%swap3A_542, %swap3A_543], %swap3A_546 {strides = array<i32>} : memref<128x128xf32, #tpu.memory_space<vmem>>, vector<1x16xf32>,
        %broadcast_in_dim3A_547 = arith.constant 5 : i32
        %broadcast_in_dim3A_548 = vector.broadcast %broadcast_in_dim3A_547 : i32 to vector<16xi32>
        %lt3A_549 = arith.constant 0 : i32
        %lt3A_550 = vector.broadcast %lt3A_549 : i32 to vector<16xi32>
        %lt3A_551 = arith.cmpi slt, %broadcast_in_dim3A_548, %lt3A_550 : vector<16xi32>
        %add3A_552 = arith.constant 16 : i32
        %add3A_553 = vector.broadcast %add3A_552 : i32 to vector<16xi32>
        %add3A_554 = arith.addi %broadcast_in_dim3A_548, %add3A_553 : vector<16xi32>
        %select_n3A_555 = arith.select %lt3A_551, %add3A_554, %broadcast_in_dim3A_548 : vector<16xi1>, vector<16xi32>
        %broadcast_in_dim3A_556 = vector.shape_cast %select_n3A_555 : vector<16xi32> to vector<16x1xi32>
        %gather3A_557 = vector.shape_cast %broadcast_in_dim3A_556 : vector<16x1xi32> to vector<16xi32>
        %gather3A_558 = tpu.dynamic_gather %get3A_70[%gather3A_557] in [0] : vector<16xf32>, vector<16xi32> -> vector<16xf32>
        %mul3A_559 = arith.constant 16 : i32
        %mul3A_560 = arith.muli %scan3A_65, %mul3A_559 : i32
        %add3A_561 = arith.constant 5 : i32
        %add3A_562 = arith.addi %mul3A_560, %add3A_561 : i32
        %get3A_563 = arith.index_cast %add3A_562 : i32 to index
        %get3A_564 = arith.constant 0 : index
        %get3A_565 = tpu.vector_load %arg10[%get3A_563, %get3A_564] {strides = array<i32>} : memref<128x128xf32, #tpu.memory_space<vmem>>, vector<1x16xf32>,
        %get3A_566 = vector.shape_cast %get3A_565 : vector<1x16xf32> to vector<16xf32>
        %mul3A_567 = arith.mulf %get3A_566, %gather3A_558 : vector<16xf32>
        %swap3A_568 = arith.index_cast %add3A_562 : i32 to index
        %swap3A_569 = arith.constant 0 : index
        %swap3A_570 = tpu.vector_load %arg10[%swap3A_568, %swap3A_569] {strides = array<i32>} : memref<128x128xf32, #tpu.memory_space<vmem>>, vector<1x16xf32>,
        %swap3A_571 = vector.shape_cast %swap3A_570 : vector<1x16xf32> to vector<16xf32>
        %swap3A_572 = vector.shape_cast %mul3A_567 : vector<16xf32> to vector<1x16xf32>
        tpu.vector_store %arg10[%swap3A_568, %swap3A_569], %swap3A_572 {strides = array<i32>} : memref<128x128xf32, #tpu.memory_space<vmem>>, vector<1x16xf32>,
        %get3A_573 = arith.index_cast %add3A_562 : i32 to index
        %get3A_574 = arith.constant 16 : index
        %get3A_575 = tpu.vector_load %arg10[%get3A_573, %get3A_574] {strides = array<i32>} : memref<128x128xf32, #tpu.memory_space<vmem>>, vector<1x16xf32>,
        %get3A_576 = vector.shape_cast %get3A_575 : vector<1x16xf32> to vector<16xf32>
        %mul3A_577 = arith.mulf %get3A_576, %gather3A_558 : vector<16xf32>
        %swap3A_578 = arith.index_cast %add3A_562 : i32 to index
        %swap3A_579 = arith.constant 16 : index
        %swap3A_580 = tpu.vector_load %arg10[%swap3A_578, %swap3A_579] {strides = array<i32>} : memref<128x128xf32, #tpu.memory_space<vmem>>, vector<1x16xf32>,
        %swap3A_581 = vector.shape_cast %swap3A_580 : vector<1x16xf32> to vector<16xf32>
        %swap3A_582 = vector.shape_cast %mul3A_577 : vector<16xf32> to vector<1x16xf32>
        tpu.vector_store %arg10[%swap3A_578, %swap3A_579], %swap3A_582 {strides = array<i32>} : memref<128x128xf32, #tpu.memory_space<vmem>>, vector<1x16xf32>,
        %get3A_583 = arith.index_cast %add3A_562 : i32 to index
        %get3A_584 = arith.constant 32 : index
        %get3A_585 = tpu.vector_load %arg10[%get3A_583, %get3A_584] {strides = array<i32>} : memref<128x128xf32, #tpu.memory_space<vmem>>, vector<1x16xf32>,
        %get3A_586 = vector.shape_cast %get3A_585 : vector<1x16xf32> to vector<16xf32>
        %mul3A_587 = arith.mulf %get3A_586, %gather3A_558 : vector<16xf32>
        %swap3A_588 = arith.index_cast %add3A_562 : i32 to index
        %swap3A_589 = arith.constant 32 : index
        %swap3A_590 = tpu.vector_load %arg10[%swap3A_588, %swap3A_589] {strides = array<i32>} : memref<128x128xf32, #tpu.memory_space<vmem>>, vector<1x16xf32>,
        %swap3A_591 = vector.shape_cast %swap3A_590 : vector<1x16xf32> to vector<16xf32>
        %swap3A_592 = vector.shape_cast %mul3A_587 : vector<16xf32> to vector<1x16xf32>
        tpu.vector_store %arg10[%swap3A_588, %swap3A_589], %swap3A_592 {strides = array<i32>} : memref<128x128xf32, #tpu.memory_space<vmem>>, vector<1x16xf32>,
        %get3A_593 = arith.index_cast %add3A_562 : i32 to index
        %get3A_594 = arith.constant 48 : index
        %get3A_595 = tpu.vector_load %arg10[%get3A_593, %get3A_594] {strides = array<i32>} : memref<128x128xf32, #tpu.memory_space<vmem>>, vector<1x16xf32>,
        %get3A_596 = vector.shape_cast %get3A_595 : vector<1x16xf32> to vector<16xf32>
        %mul3A_597 = arith.mulf %get3A_596, %gather3A_558 : vector<16xf32>
        %swap3A_598 = arith.index_cast %add3A_562 : i32 to index
        %swap3A_599 = arith.constant 48 : index
        %swap3A_600 = tpu.vector_load %arg10[%swap3A_598, %swap3A_599] {strides = array<i32>} : memref<128x128xf32, #tpu.memory_space<vmem>>, vector<1x16xf32>,
        %swap3A_601 = vector.shape_cast %swap3A_600 : vector<1x16xf32> to vector<16xf32>
        %swap3A_602 = vector.shape_cast %mul3A_597 : vector<16xf32> to vector<1x16xf32>
        tpu.vector_store %arg10[%swap3A_598, %swap3A_599], %swap3A_602 {strides = array<i32>} : memref<128x128xf32, #tpu.memory_space<vmem>>, vector<1x16xf32>,
        %get3A_603 = arith.index_cast %add3A_562 : i32 to index
        %get3A_604 = arith.constant 64 : index
        %get3A_605 = tpu.vector_load %arg10[%get3A_603, %get3A_604] {strides = array<i32>} : memref<128x128xf32, #tpu.memory_space<vmem>>, vector<1x16xf32>,
        %get3A_606 = vector.shape_cast %get3A_605 : vector<1x16xf32> to vector<16xf32>
        %mul3A_607 = arith.mulf %get3A_606, %gather3A_558 : vector<16xf32>
        %swap3A_608 = arith.index_cast %add3A_562 : i32 to index
        %swap3A_609 = arith.constant 64 : index
        %swap3A_610 = tpu.vector_load %arg10[%swap3A_608, %swap3A_609] {strides = array<i32>} : memref<128x128xf32, #tpu.memory_space<vmem>>, vector<1x16xf32>,
        %swap3A_611 = vector.shape_cast %swap3A_610 : vector<1x16xf32> to vector<16xf32>
        %swap3A_612 = vector.shape_cast %mul3A_607 : vector<16xf32> to vector<1x16xf32>
        tpu.vector_store %arg10[%swap3A_608, %swap3A_609], %swap3A_612 {strides = array<i32>} : memref<128x128xf32, #tpu.memory_space<vmem>>, vector<1x16xf32>,
        %get3A_613 = arith.index_cast %add3A_562 : i32 to index
        %get3A_614 = arith.constant 80 : index
        %get3A_615 = tpu.vector_load %arg10[%get3A_613, %get3A_614] {strides = array<i32>} : memref<128x128xf32, #tpu.memory_space<vmem>>, vector<1x16xf32>,
        %get3A_616 = vector.shape_cast %get3A_615 : vector<1x16xf32> to vector<16xf32>
        %mul3A_617 = arith.mulf %get3A_616, %gather3A_558 : vector<16xf32>
        %swap3A_618 = arith.index_cast %add3A_562 : i32 to index
        %swap3A_619 = arith.constant 80 : index
        %swap3A_620 = tpu.vector_load %arg10[%swap3A_618, %swap3A_619] {strides = array<i32>} : memref<128x128xf32, #tpu.memory_space<vmem>>, vector<1x16xf32>,
        %swap3A_621 = vector.shape_cast %swap3A_620 : vector<1x16xf32> to vector<16xf32>
        %swap3A_622 = vector.shape_cast %mul3A_617 : vector<16xf32> to vector<1x16xf32>
        tpu.vector_store %arg10[%swap3A_618, %swap3A_619], %swap3A_622 {strides = array<i32>} : memref<128x128xf32, #tpu.memory_space<vmem>>, vector<1x16xf32>,
        %get3A_623 = arith.index_cast %add3A_562 : i32 to index
        %get3A_624 = arith.constant 96 : index
        %get3A_625 = tpu.vector_load %arg10[%get3A_623, %get3A_624] {strides = array<i32>} : memref<128x128xf32, #tpu.memory_space<vmem>>, vector<1x16xf32>,
        %get3A_626 = vector.shape_cast %get3A_625 : vector<1x16xf32> to vector<16xf32>
        %mul3A_627 = arith.mulf %get3A_626, %gather3A_558 : vector<16xf32>
        %swap3A_628 = arith.index_cast %add3A_562 : i32 to index
        %swap3A_629 = arith.constant 96 : index
        %swap3A_630 = tpu.vector_load %arg10[%swap3A_628, %swap3A_629] {strides = array<i32>} : memref<128x128xf32, #tpu.memory_space<vmem>>, vector<1x16xf32>,
        %swap3A_631 = vector.shape_cast %swap3A_630 : vector<1x16xf32> to vector<16xf32>
        %swap3A_632 = vector.shape_cast %mul3A_627 : vector<16xf32> to vector<1x16xf32>
        tpu.vector_store %arg10[%swap3A_628, %swap3A_629], %swap3A_632 {strides = array<i32>} : memref<128x128xf32, #tpu.memory_space<vmem>>, vector<1x16xf32>,
        %get3A_633 = arith.index_cast %add3A_562 : i32 to index
        %get3A_634 = arith.constant 112 : index
        %get3A_635 = tpu.vector_load %arg10[%get3A_633, %get3A_634] {strides = array<i32>} : memref<128x128xf32, #tpu.memory_space<vmem>>, vector<1x16xf32>,
        %get3A_636 = vector.shape_cast %get3A_635 : vector<1x16xf32> to vector<16xf32>
        %mul3A_637 = arith.mulf %get3A_636, %gather3A_558 : vector<16xf32>
        %swap3A_638 = arith.index_cast %add3A_562 : i32 to index
        %swap3A_639 = arith.constant 112 : index
        %swap3A_640 = tpu.vector_load %arg10[%swap3A_638, %swap3A_639] {strides = array<i32>} : memref<128x128xf32, #tpu.memory_space<vmem>>, vector<1x16xf32>,
        %swap3A_641 = vector.shape_cast %swap3A_640 : vector<1x16xf32> to vector<16xf32>
        %swap3A_642 = vector.shape_cast %mul3A_637 : vector<16xf32> to vector<1x16xf32>
        tpu.vector_store %arg10[%swap3A_638, %swap3A_639], %swap3A_642 {strides = array<i32>} : memref<128x128xf32, #tpu.memory_space<vmem>>, vector<1x16xf32>,
        %broadcast_in_dim3A_643 = arith.constant 6 : i32
        %broadcast_in_dim3A_644 = vector.broadcast %broadcast_in_dim3A_643 : i32 to vector<16xi32>
        %lt3A_645 = arith.constant 0 : i32
        %lt3A_646 = vector.broadcast %lt3A_645 : i32 to vector<16xi32>
        %lt3A_647 = arith.cmpi slt, %broadcast_in_dim3A_644, %lt3A_646 : vector<16xi32>
        %add3A_648 = arith.constant 16 : i32
        %add3A_649 = vector.broadcast %add3A_648 : i32 to vector<16xi32>
        %add3A_650 = arith.addi %broadcast_in_dim3A_644, %add3A_649 : vector<16xi32>
        %select_n3A_651 = arith.select %lt3A_647, %add3A_650, %broadcast_in_dim3A_644 : vector<16xi1>, vector<16xi32>
        %broadcast_in_dim3A_652 = vector.shape_cast %select_n3A_651 : vector<16xi32> to vector<16x1xi32>
        %gather3A_653 = vector.shape_cast %broadcast_in_dim3A_652 : vector<16x1xi32> to vector<16xi32>
        %gather3A_654 = tpu.dynamic_gather %get3A_70[%gather3A_653] in [0] : vector<16xf32>, vector<16xi32> -> vector<16xf32>
        %mul3A_655 = arith.constant 16 : i32
        %mul3A_656 = arith.muli %scan3A_65, %mul3A_655 : i32
        %add3A_657 = arith.constant 6 : i32
        %add3A_658 = arith.addi %mul3A_656, %add3A_657 : i32
        %get3A_659 = arith.index_cast %add3A_658 : i32 to index
        %get3A_660 = arith.constant 0 : index
        %get3A_661 = tpu.vector_load %arg10[%get3A_659, %get3A_660] {strides = array<i32>} : memref<128x128xf32, #tpu.memory_space<vmem>>, vector<1x16xf32>,
        %get3A_662 = vector.shape_cast %get3A_661 : vector<1x16xf32> to vector<16xf32>
        %mul3A_663 = arith.mulf %get3A_662, %gather3A_654 : vector<16xf32>
        %swap3A_664 = arith.index_cast %add3A_658 : i32 to index
        %swap3A_665 = arith.constant 0 : index
        %swap3A_666 = tpu.vector_load %arg10[%swap3A_664, %swap3A_665] {strides = array<i32>} : memref<128x128xf32, #tpu.memory_space<vmem>>, vector<1x16xf32>,
        %swap3A_667 = vector.shape_cast %swap3A_666 : vector<1x16xf32> to vector<16xf32>
        %swap3A_668 = vector.shape_cast %mul3A_663 : vector<16xf32> to vector<1x16xf32>
        tpu.vector_store %arg10[%swap3A_664, %swap3A_665], %swap3A_668 {strides = array<i32>} : memref<128x128xf32, #tpu.memory_space<vmem>>, vector<1x16xf32>,
        %get3A_669 = arith.index_cast %add3A_658 : i32 to index
        %get3A_670 = arith.constant 16 : index
        %get3A_671 = tpu.vector_load %arg10[%get3A_669, %get3A_670] {strides = array<i32>} : memref<128x128xf32, #tpu.memory_space<vmem>>, vector<1x16xf32>,
        %get3A_672 = vector.shape_cast %get3A_671 : vector<1x16xf32> to vector<16xf32>
        %mul3A_673 = arith.mulf %get3A_672, %gather3A_654 : vector<16xf32>
        %swap3A_674 = arith.index_cast %add3A_658 : i32 to index
        %swap3A_675 = arith.constant 16 : index
        %swap3A_676 = tpu.vector_load %arg10[%swap3A_674, %swap3A_675] {strides = array<i32>} : memref<128x128xf32, #tpu.memory_space<vmem>>, vector<1x16xf32>,
        %swap3A_677 = vector.shape_cast %swap3A_676 : vector<1x16xf32> to vector<16xf32>
        %swap3A_678 = vector.shape_cast %mul3A_673 : vector<16xf32> to vector<1x16xf32>
        tpu.vector_store %arg10[%swap3A_674, %swap3A_675], %swap3A_678 {strides = array<i32>} : memref<128x128xf32, #tpu.memory_space<vmem>>, vector<1x16xf32>,
        %get3A_679 = arith.index_cast %add3A_658 : i32 to index
        %get3A_680 = arith.constant 32 : index
        %get3A_681 = tpu.vector_load %arg10[%get3A_679, %get3A_680] {strides = array<i32>} : memref<128x128xf32, #tpu.memory_space<vmem>>, vector<1x16xf32>,
        %get3A_682 = vector.shape_cast %get3A_681 : vector<1x16xf32> to vector<16xf32>
        %mul3A_683 = arith.mulf %get3A_682, %gather3A_654 : vector<16xf32>
        %swap3A_684 = arith.index_cast %add3A_658 : i32 to index
        %swap3A_685 = arith.constant 32 : index
        %swap3A_686 = tpu.vector_load %arg10[%swap3A_684, %swap3A_685] {strides = array<i32>} : memref<128x128xf32, #tpu.memory_space<vmem>>, vector<1x16xf32>,
        %swap3A_687 = vector.shape_cast %swap3A_686 : vector<1x16xf32> to vector<16xf32>
        %swap3A_688 = vector.shape_cast %mul3A_683 : vector<16xf32> to vector<1x16xf32>
        tpu.vector_store %arg10[%swap3A_684, %swap3A_685], %swap3A_688 {strides = array<i32>} : memref<128x128xf32, #tpu.memory_space<vmem>>, vector<1x16xf32>,
        %get3A_689 = arith.index_cast %add3A_658 : i32 to index
        %get3A_690 = arith.constant 48 : index
        %get3A_691 = tpu.vector_load %arg10[%get3A_689, %get3A_690] {strides = array<i32>} : memref<128x128xf32, #tpu.memory_space<vmem>>, vector<1x16xf32>,
        %get3A_692 = vector.shape_cast %get3A_691 : vector<1x16xf32> to vector<16xf32>
        %mul3A_693 = arith.mulf %get3A_692, %gather3A_654 : vector<16xf32>
        %swap3A_694 = arith.index_cast %add3A_658 : i32 to index
        %swap3A_695 = arith.constant 48 : index
        %swap3A_696 = tpu.vector_load %arg10[%swap3A_694, %swap3A_695] {strides = array<i32>} : memref<128x128xf32, #tpu.memory_space<vmem>>, vector<1x16xf32>,
        %swap3A_697 = vector.shape_cast %swap3A_696 : vector<1x16xf32> to vector<16xf32>
        %swap3A_698 = vector.shape_cast %mul3A_693 : vector<16xf32> to vector<1x16xf32>
        tpu.vector_store %arg10[%swap3A_694, %swap3A_695], %swap3A_698 {strides = array<i32>} : memref<128x128xf32, #tpu.memory_space<vmem>>, vector<1x16xf32>,
        %get3A_699 = arith.index_cast %add3A_658 : i32 to index
        %get3A_700 = arith.constant 64 : index
        %get3A_701 = tpu.vector_load %arg10[%get3A_699, %get3A_700] {strides = array<i32>} : memref<128x128xf32, #tpu.memory_space<vmem>>, vector<1x16xf32>,
        %get3A_702 = vector.shape_cast %get3A_701 : vector<1x16xf32> to vector<16xf32>
        %mul3A_703 = arith.mulf %get3A_702, %gather3A_654 : vector<16xf32>
        %swap3A_704 = arith.index_cast %add3A_658 : i32 to index
        %swap3A_705 = arith.constant 64 : index
        %swap3A_706 = tpu.vector_load %arg10[%swap3A_704, %swap3A_705] {strides = array<i32>} : memref<128x128xf32, #tpu.memory_space<vmem>>, vector<1x16xf32>,
        %swap3A_707 = vector.shape_cast %swap3A_706 : vector<1x16xf32> to vector<16xf32>
        %swap3A_708 = vector.shape_cast %mul3A_703 : vector<16xf32> to vector<1x16xf32>
        tpu.vector_store %arg10[%swap3A_704, %swap3A_705], %swap3A_708 {strides = array<i32>} : memref<128x128xf32, #tpu.memory_space<vmem>>, vector<1x16xf32>,
        %get3A_709 = arith.index_cast %add3A_658 : i32 to index
        %get3A_710 = arith.constant 80 : index
        %get3A_711 = tpu.vector_load %arg10[%get3A_709, %get3A_710] {strides = array<i32>} : memref<128x128xf32, #tpu.memory_space<vmem>>, vector<1x16xf32>,
        %get3A_712 = vector.shape_cast %get3A_711 : vector<1x16xf32> to vector<16xf32>
        %mul3A_713 = arith.mulf %get3A_712, %gather3A_654 : vector<16xf32>
        %swap3A_714 = arith.index_cast %add3A_658 : i32 to index
        %swap3A_715 = arith.constant 80 : index
        %swap3A_716 = tpu.vector_load %arg10[%swap3A_714, %swap3A_715] {strides = array<i32>} : memref<128x128xf32, #tpu.memory_space<vmem>>, vector<1x16xf32>,
        %swap3A_717 = vector.shape_cast %swap3A_716 : vector<1x16xf32> to vector<16xf32>
        %swap3A_718 = vector.shape_cast %mul3A_713 : vector<16xf32> to vector<1x16xf32>
        tpu.vector_store %arg10[%swap3A_714, %swap3A_715], %swap3A_718 {strides = array<i32>} : memref<128x128xf32, #tpu.memory_space<vmem>>, vector<1x16xf32>,
        %get3A_719 = arith.index_cast %add3A_658 : i32 to index
        %get3A_720 = arith.constant 96 : index
        %get3A_721 = tpu.vector_load %arg10[%get3A_719, %get3A_720] {strides = array<i32>} : memref<128x128xf32, #tpu.memory_space<vmem>>, vector<1x16xf32>,
        %get3A_722 = vector.shape_cast %get3A_721 : vector<1x16xf32> to vector<16xf32>
        %mul3A_723 = arith.mulf %get3A_722, %gather3A_654 : vector<16xf32>
        %swap3A_724 = arith.index_cast %add3A_658 : i32 to index
        %swap3A_725 = arith.constant 96 : index
        %swap3A_726 = tpu.vector_load %arg10[%swap3A_724, %swap3A_725] {strides = array<i32>} : memref<128x128xf32, #tpu.memory_space<vmem>>, vector<1x16xf32>,
        %swap3A_727 = vector.shape_cast %swap3A_726 : vector<1x16xf32> to vector<16xf32>
        %swap3A_728 = vector.shape_cast %mul3A_723 : vector<16xf32> to vector<1x16xf32>
        tpu.vector_store %arg10[%swap3A_724, %swap3A_725], %swap3A_728 {strides = array<i32>} : memref<128x128xf32, #tpu.memory_space<vmem>>, vector<1x16xf32>,
        %get3A_729 = arith.index_cast %add3A_658 : i32 to index
        %get3A_730 = arith.constant 112 : index
        %get3A_731 = tpu.vector_load %arg10[%get3A_729, %get3A_730] {strides = array<i32>} : memref<128x128xf32, #tpu.memory_space<vmem>>, vector<1x16xf32>,
        %get3A_732 = vector.shape_cast %get3A_731 : vector<1x16xf32> to vector<16xf32>
        %mul3A_733 = arith.mulf %get3A_732, %gather3A_654 : vector<16xf32>
        %swap3A_734 = arith.index_cast %add3A_658 : i32 to index
        %swap3A_735 = arith.constant 112 : index
        %swap3A_736 = tpu.vector_load %arg10[%swap3A_734, %swap3A_735] {strides = array<i32>} : memref<128x128xf32, #tpu.memory_space<vmem>>, vector<1x16xf32>,
        %swap3A_737 = vector.shape_cast %swap3A_736 : vector<1x16xf32> to vector<16xf32>
        %swap3A_738 = vector.shape_cast %mul3A_733 : vector<16xf32> to vector<1x16xf32>
        tpu.vector_store %arg10[%swap3A_734, %swap3A_735], %swap3A_738 {strides = array<i32>} : memref<128x128xf32, #tpu.memory_space<vmem>>, vector<1x16xf32>,
        %broadcast_in_dim3A_739 = arith.constant 7 : i32
        %broadcast_in_dim3A_740 = vector.broadcast %broadcast_in_dim3A_739 : i32 to vector<16xi32>
        %lt3A_741 = arith.constant 0 : i32
        %lt3A_742 = vector.broadcast %lt3A_741 : i32 to vector<16xi32>
        %lt3A_743 = arith.cmpi slt, %broadcast_in_dim3A_740, %lt3A_742 : vector<16xi32>
        %add3A_744 = arith.constant 16 : i32
        %add3A_745 = vector.broadcast %add3A_744 : i32 to vector<16xi32>
        %add3A_746 = arith.addi %broadcast_in_dim3A_740, %add3A_745 : vector<16xi32>
        %select_n3A_747 = arith.select %lt3A_743, %add3A_746, %broadcast_in_dim3A_740 : vector<16xi1>, vector<16xi32>
        %broadcast_in_dim3A_748 = vector.shape_cast %select_n3A_747 : vector<16xi32> to vector<16x1xi32>
        %gather3A_749 = vector.shape_cast %broadcast_in_dim3A_748 : vector<16x1xi32> to vector<16xi32>
        %gather3A_750 = tpu.dynamic_gather %get3A_70[%gather3A_749] in [0] : vector<16xf32>, vector<16xi32> -> vector<16xf32>
        %mul3A_751 = arith.constant 16 : i32
        %mul3A_752 = arith.muli %scan3A_65, %mul3A_751 : i32
        %add3A_753 = arith.constant 7 : i32
        %add3A_754 = arith.addi %mul3A_752, %add3A_753 : i32
        %get3A_755 = arith.index_cast %add3A_754 : i32 to index
        %get3A_756 = arith.constant 0 : index
        %get3A_757 = tpu.vector_load %arg10[%get3A_755, %get3A_756] {strides = array<i32>} : memref<128x128xf32, #tpu.memory_space<vmem>>, vector<1x16xf32>,
        %get3A_758 = vector.shape_cast %get3A_757 : vector<1x16xf32> to vector<16xf32>
        %mul3A_759 = arith.mulf %get3A_758, %gather3A_750 : vector<16xf32>
        %swap3A_760 = arith.index_cast %add3A_754 : i32 to index
        %swap3A_761 = arith.constant 0 : index
        %swap3A_762 = tpu.vector_load %arg10[%swap3A_760, %swap3A_761] {strides = array<i32>} : memref<128x128xf32, #tpu.memory_space<vmem>>, vector<1x16xf32>,
        %swap3A_763 = vector.shape_cast %swap3A_762 : vector<1x16xf32> to vector<16xf32>
        %swap3A_764 = vector.shape_cast %mul3A_759 : vector<16xf32> to vector<1x16xf32>
        tpu.vector_store %arg10[%swap3A_760, %swap3A_761], %swap3A_764 {strides = array<i32>} : memref<128x128xf32, #tpu.memory_space<vmem>>, vector<1x16xf32>,
        %get3A_765 = arith.index_cast %add3A_754 : i32 to index
        %get3A_766 = arith.constant 16 : index
        %get3A_767 = tpu.vector_load %arg10[%get3A_765, %get3A_766] {strides = array<i32>} : memref<128x128xf32, #tpu.memory_space<vmem>>, vector<1x16xf32>,
        %get3A_768 = vector.shape_cast %get3A_767 : vector<1x16xf32> to vector<16xf32>
        %mul3A_769 = arith.mulf %get3A_768, %gather3A_750 : vector<16xf32>
        %swap3A_770 = arith.index_cast %add3A_754 : i32 to index
        %swap3A_771 = arith.constant 16 : index
        %swap3A_772 = tpu.vector_load %arg10[%swap3A_770, %swap3A_771] {strides = array<i32>} : memref<128x128xf32, #tpu.memory_space<vmem>>, vector<1x16xf32>,
        %swap3A_773 = vector.shape_cast %swap3A_772 : vector<1x16xf32> to vector<16xf32>
        %swap3A_774 = vector.shape_cast %mul3A_769 : vector<16xf32> to vector<1x16xf32>
        tpu.vector_store %arg10[%swap3A_770, %swap3A_771], %swap3A_774 {strides = array<i32>} : memref<128x128xf32, #tpu.memory_space<vmem>>, vector<1x16xf32>,
        %get3A_775 = arith.index_cast %add3A_754 : i32 to index
        %get3A_776 = arith.constant 32 : index
        %get3A_777 = tpu.vector_load %arg10[%get3A_775, %get3A_776] {strides = array<i32>} : memref<128x128xf32, #tpu.memory_space<vmem>>, vector<1x16xf32>,
        %get3A_778 = vector.shape_cast %get3A_777 : vector<1x16xf32> to vector<16xf32>
        %mul3A_779 = arith.mulf %get3A_778, %gather3A_750 : vector<16xf32>
        %swap3A_780 = arith.index_cast %add3A_754 : i32 to index
        %swap3A_781 = arith.constant 32 : index
        %swap3A_782 = tpu.vector_load %arg10[%swap3A_780, %swap3A_781] {strides = array<i32>} : memref<128x128xf32, #tpu.memory_space<vmem>>, vector<1x16xf32>,
        %swap3A_783 = vector.shape_cast %swap3A_782 : vector<1x16xf32> to vector<16xf32>
        %swap3A_784 = vector.shape_cast %mul3A_779 : vector<16xf32> to vector<1x16xf32>
        tpu.vector_store %arg10[%swap3A_780, %swap3A_781], %swap3A_784 {strides = array<i32>} : memref<128x128xf32, #tpu.memory_space<vmem>>, vector<1x16xf32>,
        %get3A_785 = arith.index_cast %add3A_754 : i32 to index
        %get3A_786 = arith.constant 48 : index
        %get3A_787 = tpu.vector_load %arg10[%get3A_785, %get3A_786] {strides = array<i32>} : memref<128x128xf32, #tpu.memory_space<vmem>>, vector<1x16xf32>,
        %get3A_788 = vector.shape_cast %get3A_787 : vector<1x16xf32> to vector<16xf32>
        %mul3A_789 = arith.mulf %get3A_788, %gather3A_750 : vector<16xf32>
        %swap3A_790 = arith.index_cast %add3A_754 : i32 to index
        %swap3A_791 = arith.constant 48 : index
        %swap3A_792 = tpu.vector_load %arg10[%swap3A_790, %swap3A_791] {strides = array<i32>} : memref<128x128xf32, #tpu.memory_space<vmem>>, vector<1x16xf32>,
        %swap3A_793 = vector.shape_cast %swap3A_792 : vector<1x16xf32> to vector<16xf32>
        %swap3A_794 = vector.shape_cast %mul3A_789 : vector<16xf32> to vector<1x16xf32>
        tpu.vector_store %arg10[%swap3A_790, %swap3A_791], %swap3A_794 {strides = array<i32>} : memref<128x128xf32, #tpu.memory_space<vmem>>, vector<1x16xf32>,
        %get3A_795 = arith.index_cast %add3A_754 : i32 to index
        %get3A_796 = arith.constant 64 : index
        %get3A_797 = tpu.vector_load %arg10[%get3A_795, %get3A_796] {strides = array<i32>} : memref<128x128xf32, #tpu.memory_space<vmem>>, vector<1x16xf32>,
        %get3A_798 = vector.shape_cast %get3A_797 : vector<1x16xf32> to vector<16xf32>
        %mul3A_799 = arith.mulf %get3A_798, %gather3A_750 : vector<16xf32>
        %swap3A_800 = arith.index_cast %add3A_754 : i32 to index
        %swap3A_801 = arith.constant 64 : index
        %swap3A_802 = tpu.vector_load %arg10[%swap3A_800, %swap3A_801] {strides = array<i32>} : memref<128x128xf32, #tpu.memory_space<vmem>>, vector<1x16xf32>,
        %swap3A_803 = vector.shape_cast %swap3A_802 : vector<1x16xf32> to vector<16xf32>
        %swap3A_804 = vector.shape_cast %mul3A_799 : vector<16xf32> to vector<1x16xf32>
        tpu.vector_store %arg10[%swap3A_800, %swap3A_801], %swap3A_804 {strides = array<i32>} : memref<128x128xf32, #tpu.memory_space<vmem>>, vector<1x16xf32>,
        %get3A_805 = arith.index_cast %add3A_754 : i32 to index
        %get3A_806 = arith.constant 80 : index
        %get3A_807 = tpu.vector_load %arg10[%get3A_805, %get3A_806] {strides = array<i32>} : memref<128x128xf32, #tpu.memory_space<vmem>>, vector<1x16xf32>,
        %get3A_808 = vector.shape_cast %get3A_807 : vector<1x16xf32> to vector<16xf32>
        %mul3A_809 = arith.mulf %get3A_808, %gather3A_750 : vector<16xf32>
        %swap3A_810 = arith.index_cast %add3A_754 : i32 to index
        %swap3A_811 = arith.constant 80 : index
        %swap3A_812 = tpu.vector_load %arg10[%swap3A_810, %swap3A_811] {strides = array<i32>} : memref<128x128xf32, #tpu.memory_space<vmem>>, vector<1x16xf32>,
        %swap3A_813 = vector.shape_cast %swap3A_812 : vector<1x16xf32> to vector<16xf32>
        %swap3A_814 = vector.shape_cast %mul3A_809 : vector<16xf32> to vector<1x16xf32>
        tpu.vector_store %arg10[%swap3A_810, %swap3A_811], %swap3A_814 {strides = array<i32>} : memref<128x128xf32, #tpu.memory_space<vmem>>, vector<1x16xf32>,
        %get3A_815 = arith.index_cast %add3A_754 : i32 to index
        %get3A_816 = arith.constant 96 : index
        %get3A_817 = tpu.vector_load %arg10[%get3A_815, %get3A_816] {strides = array<i32>} : memref<128x128xf32, #tpu.memory_space<vmem>>, vector<1x16xf32>,
        %get3A_818 = vector.shape_cast %get3A_817 : vector<1x16xf32> to vector<16xf32>
        %mul3A_819 = arith.mulf %get3A_818, %gather3A_750 : vector<16xf32>
        %swap3A_820 = arith.index_cast %add3A_754 : i32 to index
        %swap3A_821 = arith.constant 96 : index
        %swap3A_822 = tpu.vector_load %arg10[%swap3A_820, %swap3A_821] {strides = array<i32>} : memref<128x128xf32, #tpu.memory_space<vmem>>, vector<1x16xf32>,
        %swap3A_823 = vector.shape_cast %swap3A_822 : vector<1x16xf32> to vector<16xf32>
        %swap3A_824 = vector.shape_cast %mul3A_819 : vector<16xf32> to vector<1x16xf32>
        tpu.vector_store %arg10[%swap3A_820, %swap3A_821], %swap3A_824 {strides = array<i32>} : memref<128x128xf32, #tpu.memory_space<vmem>>, vector<1x16xf32>,
        %get3A_825 = arith.index_cast %add3A_754 : i32 to index
        %get3A_826 = arith.constant 112 : index
        %get3A_827 = tpu.vector_load %arg10[%get3A_825, %get3A_826] {strides = array<i32>} : memref<128x128xf32, #tpu.memory_space<vmem>>, vector<1x16xf32>,
        %get3A_828 = vector.shape_cast %get3A_827 : vector<1x16xf32> to vector<16xf32>
        %mul3A_829 = arith.mulf %get3A_828, %gather3A_750 : vector<16xf32>
        %swap3A_830 = arith.index_cast %add3A_754 : i32 to index
        %swap3A_831 = arith.constant 112 : index
        %swap3A_832 = tpu.vector_load %arg10[%swap3A_830, %swap3A_831] {strides = array<i32>} : memref<128x128xf32, #tpu.memory_space<vmem>>, vector<1x16xf32>,
        %swap3A_833 = vector.shape_cast %swap3A_832 : vector<1x16xf32> to vector<16xf32>
        %swap3A_834 = vector.shape_cast %mul3A_829 : vector<16xf32> to vector<1x16xf32>
        tpu.vector_store %arg10[%swap3A_830, %swap3A_831], %swap3A_834 {strides = array<i32>} : memref<128x128xf32, #tpu.memory_space<vmem>>, vector<1x16xf32>,
        %broadcast_in_dim3A_835 = arith.constant 8 : i32
        %broadcast_in_dim3A_836 = vector.broadcast %broadcast_in_dim3A_835 : i32 to vector<16xi32>
        %lt3A_837 = arith.constant 0 : i32
        %lt3A_838 = vector.broadcast %lt3A_837 : i32 to vector<16xi32>
        %lt3A_839 = arith.cmpi slt, %broadcast_in_dim3A_836, %lt3A_838 : vector<16xi32>
        %add3A_840 = arith.constant 16 : i32
        %add3A_841 = vector.broadcast %add3A_840 : i32 to vector<16xi32>
        %add3A_842 = arith.addi %broadcast_in_dim3A_836, %add3A_841 : vector<16xi32>
        %select_n3A_843 = arith.select %lt3A_839, %add3A_842, %broadcast_in_dim3A_836 : vector<16xi1>, vector<16xi32>
        %broadcast_in_dim3A_844 = vector.shape_cast %select_n3A_843 : vector<16xi32> to vector<16x1xi32>
        %gather3A_845 = vector.shape_cast %broadcast_in_dim3A_844 : vector<16x1xi32> to vector<16xi32>
        %gather3A_846 = tpu.dynamic_gather %get3A_70[%gather3A_845] in [0] : vector<16xf32>, vector<16xi32> -> vector<16xf32>
        %mul3A_847 = arith.constant 16 : i32
        %mul3A_848 = arith.muli %scan3A_65, %mul3A_847 : i32
        %add3A_849 = arith.constant 8 : i32
        %add3A_850 = arith.addi %mul3A_848, %add3A_849 : i32
        %get3A_851 = arith.index_cast %add3A_850 : i32 to index
        %get3A_852 = arith.constant 0 : index
        %get3A_853 = tpu.vector_load %arg10[%get3A_851, %get3A_852] {strides = array<i32>} : memref<128x128xf32, #tpu.memory_space<vmem>>, vector<1x16xf32>,
        %get3A_854 = vector.shape_cast %get3A_853 : vector<1x16xf32> to vector<16xf32>
        %mul3A_855 = arith.mulf %get3A_854, %gather3A_846 : vector<16xf32>
        %swap3A_856 = arith.index_cast %add3A_850 : i32 to index
        %swap3A_857 = arith.constant 0 : index
        %swap3A_858 = tpu.vector_load %arg10[%swap3A_856, %swap3A_857] {strides = array<i32>} : memref<128x128xf32, #tpu.memory_space<vmem>>, vector<1x16xf32>,
        %swap3A_859 = vector.shape_cast %swap3A_858 : vector<1x16xf32> to vector<16xf32>
        %swap3A_860 = vector.shape_cast %mul3A_855 : vector<16xf32> to vector<1x16xf32>
        tpu.vector_store %arg10[%swap3A_856, %swap3A_857], %swap3A_860 {strides = array<i32>} : memref<128x128xf32, #tpu.memory_space<vmem>>, vector<1x16xf32>,
        %get3A_861 = arith.index_cast %add3A_850 : i32 to index
        %get3A_862 = arith.constant 16 : index
        %get3A_863 = tpu.vector_load %arg10[%get3A_861, %get3A_862] {strides = array<i32>} : memref<128x128xf32, #tpu.memory_space<vmem>>, vector<1x16xf32>,
        %get3A_864 = vector.shape_cast %get3A_863 : vector<1x16xf32> to vector<16xf32>
        %mul3A_865 = arith.mulf %get3A_864, %gather3A_846 : vector<16xf32>
        %swap3A_866 = arith.index_cast %add3A_850 : i32 to index
        %swap3A_867 = arith.constant 16 : index
        %swap3A_868 = tpu.vector_load %arg10[%swap3A_866, %swap3A_867] {strides = array<i32>} : memref<128x128xf32, #tpu.memory_space<vmem>>, vector<1x16xf32>,
        %swap3A_869 = vector.shape_cast %swap3A_868 : vector<1x16xf32> to vector<16xf32>
        %swap3A_870 = vector.shape_cast %mul3A_865 : vector<16xf32> to vector<1x16xf32>
        tpu.vector_store %arg10[%swap3A_866, %swap3A_867], %swap3A_870 {strides = array<i32>} : memref<128x128xf32, #tpu.memory_space<vmem>>, vector<1x16xf32>,
        %get3A_871 = arith.index_cast %add3A_850 : i32 to index
        %get3A_872 = arith.constant 32 : index
        %get3A_873 = tpu.vector_load %arg10[%get3A_871, %get3A_872] {strides = array<i32>} : memref<128x128xf32, #tpu.memory_space<vmem>>, vector<1x16xf32>,
        %get3A_874 = vector.shape_cast %get3A_873 : vector<1x16xf32> to vector<16xf32>
        %mul3A_875 = arith.mulf %get3A_874, %gather3A_846 : vector<16xf32>
        %swap3A_876 = arith.index_cast %add3A_850 : i32 to index
        %swap3A_877 = arith.constant 32 : index
        %swap3A_878 = tpu.vector_load %arg10[%swap3A_876, %swap3A_877] {strides = array<i32>} : memref<128x128xf32, #tpu.memory_space<vmem>>, vector<1x16xf32>,
        %swap3A_879 = vector.shape_cast %swap3A_878 : vector<1x16xf32> to vector<16xf32>
        %swap3A_880 = vector.shape_cast %mul3A_875 : vector<16xf32> to vector<1x16xf32>
        tpu.vector_store %arg10[%swap3A_876, %swap3A_877], %swap3A_880 {strides = array<i32>} : memref<128x128xf32, #tpu.memory_space<vmem>>, vector<1x16xf32>,
        %get3A_881 = arith.index_cast %add3A_850 : i32 to index
        %get3A_882 = arith.constant 48 : index
        %get3A_883 = tpu.vector_load %arg10[%get3A_881, %get3A_882] {strides = array<i32>} : memref<128x128xf32, #tpu.memory_space<vmem>>, vector<1x16xf32>,
        %get3A_884 = vector.shape_cast %get3A_883 : vector<1x16xf32> to vector<16xf32>
        %mul3A_885 = arith.mulf %get3A_884, %gather3A_846 : vector<16xf32>
        %swap3A_886 = arith.index_cast %add3A_850 : i32 to index
        %swap3A_887 = arith.constant 48 : index
        %swap3A_888 = tpu.vector_load %arg10[%swap3A_886, %swap3A_887] {strides = array<i32>} : memref<128x128xf32, #tpu.memory_space<vmem>>, vector<1x16xf32>,
        %swap3A_889 = vector.shape_cast %swap3A_888 : vector<1x16xf32> to vector<16xf32>
        %swap3A_890 = vector.shape_cast %mul3A_885 : vector<16xf32> to vector<1x16xf32>
        tpu.vector_store %arg10[%swap3A_886, %swap3A_887], %swap3A_890 {strides = array<i32>} : memref<128x128xf32, #tpu.memory_space<vmem>>, vector<1x16xf32>,
        %get3A_891 = arith.index_cast %add3A_850 : i32 to index
        %get3A_892 = arith.constant 64 : index
        %get3A_893 = tpu.vector_load %arg10[%get3A_891, %get3A_892] {strides = array<i32>} : memref<128x128xf32, #tpu.memory_space<vmem>>, vector<1x16xf32>,
        %get3A_894 = vector.shape_cast %get3A_893 : vector<1x16xf32> to vector<16xf32>
        %mul3A_895 = arith.mulf %get3A_894, %gather3A_846 : vector<16xf32>
        %swap3A_896 = arith.index_cast %add3A_850 : i32 to index
        %swap3A_897 = arith.constant 64 : index
        %swap3A_898 = tpu.vector_load %arg10[%swap3A_896, %swap3A_897] {strides = array<i32>} : memref<128x128xf32, #tpu.memory_space<vmem>>, vector<1x16xf32>,
        %swap3A_899 = vector.shape_cast %swap3A_898 : vector<1x16xf32> to vector<16xf32>
        %swap3A_900 = vector.shape_cast %mul3A_895 : vector<16xf32> to vector<1x16xf32>
        tpu.vector_store %arg10[%swap3A_896, %swap3A_897], %swap3A_900 {strides = array<i32>} : memref<128x128xf32, #tpu.memory_space<vmem>>, vector<1x16xf32>,
        %get3A_901 = arith.index_cast %add3A_850 : i32 to index
        %get3A_902 = arith.constant 80 : index
        %get3A_903 = tpu.vector_load %arg10[%get3A_901, %get3A_902] {strides = array<i32>} : memref<128x128xf32, #tpu.memory_space<vmem>>, vector<1x16xf32>,
        %get3A_904 = vector.shape_cast %get3A_903 : vector<1x16xf32> to vector<16xf32>
        %mul3A_905 = arith.mulf %get3A_904, %gather3A_846 : vector<16xf32>
        %swap3A_906 = arith.index_cast %add3A_850 : i32 to index
        %swap3A_907 = arith.constant 80 : index
        %swap3A_908 = tpu.vector_load %arg10[%swap3A_906, %swap3A_907] {strides = array<i32>} : memref<128x128xf32, #tpu.memory_space<vmem>>, vector<1x16xf32>,
        %swap3A_909 = vector.shape_cast %swap3A_908 : vector<1x16xf32> to vector<16xf32>
        %swap3A_910 = vector.shape_cast %mul3A_905 : vector<16xf32> to vector<1x16xf32>
        tpu.vector_store %arg10[%swap3A_906, %swap3A_907], %swap3A_910 {strides = array<i32>} : memref<128x128xf32, #tpu.memory_space<vmem>>, vector<1x16xf32>,
        %get3A_911 = arith.index_cast %add3A_850 : i32 to index
        %get3A_912 = arith.constant 96 : index
        %get3A_913 = tpu.vector_load %arg10[%get3A_911, %get3A_912] {strides = array<i32>} : memref<128x128xf32, #tpu.memory_space<vmem>>, vector<1x16xf32>,
        %get3A_914 = vector.shape_cast %get3A_913 : vector<1x16xf32> to vector<16xf32>
        %mul3A_915 = arith.mulf %get3A_914, %gather3A_846 : vector<16xf32>
        %swap3A_916 = arith.index_cast %add3A_850 : i32 to index
        %swap3A_917 = arith.constant 96 : index
        %swap3A_918 = tpu.vector_load %arg10[%swap3A_916, %swap3A_917] {strides = array<i32>} : memref<128x128xf32, #tpu.memory_space<vmem>>, vector<1x16xf32>,
        %swap3A_919 = vector.shape_cast %swap3A_918 : vector<1x16xf32> to vector<16xf32>
        %swap3A_920 = vector.shape_cast %mul3A_915 : vector<16xf32> to vector<1x16xf32>
        tpu.vector_store %arg10[%swap3A_916, %swap3A_917], %swap3A_920 {strides = array<i32>} : memref<128x128xf32, #tpu.memory_space<vmem>>, vector<1x16xf32>,
        %get3A_921 = arith.index_cast %add3A_850 : i32 to index
        %get3A_922 = arith.constant 112 : index
        %get3A_923 = tpu.vector_load %arg10[%get3A_921, %get3A_922] {strides = array<i32>} : memref<128x128xf32, #tpu.memory_space<vmem>>, vector<1x16xf32>,
        %get3A_924 = vector.shape_cast %get3A_923 : vector<1x16xf32> to vector<16xf32>
        %mul3A_925 = arith.mulf %get3A_924, %gather3A_846 : vector<16xf32>
        %swap3A_926 = arith.index_cast %add3A_850 : i32 to index
        %swap3A_927 = arith.constant 112 : index
        %swap3A_928 = tpu.vector_load %arg10[%swap3A_926, %swap3A_927] {strides = array<i32>} : memref<128x128xf32, #tpu.memory_space<vmem>>, vector<1x16xf32>,
        %swap3A_929 = vector.shape_cast %swap3A_928 : vector<1x16xf32> to vector<16xf32>
        %swap3A_930 = vector.shape_cast %mul3A_925 : vector<16xf32> to vector<1x16xf32>
        tpu.vector_store %arg10[%swap3A_926, %swap3A_927], %swap3A_930 {strides = array<i32>} : memref<128x128xf32, #tpu.memory_space<vmem>>, vector<1x16xf32>,
        %broadcast_in_dim3A_931 = arith.constant 9 : i32
        %broadcast_in_dim3A_932 = vector.broadcast %broadcast_in_dim3A_931 : i32 to vector<16xi32>
        %lt3A_933 = arith.constant 0 : i32
        %lt3A_934 = vector.broadcast %lt3A_933 : i32 to vector<16xi32>
        %lt3A_935 = arith.cmpi slt, %broadcast_in_dim3A_932, %lt3A_934 : vector<16xi32>
        %add3A_936 = arith.constant 16 : i32
        %add3A_937 = vector.broadcast %add3A_936 : i32 to vector<16xi32>
        %add3A_938 = arith.addi %broadcast_in_dim3A_932, %add3A_937 : vector<16xi32>
        %select_n3A_939 = arith.select %lt3A_935, %add3A_938, %broadcast_in_dim3A_932 : vector<16xi1>, vector<16xi32>
        %broadcast_in_dim3A_940 = vector.shape_cast %select_n3A_939 : vector<16xi32> to vector<16x1xi32>
        %gather3A_941 = vector.shape_cast %broadcast_in_dim3A_940 : vector<16x1xi32> to vector<16xi32>
        %gather3A_942 = tpu.dynamic_gather %get3A_70[%gather3A_941] in [0] : vector<16xf32>, vector<16xi32> -> vector<16xf32>
        %mul3A_943 = arith.constant 16 : i32
        %mul3A_944 = arith.muli %scan3A_65, %mul3A_943 : i32
        %add3A_945 = arith.constant 9 : i32
        %add3A_946 = arith.addi %mul3A_944, %add3A_945 : i32
        %get3A_947 = arith.index_cast %add3A_946 : i32 to index
        %get3A_948 = arith.constant 0 : index
        %get3A_949 = tpu.vector_load %arg10[%get3A_947, %get3A_948] {strides = array<i32>} : memref<128x128xf32, #tpu.memory_space<vmem>>, vector<1x16xf32>,
        %get3A_950 = vector.shape_cast %get3A_949 : vector<1x16xf32> to vector<16xf32>
        %mul3A_951 = arith.mulf %get3A_950, %gather3A_942 : vector<16xf32>
        %swap3A_952 = arith.index_cast %add3A_946 : i32 to index
        %swap3A_953 = arith.constant 0 : index
        %swap3A_954 = tpu.vector_load %arg10[%swap3A_952, %swap3A_953] {strides = array<i32>} : memref<128x128xf32, #tpu.memory_space<vmem>>, vector<1x16xf32>,
        %swap3A_955 = vector.shape_cast %swap3A_954 : vector<1x16xf32> to vector<16xf32>
        %swap3A_956 = vector.shape_cast %mul3A_951 : vector<16xf32> to vector<1x16xf32>
        tpu.vector_store %arg10[%swap3A_952, %swap3A_953], %swap3A_956 {strides = array<i32>} : memref<128x128xf32, #tpu.memory_space<vmem>>, vector<1x16xf32>,
        %get3A_957 = arith.index_cast %add3A_946 : i32 to index
        %get3A_958 = arith.constant 16 : index
        %get3A_959 = tpu.vector_load %arg10[%get3A_957, %get3A_958] {strides = array<i32>} : memref<128x128xf32, #tpu.memory_space<vmem>>, vector<1x16xf32>,
        %get3A_960 = vector.shape_cast %get3A_959 : vector<1x16xf32> to vector<16xf32>
        %mul3A_961 = arith.mulf %get3A_960, %gather3A_942 : vector<16xf32>
        %swap3A_962 = arith.index_cast %add3A_946 : i32 to index
        %swap3A_963 = arith.constant 16 : index
        %swap3A_964 = tpu.vector_load %arg10[%swap3A_962, %swap3A_963] {strides = array<i32>} : memref<128x128xf32, #tpu.memory_space<vmem>>, vector<1x16xf32>,
        %swap3A_965 = vector.shape_cast %swap3A_964 : vector<1x16xf32> to vector<16xf32>
        %swap3A_966 = vector.shape_cast %mul3A_961 : vector<16xf32> to vector<1x16xf32>
        tpu.vector_store %arg10[%swap3A_962, %swap3A_963], %swap3A_966 {strides = array<i32>} : memref<128x128xf32, #tpu.memory_space<vmem>>, vector<1x16xf32>,
        %get3A_967 = arith.index_cast %add3A_946 : i32 to index
        %get3A_968 = arith.constant 32 : index
        %get3A_969 = tpu.vector_load %arg10[%get3A_967, %get3A_968] {strides = array<i32>} : memref<128x128xf32, #tpu.memory_space<vmem>>, vector<1x16xf32>,
        %get3A_970 = vector.shape_cast %get3A_969 : vector<1x16xf32> to vector<16xf32>
        %mul3A_971 = arith.mulf %get3A_970, %gather3A_942 : vector<16xf32>
        %swap3A_972 = arith.index_cast %add3A_946 : i32 to index
        %swap3A_973 = arith.constant 32 : index
        %swap3A_974 = tpu.vector_load %arg10[%swap3A_972, %swap3A_973] {strides = array<i32>} : memref<128x128xf32, #tpu.memory_space<vmem>>, vector<1x16xf32>,
        %swap3A_975 = vector.shape_cast %swap3A_974 : vector<1x16xf32> to vector<16xf32>
        %swap3A_976 = vector.shape_cast %mul3A_971 : vector<16xf32> to vector<1x16xf32>
        tpu.vector_store %arg10[%swap3A_972, %swap3A_973], %swap3A_976 {strides = array<i32>} : memref<128x128xf32, #tpu.memory_space<vmem>>, vector<1x16xf32>,
        %get3A_977 = arith.index_cast %add3A_946 : i32 to index
        %get3A_978 = arith.constant 48 : index
        %get3A_979 = tpu.vector_load %arg10[%get3A_977, %get3A_978] {strides = array<i32>} : memref<128x128xf32, #tpu.memory_space<vmem>>, vector<1x16xf32>,
        %get3A_980 = vector.shape_cast %get3A_979 : vector<1x16xf32> to vector<16xf32>
        %mul3A_981 = arith.mulf %get3A_980, %gather3A_942 : vector<16xf32>
        %swap3A_982 = arith.index_cast %add3A_946 : i32 to index
        %swap3A_983 = arith.constant 48 : index
        %swap3A_984 = tpu.vector_load %arg10[%swap3A_982, %swap3A_983] {strides = array<i32>} : memref<128x128xf32, #tpu.memory_space<vmem>>, vector<1x16xf32>,
        %swap3A_985 = vector.shape_cast %swap3A_984 : vector<1x16xf32> to vector<16xf32>
        %swap3A_986 = vector.shape_cast %mul3A_981 : vector<16xf32> to vector<1x16xf32>
        tpu.vector_store %arg10[%swap3A_982, %swap3A_983], %swap3A_986 {strides = array<i32>} : memref<128x128xf32, #tpu.memory_space<vmem>>, vector<1x16xf32>,
        %get3A_987 = arith.index_cast %add3A_946 : i32 to index
        %get3A_988 = arith.constant 64 : index
        %get3A_989 = tpu.vector_load %arg10[%get3A_987, %get3A_988] {strides = array<i32>} : memref<128x128xf32, #tpu.memory_space<vmem>>, vector<1x16xf32>,
        %get3A_990 = vector.shape_cast %get3A_989 : vector<1x16xf32> to vector<16xf32>
        %mul3A_991 = arith.mulf %get3A_990, %gather3A_942 : vector<16xf32>
        %swap3A_992 = arith.index_cast %add3A_946 : i32 to index
        %swap3A_993 = arith.constant 64 : index
        %swap3A_994 = tpu.vector_load %arg10[%swap3A_992, %swap3A_993] {strides = array<i32>} : memref<128x128xf32, #tpu.memory_space<vmem>>, vector<1x16xf32>,
        %swap3A_995 = vector.shape_cast %swap3A_994 : vector<1x16xf32> to vector<16xf32>
        %swap3A_996 = vector.shape_cast %mul3A_991 : vector<16xf32> to vector<1x16xf32>
        tpu.vector_store %arg10[%swap3A_992, %swap3A_993], %swap3A_996 {strides = array<i32>} : memref<128x128xf32, #tpu.memory_space<vmem>>, vector<1x16xf32>,
        %get3A_997 = arith.index_cast %add3A_946 : i32 to index
        %get3A_998 = arith.constant 80 : index
        %get3A_999 = tpu.vector_load %arg10[%get3A_997, %get3A_998] {strides = array<i32>} : memref<128x128xf32, #tpu.memory_space<vmem>>, vector<1x16xf32>,
        %get3A_1000 = vector.shape_cast %get3A_999 : vector<1x16xf32> to vector<16xf32>
        %mul3A_1001 = arith.mulf %get3A_1000, %gather3A_942 : vector<16xf32>
        %swap3A_1002 = arith.index_cast %add3A_946 : i32 to index
        %swap3A_1003 = arith.constant 80 : index
        %swap3A_1004 = tpu.vector_load %arg10[%swap3A_1002, %swap3A_1003] {strides = array<i32>} : memref<128x128xf32, #tpu.memory_space<vmem>>, vector<1x16xf32>,
        %swap3A_1005 = vector.shape_cast %swap3A_1004 : vector<1x16xf32> to vector<16xf32>
        %swap3A_1006 = vector.shape_cast %mul3A_1001 : vector<16xf32> to vector<1x16xf32>
        tpu.vector_store %arg10[%swap3A_1002, %swap3A_1003], %swap3A_1006 {strides = array<i32>} : memref<128x128xf32, #tpu.memory_space<vmem>>, vector<1x16xf32>,
        %get3A_1007 = arith.index_cast %add3A_946 : i32 to index
        %get3A_1008 = arith.constant 96 : index
        %get3A_1009 = tpu.vector_load %arg10[%get3A_1007, %get3A_1008] {strides = array<i32>} : memref<128x128xf32, #tpu.memory_space<vmem>>, vector<1x16xf32>,
        %get3A_1010 = vector.shape_cast %get3A_1009 : vector<1x16xf32> to vector<16xf32>
        %mul3A_1011 = arith.mulf %get3A_1010, %gather3A_942 : vector<16xf32>
        %swap3A_1012 = arith.index_cast %add3A_946 : i32 to index
        %swap3A_1013 = arith.constant 96 : index
        %swap3A_1014 = tpu.vector_load %arg10[%swap3A_1012, %swap3A_1013] {strides = array<i32>} : memref<128x128xf32, #tpu.memory_space<vmem>>, vector<1x16xf32>,
        %swap3A_1015 = vector.shape_cast %swap3A_1014 : vector<1x16xf32> to vector<16xf32>
        %swap3A_1016 = vector.shape_cast %mul3A_1011 : vector<16xf32> to vector<1x16xf32>
        tpu.vector_store %arg10[%swap3A_1012, %swap3A_1013], %swap3A_1016 {strides = array<i32>} : memref<128x128xf32, #tpu.memory_space<vmem>>, vector<1x16xf32>,
        %get3A_1017 = arith.index_cast %add3A_946 : i32 to index
        %get3A_1018 = arith.constant 112 : index
        %get3A_1019 = tpu.vector_load %arg10[%get3A_1017, %get3A_1018] {strides = array<i32>} : memref<128x128xf32, #tpu.memory_space<vmem>>, vector<1x16xf32>,
        %get3A_1020 = vector.shape_cast %get3A_1019 : vector<1x16xf32> to vector<16xf32>
        %mul3A_1021 = arith.mulf %get3A_1020, %gather3A_942 : vector<16xf32>
        %swap3A_1022 = arith.index_cast %add3A_946 : i32 to index
        %swap3A_1023 = arith.constant 112 : index
        %swap3A_1024 = tpu.vector_load %arg10[%swap3A_1022, %swap3A_1023] {strides = array<i32>} : memref<128x128xf32, #tpu.memory_space<vmem>>, vector<1x16xf32>,
        %swap3A_1025 = vector.shape_cast %swap3A_1024 : vector<1x16xf32> to vector<16xf32>
        %swap3A_1026 = vector.shape_cast %mul3A_1021 : vector<16xf32> to vector<1x16xf32>
        tpu.vector_store %arg10[%swap3A_1022, %swap3A_1023], %swap3A_1026 {strides = array<i32>} : memref<128x128xf32, #tpu.memory_space<vmem>>, vector<1x16xf32>,
        %broadcast_in_dim3A_1027 = arith.constant 10 : i32
        %broadcast_in_dim3A_1028 = vector.broadcast %broadcast_in_dim3A_1027 : i32 to vector<16xi32>
        %lt3A_1029 = arith.constant 0 : i32
        %lt3A_1030 = vector.broadcast %lt3A_1029 : i32 to vector<16xi32>
        %lt3A_1031 = arith.cmpi slt, %broadcast_in_dim3A_1028, %lt3A_1030 : vector<16xi32>
        %add3A_1032 = arith.constant 16 : i32
        %add3A_1033 = vector.broadcast %add3A_1032 : i32 to vector<16xi32>
        %add3A_1034 = arith.addi %broadcast_in_dim3A_1028, %add3A_1033 : vector<16xi32>
        %select_n3A_1035 = arith.select %lt3A_1031, %add3A_1034, %broadcast_in_dim3A_1028 : vector<16xi1>, vector<16xi32>
        %broadcast_in_dim3A_1036 = vector.shape_cast %select_n3A_1035 : vector<16xi32> to vector<16x1xi32>
        %gather3A_1037 = vector.shape_cast %broadcast_in_dim3A_1036 : vector<16x1xi32> to vector<16xi32>
        %gather3A_1038 = tpu.dynamic_gather %get3A_70[%gather3A_1037] in [0] : vector<16xf32>, vector<16xi32> -> vector<16xf32>
        %mul3A_1039 = arith.constant 16 : i32
        %mul3A_1040 = arith.muli %scan3A_65, %mul3A_1039 : i32
        %add3A_1041 = arith.constant 10 : i32
        %add3A_1042 = arith.addi %mul3A_1040, %add3A_1041 : i32
        %get3A_1043 = arith.index_cast %add3A_1042 : i32 to index
        %get3A_1044 = arith.constant 0 : index
        %get3A_1045 = tpu.vector_load %arg10[%get3A_1043, %get3A_1044] {strides = array<i32>} : memref<128x128xf32, #tpu.memory_space<vmem>>, vector<1x16xf32>,
        %get3A_1046 = vector.shape_cast %get3A_1045 : vector<1x16xf32> to vector<16xf32>
        %mul3A_1047 = arith.mulf %get3A_1046, %gather3A_1038 : vector<16xf32>
        %swap3A_1048 = arith.index_cast %add3A_1042 : i32 to index
        %swap3A_1049 = arith.constant 0 : index
        %swap3A_1050 = tpu.vector_load %arg10[%swap3A_1048, %swap3A_1049] {strides = array<i32>} : memref<128x128xf32, #tpu.memory_space<vmem>>, vector<1x16xf32>,
        %swap3A_1051 = vector.shape_cast %swap3A_1050 : vector<1x16xf32> to vector<16xf32>
        %swap3A_1052 = vector.shape_cast %mul3A_1047 : vector<16xf32> to vector<1x16xf32>
        tpu.vector_store %arg10[%swap3A_1048, %swap3A_1049], %swap3A_1052 {strides = array<i32>} : memref<128x128xf32, #tpu.memory_space<vmem>>, vector<1x16xf32>,
        %get3A_1053 = arith.index_cast %add3A_1042 : i32 to index
        %get3A_1054 = arith.constant 16 : index
        %get3A_1055 = tpu.vector_load %arg10[%get3A_1053, %get3A_1054] {strides = array<i32>} : memref<128x128xf32, #tpu.memory_space<vmem>>, vector<1x16xf32>,
        %get3A_1056 = vector.shape_cast %get3A_1055 : vector<1x16xf32> to vector<16xf32>
        %mul3A_1057 = arith.mulf %get3A_1056, %gather3A_1038 : vector<16xf32>
        %swap3A_1058 = arith.index_cast %add3A_1042 : i32 to index
        %swap3A_1059 = arith.constant 16 : index
        %swap3A_1060 = tpu.vector_load %arg10[%swap3A_1058, %swap3A_1059] {strides = array<i32>} : memref<128x128xf32, #tpu.memory_space<vmem>>, vector<1x16xf32>,
        %swap3A_1061 = vector.shape_cast %swap3A_1060 : vector<1x16xf32> to vector<16xf32>
        %swap3A_1062 = vector.shape_cast %mul3A_1057 : vector<16xf32> to vector<1x16xf32>
        tpu.vector_store %arg10[%swap3A_1058, %swap3A_1059], %swap3A_1062 {strides = array<i32>} : memref<128x128xf32, #tpu.memory_space<vmem>>, vector<1x16xf32>,
        %get3A_1063 = arith.index_cast %add3A_1042 : i32 to index
        %get3A_1064 = arith.constant 32 : index
        %get3A_1065 = tpu.vector_load %arg10[%get3A_1063, %get3A_1064] {strides = array<i32>} : memref<128x128xf32, #tpu.memory_space<vmem>>, vector<1x16xf32>,
        %get3A_1066 = vector.shape_cast %get3A_1065 : vector<1x16xf32> to vector<16xf32>
        %mul3A_1067 = arith.mulf %get3A_1066, %gather3A_1038 : vector<16xf32>
        %swap3A_1068 = arith.index_cast %add3A_1042 : i32 to index
        %swap3A_1069 = arith.constant 32 : index
        %swap3A_1070 = tpu.vector_load %arg10[%swap3A_1068, %swap3A_1069] {strides = array<i32>} : memref<128x128xf32, #tpu.memory_space<vmem>>, vector<1x16xf32>,
        %swap3A_1071 = vector.shape_cast %swap3A_1070 : vector<1x16xf32> to vector<16xf32>
        %swap3A_1072 = vector.shape_cast %mul3A_1067 : vector<16xf32> to vector<1x16xf32>
        tpu.vector_store %arg10[%swap3A_1068, %swap3A_1069], %swap3A_1072 {strides = array<i32>} : memref<128x128xf32, #tpu.memory_space<vmem>>, vector<1x16xf32>,
        %get3A_1073 = arith.index_cast %add3A_1042 : i32 to index
        %get3A_1074 = arith.constant 48 : index
        %get3A_1075 = tpu.vector_load %arg10[%get3A_1073, %get3A_1074] {strides = array<i32>} : memref<128x128xf32, #tpu.memory_space<vmem>>, vector<1x16xf32>,
        %get3A_1076 = vector.shape_cast %get3A_1075 : vector<1x16xf32> to vector<16xf32>
        %mul3A_1077 = arith.mulf %get3A_1076, %gather3A_1038 : vector<16xf32>
        %swap3A_1078 = arith.index_cast %add3A_1042 : i32 to index
        %swap3A_1079 = arith.constant 48 : index
        %swap3A_1080 = tpu.vector_load %arg10[%swap3A_1078, %swap3A_1079] {strides = array<i32>} : memref<128x128xf32, #tpu.memory_space<vmem>>, vector<1x16xf32>,
        %swap3A_1081 = vector.shape_cast %swap3A_1080 : vector<1x16xf32> to vector<16xf32>
        %swap3A_1082 = vector.shape_cast %mul3A_1077 : vector<16xf32> to vector<1x16xf32>
        tpu.vector_store %arg10[%swap3A_1078, %swap3A_1079], %swap3A_1082 {strides = array<i32>} : memref<128x128xf32, #tpu.memory_space<vmem>>, vector<1x16xf32>,
        %get3A_1083 = arith.index_cast %add3A_1042 : i32 to index
        %get3A_1084 = arith.constant 64 : index
        %get3A_1085 = tpu.vector_load %arg10[%get3A_1083, %get3A_1084] {strides = array<i32>} : memref<128x128xf32, #tpu.memory_space<vmem>>, vector<1x16xf32>,
        %get3A_1086 = vector.shape_cast %get3A_1085 : vector<1x16xf32> to vector<16xf32>
        %mul3A_1087 = arith.mulf %get3A_1086, %gather3A_1038 : vector<16xf32>
        %swap3A_1088 = arith.index_cast %add3A_1042 : i32 to index
        %swap3A_1089 = arith.constant 64 : index
        %swap3A_1090 = tpu.vector_load %arg10[%swap3A_1088, %swap3A_1089] {strides = array<i32>} : memref<128x128xf32, #tpu.memory_space<vmem>>, vector<1x16xf32>,
        %swap3A_1091 = vector.shape_cast %swap3A_1090 : vector<1x16xf32> to vector<16xf32>
        %swap3A_1092 = vector.shape_cast %mul3A_1087 : vector<16xf32> to vector<1x16xf32>
        tpu.vector_store %arg10[%swap3A_1088, %swap3A_1089], %swap3A_1092 {strides = array<i32>} : memref<128x128xf32, #tpu.memory_space<vmem>>, vector<1x16xf32>,
        %get3A_1093 = arith.index_cast %add3A_1042 : i32 to index
        %get3A_1094 = arith.constant 80 : index
        %get3A_1095 = tpu.vector_load %arg10[%get3A_1093, %get3A_1094] {strides = array<i32>} : memref<128x128xf32, #tpu.memory_space<vmem>>, vector<1x16xf32>,
        %get3A_1096 = vector.shape_cast %get3A_1095 : vector<1x16xf32> to vector<16xf32>
        %mul3A_1097 = arith.mulf %get3A_1096, %gather3A_1038 : vector<16xf32>
        %swap3A_1098 = arith.index_cast %add3A_1042 : i32 to index
        %swap3A_1099 = arith.constant 80 : index
        %swap3A_1100 = tpu.vector_load %arg10[%swap3A_1098, %swap3A_1099] {strides = array<i32>} : memref<128x128xf32, #tpu.memory_space<vmem>>, vector<1x16xf32>,
        %swap3A_1101 = vector.shape_cast %swap3A_1100 : vector<1x16xf32> to vector<16xf32>
        %swap3A_1102 = vector.shape_cast %mul3A_1097 : vector<16xf32> to vector<1x16xf32>
        tpu.vector_store %arg10[%swap3A_1098, %swap3A_1099], %swap3A_1102 {strides = array<i32>} : memref<128x128xf32, #tpu.memory_space<vmem>>, vector<1x16xf32>,
        %get3A_1103 = arith.index_cast %add3A_1042 : i32 to index
        %get3A_1104 = arith.constant 96 : index
        %get3A_1105 = tpu.vector_load %arg10[%get3A_1103, %get3A_1104] {strides = array<i32>} : memref<128x128xf32, #tpu.memory_space<vmem>>, vector<1x16xf32>,
        %get3A_1106 = vector.shape_cast %get3A_1105 : vector<1x16xf32> to vector<16xf32>
        %mul3A_1107 = arith.mulf %get3A_1106, %gather3A_1038 : vector<16xf32>
        %swap3A_1108 = arith.index_cast %add3A_1042 : i32 to index
        %swap3A_1109 = arith.constant 96 : index
        %swap3A_1110 = tpu.vector_load %arg10[%swap3A_1108, %swap3A_1109] {strides = array<i32>} : memref<128x128xf32, #tpu.memory_space<vmem>>, vector<1x16xf32>,
        %swap3A_1111 = vector.shape_cast %swap3A_1110 : vector<1x16xf32> to vector<16xf32>
        %swap3A_1112 = vector.shape_cast %mul3A_1107 : vector<16xf32> to vector<1x16xf32>
        tpu.vector_store %arg10[%swap3A_1108, %swap3A_1109], %swap3A_1112 {strides = array<i32>} : memref<128x128xf32, #tpu.memory_space<vmem>>, vector<1x16xf32>,
        %get3A_1113 = arith.index_cast %add3A_1042 : i32 to index
        %get3A_1114 = arith.constant 112 : index
        %get3A_1115 = tpu.vector_load %arg10[%get3A_1113, %get3A_1114] {strides = array<i32>} : memref<128x128xf32, #tpu.memory_space<vmem>>, vector<1x16xf32>,
        %get3A_1116 = vector.shape_cast %get3A_1115 : vector<1x16xf32> to vector<16xf32>
        %mul3A_1117 = arith.mulf %get3A_1116, %gather3A_1038 : vector<16xf32>
        %swap3A_1118 = arith.index_cast %add3A_1042 : i32 to index
        %swap3A_1119 = arith.constant 112 : index
        %swap3A_1120 = tpu.vector_load %arg10[%swap3A_1118, %swap3A_1119] {strides = array<i32>} : memref<128x128xf32, #tpu.memory_space<vmem>>, vector<1x16xf32>,
        %swap3A_1121 = vector.shape_cast %swap3A_1120 : vector<1x16xf32> to vector<16xf32>
        %swap3A_1122 = vector.shape_cast %mul3A_1117 : vector<16xf32> to vector<1x16xf32>
        tpu.vector_store %arg10[%swap3A_1118, %swap3A_1119], %swap3A_1122 {strides = array<i32>} : memref<128x128xf32, #tpu.memory_space<vmem>>, vector<1x16xf32>,
        %broadcast_in_dim3A_1123 = arith.constant 11 : i32
        %broadcast_in_dim3A_1124 = vector.broadcast %broadcast_in_dim3A_1123 : i32 to vector<16xi32>
        %lt3A_1125 = arith.constant 0 : i32
        %lt3A_1126 = vector.broadcast %lt3A_1125 : i32 to vector<16xi32>
        %lt3A_1127 = arith.cmpi slt, %broadcast_in_dim3A_1124, %lt3A_1126 : vector<16xi32>
        %add3A_1128 = arith.constant 16 : i32
        %add3A_1129 = vector.broadcast %add3A_1128 : i32 to vector<16xi32>
        %add3A_1130 = arith.addi %broadcast_in_dim3A_1124, %add3A_1129 : vector<16xi32>
        %select_n3A_1131 = arith.select %lt3A_1127, %add3A_1130, %broadcast_in_dim3A_1124 : vector<16xi1>, vector<16xi32>
        %broadcast_in_dim3A_1132 = vector.shape_cast %select_n3A_1131 : vector<16xi32> to vector<16x1xi32>
        %gather3A_1133 = vector.shape_cast %broadcast_in_dim3A_1132 : vector<16x1xi32> to vector<16xi32>
        %gather3A_1134 = tpu.dynamic_gather %get3A_70[%gather3A_1133] in [0] : vector<16xf32>, vector<16xi32> -> vector<16xf32>
        %mul3A_1135 = arith.constant 16 : i32
        %mul3A_1136 = arith.muli %scan3A_65, %mul3A_1135 : i32
        %add3A_1137 = arith.constant 11 : i32
        %add3A_1138 = arith.addi %mul3A_1136, %add3A_1137 : i32
        %get3A_1139 = arith.index_cast %add3A_1138 : i32 to index
        %get3A_1140 = arith.constant 0 : index
        %get3A_1141 = tpu.vector_load %arg10[%get3A_1139, %get3A_1140] {strides = array<i32>} : memref<128x128xf32, #tpu.memory_space<vmem>>, vector<1x16xf32>,
        %get3A_1142 = vector.shape_cast %get3A_1141 : vector<1x16xf32> to vector<16xf32>
        %mul3A_1143 = arith.mulf %get3A_1142, %gather3A_1134 : vector<16xf32>
        %swap3A_1144 = arith.index_cast %add3A_1138 : i32 to index
        %swap3A_1145 = arith.constant 0 : index
        %swap3A_1146 = tpu.vector_load %arg10[%swap3A_1144, %swap3A_1145] {strides = array<i32>} : memref<128x128xf32, #tpu.memory_space<vmem>>, vector<1x16xf32>,
        %swap3A_1147 = vector.shape_cast %swap3A_1146 : vector<1x16xf32> to vector<16xf32>
        %swap3A_1148 = vector.shape_cast %mul3A_1143 : vector<16xf32> to vector<1x16xf32>
        tpu.vector_store %arg10[%swap3A_1144, %swap3A_1145], %swap3A_1148 {strides = array<i32>} : memref<128x128xf32, #tpu.memory_space<vmem>>, vector<1x16xf32>,
        %get3A_1149 = arith.index_cast %add3A_1138 : i32 to index
        %get3A_1150 = arith.constant 16 : index
        %get3A_1151 = tpu.vector_load %arg10[%get3A_1149, %get3A_1150] {strides = array<i32>} : memref<128x128xf32, #tpu.memory_space<vmem>>, vector<1x16xf32>,
        %get3A_1152 = vector.shape_cast %get3A_1151 : vector<1x16xf32> to vector<16xf32>
        %mul3A_1153 = arith.mulf %get3A_1152, %gather3A_1134 : vector<16xf32>
        %swap3A_1154 = arith.index_cast %add3A_1138 : i32 to index
        %swap3A_1155 = arith.constant 16 : index
        %swap3A_1156 = tpu.vector_load %arg10[%swap3A_1154, %swap3A_1155] {strides = array<i32>} : memref<128x128xf32, #tpu.memory_space<vmem>>, vector<1x16xf32>,
        %swap3A_1157 = vector.shape_cast %swap3A_1156 : vector<1x16xf32> to vector<16xf32>
        %swap3A_1158 = vector.shape_cast %mul3A_1153 : vector<16xf32> to vector<1x16xf32>
        tpu.vector_store %arg10[%swap3A_1154, %swap3A_1155], %swap3A_1158 {strides = array<i32>} : memref<128x128xf32, #tpu.memory_space<vmem>>, vector<1x16xf32>,
        %get3A_1159 = arith.index_cast %add3A_1138 : i32 to index
        %get3A_1160 = arith.constant 32 : index
        %get3A_1161 = tpu.vector_load %arg10[%get3A_1159, %get3A_1160] {strides = array<i32>} : memref<128x128xf32, #tpu.memory_space<vmem>>, vector<1x16xf32>,
        %get3A_1162 = vector.shape_cast %get3A_1161 : vector<1x16xf32> to vector<16xf32>
        %mul3A_1163 = arith.mulf %get3A_1162, %gather3A_1134 : vector<16xf32>
        %swap3A_1164 = arith.index_cast %add3A_1138 : i32 to index
        %swap3A_1165 = arith.constant 32 : index
        %swap3A_1166 = tpu.vector_load %arg10[%swap3A_1164, %swap3A_1165] {strides = array<i32>} : memref<128x128xf32, #tpu.memory_space<vmem>>, vector<1x16xf32>,
        %swap3A_1167 = vector.shape_cast %swap3A_1166 : vector<1x16xf32> to vector<16xf32>
        %swap3A_1168 = vector.shape_cast %mul3A_1163 : vector<16xf32> to vector<1x16xf32>
        tpu.vector_store %arg10[%swap3A_1164, %swap3A_1165], %swap3A_1168 {strides = array<i32>} : memref<128x128xf32, #tpu.memory_space<vmem>>, vector<1x16xf32>,
        %get3A_1169 = arith.index_cast %add3A_1138 : i32 to index
        %get3A_1170 = arith.constant 48 : index
        %get3A_1171 = tpu.vector_load %arg10[%get3A_1169, %get3A_1170] {strides = array<i32>} : memref<128x128xf32, #tpu.memory_space<vmem>>, vector<1x16xf32>,
        %get3A_1172 = vector.shape_cast %get3A_1171 : vector<1x16xf32> to vector<16xf32>
        %mul3A_1173 = arith.mulf %get3A_1172, %gather3A_1134 : vector<16xf32>
        %swap3A_1174 = arith.index_cast %add3A_1138 : i32 to index
        %swap3A_1175 = arith.constant 48 : index
        %swap3A_1176 = tpu.vector_load %arg10[%swap3A_1174, %swap3A_1175] {strides = array<i32>} : memref<128x128xf32, #tpu.memory_space<vmem>>, vector<1x16xf32>,
        %swap3A_1177 = vector.shape_cast %swap3A_1176 : vector<1x16xf32> to vector<16xf32>
        %swap3A_1178 = vector.shape_cast %mul3A_1173 : vector<16xf32> to vector<1x16xf32>
        tpu.vector_store %arg10[%swap3A_1174, %swap3A_1175], %swap3A_1178 {strides = array<i32>} : memref<128x128xf32, #tpu.memory_space<vmem>>, vector<1x16xf32>,
        %get3A_1179 = arith.index_cast %add3A_1138 : i32 to index
        %get3A_1180 = arith.constant 64 : index
        %get3A_1181 = tpu.vector_load %arg10[%get3A_1179, %get3A_1180] {strides = array<i32>} : memref<128x128xf32, #tpu.memory_space<vmem>>, vector<1x16xf32>,
        %get3A_1182 = vector.shape_cast %get3A_1181 : vector<1x16xf32> to vector<16xf32>
        %mul3A_1183 = arith.mulf %get3A_1182, %gather3A_1134 : vector<16xf32>
        %swap3A_1184 = arith.index_cast %add3A_1138 : i32 to index
        %swap3A_1185 = arith.constant 64 : index
        %swap3A_1186 = tpu.vector_load %arg10[%swap3A_1184, %swap3A_1185] {strides = array<i32>} : memref<128x128xf32, #tpu.memory_space<vmem>>, vector<1x16xf32>,
        %swap3A_1187 = vector.shape_cast %swap3A_1186 : vector<1x16xf32> to vector<16xf32>
        %swap3A_1188 = vector.shape_cast %mul3A_1183 : vector<16xf32> to vector<1x16xf32>
        tpu.vector_store %arg10[%swap3A_1184, %swap3A_1185], %swap3A_1188 {strides = array<i32>} : memref<128x128xf32, #tpu.memory_space<vmem>>, vector<1x16xf32>,
        %get3A_1189 = arith.index_cast %add3A_1138 : i32 to index
        %get3A_1190 = arith.constant 80 : index
        %get3A_1191 = tpu.vector_load %arg10[%get3A_1189, %get3A_1190] {strides = array<i32>} : memref<128x128xf32, #tpu.memory_space<vmem>>, vector<1x16xf32>,
        %get3A_1192 = vector.shape_cast %get3A_1191 : vector<1x16xf32> to vector<16xf32>
        %mul3A_1193 = arith.mulf %get3A_1192, %gather3A_1134 : vector<16xf32>
        %swap3A_1194 = arith.index_cast %add3A_1138 : i32 to index
        %swap3A_1195 = arith.constant 80 : index
        %swap3A_1196 = tpu.vector_load %arg10[%swap3A_1194, %swap3A_1195] {strides = array<i32>} : memref<128x128xf32, #tpu.memory_space<vmem>>, vector<1x16xf32>,
        %swap3A_1197 = vector.shape_cast %swap3A_1196 : vector<1x16xf32> to vector<16xf32>
        %swap3A_1198 = vector.shape_cast %mul3A_1193 : vector<16xf32> to vector<1x16xf32>
        tpu.vector_store %arg10[%swap3A_1194, %swap3A_1195], %swap3A_1198 {strides = array<i32>} : memref<128x128xf32, #tpu.memory_space<vmem>>, vector<1x16xf32>,
        %get3A_1199 = arith.index_cast %add3A_1138 : i32 to index
        %get3A_1200 = arith.constant 96 : index
        %get3A_1201 = tpu.vector_load %arg10[%get3A_1199, %get3A_1200] {strides = array<i32>} : memref<128x128xf32, #tpu.memory_space<vmem>>, vector<1x16xf32>,
        %get3A_1202 = vector.shape_cast %get3A_1201 : vector<1x16xf32> to vector<16xf32>
        %mul3A_1203 = arith.mulf %get3A_1202, %gather3A_1134 : vector<16xf32>
        %swap3A_1204 = arith.index_cast %add3A_1138 : i32 to index
        %swap3A_1205 = arith.constant 96 : index
        %swap3A_1206 = tpu.vector_load %arg10[%swap3A_1204, %swap3A_1205] {strides = array<i32>} : memref<128x128xf32, #tpu.memory_space<vmem>>, vector<1x16xf32>,
        %swap3A_1207 = vector.shape_cast %swap3A_1206 : vector<1x16xf32> to vector<16xf32>
        %swap3A_1208 = vector.shape_cast %mul3A_1203 : vector<16xf32> to vector<1x16xf32>
        tpu.vector_store %arg10[%swap3A_1204, %swap3A_1205], %swap3A_1208 {strides = array<i32>} : memref<128x128xf32, #tpu.memory_space<vmem>>, vector<1x16xf32>,
        %get3A_1209 = arith.index_cast %add3A_1138 : i32 to index
        %get3A_1210 = arith.constant 112 : index
        %get3A_1211 = tpu.vector_load %arg10[%get3A_1209, %get3A_1210] {strides = array<i32>} : memref<128x128xf32, #tpu.memory_space<vmem>>, vector<1x16xf32>,
        %get3A_1212 = vector.shape_cast %get3A_1211 : vector<1x16xf32> to vector<16xf32>
        %mul3A_1213 = arith.mulf %get3A_1212, %gather3A_1134 : vector<16xf32>
        %swap3A_1214 = arith.index_cast %add3A_1138 : i32 to index
        %swap3A_1215 = arith.constant 112 : index
        %swap3A_1216 = tpu.vector_load %arg10[%swap3A_1214, %swap3A_1215] {strides = array<i32>} : memref<128x128xf32, #tpu.memory_space<vmem>>, vector<1x16xf32>,
        %swap3A_1217 = vector.shape_cast %swap3A_1216 : vector<1x16xf32> to vector<16xf32>
        %swap3A_1218 = vector.shape_cast %mul3A_1213 : vector<16xf32> to vector<1x16xf32>
        tpu.vector_store %arg10[%swap3A_1214, %swap3A_1215], %swap3A_1218 {strides = array<i32>} : memref<128x128xf32, #tpu.memory_space<vmem>>, vector<1x16xf32>,
        %broadcast_in_dim3A_1219 = arith.constant 12 : i32
        %broadcast_in_dim3A_1220 = vector.broadcast %broadcast_in_dim3A_1219 : i32 to vector<16xi32>
        %lt3A_1221 = arith.constant 0 : i32
        %lt3A_1222 = vector.broadcast %lt3A_1221 : i32 to vector<16xi32>
        %lt3A_1223 = arith.cmpi slt, %broadcast_in_dim3A_1220, %lt3A_1222 : vector<16xi32>
        %add3A_1224 = arith.constant 16 : i32
        %add3A_1225 = vector.broadcast %add3A_1224 : i32 to vector<16xi32>
        %add3A_1226 = arith.addi %broadcast_in_dim3A_1220, %add3A_1225 : vector<16xi32>
        %select_n3A_1227 = arith.select %lt3A_1223, %add3A_1226, %broadcast_in_dim3A_1220 : vector<16xi1>, vector<16xi32>
        %broadcast_in_dim3A_1228 = vector.shape_cast %select_n3A_1227 : vector<16xi32> to vector<16x1xi32>
        %gather3A_1229 = vector.shape_cast %broadcast_in_dim3A_1228 : vector<16x1xi32> to vector<16xi32>
        %gather3A_1230 = tpu.dynamic_gather %get3A_70[%gather3A_1229] in [0] : vector<16xf32>, vector<16xi32> -> vector<16xf32>
        %mul3A_1231 = arith.constant 16 : i32
        %mul3A_1232 = arith.muli %scan3A_65, %mul3A_1231 : i32
        %add3A_1233 = arith.constant 12 : i32
        %add3A_1234 = arith.addi %mul3A_1232, %add3A_1233 : i32
        %get3A_1235 = arith.index_cast %add3A_1234 : i32 to index
        %get3A_1236 = arith.constant 0 : index
        %get3A_1237 = tpu.vector_load %arg10[%get3A_1235, %get3A_1236] {strides = array<i32>} : memref<128x128xf32, #tpu.memory_space<vmem>>, vector<1x16xf32>,
        %get3A_1238 = vector.shape_cast %get3A_1237 : vector<1x16xf32> to vector<16xf32>
        %mul3A_1239 = arith.mulf %get3A_1238, %gather3A_1230 : vector<16xf32>
        %swap3A_1240 = arith.index_cast %add3A_1234 : i32 to index
        %swap3A_1241 = arith.constant 0 : index
        %swap3A_1242 = tpu.vector_load %arg10[%swap3A_1240, %swap3A_1241] {strides = array<i32>} : memref<128x128xf32, #tpu.memory_space<vmem>>, vector<1x16xf32>,
        %swap3A_1243 = vector.shape_cast %swap3A_1242 : vector<1x16xf32> to vector<16xf32>
        %swap3A_1244 = vector.shape_cast %mul3A_1239 : vector<16xf32> to vector<1x16xf32>
        tpu.vector_store %arg10[%swap3A_1240, %swap3A_1241], %swap3A_1244 {strides = array<i32>} : memref<128x128xf32, #tpu.memory_space<vmem>>, vector<1x16xf32>,
        %get3A_1245 = arith.index_cast %add3A_1234 : i32 to index
        %get3A_1246 = arith.constant 16 : index
        %get3A_1247 = tpu.vector_load %arg10[%get3A_1245, %get3A_1246] {strides = array<i32>} : memref<128x128xf32, #tpu.memory_space<vmem>>, vector<1x16xf32>,
        %get3A_1248 = vector.shape_cast %get3A_1247 : vector<1x16xf32> to vector<16xf32>
        %mul3A_1249 = arith.mulf %get3A_1248, %gather3A_1230 : vector<16xf32>
        %swap3A_1250 = arith.index_cast %add3A_1234 : i32 to index
        %swap3A_1251 = arith.constant 16 : index
        %swap3A_1252 = tpu.vector_load %arg10[%swap3A_1250, %swap3A_1251] {strides = array<i32>} : memref<128x128xf32, #tpu.memory_space<vmem>>, vector<1x16xf32>,
        %swap3A_1253 = vector.shape_cast %swap3A_1252 : vector<1x16xf32> to vector<16xf32>
        %swap3A_1254 = vector.shape_cast %mul3A_1249 : vector<16xf32> to vector<1x16xf32>
        tpu.vector_store %arg10[%swap3A_1250, %swap3A_1251], %swap3A_1254 {strides = array<i32>} : memref<128x128xf32, #tpu.memory_space<vmem>>, vector<1x16xf32>,
        %get3A_1255 = arith.index_cast %add3A_1234 : i32 to index
        %get3A_1256 = arith.constant 32 : index
        %get3A_1257 = tpu.vector_load %arg10[%get3A_1255, %get3A_1256] {strides = array<i32>} : memref<128x128xf32, #tpu.memory_space<vmem>>, vector<1x16xf32>,
        %get3A_1258 = vector.shape_cast %get3A_1257 : vector<1x16xf32> to vector<16xf32>
        %mul3A_1259 = arith.mulf %get3A_1258, %gather3A_1230 : vector<16xf32>
        %swap3A_1260 = arith.index_cast %add3A_1234 : i32 to index
        %swap3A_1261 = arith.constant 32 : index
        %swap3A_1262 = tpu.vector_load %arg10[%swap3A_1260, %swap3A_1261] {strides = array<i32>} : memref<128x128xf32, #tpu.memory_space<vmem>>, vector<1x16xf32>,
        %swap3A_1263 = vector.shape_cast %swap3A_1262 : vector<1x16xf32> to vector<16xf32>
        %swap3A_1264 = vector.shape_cast %mul3A_1259 : vector<16xf32> to vector<1x16xf32>
        tpu.vector_store %arg10[%swap3A_1260, %swap3A_1261], %swap3A_1264 {strides = array<i32>} : memref<128x128xf32, #tpu.memory_space<vmem>>, vector<1x16xf32>,
        %get3A_1265 = arith.index_cast %add3A_1234 : i32 to index
        %get3A_1266 = arith.constant 48 : index
        %get3A_1267 = tpu.vector_load %arg10[%get3A_1265, %get3A_1266] {strides = array<i32>} : memref<128x128xf32, #tpu.memory_space<vmem>>, vector<1x16xf32>,
        %get3A_1268 = vector.shape_cast %get3A_1267 : vector<1x16xf32> to vector<16xf32>
        %mul3A_1269 = arith.mulf %get3A_1268, %gather3A_1230 : vector<16xf32>
        %swap3A_1270 = arith.index_cast %add3A_1234 : i32 to index
        %swap3A_1271 = arith.constant 48 : index
        %swap3A_1272 = tpu.vector_load %arg10[%swap3A_1270, %swap3A_1271] {strides = array<i32>} : memref<128x128xf32, #tpu.memory_space<vmem>>, vector<1x16xf32>,
        %swap3A_1273 = vector.shape_cast %swap3A_1272 : vector<1x16xf32> to vector<16xf32>
        %swap3A_1274 = vector.shape_cast %mul3A_1269 : vector<16xf32> to vector<1x16xf32>
        tpu.vector_store %arg10[%swap3A_1270, %swap3A_1271], %swap3A_1274 {strides = array<i32>} : memref<128x128xf32, #tpu.memory_space<vmem>>, vector<1x16xf32>,
        %get3A_1275 = arith.index_cast %add3A_1234 : i32 to index
        %get3A_1276 = arith.constant 64 : index
        %get3A_1277 = tpu.vector_load %arg10[%get3A_1275, %get3A_1276] {strides = array<i32>} : memref<128x128xf32, #tpu.memory_space<vmem>>, vector<1x16xf32>,
        %get3A_1278 = vector.shape_cast %get3A_1277 : vector<1x16xf32> to vector<16xf32>
        %mul3A_1279 = arith.mulf %get3A_1278, %gather3A_1230 : vector<16xf32>
        %swap3A_1280 = arith.index_cast %add3A_1234 : i32 to index
        %swap3A_1281 = arith.constant 64 : index
        %swap3A_1282 = tpu.vector_load %arg10[%swap3A_1280, %swap3A_1281] {strides = array<i32>} : memref<128x128xf32, #tpu.memory_space<vmem>>, vector<1x16xf32>,
        %swap3A_1283 = vector.shape_cast %swap3A_1282 : vector<1x16xf32> to vector<16xf32>
        %swap3A_1284 = vector.shape_cast %mul3A_1279 : vector<16xf32> to vector<1x16xf32>
        tpu.vector_store %arg10[%swap3A_1280, %swap3A_1281], %swap3A_1284 {strides = array<i32>} : memref<128x128xf32, #tpu.memory_space<vmem>>, vector<1x16xf32>,
        %get3A_1285 = arith.index_cast %add3A_1234 : i32 to index
        %get3A_1286 = arith.constant 80 : index
        %get3A_1287 = tpu.vector_load %arg10[%get3A_1285, %get3A_1286] {strides = array<i32>} : memref<128x128xf32, #tpu.memory_space<vmem>>, vector<1x16xf32>,
        %get3A_1288 = vector.shape_cast %get3A_1287 : vector<1x16xf32> to vector<16xf32>
        %mul3A_1289 = arith.mulf %get3A_1288, %gather3A_1230 : vector<16xf32>
        %swap3A_1290 = arith.index_cast %add3A_1234 : i32 to index
        %swap3A_1291 = arith.constant 80 : index
        %swap3A_1292 = tpu.vector_load %arg10[%swap3A_1290, %swap3A_1291] {strides = array<i32>} : memref<128x128xf32, #tpu.memory_space<vmem>>, vector<1x16xf32>,
        %swap3A_1293 = vector.shape_cast %swap3A_1292 : vector<1x16xf32> to vector<16xf32>
        %swap3A_1294 = vector.shape_cast %mul3A_1289 : vector<16xf32> to vector<1x16xf32>
        tpu.vector_store %arg10[%swap3A_1290, %swap3A_1291], %swap3A_1294 {strides = array<i32>} : memref<128x128xf32, #tpu.memory_space<vmem>>, vector<1x16xf32>,
        %get3A_1295 = arith.index_cast %add3A_1234 : i32 to index
        %get3A_1296 = arith.constant 96 : index
        %get3A_1297 = tpu.vector_load %arg10[%get3A_1295, %get3A_1296] {strides = array<i32>} : memref<128x128xf32, #tpu.memory_space<vmem>>, vector<1x16xf32>,
        %get3A_1298 = vector.shape_cast %get3A_1297 : vector<1x16xf32> to vector<16xf32>
        %mul3A_1299 = arith.mulf %get3A_1298, %gather3A_1230 : vector<16xf32>
        %swap3A_1300 = arith.index_cast %add3A_1234 : i32 to index
        %swap3A_1301 = arith.constant 96 : index
        %swap3A_1302 = tpu.vector_load %arg10[%swap3A_1300, %swap3A_1301] {strides = array<i32>} : memref<128x128xf32, #tpu.memory_space<vmem>>, vector<1x16xf32>,
        %swap3A_1303 = vector.shape_cast %swap3A_1302 : vector<1x16xf32> to vector<16xf32>
        %swap3A_1304 = vector.shape_cast %mul3A_1299 : vector<16xf32> to vector<1x16xf32>
        tpu.vector_store %arg10[%swap3A_1300, %swap3A_1301], %swap3A_1304 {strides = array<i32>} : memref<128x128xf32, #tpu.memory_space<vmem>>, vector<1x16xf32>,
        %get3A_1305 = arith.index_cast %add3A_1234 : i32 to index
        %get3A_1306 = arith.constant 112 : index
        %get3A_1307 = tpu.vector_load %arg10[%get3A_1305, %get3A_1306] {strides = array<i32>} : memref<128x128xf32, #tpu.memory_space<vmem>>, vector<1x16xf32>,
        %get3A_1308 = vector.shape_cast %get3A_1307 : vector<1x16xf32> to vector<16xf32>
        %mul3A_1309 = arith.mulf %get3A_1308, %gather3A_1230 : vector<16xf32>
        %swap3A_1310 = arith.index_cast %add3A_1234 : i32 to index
        %swap3A_1311 = arith.constant 112 : index
        %swap3A_1312 = tpu.vector_load %arg10[%swap3A_1310, %swap3A_1311] {strides = array<i32>} : memref<128x128xf32, #tpu.memory_space<vmem>>, vector<1x16xf32>,
        %swap3A_1313 = vector.shape_cast %swap3A_1312 : vector<1x16xf32> to vector<16xf32>
        %swap3A_1314 = vector.shape_cast %mul3A_1309 : vector<16xf32> to vector<1x16xf32>
        tpu.vector_store %arg10[%swap3A_1310, %swap3A_1311], %swap3A_1314 {strides = array<i32>} : memref<128x128xf32, #tpu.memory_space<vmem>>, vector<1x16xf32>,
        %broadcast_in_dim3A_1315 = arith.constant 13 : i32
        %broadcast_in_dim3A_1316 = vector.broadcast %broadcast_in_dim3A_1315 : i32 to vector<16xi32>
        %lt3A_1317 = arith.constant 0 : i32
        %lt3A_1318 = vector.broadcast %lt3A_1317 : i32 to vector<16xi32>
        %lt3A_1319 = arith.cmpi slt, %broadcast_in_dim3A_1316, %lt3A_1318 : vector<16xi32>
        %add3A_1320 = arith.constant 16 : i32
        %add3A_1321 = vector.broadcast %add3A_1320 : i32 to vector<16xi32>
        %add3A_1322 = arith.addi %broadcast_in_dim3A_1316, %add3A_1321 : vector<16xi32>
        %select_n3A_1323 = arith.select %lt3A_1319, %add3A_1322, %broadcast_in_dim3A_1316 : vector<16xi1>, vector<16xi32>
        %broadcast_in_dim3A_1324 = vector.shape_cast %select_n3A_1323 : vector<16xi32> to vector<16x1xi32>
        %gather3A_1325 = vector.shape_cast %broadcast_in_dim3A_1324 : vector<16x1xi32> to vector<16xi32>
        %gather3A_1326 = tpu.dynamic_gather %get3A_70[%gather3A_1325] in [0] : vector<16xf32>, vector<16xi32> -> vector<16xf32>
        %mul3A_1327 = arith.constant 16 : i32
        %mul3A_1328 = arith.muli %scan3A_65, %mul3A_1327 : i32
        %add3A_1329 = arith.constant 13 : i32
        %add3A_1330 = arith.addi %mul3A_1328, %add3A_1329 : i32
        %get3A_1331 = arith.index_cast %add3A_1330 : i32 to index
        %get3A_1332 = arith.constant 0 : index
        %get3A_1333 = tpu.vector_load %arg10[%get3A_1331, %get3A_1332] {strides = array<i32>} : memref<128x128xf32, #tpu.memory_space<vmem>>, vector<1x16xf32>,
        %get3A_1334 = vector.shape_cast %get3A_1333 : vector<1x16xf32> to vector<16xf32>
        %mul3A_1335 = arith.mulf %get3A_1334, %gather3A_1326 : vector<16xf32>
        %swap3A_1336 = arith.index_cast %add3A_1330 : i32 to index
        %swap3A_1337 = arith.constant 0 : index
        %swap3A_1338 = tpu.vector_load %arg10[%swap3A_1336, %swap3A_1337] {strides = array<i32>} : memref<128x128xf32, #tpu.memory_space<vmem>>, vector<1x16xf32>,
        %swap3A_1339 = vector.shape_cast %swap3A_1338 : vector<1x16xf32> to vector<16xf32>
        %swap3A_1340 = vector.shape_cast %mul3A_1335 : vector<16xf32> to vector<1x16xf32>
        tpu.vector_store %arg10[%swap3A_1336, %swap3A_1337], %swap3A_1340 {strides = array<i32>} : memref<128x128xf32, #tpu.memory_space<vmem>>, vector<1x16xf32>,
        %get3A_1341 = arith.index_cast %add3A_1330 : i32 to index
        %get3A_1342 = arith.constant 16 : index
        %get3A_1343 = tpu.vector_load %arg10[%get3A_1341, %get3A_1342] {strides = array<i32>} : memref<128x128xf32, #tpu.memory_space<vmem>>, vector<1x16xf32>,
        %get3A_1344 = vector.shape_cast %get3A_1343 : vector<1x16xf32> to vector<16xf32>
        %mul3A_1345 = arith.mulf %get3A_1344, %gather3A_1326 : vector<16xf32>
        %swap3A_1346 = arith.index_cast %add3A_1330 : i32 to index
        %swap3A_1347 = arith.constant 16 : index
        %swap3A_1348 = tpu.vector_load %arg10[%swap3A_1346, %swap3A_1347] {strides = array<i32>} : memref<128x128xf32, #tpu.memory_space<vmem>>, vector<1x16xf32>,
        %swap3A_1349 = vector.shape_cast %swap3A_1348 : vector<1x16xf32> to vector<16xf32>
        %swap3A_1350 = vector.shape_cast %mul3A_1345 : vector<16xf32> to vector<1x16xf32>
        tpu.vector_store %arg10[%swap3A_1346, %swap3A_1347], %swap3A_1350 {strides = array<i32>} : memref<128x128xf32, #tpu.memory_space<vmem>>, vector<1x16xf32>,
        %get3A_1351 = arith.index_cast %add3A_1330 : i32 to index
        %get3A_1352 = arith.constant 32 : index
        %get3A_1353 = tpu.vector_load %arg10[%get3A_1351, %get3A_1352] {strides = array<i32>} : memref<128x128xf32, #tpu.memory_space<vmem>>, vector<1x16xf32>,
        %get3A_1354 = vector.shape_cast %get3A_1353 : vector<1x16xf32> to vector<16xf32>
        %mul3A_1355 = arith.mulf %get3A_1354, %gather3A_1326 : vector<16xf32>
        %swap3A_1356 = arith.index_cast %add3A_1330 : i32 to index
        %swap3A_1357 = arith.constant 32 : index
        %swap3A_1358 = tpu.vector_load %arg10[%swap3A_1356, %swap3A_1357] {strides = array<i32>} : memref<128x128xf32, #tpu.memory_space<vmem>>, vector<1x16xf32>,
        %swap3A_1359 = vector.shape_cast %swap3A_1358 : vector<1x16xf32> to vector<16xf32>
        %swap3A_1360 = vector.shape_cast %mul3A_1355 : vector<16xf32> to vector<1x16xf32>
        tpu.vector_store %arg10[%swap3A_1356, %swap3A_1357], %swap3A_1360 {strides = array<i32>} : memref<128x128xf32, #tpu.memory_space<vmem>>, vector<1x16xf32>,
        %get3A_1361 = arith.index_cast %add3A_1330 : i32 to index
        %get3A_1362 = arith.constant 48 : index
        %get3A_1363 = tpu.vector_load %arg10[%get3A_1361, %get3A_1362] {strides = array<i32>} : memref<128x128xf32, #tpu.memory_space<vmem>>, vector<1x16xf32>,
        %get3A_1364 = vector.shape_cast %get3A_1363 : vector<1x16xf32> to vector<16xf32>
        %mul3A_1365 = arith.mulf %get3A_1364, %gather3A_1326 : vector<16xf32>
        %swap3A_1366 = arith.index_cast %add3A_1330 : i32 to index
        %swap3A_1367 = arith.constant 48 : index
        %swap3A_1368 = tpu.vector_load %arg10[%swap3A_1366, %swap3A_1367] {strides = array<i32>} : memref<128x128xf32, #tpu.memory_space<vmem>>, vector<1x16xf32>,
        %swap3A_1369 = vector.shape_cast %swap3A_1368 : vector<1x16xf32> to vector<16xf32>
        %swap3A_1370 = vector.shape_cast %mul3A_1365 : vector<16xf32> to vector<1x16xf32>
        tpu.vector_store %arg10[%swap3A_1366, %swap3A_1367], %swap3A_1370 {strides = array<i32>} : memref<128x128xf32, #tpu.memory_space<vmem>>, vector<1x16xf32>,
        %get3A_1371 = arith.index_cast %add3A_1330 : i32 to index
        %get3A_1372 = arith.constant 64 : index
        %get3A_1373 = tpu.vector_load %arg10[%get3A_1371, %get3A_1372] {strides = array<i32>} : memref<128x128xf32, #tpu.memory_space<vmem>>, vector<1x16xf32>,
        %get3A_1374 = vector.shape_cast %get3A_1373 : vector<1x16xf32> to vector<16xf32>
        %mul3A_1375 = arith.mulf %get3A_1374, %gather3A_1326 : vector<16xf32>
        %swap3A_1376 = arith.index_cast %add3A_1330 : i32 to index
        %swap3A_1377 = arith.constant 64 : index
        %swap3A_1378 = tpu.vector_load %arg10[%swap3A_1376, %swap3A_1377] {strides = array<i32>} : memref<128x128xf32, #tpu.memory_space<vmem>>, vector<1x16xf32>,
        %swap3A_1379 = vector.shape_cast %swap3A_1378 : vector<1x16xf32> to vector<16xf32>
        %swap3A_1380 = vector.shape_cast %mul3A_1375 : vector<16xf32> to vector<1x16xf32>
        tpu.vector_store %arg10[%swap3A_1376, %swap3A_1377], %swap3A_1380 {strides = array<i32>} : memref<128x128xf32, #tpu.memory_space<vmem>>, vector<1x16xf32>,
        %get3A_1381 = arith.index_cast %add3A_1330 : i32 to index
        %get3A_1382 = arith.constant 80 : index
        %get3A_1383 = tpu.vector_load %arg10[%get3A_1381, %get3A_1382] {strides = array<i32>} : memref<128x128xf32, #tpu.memory_space<vmem>>, vector<1x16xf32>,
        %get3A_1384 = vector.shape_cast %get3A_1383 : vector<1x16xf32> to vector<16xf32>
        %mul3A_1385 = arith.mulf %get3A_1384, %gather3A_1326 : vector<16xf32>
        %swap3A_1386 = arith.index_cast %add3A_1330 : i32 to index
        %swap3A_1387 = arith.constant 80 : index
        %swap3A_1388 = tpu.vector_load %arg10[%swap3A_1386, %swap3A_1387] {strides = array<i32>} : memref<128x128xf32, #tpu.memory_space<vmem>>, vector<1x16xf32>,
        %swap3A_1389 = vector.shape_cast %swap3A_1388 : vector<1x16xf32> to vector<16xf32>
        %swap3A_1390 = vector.shape_cast %mul3A_1385 : vector<16xf32> to vector<1x16xf32>
        tpu.vector_store %arg10[%swap3A_1386, %swap3A_1387], %swap3A_1390 {strides = array<i32>} : memref<128x128xf32, #tpu.memory_space<vmem>>, vector<1x16xf32>,
        %get3A_1391 = arith.index_cast %add3A_1330 : i32 to index
        %get3A_1392 = arith.constant 96 : index
        %get3A_1393 = tpu.vector_load %arg10[%get3A_1391, %get3A_1392] {strides = array<i32>} : memref<128x128xf32, #tpu.memory_space<vmem>>, vector<1x16xf32>,
        %get3A_1394 = vector.shape_cast %get3A_1393 : vector<1x16xf32> to vector<16xf32>
        %mul3A_1395 = arith.mulf %get3A_1394, %gather3A_1326 : vector<16xf32>
        %swap3A_1396 = arith.index_cast %add3A_1330 : i32 to index
        %swap3A_1397 = arith.constant 96 : index
        %swap3A_1398 = tpu.vector_load %arg10[%swap3A_1396, %swap3A_1397] {strides = array<i32>} : memref<128x128xf32, #tpu.memory_space<vmem>>, vector<1x16xf32>,
        %swap3A_1399 = vector.shape_cast %swap3A_1398 : vector<1x16xf32> to vector<16xf32>
        %swap3A_1400 = vector.shape_cast %mul3A_1395 : vector<16xf32> to vector<1x16xf32>
        tpu.vector_store %arg10[%swap3A_1396, %swap3A_1397], %swap3A_1400 {strides = array<i32>} : memref<128x128xf32, #tpu.memory_space<vmem>>, vector<1x16xf32>,
        %get3A_1401 = arith.index_cast %add3A_1330 : i32 to index
        %get3A_1402 = arith.constant 112 : index
        %get3A_1403 = tpu.vector_load %arg10[%get3A_1401, %get3A_1402] {strides = array<i32>} : memref<128x128xf32, #tpu.memory_space<vmem>>, vector<1x16xf32>,
        %get3A_1404 = vector.shape_cast %get3A_1403 : vector<1x16xf32> to vector<16xf32>
        %mul3A_1405 = arith.mulf %get3A_1404, %gather3A_1326 : vector<16xf32>
        %swap3A_1406 = arith.index_cast %add3A_1330 : i32 to index
        %swap3A_1407 = arith.constant 112 : index
        %swap3A_1408 = tpu.vector_load %arg10[%swap3A_1406, %swap3A_1407] {strides = array<i32>} : memref<128x128xf32, #tpu.memory_space<vmem>>, vector<1x16xf32>,
        %swap3A_1409 = vector.shape_cast %swap3A_1408 : vector<1x16xf32> to vector<16xf32>
        %swap3A_1410 = vector.shape_cast %mul3A_1405 : vector<16xf32> to vector<1x16xf32>
        tpu.vector_store %arg10[%swap3A_1406, %swap3A_1407], %swap3A_1410 {strides = array<i32>} : memref<128x128xf32, #tpu.memory_space<vmem>>, vector<1x16xf32>,
        %broadcast_in_dim3A_1411 = arith.constant 14 : i32
        %broadcast_in_dim3A_1412 = vector.broadcast %broadcast_in_dim3A_1411 : i32 to vector<16xi32>
        %lt3A_1413 = arith.constant 0 : i32
        %lt3A_1414 = vector.broadcast %lt3A_1413 : i32 to vector<16xi32>
        %lt3A_1415 = arith.cmpi slt, %broadcast_in_dim3A_1412, %lt3A_1414 : vector<16xi32>
        %add3A_1416 = arith.constant 16 : i32
        %add3A_1417 = vector.broadcast %add3A_1416 : i32 to vector<16xi32>
        %add3A_1418 = arith.addi %broadcast_in_dim3A_1412, %add3A_1417 : vector<16xi32>
        %select_n3A_1419 = arith.select %lt3A_1415, %add3A_1418, %broadcast_in_dim3A_1412 : vector<16xi1>, vector<16xi32>
        %broadcast_in_dim3A_1420 = vector.shape_cast %select_n3A_1419 : vector<16xi32> to vector<16x1xi32>
        %gather3A_1421 = vector.shape_cast %broadcast_in_dim3A_1420 : vector<16x1xi32> to vector<16xi32>
        %gather3A_1422 = tpu.dynamic_gather %get3A_70[%gather3A_1421] in [0] : vector<16xf32>, vector<16xi32> -> vector<16xf32>
        %mul3A_1423 = arith.constant 16 : i32
        %mul3A_1424 = arith.muli %scan3A_65, %mul3A_1423 : i32
        %add3A_1425 = arith.constant 14 : i32
        %add3A_1426 = arith.addi %mul3A_1424, %add3A_1425 : i32
        %get3A_1427 = arith.index_cast %add3A_1426 : i32 to index
        %get3A_1428 = arith.constant 0 : index
        %get3A_1429 = tpu.vector_load %arg10[%get3A_1427, %get3A_1428] {strides = array<i32>} : memref<128x128xf32, #tpu.memory_space<vmem>>, vector<1x16xf32>,
        %get3A_1430 = vector.shape_cast %get3A_1429 : vector<1x16xf32> to vector<16xf32>
        %mul3A_1431 = arith.mulf %get3A_1430, %gather3A_1422 : vector<16xf32>
        %swap3A_1432 = arith.index_cast %add3A_1426 : i32 to index
        %swap3A_1433 = arith.constant 0 : index
        %swap3A_1434 = tpu.vector_load %arg10[%swap3A_1432, %swap3A_1433] {strides = array<i32>} : memref<128x128xf32, #tpu.memory_space<vmem>>, vector<1x16xf32>,
        %swap3A_1435 = vector.shape_cast %swap3A_1434 : vector<1x16xf32> to vector<16xf32>
        %swap3A_1436 = vector.shape_cast %mul3A_1431 : vector<16xf32> to vector<1x16xf32>
        tpu.vector_store %arg10[%swap3A_1432, %swap3A_1433], %swap3A_1436 {strides = array<i32>} : memref<128x128xf32, #tpu.memory_space<vmem>>, vector<1x16xf32>,
        %get3A_1437 = arith.index_cast %add3A_1426 : i32 to index
        %get3A_1438 = arith.constant 16 : index
        %get3A_1439 = tpu.vector_load %arg10[%get3A_1437, %get3A_1438] {strides = array<i32>} : memref<128x128xf32, #tpu.memory_space<vmem>>, vector<1x16xf32>,
        %get3A_1440 = vector.shape_cast %get3A_1439 : vector<1x16xf32> to vector<16xf32>
        %mul3A_1441 = arith.mulf %get3A_1440, %gather3A_1422 : vector<16xf32>
        %swap3A_1442 = arith.index_cast %add3A_1426 : i32 to index
        %swap3A_1443 = arith.constant 16 : index
        %swap3A_1444 = tpu.vector_load %arg10[%swap3A_1442, %swap3A_1443] {strides = array<i32>} : memref<128x128xf32, #tpu.memory_space<vmem>>, vector<1x16xf32>,
        %swap3A_1445 = vector.shape_cast %swap3A_1444 : vector<1x16xf32> to vector<16xf32>
        %swap3A_1446 = vector.shape_cast %mul3A_1441 : vector<16xf32> to vector<1x16xf32>
        tpu.vector_store %arg10[%swap3A_1442, %swap3A_1443], %swap3A_1446 {strides = array<i32>} : memref<128x128xf32, #tpu.memory_space<vmem>>, vector<1x16xf32>,
        %get3A_1447 = arith.index_cast %add3A_1426 : i32 to index
        %get3A_1448 = arith.constant 32 : index
        %get3A_1449 = tpu.vector_load %arg10[%get3A_1447, %get3A_1448] {strides = array<i32>} : memref<128x128xf32, #tpu.memory_space<vmem>>, vector<1x16xf32>,
        %get3A_1450 = vector.shape_cast %get3A_1449 : vector<1x16xf32> to vector<16xf32>
        %mul3A_1451 = arith.mulf %get3A_1450, %gather3A_1422 : vector<16xf32>
        %swap3A_1452 = arith.index_cast %add3A_1426 : i32 to index
        %swap3A_1453 = arith.constant 32 : index
        %swap3A_1454 = tpu.vector_load %arg10[%swap3A_1452, %swap3A_1453] {strides = array<i32>} : memref<128x128xf32, #tpu.memory_space<vmem>>, vector<1x16xf32>,
        %swap3A_1455 = vector.shape_cast %swap3A_1454 : vector<1x16xf32> to vector<16xf32>
        %swap3A_1456 = vector.shape_cast %mul3A_1451 : vector<16xf32> to vector<1x16xf32>
        tpu.vector_store %arg10[%swap3A_1452, %swap3A_1453], %swap3A_1456 {strides = array<i32>} : memref<128x128xf32, #tpu.memory_space<vmem>>, vector<1x16xf32>,
        %get3A_1457 = arith.index_cast %add3A_1426 : i32 to index
        %get3A_1458 = arith.constant 48 : index
        %get3A_1459 = tpu.vector_load %arg10[%get3A_1457, %get3A_1458] {strides = array<i32>} : memref<128x128xf32, #tpu.memory_space<vmem>>, vector<1x16xf32>,
        %get3A_1460 = vector.shape_cast %get3A_1459 : vector<1x16xf32> to vector<16xf32>
        %mul3A_1461 = arith.mulf %get3A_1460, %gather3A_1422 : vector<16xf32>
        %swap3A_1462 = arith.index_cast %add3A_1426 : i32 to index
        %swap3A_1463 = arith.constant 48 : index
        %swap3A_1464 = tpu.vector_load %arg10[%swap3A_1462, %swap3A_1463] {strides = array<i32>} : memref<128x128xf32, #tpu.memory_space<vmem>>, vector<1x16xf32>,
        %swap3A_1465 = vector.shape_cast %swap3A_1464 : vector<1x16xf32> to vector<16xf32>
        %swap3A_1466 = vector.shape_cast %mul3A_1461 : vector<16xf32> to vector<1x16xf32>
        tpu.vector_store %arg10[%swap3A_1462, %swap3A_1463], %swap3A_1466 {strides = array<i32>} : memref<128x128xf32, #tpu.memory_space<vmem>>, vector<1x16xf32>,
        %get3A_1467 = arith.index_cast %add3A_1426 : i32 to index
        %get3A_1468 = arith.constant 64 : index
        %get3A_1469 = tpu.vector_load %arg10[%get3A_1467, %get3A_1468] {strides = array<i32>} : memref<128x128xf32, #tpu.memory_space<vmem>>, vector<1x16xf32>,
        %get3A_1470 = vector.shape_cast %get3A_1469 : vector<1x16xf32> to vector<16xf32>
        %mul3A_1471 = arith.mulf %get3A_1470, %gather3A_1422 : vector<16xf32>
        %swap3A_1472 = arith.index_cast %add3A_1426 : i32 to index
        %swap3A_1473 = arith.constant 64 : index
        %swap3A_1474 = tpu.vector_load %arg10[%swap3A_1472, %swap3A_1473] {strides = array<i32>} : memref<128x128xf32, #tpu.memory_space<vmem>>, vector<1x16xf32>,
        %swap3A_1475 = vector.shape_cast %swap3A_1474 : vector<1x16xf32> to vector<16xf32>
        %swap3A_1476 = vector.shape_cast %mul3A_1471 : vector<16xf32> to vector<1x16xf32>
        tpu.vector_store %arg10[%swap3A_1472, %swap3A_1473], %swap3A_1476 {strides = array<i32>} : memref<128x128xf32, #tpu.memory_space<vmem>>, vector<1x16xf32>,
        %get3A_1477 = arith.index_cast %add3A_1426 : i32 to index
        %get3A_1478 = arith.constant 80 : index
        %get3A_1479 = tpu.vector_load %arg10[%get3A_1477, %get3A_1478] {strides = array<i32>} : memref<128x128xf32, #tpu.memory_space<vmem>>, vector<1x16xf32>,
        %get3A_1480 = vector.shape_cast %get3A_1479 : vector<1x16xf32> to vector<16xf32>
        %mul3A_1481 = arith.mulf %get3A_1480, %gather3A_1422 : vector<16xf32>
        %swap3A_1482 = arith.index_cast %add3A_1426 : i32 to index
        %swap3A_1483 = arith.constant 80 : index
        %swap3A_1484 = tpu.vector_load %arg10[%swap3A_1482, %swap3A_1483] {strides = array<i32>} : memref<128x128xf32, #tpu.memory_space<vmem>>, vector<1x16xf32>,
        %swap3A_1485 = vector.shape_cast %swap3A_1484 : vector<1x16xf32> to vector<16xf32>
        %swap3A_1486 = vector.shape_cast %mul3A_1481 : vector<16xf32> to vector<1x16xf32>
        tpu.vector_store %arg10[%swap3A_1482, %swap3A_1483], %swap3A_1486 {strides = array<i32>} : memref<128x128xf32, #tpu.memory_space<vmem>>, vector<1x16xf32>,
        %get3A_1487 = arith.index_cast %add3A_1426 : i32 to index
        %get3A_1488 = arith.constant 96 : index
        %get3A_1489 = tpu.vector_load %arg10[%get3A_1487, %get3A_1488] {strides = array<i32>} : memref<128x128xf32, #tpu.memory_space<vmem>>, vector<1x16xf32>,
        %get3A_1490 = vector.shape_cast %get3A_1489 : vector<1x16xf32> to vector<16xf32>
        %mul3A_1491 = arith.mulf %get3A_1490, %gather3A_1422 : vector<16xf32>
        %swap3A_1492 = arith.index_cast %add3A_1426 : i32 to index
        %swap3A_1493 = arith.constant 96 : index
        %swap3A_1494 = tpu.vector_load %arg10[%swap3A_1492, %swap3A_1493] {strides = array<i32>} : memref<128x128xf32, #tpu.memory_space<vmem>>, vector<1x16xf32>,
        %swap3A_1495 = vector.shape_cast %swap3A_1494 : vector<1x16xf32> to vector<16xf32>
        %swap3A_1496 = vector.shape_cast %mul3A_1491 : vector<16xf32> to vector<1x16xf32>
        tpu.vector_store %arg10[%swap3A_1492, %swap3A_1493], %swap3A_1496 {strides = array<i32>} : memref<128x128xf32, #tpu.memory_space<vmem>>, vector<1x16xf32>,
        %get3A_1497 = arith.index_cast %add3A_1426 : i32 to index
        %get3A_1498 = arith.constant 112 : index
        %get3A_1499 = tpu.vector_load %arg10[%get3A_1497, %get3A_1498] {strides = array<i32>} : memref<128x128xf32, #tpu.memory_space<vmem>>, vector<1x16xf32>,
        %get3A_1500 = vector.shape_cast %get3A_1499 : vector<1x16xf32> to vector<16xf32>
        %mul3A_1501 = arith.mulf %get3A_1500, %gather3A_1422 : vector<16xf32>
        %swap3A_1502 = arith.index_cast %add3A_1426 : i32 to index
        %swap3A_1503 = arith.constant 112 : index
        %swap3A_1504 = tpu.vector_load %arg10[%swap3A_1502, %swap3A_1503] {strides = array<i32>} : memref<128x128xf32, #tpu.memory_space<vmem>>, vector<1x16xf32>,
        %swap3A_1505 = vector.shape_cast %swap3A_1504 : vector<1x16xf32> to vector<16xf32>
        %swap3A_1506 = vector.shape_cast %mul3A_1501 : vector<16xf32> to vector<1x16xf32>
        tpu.vector_store %arg10[%swap3A_1502, %swap3A_1503], %swap3A_1506 {strides = array<i32>} : memref<128x128xf32, #tpu.memory_space<vmem>>, vector<1x16xf32>,
        %broadcast_in_dim3A_1507 = arith.constant 15 : i32
        %broadcast_in_dim3A_1508 = vector.broadcast %broadcast_in_dim3A_1507 : i32 to vector<16xi32>
        %lt3A_1509 = arith.constant 0 : i32
        %lt3A_1510 = vector.broadcast %lt3A_1509 : i32 to vector<16xi32>
        %lt3A_1511 = arith.cmpi slt, %broadcast_in_dim3A_1508, %lt3A_1510 : vector<16xi32>
        %add3A_1512 = arith.constant 16 : i32
        %add3A_1513 = vector.broadcast %add3A_1512 : i32 to vector<16xi32>
        %add3A_1514 = arith.addi %broadcast_in_dim3A_1508, %add3A_1513 : vector<16xi32>
        %select_n3A_1515 = arith.select %lt3A_1511, %add3A_1514, %broadcast_in_dim3A_1508 : vector<16xi1>, vector<16xi32>
        %broadcast_in_dim3A_1516 = vector.shape_cast %select_n3A_1515 : vector<16xi32> to vector<16x1xi32>
        %gather3A_1517 = vector.shape_cast %broadcast_in_dim3A_1516 : vector<16x1xi32> to vector<16xi32>
        %gather3A_1518 = tpu.dynamic_gather %get3A_70[%gather3A_1517] in [0] : vector<16xf32>, vector<16xi32> -> vector<16xf32>
        %mul3A_1519 = arith.constant 16 : i32
        %mul3A_1520 = arith.muli %scan3A_65, %mul3A_1519 : i32
        %add3A_1521 = arith.constant 15 : i32
        %add3A_1522 = arith.addi %mul3A_1520, %add3A_1521 : i32
        %get3A_1523 = arith.index_cast %add3A_1522 : i32 to index
        %get3A_1524 = arith.constant 0 : index
        %get3A_1525 = tpu.vector_load %arg10[%get3A_1523, %get3A_1524] {strides = array<i32>} : memref<128x128xf32, #tpu.memory_space<vmem>>, vector<1x16xf32>,
        %get3A_1526 = vector.shape_cast %get3A_1525 : vector<1x16xf32> to vector<16xf32>
        %mul3A_1527 = arith.mulf %get3A_1526, %gather3A_1518 : vector<16xf32>
        %swap3A_1528 = arith.index_cast %add3A_1522 : i32 to index
        %swap3A_1529 = arith.constant 0 : index
        %swap3A_1530 = tpu.vector_load %arg10[%swap3A_1528, %swap3A_1529] {strides = array<i32>} : memref<128x128xf32, #tpu.memory_space<vmem>>, vector<1x16xf32>,
        %swap3A_1531 = vector.shape_cast %swap3A_1530 : vector<1x16xf32> to vector<16xf32>
        %swap3A_1532 = vector.shape_cast %mul3A_1527 : vector<16xf32> to vector<1x16xf32>
        tpu.vector_store %arg10[%swap3A_1528, %swap3A_1529], %swap3A_1532 {strides = array<i32>} : memref<128x128xf32, #tpu.memory_space<vmem>>, vector<1x16xf32>,
        %get3A_1533 = arith.index_cast %add3A_1522 : i32 to index
        %get3A_1534 = arith.constant 16 : index
        %get3A_1535 = tpu.vector_load %arg10[%get3A_1533, %get3A_1534] {strides = array<i32>} : memref<128x128xf32, #tpu.memory_space<vmem>>, vector<1x16xf32>,
        %get3A_1536 = vector.shape_cast %get3A_1535 : vector<1x16xf32> to vector<16xf32>
        %mul3A_1537 = arith.mulf %get3A_1536, %gather3A_1518 : vector<16xf32>
        %swap3A_1538 = arith.index_cast %add3A_1522 : i32 to index
        %swap3A_1539 = arith.constant 16 : index
        %swap3A_1540 = tpu.vector_load %arg10[%swap3A_1538, %swap3A_1539] {strides = array<i32>} : memref<128x128xf32, #tpu.memory_space<vmem>>, vector<1x16xf32>,
        %swap3A_1541 = vector.shape_cast %swap3A_1540 : vector<1x16xf32> to vector<16xf32>
        %swap3A_1542 = vector.shape_cast %mul3A_1537 : vector<16xf32> to vector<1x16xf32>
        tpu.vector_store %arg10[%swap3A_1538, %swap3A_1539], %swap3A_1542 {strides = array<i32>} : memref<128x128xf32, #tpu.memory_space<vmem>>, vector<1x16xf32>,
        %get3A_1543 = arith.index_cast %add3A_1522 : i32 to index
        %get3A_1544 = arith.constant 32 : index
        %get3A_1545 = tpu.vector_load %arg10[%get3A_1543, %get3A_1544] {strides = array<i32>} : memref<128x128xf32, #tpu.memory_space<vmem>>, vector<1x16xf32>,
        %get3A_1546 = vector.shape_cast %get3A_1545 : vector<1x16xf32> to vector<16xf32>
        %mul3A_1547 = arith.mulf %get3A_1546, %gather3A_1518 : vector<16xf32>
        %swap3A_1548 = arith.index_cast %add3A_1522 : i32 to index
        %swap3A_1549 = arith.constant 32 : index
        %swap3A_1550 = tpu.vector_load %arg10[%swap3A_1548, %swap3A_1549] {strides = array<i32>} : memref<128x128xf32, #tpu.memory_space<vmem>>, vector<1x16xf32>,
        %swap3A_1551 = vector.shape_cast %swap3A_1550 : vector<1x16xf32> to vector<16xf32>
        %swap3A_1552 = vector.shape_cast %mul3A_1547 : vector<16xf32> to vector<1x16xf32>
        tpu.vector_store %arg10[%swap3A_1548, %swap3A_1549], %swap3A_1552 {strides = array<i32>} : memref<128x128xf32, #tpu.memory_space<vmem>>, vector<1x16xf32>,
        %get3A_1553 = arith.index_cast %add3A_1522 : i32 to index
        %get3A_1554 = arith.constant 48 : index
        %get3A_1555 = tpu.vector_load %arg10[%get3A_1553, %get3A_1554] {strides = array<i32>} : memref<128x128xf32, #tpu.memory_space<vmem>>, vector<1x16xf32>,
        %get3A_1556 = vector.shape_cast %get3A_1555 : vector<1x16xf32> to vector<16xf32>
        %mul3A_1557 = arith.mulf %get3A_1556, %gather3A_1518 : vector<16xf32>
        %swap3A_1558 = arith.index_cast %add3A_1522 : i32 to index
        %swap3A_1559 = arith.constant 48 : index
        %swap3A_1560 = tpu.vector_load %arg10[%swap3A_1558, %swap3A_1559] {strides = array<i32>} : memref<128x128xf32, #tpu.memory_space<vmem>>, vector<1x16xf32>,
        %swap3A_1561 = vector.shape_cast %swap3A_1560 : vector<1x16xf32> to vector<16xf32>
        %swap3A_1562 = vector.shape_cast %mul3A_1557 : vector<16xf32> to vector<1x16xf32>
        tpu.vector_store %arg10[%swap3A_1558, %swap3A_1559], %swap3A_1562 {strides = array<i32>} : memref<128x128xf32, #tpu.memory_space<vmem>>, vector<1x16xf32>,
        %get3A_1563 = arith.index_cast %add3A_1522 : i32 to index
        %get3A_1564 = arith.constant 64 : index
        %get3A_1565 = tpu.vector_load %arg10[%get3A_1563, %get3A_1564] {strides = array<i32>} : memref<128x128xf32, #tpu.memory_space<vmem>>, vector<1x16xf32>,
        %get3A_1566 = vector.shape_cast %get3A_1565 : vector<1x16xf32> to vector<16xf32>
        %mul3A_1567 = arith.mulf %get3A_1566, %gather3A_1518 : vector<16xf32>
        %swap3A_1568 = arith.index_cast %add3A_1522 : i32 to index
        %swap3A_1569 = arith.constant 64 : index
        %swap3A_1570 = tpu.vector_load %arg10[%swap3A_1568, %swap3A_1569] {strides = array<i32>} : memref<128x128xf32, #tpu.memory_space<vmem>>, vector<1x16xf32>,
        %swap3A_1571 = vector.shape_cast %swap3A_1570 : vector<1x16xf32> to vector<16xf32>
        %swap3A_1572 = vector.shape_cast %mul3A_1567 : vector<16xf32> to vector<1x16xf32>
        tpu.vector_store %arg10[%swap3A_1568, %swap3A_1569], %swap3A_1572 {strides = array<i32>} : memref<128x128xf32, #tpu.memory_space<vmem>>, vector<1x16xf32>,
        %get3A_1573 = arith.index_cast %add3A_1522 : i32 to index
        %get3A_1574 = arith.constant 80 : index
        %get3A_1575 = tpu.vector_load %arg10[%get3A_1573, %get3A_1574] {strides = array<i32>} : memref<128x128xf32, #tpu.memory_space<vmem>>, vector<1x16xf32>,
        %get3A_1576 = vector.shape_cast %get3A_1575 : vector<1x16xf32> to vector<16xf32>
        %mul3A_1577 = arith.mulf %get3A_1576, %gather3A_1518 : vector<16xf32>
        %swap3A_1578 = arith.index_cast %add3A_1522 : i32 to index
        %swap3A_1579 = arith.constant 80 : index
        %swap3A_1580 = tpu.vector_load %arg10[%swap3A_1578, %swap3A_1579] {strides = array<i32>} : memref<128x128xf32, #tpu.memory_space<vmem>>, vector<1x16xf32>,
        %swap3A_1581 = vector.shape_cast %swap3A_1580 : vector<1x16xf32> to vector<16xf32>
        %swap3A_1582 = vector.shape_cast %mul3A_1577 : vector<16xf32> to vector<1x16xf32>
        tpu.vector_store %arg10[%swap3A_1578, %swap3A_1579], %swap3A_1582 {strides = array<i32>} : memref<128x128xf32, #tpu.memory_space<vmem>>, vector<1x16xf32>,
        %get3A_1583 = arith.index_cast %add3A_1522 : i32 to index
        %get3A_1584 = arith.constant 96 : index
        %get3A_1585 = tpu.vector_load %arg10[%get3A_1583, %get3A_1584] {strides = array<i32>} : memref<128x128xf32, #tpu.memory_space<vmem>>, vector<1x16xf32>,
        %get3A_1586 = vector.shape_cast %get3A_1585 : vector<1x16xf32> to vector<16xf32>
        %mul3A_1587 = arith.mulf %get3A_1586, %gather3A_1518 : vector<16xf32>
        %swap3A_1588 = arith.index_cast %add3A_1522 : i32 to index
        %swap3A_1589 = arith.constant 96 : index
        %swap3A_1590 = tpu.vector_load %arg10[%swap3A_1588, %swap3A_1589] {strides = array<i32>} : memref<128x128xf32, #tpu.memory_space<vmem>>, vector<1x16xf32>,
        %swap3A_1591 = vector.shape_cast %swap3A_1590 : vector<1x16xf32> to vector<16xf32>
        %swap3A_1592 = vector.shape_cast %mul3A_1587 : vector<16xf32> to vector<1x16xf32>
        tpu.vector_store %arg10[%swap3A_1588, %swap3A_1589], %swap3A_1592 {strides = array<i32>} : memref<128x128xf32, #tpu.memory_space<vmem>>, vector<1x16xf32>,
        %get3A_1593 = arith.index_cast %add3A_1522 : i32 to index
        %get3A_1594 = arith.constant 112 : index
        %get3A_1595 = tpu.vector_load %arg10[%get3A_1593, %get3A_1594] {strides = array<i32>} : memref<128x128xf32, #tpu.memory_space<vmem>>, vector<1x16xf32>,
        %get3A_1596 = vector.shape_cast %get3A_1595 : vector<1x16xf32> to vector<16xf32>
        %mul3A_1597 = arith.mulf %get3A_1596, %gather3A_1518 : vector<16xf32>
        %swap3A_1598 = arith.index_cast %add3A_1522 : i32 to index
        %swap3A_1599 = arith.constant 112 : index
        %swap3A_1600 = tpu.vector_load %arg10[%swap3A_1598, %swap3A_1599] {strides = array<i32>} : memref<128x128xf32, #tpu.memory_space<vmem>>, vector<1x16xf32>,
        %swap3A_1601 = vector.shape_cast %swap3A_1600 : vector<1x16xf32> to vector<16xf32>
        %swap3A_1602 = vector.shape_cast %mul3A_1597 : vector<16xf32> to vector<1x16xf32>
        tpu.vector_store %arg10[%swap3A_1598, %swap3A_1599], %swap3A_1602 {strides = array<i32>} : memref<128x128xf32, #tpu.memory_space<vmem>>, vector<1x16xf32>,
      }
      %scan3A_52 = arith.constant 8 : i32
      %dma_start3A_53 = arith.constant 0 : i32
      %dma_start3A_54 = tpu.memref_slice %arg8[%scan3A_36, %dma_start3A_53] : memref<79x128xi32, #tpu.memory_space<vmem>> -> memref<1x128xi32, #tpu.memory_space<vmem>>
      %dma_start3A_55 = tpu.memref_squeeze %dma_start3A_54 : memref<1x128xi32, #tpu.memory_space<vmem>> -> memref<128xi32, #tpu.memory_space<vmem>>
      %dma_start3A_56 = arith.constant 0 : i32
      %dma_start3A_57 = arith.constant 0 : i32
      %dma_start3A_58 = tpu.memref_slice %arg11[%dma_start3A_56, %dma_start3A_57] : memref<10240x128xf32, #tpu.memory_space<vmem_shared>> -> memref<10240x128xf32, #tpu.memory_space<vmem_shared>>
      tpu.enqueue_indirect_dma source(%arg10 : memref<128x128xf32, #tpu.memory_space<vmem>>) target(%dma_start3A_58 : memref<10240x128xf32, #tpu.memory_space<vmem_shared>>) offsets(%dma_start3A_55 : memref<128xi32, #tpu.memory_space<vmem>>) semaphore(%arg13 : memref<!tpu.dma_semaphore, #tpu.memory_space<semaphore_mem>>) {add = true}
      %dma_wait3A_59 = arith.constant 0 : i32
      %dma_wait3A_60 = tpu.memref_slice %arg8[%scan3A_36, %dma_wait3A_59] : memref<79x128xi32, #tpu.memory_space<vmem>> -> memref<1x128xi32, #tpu.memory_space<vmem>>
      %dma_wait3A_61 = tpu.memref_squeeze %dma_wait3A_60 : memref<1x128xi32, #tpu.memory_space<vmem>> -> memref<128xi32, #tpu.memory_space<vmem>>
      %dma_wait3A_62 = arith.constant 0 : i32
      %dma_wait3A_63 = arith.constant 0 : i32
      %dma_wait3A_64 = tpu.memref_slice %arg11[%dma_wait3A_62, %dma_wait3A_63] : memref<10240x128xf32, #tpu.memory_space<vmem_shared>> -> memref<10240x128xf32, #tpu.memory_space<vmem_shared>>
      tpu.wait_indirect_dma semaphore(%arg13 : memref<!tpu.dma_semaphore, #tpu.memory_space<semaphore_mem>>) src(%arg10 : memref<128x128xf32, #tpu.memory_space<vmem>>) dst(%dma_wait3A_64 : memref<10240x128xf32, #tpu.memory_space<vmem_shared>>)
    }
    %scan3A_24 = arith.constant 79 : i32
    %barrier3A_25 = arith.constant 0 : index
    tpu.barrier barrier_id(%barrier3A_25)
    %add3A_26 = arith.constant 0 : i32
    %add3A_27 = arith.addi %mul3A_2, %add3A_26 : i32
    "tpu.region"() ({
      %run_scoped3A = tpu.sem_alloc : memref<!tpu.dma_semaphore, #tpu.memory_space<semaphore_mem>>
      %dma_start3A = arith.constant 0 : i32
      %dma_start3A_36 = tpu.memref_slice %arg11[%add3A_27, %dma_start3A] : memref<10240x128xf32, #tpu.memory_space<vmem_shared>> -> memref<128x128xf32, #tpu.memory_space<vmem_shared>>
      %dma_start3A_37 = arith.constant 0 : i32
      %dma_start3A_38 = tpu.memref_slice %arg11[%add3A_27, %dma_start3A_37] : memref<10240x128xf32, #tpu.memory_space<vmem_shared>> -> memref<128x128xf32, #tpu.memory_space<vmem_shared>>
      tpu.enqueue_dma source(%dma_start3A_38 : memref<128x128xf32, #tpu.memory_space<vmem_shared>>) target(%arg10 : memref<128x128xf32, #tpu.memory_space<vmem>>) target_semaphore(%run_scoped3A : memref<!tpu.dma_semaphore, #tpu.memory_space<semaphore_mem>>)
      %dma_wait3A = arith.constant 0 : i32
      %dma_wait3A_39 = tpu.memref_slice %arg11[%add3A_27, %dma_wait3A] : memref<10240x128xf32, #tpu.memory_space<vmem_shared>> -> memref<128x128xf32, #tpu.memory_space<vmem_shared>>
      %dma_wait3A_40 = arith.constant 0 : i32
      %dma_wait3A_41 = tpu.memref_slice %arg11[%add3A_27, %dma_wait3A_40] : memref<10240x128xf32, #tpu.memory_space<vmem_shared>> -> memref<128x128xf32, #tpu.memory_space<vmem_shared>>
      tpu.wait_dma2 semaphore(%run_scoped3A : memref<!tpu.dma_semaphore, #tpu.memory_space<semaphore_mem>>) src(%dma_wait3A_41 : memref<128x128xf32, #tpu.memory_space<vmem_shared>>) dst(%arg10 : memref<128x128xf32, #tpu.memory_space<vmem>>)
      tpu.yield
    }) : () -> ()
    "tpu.region"() ({
      %run_scoped3A = tpu.sem_alloc : memref<!tpu.dma_semaphore, #tpu.memory_space<semaphore_mem>>
      %dma_start3A = arith.constant 0 : i32
      %dma_start3A_36 = tpu.memref_slice %arg6[%arg0, %add3A_27, %dma_start3A] : memref<2x10240x128xf32, #tpu.memory_space<hbm>> -> memref<1x128x128xf32, #tpu.memory_space<hbm>>
      %dma_start3A_37 = tpu.memref_squeeze %dma_start3A_36 : memref<1x128x128xf32, #tpu.memory_space<hbm>> -> memref<128x128xf32, #tpu.memory_space<hbm>>
      %dma_start3A_38 = arith.constant 0 : i32
      %dma_start3A_39 = tpu.memref_slice %arg6[%arg0, %add3A_27, %dma_start3A_38] : memref<2x10240x128xf32, #tpu.memory_space<hbm>> -> memref<1x128x128xf32, #tpu.memory_space<hbm>>
      %dma_start3A_40 = tpu.memref_squeeze %dma_start3A_39 : memref<1x128x128xf32, #tpu.memory_space<hbm>> -> memref<128x128xf32, #tpu.memory_space<hbm>>
      tpu.enqueue_dma source(%arg10 : memref<128x128xf32, #tpu.memory_space<vmem>>) target(%dma_start3A_40 : memref<128x128xf32, #tpu.memory_space<hbm>>) target_semaphore(%run_scoped3A : memref<!tpu.dma_semaphore, #tpu.memory_space<semaphore_mem>>)
      %dma_wait3A = arith.constant 0 : i32
      %dma_wait3A_41 = tpu.memref_slice %arg6[%arg0, %add3A_27, %dma_wait3A] : memref<2x10240x128xf32, #tpu.memory_space<hbm>> -> memref<1x128x128xf32, #tpu.memory_space<hbm>>
      %dma_wait3A_42 = tpu.memref_squeeze %dma_wait3A_41 : memref<1x128x128xf32, #tpu.memory_space<hbm>> -> memref<128x128xf32, #tpu.memory_space<hbm>>
      %dma_wait3A_43 = arith.constant 0 : i32
      %dma_wait3A_44 = tpu.memref_slice %arg6[%arg0, %add3A_27, %dma_wait3A_43] : memref<2x10240x128xf32, #tpu.memory_space<hbm>> -> memref<1x128x128xf32, #tpu.memory_space<hbm>>
      %dma_wait3A_45 = tpu.memref_squeeze %dma_wait3A_44 : memref<1x128x128xf32, #tpu.memory_space<hbm>> -> memref<128x128xf32, #tpu.memory_space<hbm>>
      tpu.wait_dma2 semaphore(%run_scoped3A : memref<!tpu.dma_semaphore, #tpu.memory_space<semaphore_mem>>) src(%arg10 : memref<128x128xf32, #tpu.memory_space<vmem>>) dst(%dma_wait3A_45 : memref<128x128xf32, #tpu.memory_space<hbm>>)
      tpu.yield
    }) : () -> ()
    %add3A_28 = arith.constant 128 : i32
    %add3A_29 = arith.addi %mul3A_2, %add3A_28 : i32
    "tpu.region"() ({
      %run_scoped3A = tpu.sem_alloc : memref<!tpu.dma_semaphore, #tpu.memory_space<semaphore_mem>>
      %dma_start3A = arith.constant 0 : i32
      %dma_start3A_36 = tpu.memref_slice %arg11[%add3A_29, %dma_start3A] : memref<10240x128xf32, #tpu.memory_space<vmem_shared>> -> memref<128x128xf32, #tpu.memory_space<vmem_shared>>
      %dma_start3A_37 = arith.constant 0 : i32
      %dma_start3A_38 = tpu.memref_slice %arg11[%add3A_29, %dma_start3A_37] : memref<10240x128xf32, #tpu.memory_space<vmem_shared>> -> memref<128x128xf32, #tpu.memory_space<vmem_shared>>
      tpu.enqueue_dma source(%dma_start3A_38 : memref<128x128xf32, #tpu.memory_space<vmem_shared>>) target(%arg10 : memref<128x128xf32, #tpu.memory_space<vmem>>) target_semaphore(%run_scoped3A : memref<!tpu.dma_semaphore, #tpu.memory_space<semaphore_mem>>)
      %dma_wait3A = arith.constant 0 : i32
      %dma_wait3A_39 = tpu.memref_slice %arg11[%add3A_29, %dma_wait3A] : memref<10240x128xf32, #tpu.memory_space<vmem_shared>> -> memref<128x128xf32, #tpu.memory_space<vmem_shared>>
      %dma_wait3A_40 = arith.constant 0 : i32
      %dma_wait3A_41 = tpu.memref_slice %arg11[%add3A_29, %dma_wait3A_40] : memref<10240x128xf32, #tpu.memory_space<vmem_shared>> -> memref<128x128xf32, #tpu.memory_space<vmem_shared>>
      tpu.wait_dma2 semaphore(%run_scoped3A : memref<!tpu.dma_semaphore, #tpu.memory_space<semaphore_mem>>) src(%dma_wait3A_41 : memref<128x128xf32, #tpu.memory_space<vmem_shared>>) dst(%arg10 : memref<128x128xf32, #tpu.memory_space<vmem>>)
      tpu.yield
    }) : () -> ()
    "tpu.region"() ({
      %run_scoped3A = tpu.sem_alloc : memref<!tpu.dma_semaphore, #tpu.memory_space<semaphore_mem>>
      %dma_start3A = arith.constant 0 : i32
      %dma_start3A_36 = tpu.memref_slice %arg6[%arg0, %add3A_29, %dma_start3A] : memref<2x10240x128xf32, #tpu.memory_space<hbm>> -> memref<1x128x128xf32, #tpu.memory_space<hbm>>
      %dma_start3A_37 = tpu.memref_squeeze %dma_start3A_36 : memref<1x128x128xf32, #tpu.memory_space<hbm>> -> memref<128x128xf32, #tpu.memory_space<hbm>>
      %dma_start3A_38 = arith.constant 0 : i32
      %dma_start3A_39 = tpu.memref_slice %arg6[%arg0, %add3A_29, %dma_start3A_38] : memref<2x10240x128xf32, #tpu.memory_space<hbm>> -> memref<1x128x128xf32, #tpu.memory_space<hbm>>
      %dma_start3A_40 = tpu.memref_squeeze %dma_start3A_39 : memref<1x128x128xf32, #tpu.memory_space<hbm>> -> memref<128x128xf32, #tpu.memory_space<hbm>>
      tpu.enqueue_dma source(%arg10 : memref<128x128xf32, #tpu.memory_space<vmem>>) target(%dma_start3A_40 : memref<128x128xf32, #tpu.memory_space<hbm>>) target_semaphore(%run_scoped3A : memref<!tpu.dma_semaphore, #tpu.memory_space<semaphore_mem>>)
      %dma_wait3A = arith.constant 0 : i32
      %dma_wait3A_41 = tpu.memref_slice %arg6[%arg0, %add3A_29, %dma_wait3A] : memref<2x10240x128xf32, #tpu.memory_space<hbm>> -> memref<1x128x128xf32, #tpu.memory_space<hbm>>
      %dma_wait3A_42 = tpu.memref_squeeze %dma_wait3A_41 : memref<1x128x128xf32, #tpu.memory_space<hbm>> -> memref<128x128xf32, #tpu.memory_space<hbm>>
      %dma_wait3A_43 = arith.constant 0 : i32
      %dma_wait3A_44 = tpu.memref_slice %arg6[%arg0, %add3A_29, %dma_wait3A_43] : memref<2x10240x128xf32, #tpu.memory_space<hbm>> -> memref<1x128x128xf32, #tpu.memory_space<hbm>>
      %dma_wait3A_45 = tpu.memref_squeeze %dma_wait3A_44 : memref<1x128x128xf32, #tpu.memory_space<hbm>> -> memref<128x128xf32, #tpu.memory_space<hbm>>
      tpu.wait_dma2 semaphore(%run_scoped3A : memref<!tpu.dma_semaphore, #tpu.memory_space<semaphore_mem>>) src(%arg10 : memref<128x128xf32, #tpu.memory_space<vmem>>) dst(%dma_wait3A_45 : memref<128x128xf32, #tpu.memory_space<hbm>>)
      tpu.yield
    }) : () -> ()
    %add3A_30 = arith.constant 256 : i32
    %add3A_31 = arith.addi %mul3A_2, %add3A_30 : i32
    "tpu.region"() ({
      %run_scoped3A = tpu.sem_alloc : memref<!tpu.dma_semaphore, #tpu.memory_space<semaphore_mem>>
      %dma_start3A = arith.constant 0 : i32
      %dma_start3A_36 = tpu.memref_slice %arg11[%add3A_31, %dma_start3A] : memref<10240x128xf32, #tpu.memory_space<vmem_shared>> -> memref<128x128xf32, #tpu.memory_space<vmem_shared>>
      %dma_start3A_37 = arith.constant 0 : i32
      %dma_start3A_38 = tpu.memref_slice %arg11[%add3A_31, %dma_start3A_37] : memref<10240x128xf32, #tpu.memory_space<vmem_shared>> -> memref<128x128xf32, #tpu.memory_space<vmem_shared>>
      tpu.enqueue_dma source(%dma_start3A_38 : memref<128x128xf32, #tpu.memory_space<vmem_shared>>) target(%arg10 : memref<128x128xf32, #tpu.memory_space<vmem>>) target_semaphore(%run_scoped3A : memref<!tpu.dma_semaphore, #tpu.memory_space<semaphore_mem>>)
      %dma_wait3A = arith.constant 0 : i32
      %dma_wait3A_39 = tpu.memref_slice %arg11[%add3A_31, %dma_wait3A] : memref<10240x128xf32, #tpu.memory_space<vmem_shared>> -> memref<128x128xf32, #tpu.memory_space<vmem_shared>>
      %dma_wait3A_40 = arith.constant 0 : i32
      %dma_wait3A_41 = tpu.memref_slice %arg11[%add3A_31, %dma_wait3A_40] : memref<10240x128xf32, #tpu.memory_space<vmem_shared>> -> memref<128x128xf32, #tpu.memory_space<vmem_shared>>
      tpu.wait_dma2 semaphore(%run_scoped3A : memref<!tpu.dma_semaphore, #tpu.memory_space<semaphore_mem>>) src(%dma_wait3A_41 : memref<128x128xf32, #tpu.memory_space<vmem_shared>>) dst(%arg10 : memref<128x128xf32, #tpu.memory_space<vmem>>)
      tpu.yield
    }) : () -> ()
    "tpu.region"() ({
      %run_scoped3A = tpu.sem_alloc : memref<!tpu.dma_semaphore, #tpu.memory_space<semaphore_mem>>
      %dma_start3A = arith.constant 0 : i32
      %dma_start3A_36 = tpu.memref_slice %arg6[%arg0, %add3A_31, %dma_start3A] : memref<2x10240x128xf32, #tpu.memory_space<hbm>> -> memref<1x128x128xf32, #tpu.memory_space<hbm>>
      %dma_start3A_37 = tpu.memref_squeeze %dma_start3A_36 : memref<1x128x128xf32, #tpu.memory_space<hbm>> -> memref<128x128xf32, #tpu.memory_space<hbm>>
      %dma_start3A_38 = arith.constant 0 : i32
      %dma_start3A_39 = tpu.memref_slice %arg6[%arg0, %add3A_31, %dma_start3A_38] : memref<2x10240x128xf32, #tpu.memory_space<hbm>> -> memref<1x128x128xf32, #tpu.memory_space<hbm>>
      %dma_start3A_40 = tpu.memref_squeeze %dma_start3A_39 : memref<1x128x128xf32, #tpu.memory_space<hbm>> -> memref<128x128xf32, #tpu.memory_space<hbm>>
      tpu.enqueue_dma source(%arg10 : memref<128x128xf32, #tpu.memory_space<vmem>>) target(%dma_start3A_40 : memref<128x128xf32, #tpu.memory_space<hbm>>) target_semaphore(%run_scoped3A : memref<!tpu.dma_semaphore, #tpu.memory_space<semaphore_mem>>)
      %dma_wait3A = arith.constant 0 : i32
      %dma_wait3A_41 = tpu.memref_slice %arg6[%arg0, %add3A_31, %dma_wait3A] : memref<2x10240x128xf32, #tpu.memory_space<hbm>> -> memref<1x128x128xf32, #tpu.memory_space<hbm>>
      %dma_wait3A_42 = tpu.memref_squeeze %dma_wait3A_41 : memref<1x128x128xf32, #tpu.memory_space<hbm>> -> memref<128x128xf32, #tpu.memory_space<hbm>>
      %dma_wait3A_43 = arith.constant 0 : i32
      %dma_wait3A_44 = tpu.memref_slice %arg6[%arg0, %add3A_31, %dma_wait3A_43] : memref<2x10240x128xf32, #tpu.memory_space<hbm>> -> memref<1x128x128xf32, #tpu.memory_space<hbm>>
      %dma_wait3A_45 = tpu.memref_squeeze %dma_wait3A_44 : memref<1x128x128xf32, #tpu.memory_space<hbm>> -> memref<128x128xf32, #tpu.memory_space<hbm>>
      tpu.wait_dma2 semaphore(%run_scoped3A : memref<!tpu.dma_semaphore, #tpu.memory_space<semaphore_mem>>) src(%arg10 : memref<128x128xf32, #tpu.memory_space<vmem>>) dst(%dma_wait3A_45 : memref<128x128xf32, #tpu.memory_space<hbm>>)
      tpu.yield
    }) : () -> ()
    %add3A_32 = arith.constant 384 : i32
    %add3A_33 = arith.addi %mul3A_2, %add3A_32 : i32
    "tpu.region"() ({
      %run_scoped3A = tpu.sem_alloc : memref<!tpu.dma_semaphore, #tpu.memory_space<semaphore_mem>>
      %dma_start3A = arith.constant 0 : i32
      %dma_start3A_36 = tpu.memref_slice %arg11[%add3A_33, %dma_start3A] : memref<10240x128xf32, #tpu.memory_space<vmem_shared>> -> memref<128x128xf32, #tpu.memory_space<vmem_shared>>
      %dma_start3A_37 = arith.constant 0 : i32
      %dma_start3A_38 = tpu.memref_slice %arg11[%add3A_33, %dma_start3A_37] : memref<10240x128xf32, #tpu.memory_space<vmem_shared>> -> memref<128x128xf32, #tpu.memory_space<vmem_shared>>
      tpu.enqueue_dma source(%dma_start3A_38 : memref<128x128xf32, #tpu.memory_space<vmem_shared>>) target(%arg10 : memref<128x128xf32, #tpu.memory_space<vmem>>) target_semaphore(%run_scoped3A : memref<!tpu.dma_semaphore, #tpu.memory_space<semaphore_mem>>)
      %dma_wait3A = arith.constant 0 : i32
      %dma_wait3A_39 = tpu.memref_slice %arg11[%add3A_33, %dma_wait3A] : memref<10240x128xf32, #tpu.memory_space<vmem_shared>> -> memref<128x128xf32, #tpu.memory_space<vmem_shared>>
      %dma_wait3A_40 = arith.constant 0 : i32
      %dma_wait3A_41 = tpu.memref_slice %arg11[%add3A_33, %dma_wait3A_40] : memref<10240x128xf32, #tpu.memory_space<vmem_shared>> -> memref<128x128xf32, #tpu.memory_space<vmem_shared>>
      tpu.wait_dma2 semaphore(%run_scoped3A : memref<!tpu.dma_semaphore, #tpu.memory_space<semaphore_mem>>) src(%dma_wait3A_41 : memref<128x128xf32, #tpu.memory_space<vmem_shared>>) dst(%arg10 : memref<128x128xf32, #tpu.memory_space<vmem>>)
      tpu.yield
    }) : () -> ()
    "tpu.region"() ({
      %run_scoped3A = tpu.sem_alloc : memref<!tpu.dma_semaphore, #tpu.memory_space<semaphore_mem>>
      %dma_start3A = arith.constant 0 : i32
      %dma_start3A_36 = tpu.memref_slice %arg6[%arg0, %add3A_33, %dma_start3A] : memref<2x10240x128xf32, #tpu.memory_space<hbm>> -> memref<1x128x128xf32, #tpu.memory_space<hbm>>
      %dma_start3A_37 = tpu.memref_squeeze %dma_start3A_36 : memref<1x128x128xf32, #tpu.memory_space<hbm>> -> memref<128x128xf32, #tpu.memory_space<hbm>>
      %dma_start3A_38 = arith.constant 0 : i32
      %dma_start3A_39 = tpu.memref_slice %arg6[%arg0, %add3A_33, %dma_start3A_38] : memref<2x10240x128xf32, #tpu.memory_space<hbm>> -> memref<1x128x128xf32, #tpu.memory_space<hbm>>
      %dma_start3A_40 = tpu.memref_squeeze %dma_start3A_39 : memref<1x128x128xf32, #tpu.memory_space<hbm>> -> memref<128x128xf32, #tpu.memory_space<hbm>>
      tpu.enqueue_dma source(%arg10 : memref<128x128xf32, #tpu.memory_space<vmem>>) target(%dma_start3A_40 : memref<128x128xf32, #tpu.memory_space<hbm>>) target_semaphore(%run_scoped3A : memref<!tpu.dma_semaphore, #tpu.memory_space<semaphore_mem>>)
      %dma_wait3A = arith.constant 0 : i32
      %dma_wait3A_41 = tpu.memref_slice %arg6[%arg0, %add3A_33, %dma_wait3A] : memref<2x10240x128xf32, #tpu.memory_space<hbm>> -> memref<1x128x128xf32, #tpu.memory_space<hbm>>
      %dma_wait3A_42 = tpu.memref_squeeze %dma_wait3A_41 : memref<1x128x128xf32, #tpu.memory_space<hbm>> -> memref<128x128xf32, #tpu.memory_space<hbm>>
      %dma_wait3A_43 = arith.constant 0 : i32
      %dma_wait3A_44 = tpu.memref_slice %arg6[%arg0, %add3A_33, %dma_wait3A_43] : memref<2x10240x128xf32, #tpu.memory_space<hbm>> -> memref<1x128x128xf32, #tpu.memory_space<hbm>>
      %dma_wait3A_45 = tpu.memref_squeeze %dma_wait3A_44 : memref<1x128x128xf32, #tpu.memory_space<hbm>> -> memref<128x128xf32, #tpu.memory_space<hbm>>
      tpu.wait_dma2 semaphore(%run_scoped3A : memref<!tpu.dma_semaphore, #tpu.memory_space<semaphore_mem>>) src(%arg10 : memref<128x128xf32, #tpu.memory_space<vmem>>) dst(%dma_wait3A_45 : memref<128x128xf32, #tpu.memory_space<hbm>>)
      tpu.yield
    }) : () -> ()
    %add3A_34 = arith.constant 512 : i32
    %add3A_35 = arith.addi %mul3A_2, %add3A_34 : i32
    "tpu.region"() ({
      %run_scoped3A = tpu.sem_alloc : memref<!tpu.dma_semaphore, #tpu.memory_space<semaphore_mem>>
      %dma_start3A = arith.constant 0 : i32
      %dma_start3A_36 = tpu.memref_slice %arg11[%add3A_35, %dma_start3A] : memref<10240x128xf32, #tpu.memory_space<vmem_shared>> -> memref<128x128xf32, #tpu.memory_space<vmem_shared>>
      %dma_start3A_37 = arith.constant 0 : i32
      %dma_start3A_38 = tpu.memref_slice %arg11[%add3A_35, %dma_start3A_37] : memref<10240x128xf32, #tpu.memory_space<vmem_shared>> -> memref<128x128xf32, #tpu.memory_space<vmem_shared>>
      tpu.enqueue_dma source(%dma_start3A_38 : memref<128x128xf32, #tpu.memory_space<vmem_shared>>) target(%arg10 : memref<128x128xf32, #tpu.memory_space<vmem>>) target_semaphore(%run_scoped3A : memref<!tpu.dma_semaphore, #tpu.memory_space<semaphore_mem>>)
      %dma_wait3A = arith.constant 0 : i32
      %dma_wait3A_39 = tpu.memref_slice %arg11[%add3A_35, %dma_wait3A] : memref<10240x128xf32, #tpu.memory_space<vmem_shared>> -> memref<128x128xf32, #tpu.memory_space<vmem_shared>>
      %dma_wait3A_40 = arith.constant 0 : i32
      %dma_wait3A_41 = tpu.memref_slice %arg11[%add3A_35, %dma_wait3A_40] : memref<10240x128xf32, #tpu.memory_space<vmem_shared>> -> memref<128x128xf32, #tpu.memory_space<vmem_shared>>
      tpu.wait_dma2 semaphore(%run_scoped3A : memref<!tpu.dma_semaphore, #tpu.memory_space<semaphore_mem>>) src(%dma_wait3A_41 : memref<128x128xf32, #tpu.memory_space<vmem_shared>>) dst(%arg10 : memref<128x128xf32, #tpu.memory_space<vmem>>)
      tpu.yield
    }) : () -> ()
    "tpu.region"() ({
      %run_scoped3A = tpu.sem_alloc : memref<!tpu.dma_semaphore, #tpu.memory_space<semaphore_mem>>
      %dma_start3A = arith.constant 0 : i32
      %dma_start3A_36 = tpu.memref_slice %arg6[%arg0, %add3A_35, %dma_start3A] : memref<2x10240x128xf32, #tpu.memory_space<hbm>> -> memref<1x128x128xf32, #tpu.memory_space<hbm>>
      %dma_start3A_37 = tpu.memref_squeeze %dma_start3A_36 : memref<1x128x128xf32, #tpu.memory_space<hbm>> -> memref<128x128xf32, #tpu.memory_space<hbm>>
      %dma_start3A_38 = arith.constant 0 : i32
      %dma_start3A_39 = tpu.memref_slice %arg6[%arg0, %add3A_35, %dma_start3A_38] : memref<2x10240x128xf32, #tpu.memory_space<hbm>> -> memref<1x128x128xf32, #tpu.memory_space<hbm>>
      %dma_start3A_40 = tpu.memref_squeeze %dma_start3A_39 : memref<1x128x128xf32, #tpu.memory_space<hbm>> -> memref<128x128xf32, #tpu.memory_space<hbm>>
      tpu.enqueue_dma source(%arg10 : memref<128x128xf32, #tpu.memory_space<vmem>>) target(%dma_start3A_40 : memref<128x128xf32, #tpu.memory_space<hbm>>) target_semaphore(%run_scoped3A : memref<!tpu.dma_semaphore, #tpu.memory_space<semaphore_mem>>)
      %dma_wait3A = arith.constant 0 : i32
      %dma_wait3A_41 = tpu.memref_slice %arg6[%arg0, %add3A_35, %dma_wait3A] : memref<2x10240x128xf32, #tpu.memory_space<hbm>> -> memref<1x128x128xf32, #tpu.memory_space<hbm>>
      %dma_wait3A_42 = tpu.memref_squeeze %dma_wait3A_41 : memref<1x128x128xf32, #tpu.memory_space<hbm>> -> memref<128x128xf32, #tpu.memory_space<hbm>>
      %dma_wait3A_43 = arith.constant 0 : i32
      %dma_wait3A_44 = tpu.memref_slice %arg6[%arg0, %add3A_35, %dma_wait3A_43] : memref<2x10240x128xf32, #tpu.memory_space<hbm>> -> memref<1x128x128xf32, #tpu.memory_space<hbm>>
      %dma_wait3A_45 = tpu.memref_squeeze %dma_wait3A_44 : memref<1x128x128xf32, #tpu.memory_space<hbm>> -> memref<128x128xf32, #tpu.memory_space<hbm>>
      tpu.wait_dma2 semaphore(%run_scoped3A : memref<!tpu.dma_semaphore, #tpu.memory_space<semaphore_mem>>) src(%arg10 : memref<128x128xf32, #tpu.memory_space<vmem>>) dst(%dma_wait3A_45 : memref<128x128xf32, #tpu.memory_space<hbm>>)
      tpu.yield
    }) : () -> ()
    return
  }
}

module attributes {stable_mosaic.version = 14 : i64} {
  func.func @_mm_body(%arg0: i32, %arg1: memref<1000x128xf32, #tpu.memory_space<vmem>>, %arg2: memref<128x128xf32, #tpu.memory_space<vmem>>, %arg3: memref<1000x128xf32, #tpu.memory_space<vmem>>) attributes {dimension_semantics = [#tpu.dimension_semantics<arbitrary>], iteration_bounds = array<i64: 10>, scalar_prefetch = 0 : i64, scratch_operands = 0 : i64, tpu.core_type = #tpu.core_type<tc>, window_params = [{transform_indices = @transform_0, window_bounds = array<i64: 1000, 128>}, {pipeline_mode = #tpu.pipeline_mode<synchronous>, transform_indices = @transform_1, window_bounds = array<i64: 128, 128>}, {transform_indices = @transform_2, window_bounds = array<i64: 1000, 128>}]} {
    %get3A = arith.constant 0 : index
    %get3A_0 = arith.constant 0 : index
    %get3A_1 = vector.load %arg1[%get3A, %get3A_0] : memref<1000x128xf32, #tpu.memory_space<vmem>>, vector<1000x128xf32>
    %get3A_2 = arith.constant 0 : index
    %get3A_3 = arith.constant 0 : index
    %get3A_4 = vector.load %arg2[%get3A_2, %get3A_3] : memref<128x128xf32, #tpu.memory_space<vmem>>, vector<128x128xf32>
    %dot_general3A = arith.constant dense<0.000000e+00> : vector<1000x128xf32>
    %dot_general3A_5 = tpu.matmul %get3A_1, %get3A_4, %dot_general3A {dimension_numbers = #tpu.dot_dimension_numbers<[1], [0], [0], [1], [0, 0, 1, 1], [], []>, transpose_lhs_hint = false} : vector<1000x128xf32>, vector<128x128xf32>, vector<1000x128xf32> -> vector<1000x128xf32>
    %swap3A = arith.constant 0 : index
    %swap3A_6 = arith.constant 0 : index
    %swap3A_7 = vector.load %arg3[%swap3A, %swap3A_6] : memref<1000x128xf32, #tpu.memory_space<vmem>>, vector<1000x128xf32>
    tpu.vector_store %arg3[%swap3A, %swap3A_6], %dot_general3A_5 {strides = array<i32>} : memref<1000x128xf32, #tpu.memory_space<vmem>>, vector<1000x128xf32>,
    return
  }
  func.func @transform_0(%arg0: i32) -> (i32, i32) {
    %c0_i32 = arith.constant 0 : i32
    %c0_i32_0 = arith.constant 0 : i32
    return %arg0, %c0_i32 : i32, i32
  }
  func.func @transform_1(%arg0: i32) -> (i32, i32) {
    %c0_i32 = arith.constant 0 : i32
    %c0_i32_0 = arith.constant 0 : i32
    %c0_i32_1 = arith.constant 0 : i32
    return %c0_i32, %c0_i32_0 : i32, i32
  }
  func.func @transform_2(%arg0: i32) -> (i32, i32) {
    %c0_i32 = arith.constant 0 : i32
    %c0_i32_0 = arith.constant 0 : i32
    return %arg0, %c0_i32 : i32, i32
  }
}

module attributes {stable_mosaic.version = 14 : i64} {
  func.func @_gru_mid_body(%arg0: i32, %arg1: memref<2x1000x128xf32, #tpu.memory_space<vmem>>, %arg2: memref<1000x128xf32, #tpu.memory_space<vmem>>, %arg3: memref<128x384xf32, #tpu.memory_space<vmem>>, %arg4: memref<128x384xf32, #tpu.memory_space<vmem>>, %arg5: memref<1x384xf32, #tpu.memory_space<vmem>>, %arg6: memref<1x384xf32, #tpu.memory_space<vmem>>, %arg7: memref<128x128xf32, #tpu.memory_space<vmem>>, %arg8: memref<1000x128xf32, #tpu.memory_space<vmem>>, %arg9: memref<1000x128xf32, #tpu.memory_space<vmem>>) attributes {dimension_semantics = [#tpu.dimension_semantics<arbitrary>], iteration_bounds = array<i64: 10>, scalar_prefetch = 0 : i64, scratch_operands = 0 : i64, tpu.core_type = #tpu.core_type<tc>, window_params = [{transform_indices = @transform_0, window_bounds = array<i64: 2, 1000, 128>}, {transform_indices = @transform_1, window_bounds = array<i64: 1000, 128>}, {pipeline_mode = #tpu.pipeline_mode<synchronous>, transform_indices = @transform_2, window_bounds = array<i64: 128, 384>}, {pipeline_mode = #tpu.pipeline_mode<synchronous>, transform_indices = @transform_3, window_bounds = array<i64: 128, 384>}, {pipeline_mode = #tpu.pipeline_mode<synchronous>, transform_indices = @transform_4, window_bounds = array<i64: 1, 384>}, {pipeline_mode = #tpu.pipeline_mode<synchronous>, transform_indices = @transform_5, window_bounds = array<i64: 1, 384>}, {pipeline_mode = #tpu.pipeline_mode<synchronous>, transform_indices = @transform_6, window_bounds = array<i64: 128, 128>}, {transform_indices = @transform_7, window_bounds = array<i64: 1000, 128>}, {transform_indices = @transform_8, window_bounds = array<i64: 1000, 128>}]} {
    %get3A = arith.constant 0 : index
    %get3A_0 = arith.constant 0 : index
    %get3A_1 = arith.constant 0 : index
    %get3A_2 = vector.load %arg1[%get3A, %get3A_0, %get3A_1] : memref<2x1000x128xf32, #tpu.memory_space<vmem>>, vector<1x1000x128xf32>
    %get3A_3 = vector.shape_cast %get3A_2 : vector<1x1000x128xf32> to vector<1000x128xf32>
    %get3A_4 = arith.constant 1 : index
    %get3A_5 = arith.constant 0 : index
    %get3A_6 = arith.constant 0 : index
    %get3A_7 = vector.load %arg1[%get3A_4, %get3A_5, %get3A_6] : memref<2x1000x128xf32, #tpu.memory_space<vmem>>, vector<1x1000x128xf32>
    %get3A_8 = vector.shape_cast %get3A_7 : vector<1x1000x128xf32> to vector<1000x128xf32>
    %add3A = arith.addf %get3A_3, %get3A_8 : vector<1000x128xf32>
    %get3A_9 = arith.constant 0 : index
    %get3A_10 = arith.constant 0 : index
    %get3A_11 = vector.load %arg2[%get3A_9, %get3A_10] : memref<1000x128xf32, #tpu.memory_space<vmem>>, vector<1000x128xf32>
    %get3A_12 = arith.constant 0 : index
    %get3A_13 = arith.constant 0 : index
    %get3A_14 = vector.load %arg3[%get3A_12, %get3A_13] : memref<128x384xf32, #tpu.memory_space<vmem>>, vector<128x384xf32>
    %dot_general3A = arith.constant dense<0.000000e+00> : vector<1000x384xf32>
    %dot_general3A_15 = tpu.matmul %add3A, %get3A_14, %dot_general3A {dimension_numbers = #tpu.dot_dimension_numbers<[1], [0], [0], [1], [0, 0, 1, 1], [], []>, transpose_lhs_hint = false} : vector<1000x128xf32>, vector<128x384xf32>, vector<1000x384xf32> -> vector<1000x384xf32>
    %get3A_16 = arith.constant 0 : index
    %get3A_17 = arith.constant 0 : index
    %get3A_18 = vector.load %arg5[%get3A_16, %get3A_17] : memref<1x384xf32, #tpu.memory_space<vmem>>, vector<1x384xf32>
    %add3A_19 = vector.broadcast %get3A_18 : vector<1x384xf32> to vector<1000x384xf32>
    %add3A_20 = arith.addf %dot_general3A_15, %add3A_19 : vector<1000x384xf32>
    %get3A_21 = arith.constant 0 : index
    %get3A_22 = arith.constant 0 : index
    %get3A_23 = vector.load %arg4[%get3A_21, %get3A_22] : memref<128x384xf32, #tpu.memory_space<vmem>>, vector<128x384xf32>
    %dot_general3A_24 = arith.constant dense<0.000000e+00> : vector<1000x384xf32>
    %dot_general3A_25 = tpu.matmul %get3A_11, %get3A_23, %dot_general3A_24 {dimension_numbers = #tpu.dot_dimension_numbers<[1], [0], [0], [1], [0, 0, 1, 1], [], []>, transpose_lhs_hint = false} : vector<1000x128xf32>, vector<128x384xf32>, vector<1000x384xf32> -> vector<1000x384xf32>
    %get3A_26 = arith.constant 0 : index
    %get3A_27 = arith.constant 0 : index
    %get3A_28 = vector.load %arg6[%get3A_26, %get3A_27] : memref<1x384xf32, #tpu.memory_space<vmem>>, vector<1x384xf32>
    %add3A_29 = vector.broadcast %get3A_28 : vector<1x384xf32> to vector<1000x384xf32>
    %add3A_30 = arith.addf %dot_general3A_25, %add3A_29 : vector<1000x384xf32>
    %slice3A = vector.extract_strided_slice %add3A_20 {offsets = [0, 0], sizes = [1000, 128], strides = [1, 1]} : vector<1000x384xf32> to vector<1000x128xf32>
    %slice3A_31 = vector.extract_strided_slice %add3A_30 {offsets = [0, 0], sizes = [1000, 128], strides = [1, 1]} : vector<1000x384xf32> to vector<1000x128xf32>
    %add3A_32 = arith.addf %slice3A, %slice3A_31 : vector<1000x128xf32>
    %logistic3A = arith.negf %add3A_32 : vector<1000x128xf32>
    %logistic3A_33 = math.exp %logistic3A : vector<1000x128xf32>
    %logistic3A_34 = arith.constant 1.000000e+00 : f32
    %logistic3A_35 = vector.broadcast %logistic3A_34 : f32 to vector<1000x128xf32>
    %logistic3A_36 = arith.addf %logistic3A_35, %logistic3A_33 : vector<1000x128xf32>
    %logistic3A_37 = arith.divf %logistic3A_35, %logistic3A_36 : vector<1000x128xf32>
    %slice3A_38 = vector.extract_strided_slice %add3A_20 {offsets = [0, 128], sizes = [1000, 128], strides = [1, 1]} : vector<1000x384xf32> to vector<1000x128xf32>
    %slice3A_39 = vector.extract_strided_slice %add3A_30 {offsets = [0, 128], sizes = [1000, 128], strides = [1, 1]} : vector<1000x384xf32> to vector<1000x128xf32>
    %add3A_40 = arith.addf %slice3A_38, %slice3A_39 : vector<1000x128xf32>
    %logistic3A_41 = arith.negf %add3A_40 : vector<1000x128xf32>
    %logistic3A_42 = math.exp %logistic3A_41 : vector<1000x128xf32>
    %logistic3A_43 = arith.constant 1.000000e+00 : f32
    %logistic3A_44 = vector.broadcast %logistic3A_43 : f32 to vector<1000x128xf32>
    %logistic3A_45 = arith.addf %logistic3A_44, %logistic3A_42 : vector<1000x128xf32>
    %logistic3A_46 = arith.divf %logistic3A_44, %logistic3A_45 : vector<1000x128xf32>
    %slice3A_47 = vector.extract_strided_slice %add3A_20 {offsets = [0, 256], sizes = [1000, 128], strides = [1, 1]} : vector<1000x384xf32> to vector<1000x128xf32>
    %slice3A_48 = vector.extract_strided_slice %add3A_30 {offsets = [0, 256], sizes = [1000, 128], strides = [1, 1]} : vector<1000x384xf32> to vector<1000x128xf32>
    %mul3A = arith.mulf %logistic3A_37, %slice3A_48 : vector<1000x128xf32>
    %add3A_49 = arith.addf %slice3A_47, %mul3A : vector<1000x128xf32>
    %tanh3A = math.tanh %add3A_49 : vector<1000x128xf32>
    %sub3A = arith.constant 1.000000e+00 : f32
    %sub3A_50 = vector.broadcast %sub3A : f32 to vector<1000x128xf32>
    %sub3A_51 = arith.subf %sub3A_50, %logistic3A_46 : vector<1000x128xf32>
    %mul3A_52 = arith.mulf %sub3A_51, %tanh3A : vector<1000x128xf32>
    %mul3A_53 = arith.mulf %logistic3A_46, %get3A_11 : vector<1000x128xf32>
    %add3A_54 = arith.addf %mul3A_52, %mul3A_53 : vector<1000x128xf32>
    %swap3A = arith.constant 0 : index
    %swap3A_55 = arith.constant 0 : index
    %swap3A_56 = vector.load %arg8[%swap3A, %swap3A_55] : memref<1000x128xf32, #tpu.memory_space<vmem>>, vector<1000x128xf32>
    tpu.vector_store %arg8[%swap3A, %swap3A_55], %add3A_54 {strides = array<i32>} : memref<1000x128xf32, #tpu.memory_space<vmem>>, vector<1000x128xf32>,
    %get3A_57 = arith.constant 0 : index
    %get3A_58 = arith.constant 0 : index
    %get3A_59 = vector.load %arg7[%get3A_57, %get3A_58] : memref<128x128xf32, #tpu.memory_space<vmem>>, vector<128x128xf32>
    %dot_general3A_60 = arith.constant dense<0.000000e+00> : vector<1000x128xf32>
    %dot_general3A_61 = tpu.matmul %add3A_54, %get3A_59, %dot_general3A_60 {dimension_numbers = #tpu.dot_dimension_numbers<[1], [0], [0], [1], [0, 0, 1, 1], [], []>, transpose_lhs_hint = false} : vector<1000x128xf32>, vector<128x128xf32>, vector<1000x128xf32> -> vector<1000x128xf32>
    %swap3A_62 = arith.constant 0 : index
    %swap3A_63 = arith.constant 0 : index
    %swap3A_64 = vector.load %arg9[%swap3A_62, %swap3A_63] : memref<1000x128xf32, #tpu.memory_space<vmem>>, vector<1000x128xf32>
    tpu.vector_store %arg9[%swap3A_62, %swap3A_63], %dot_general3A_61 {strides = array<i32>} : memref<1000x128xf32, #tpu.memory_space<vmem>>, vector<1000x128xf32>,
    return
  }
  func.func @transform_0(%arg0: i32) -> (i32, i32, i32) {
    %c0_i32 = arith.constant 0 : i32
    %c0_i32_0 = arith.constant 0 : i32
    %c0_i32_1 = arith.constant 0 : i32
    return %c0_i32, %arg0, %c0_i32_0 : i32, i32, i32
  }
  func.func @transform_1(%arg0: i32) -> (i32, i32) {
    %c0_i32 = arith.constant 0 : i32
    %c0_i32_0 = arith.constant 0 : i32
    return %arg0, %c0_i32 : i32, i32
  }
  func.func @transform_2(%arg0: i32) -> (i32, i32) {
    %c0_i32 = arith.constant 0 : i32
    %c0_i32_0 = arith.constant 0 : i32
    %c0_i32_1 = arith.constant 0 : i32
    return %c0_i32, %c0_i32_0 : i32, i32
  }
  func.func @transform_3(%arg0: i32) -> (i32, i32) {
    %c0_i32 = arith.constant 0 : i32
    %c0_i32_0 = arith.constant 0 : i32
    %c0_i32_1 = arith.constant 0 : i32
    return %c0_i32, %c0_i32_0 : i32, i32
  }
  func.func @transform_4(%arg0: i32) -> (i32, i32) {
    %c0_i32 = arith.constant 0 : i32
    %c0_i32_0 = arith.constant 0 : i32
    %c0_i32_1 = arith.constant 0 : i32
    return %c0_i32, %c0_i32_0 : i32, i32
  }
  func.func @transform_5(%arg0: i32) -> (i32, i32) {
    %c0_i32 = arith.constant 0 : i32
    %c0_i32_0 = arith.constant 0 : i32
    %c0_i32_1 = arith.constant 0 : i32
    return %c0_i32, %c0_i32_0 : i32, i32
  }
  func.func @transform_6(%arg0: i32) -> (i32, i32) {
    %c0_i32 = arith.constant 0 : i32
    %c0_i32_0 = arith.constant 0 : i32
    %c0_i32_1 = arith.constant 0 : i32
    return %c0_i32, %c0_i32_0 : i32, i32
  }
  func.func @transform_7(%arg0: i32) -> (i32, i32) {
    %c0_i32 = arith.constant 0 : i32
    %c0_i32_0 = arith.constant 0 : i32
    return %arg0, %c0_i32 : i32, i32
  }
  func.func @transform_8(%arg0: i32) -> (i32, i32) {
    %c0_i32 = arith.constant 0 : i32
    %c0_i32_0 = arith.constant 0 : i32
    return %arg0, %c0_i32 : i32, i32
  }
}

module attributes {stable_mosaic.version = 14 : i64} {
  func.func @_mlp_body(%arg0: memref<10x128xf32, #tpu.memory_space<vmem>>, %arg1: memref<128x256xf32, #tpu.memory_space<vmem>>, %arg2: memref<1x256xf32, #tpu.memory_space<vmem>>, %arg3: memref<256x256xf32, #tpu.memory_space<vmem>>, %arg4: memref<1x256xf32, #tpu.memory_space<vmem>>, %arg5: memref<256x1xf32, #tpu.memory_space<vmem>>, %arg6: memref<1x1xf32, #tpu.memory_space<vmem>>, %arg7: memref<1x1xf32, #tpu.memory_space<vmem>>) attributes {dimension_semantics = [], scalar_prefetch = 0 : i64, scratch_operands = 0 : i64, tpu.core_type = #tpu.core_type<tc>} {
    %get3A = arith.constant 0 : index
    %get3A_0 = arith.constant 0 : index
    %get3A_1 = vector.load %arg0[%get3A, %get3A_0] : memref<10x128xf32, #tpu.memory_space<vmem>>, vector<10x128xf32>
    %reduce_sum3A = arith.constant dense<0.000000e+00> : vector<128xf32>
    %reduce_sum3A_2 = vector.multi_reduction <add>, %get3A_1, %reduce_sum3A [0] : vector<10x128xf32> to vector<128xf32>
    %broadcast_in_dim3A = vector.shape_cast %reduce_sum3A_2 : vector<128xf32> to vector<1x128xf32>
    %mul3A = arith.constant 9.99999974E-5 : f32
    %mul3A_3 = vector.broadcast %mul3A : f32 to vector<1x128xf32>
    %mul3A_4 = arith.mulf %broadcast_in_dim3A, %mul3A_3 : vector<1x128xf32>
    %get3A_5 = arith.constant 0 : index
    %get3A_6 = arith.constant 0 : index
    %get3A_7 = vector.load %arg1[%get3A_5, %get3A_6] : memref<128x256xf32, #tpu.memory_space<vmem>>, vector<128x256xf32>
    %dot_general3A = arith.constant dense<0.000000e+00> : vector<1x256xf32>
    %dot_general3A_8 = tpu.matmul %mul3A_4, %get3A_7, %dot_general3A {dimension_numbers = #tpu.dot_dimension_numbers<[1], [0], [0], [1], [0, 0, 1, 1], [], []>, transpose_lhs_hint = false} : vector<1x128xf32>, vector<128x256xf32>, vector<1x256xf32> -> vector<1x256xf32>
    %get3A_9 = arith.constant 0 : index
    %get3A_10 = arith.constant 0 : index
    %get3A_11 = vector.load %arg2[%get3A_9, %get3A_10] : memref<1x256xf32, #tpu.memory_space<vmem>>, vector<1x256xf32>
    %add3A = arith.addf %dot_general3A_8, %get3A_11 : vector<1x256xf32>
    %max3A = arith.constant 0.000000e+00 : f32
    %max3A_12 = vector.broadcast %max3A : f32 to vector<1x256xf32>
    %max3A_13 = arith.maximumf %add3A, %max3A_12 : vector<1x256xf32>
    %get3A_14 = arith.constant 0 : index
    %get3A_15 = arith.constant 0 : index
    %get3A_16 = vector.load %arg3[%get3A_14, %get3A_15] : memref<256x256xf32, #tpu.memory_space<vmem>>, vector<256x256xf32>
    %dot_general3A_17 = arith.constant dense<0.000000e+00> : vector<1x256xf32>
    %dot_general3A_18 = tpu.matmul %max3A_13, %get3A_16, %dot_general3A_17 {dimension_numbers = #tpu.dot_dimension_numbers<[1], [0], [0], [1], [0, 0, 1, 1], [], []>, transpose_lhs_hint = false} : vector<1x256xf32>, vector<256x256xf32>, vector<1x256xf32> -> vector<1x256xf32>
    %get3A_19 = arith.constant 0 : index
    %get3A_20 = arith.constant 0 : index
    %get3A_21 = vector.load %arg4[%get3A_19, %get3A_20] : memref<1x256xf32, #tpu.memory_space<vmem>>, vector<1x256xf32>
    %add3A_22 = arith.addf %dot_general3A_18, %get3A_21 : vector<1x256xf32>
    %max3A_23 = arith.constant 0.000000e+00 : f32
    %max3A_24 = vector.broadcast %max3A_23 : f32 to vector<1x256xf32>
    %max3A_25 = arith.maximumf %add3A_22, %max3A_24 : vector<1x256xf32>
    %get3A_26 = arith.constant 0 : index
    %get3A_27 = arith.constant 0 : index
    %get3A_28 = vector.load %arg5[%get3A_26, %get3A_27] : memref<256x1xf32, #tpu.memory_space<vmem>>, vector<256x1xf32>
    %dot_general3A_29 = arith.constant dense<0.000000e+00> : vector<1x1xf32>
    %dot_general3A_30 = tpu.matmul %max3A_25, %get3A_28, %dot_general3A_29 {dimension_numbers = #tpu.dot_dimension_numbers<[1], [0], [0], [1], [0, 0, 1, 1], [], []>, transpose_lhs_hint = false} : vector<1x256xf32>, vector<256x1xf32>, vector<1x1xf32> -> vector<1x1xf32>
    %get3A_31 = arith.constant 0 : index
    %get3A_32 = arith.constant 0 : index
    %get3A_33 = vector.load %arg6[%get3A_31, %get3A_32] : memref<1x1xf32, #tpu.memory_space<vmem>>, vector<1x1xf32>
    %add3A_34 = arith.addf %dot_general3A_30, %get3A_33 : vector<1x1xf32>
    %swap3A = arith.constant 0 : index
    %swap3A_35 = arith.constant 0 : index
    %swap3A_36 = vector.load %arg7[%swap3A, %swap3A_35] : memref<1x1xf32, #tpu.memory_space<vmem>>, vector<1x1xf32>
    tpu.vector_store %arg7[%swap3A, %swap3A_35], %add3A_34 {strides = array<i32>} : memref<1x1xf32, #tpu.memory_space<vmem>>, vector<1x1xf32>,
    return
  }
}

module attributes {stable_mosaic.version = 14 : i64} {
  func.func @_gru_fin_body(%arg0: i32, %arg1: memref<2x1000x128xf32, #tpu.memory_space<vmem>>, %arg2: memref<1000x128xf32, #tpu.memory_space<vmem>>, %arg3: memref<128x384xf32, #tpu.memory_space<vmem>>, %arg4: memref<128x384xf32, #tpu.memory_space<vmem>>, %arg5: memref<1x384xf32, #tpu.memory_space<vmem>>, %arg6: memref<1x384xf32, #tpu.memory_space<vmem>>, %arg7: memref<1x1x128xf32, #tpu.memory_space<vmem>>) attributes {dimension_semantics = [#tpu.dimension_semantics<arbitrary>], iteration_bounds = array<i64: 10>, scalar_prefetch = 0 : i64, scratch_operands = 0 : i64, tpu.core_type = #tpu.core_type<tc>, window_params = [{transform_indices = @transform_0, window_bounds = array<i64: 2, 1000, 128>}, {transform_indices = @transform_1, window_bounds = array<i64: 1000, 128>}, {pipeline_mode = #tpu.pipeline_mode<synchronous>, transform_indices = @transform_2, window_bounds = array<i64: 128, 384>}, {pipeline_mode = #tpu.pipeline_mode<synchronous>, transform_indices = @transform_3, window_bounds = array<i64: 128, 384>}, {pipeline_mode = #tpu.pipeline_mode<synchronous>, transform_indices = @transform_4, window_bounds = array<i64: 1, 384>}, {pipeline_mode = #tpu.pipeline_mode<synchronous>, transform_indices = @transform_5, window_bounds = array<i64: 1, 384>}, {transform_indices = @transform_6, window_bounds = array<i64: 1, 1, 128>}]} {
    %get3A = arith.constant 0 : index
    %get3A_0 = arith.constant 0 : index
    %get3A_1 = arith.constant 0 : index
    %get3A_2 = vector.load %arg1[%get3A, %get3A_0, %get3A_1] : memref<2x1000x128xf32, #tpu.memory_space<vmem>>, vector<1x1000x128xf32>
    %get3A_3 = vector.shape_cast %get3A_2 : vector<1x1000x128xf32> to vector<1000x128xf32>
    %get3A_4 = arith.constant 1 : index
    %get3A_5 = arith.constant 0 : index
    %get3A_6 = arith.constant 0 : index
    %get3A_7 = vector.load %arg1[%get3A_4, %get3A_5, %get3A_6] : memref<2x1000x128xf32, #tpu.memory_space<vmem>>, vector<1x1000x128xf32>
    %get3A_8 = vector.shape_cast %get3A_7 : vector<1x1000x128xf32> to vector<1000x128xf32>
    %add3A = arith.addf %get3A_3, %get3A_8 : vector<1000x128xf32>
    %get3A_9 = arith.constant 0 : index
    %get3A_10 = arith.constant 0 : index
    %get3A_11 = vector.load %arg2[%get3A_9, %get3A_10] : memref<1000x128xf32, #tpu.memory_space<vmem>>, vector<1000x128xf32>
    %get3A_12 = arith.constant 0 : index
    %get3A_13 = arith.constant 0 : index
    %get3A_14 = vector.load %arg3[%get3A_12, %get3A_13] : memref<128x384xf32, #tpu.memory_space<vmem>>, vector<128x384xf32>
    %dot_general3A = arith.constant dense<0.000000e+00> : vector<1000x384xf32>
    %dot_general3A_15 = tpu.matmul %add3A, %get3A_14, %dot_general3A {dimension_numbers = #tpu.dot_dimension_numbers<[1], [0], [0], [1], [0, 0, 1, 1], [], []>, transpose_lhs_hint = false} : vector<1000x128xf32>, vector<128x384xf32>, vector<1000x384xf32> -> vector<1000x384xf32>
    %get3A_16 = arith.constant 0 : index
    %get3A_17 = arith.constant 0 : index
    %get3A_18 = vector.load %arg5[%get3A_16, %get3A_17] : memref<1x384xf32, #tpu.memory_space<vmem>>, vector<1x384xf32>
    %add3A_19 = vector.broadcast %get3A_18 : vector<1x384xf32> to vector<1000x384xf32>
    %add3A_20 = arith.addf %dot_general3A_15, %add3A_19 : vector<1000x384xf32>
    %get3A_21 = arith.constant 0 : index
    %get3A_22 = arith.constant 0 : index
    %get3A_23 = vector.load %arg4[%get3A_21, %get3A_22] : memref<128x384xf32, #tpu.memory_space<vmem>>, vector<128x384xf32>
    %dot_general3A_24 = arith.constant dense<0.000000e+00> : vector<1000x384xf32>
    %dot_general3A_25 = tpu.matmul %get3A_11, %get3A_23, %dot_general3A_24 {dimension_numbers = #tpu.dot_dimension_numbers<[1], [0], [0], [1], [0, 0, 1, 1], [], []>, transpose_lhs_hint = false} : vector<1000x128xf32>, vector<128x384xf32>, vector<1000x384xf32> -> vector<1000x384xf32>
    %get3A_26 = arith.constant 0 : index
    %get3A_27 = arith.constant 0 : index
    %get3A_28 = vector.load %arg6[%get3A_26, %get3A_27] : memref<1x384xf32, #tpu.memory_space<vmem>>, vector<1x384xf32>
    %add3A_29 = vector.broadcast %get3A_28 : vector<1x384xf32> to vector<1000x384xf32>
    %add3A_30 = arith.addf %dot_general3A_25, %add3A_29 : vector<1000x384xf32>
    %slice3A = vector.extract_strided_slice %add3A_20 {offsets = [0, 0], sizes = [1000, 128], strides = [1, 1]} : vector<1000x384xf32> to vector<1000x128xf32>
    %slice3A_31 = vector.extract_strided_slice %add3A_30 {offsets = [0, 0], sizes = [1000, 128], strides = [1, 1]} : vector<1000x384xf32> to vector<1000x128xf32>
    %add3A_32 = arith.addf %slice3A, %slice3A_31 : vector<1000x128xf32>
    %logistic3A = arith.negf %add3A_32 : vector<1000x128xf32>
    %logistic3A_33 = math.exp %logistic3A : vector<1000x128xf32>
    %logistic3A_34 = arith.constant 1.000000e+00 : f32
    %logistic3A_35 = vector.broadcast %logistic3A_34 : f32 to vector<1000x128xf32>
    %logistic3A_36 = arith.addf %logistic3A_35, %logistic3A_33 : vector<1000x128xf32>
    %logistic3A_37 = arith.divf %logistic3A_35, %logistic3A_36 : vector<1000x128xf32>
    %slice3A_38 = vector.extract_strided_slice %add3A_20 {offsets = [0, 128], sizes = [1000, 128], strides = [1, 1]} : vector<1000x384xf32> to vector<1000x128xf32>
    %slice3A_39 = vector.extract_strided_slice %add3A_30 {offsets = [0, 128], sizes = [1000, 128], strides = [1, 1]} : vector<1000x384xf32> to vector<1000x128xf32>
    %add3A_40 = arith.addf %slice3A_38, %slice3A_39 : vector<1000x128xf32>
    %logistic3A_41 = arith.negf %add3A_40 : vector<1000x128xf32>
    %logistic3A_42 = math.exp %logistic3A_41 : vector<1000x128xf32>
    %logistic3A_43 = arith.constant 1.000000e+00 : f32
    %logistic3A_44 = vector.broadcast %logistic3A_43 : f32 to vector<1000x128xf32>
    %logistic3A_45 = arith.addf %logistic3A_44, %logistic3A_42 : vector<1000x128xf32>
    %logistic3A_46 = arith.divf %logistic3A_44, %logistic3A_45 : vector<1000x128xf32>
    %slice3A_47 = vector.extract_strided_slice %add3A_20 {offsets = [0, 256], sizes = [1000, 128], strides = [1, 1]} : vector<1000x384xf32> to vector<1000x128xf32>
    %slice3A_48 = vector.extract_strided_slice %add3A_30 {offsets = [0, 256], sizes = [1000, 128], strides = [1, 1]} : vector<1000x384xf32> to vector<1000x128xf32>
    %mul3A = arith.mulf %logistic3A_37, %slice3A_48 : vector<1000x128xf32>
    %add3A_49 = arith.addf %slice3A_47, %mul3A : vector<1000x128xf32>
    %tanh3A = math.tanh %add3A_49 : vector<1000x128xf32>
    %sub3A = arith.constant 1.000000e+00 : f32
    %sub3A_50 = vector.broadcast %sub3A : f32 to vector<1000x128xf32>
    %sub3A_51 = arith.subf %sub3A_50, %logistic3A_46 : vector<1000x128xf32>
    %mul3A_52 = arith.mulf %sub3A_51, %tanh3A : vector<1000x128xf32>
    %mul3A_53 = arith.mulf %logistic3A_46, %get3A_11 : vector<1000x128xf32>
    %add3A_54 = arith.addf %mul3A_52, %mul3A_53 : vector<1000x128xf32>
    %reduce_sum3A = arith.constant dense<0.000000e+00> : vector<128xf32>
    %reduce_sum3A_55 = vector.multi_reduction <add>, %add3A_54, %reduce_sum3A [0] : vector<1000x128xf32> to vector<128xf32>
    %reshape3A = vector.shape_cast %reduce_sum3A_55 : vector<128xf32> to vector<1x1x128xf32>
    %swap3A = arith.constant 0 : index
    %swap3A_56 = arith.constant 0 : index
    %swap3A_57 = arith.constant 0 : index
    %swap3A_58 = vector.load %arg7[%swap3A, %swap3A_56, %swap3A_57] : memref<1x1x128xf32, #tpu.memory_space<vmem>>, vector<1x1x128xf32>
    tpu.vector_store %arg7[%swap3A, %swap3A_56, %swap3A_57], %reshape3A {strides = array<i32>} : memref<1x1x128xf32, #tpu.memory_space<vmem>>, vector<1x1x128xf32>,
    return
  }
  func.func @transform_0(%arg0: i32) -> (i32, i32, i32) {
    %c0_i32 = arith.constant 0 : i32
    %c0_i32_0 = arith.constant 0 : i32
    %c0_i32_1 = arith.constant 0 : i32
    return %c0_i32, %arg0, %c0_i32_0 : i32, i32, i32
  }
  func.func @transform_1(%arg0: i32) -> (i32, i32) {
    %c0_i32 = arith.constant 0 : i32
    %c0_i32_0 = arith.constant 0 : i32
    return %arg0, %c0_i32 : i32, i32
  }
  func.func @transform_2(%arg0: i32) -> (i32, i32) {
    %c0_i32 = arith.constant 0 : i32
    %c0_i32_0 = arith.constant 0 : i32
    %c0_i32_1 = arith.constant 0 : i32
    return %c0_i32, %c0_i32_0 : i32, i32
  }
  func.func @transform_3(%arg0: i32) -> (i32, i32) {
    %c0_i32 = arith.constant 0 : i32
    %c0_i32_0 = arith.constant 0 : i32
    %c0_i32_1 = arith.constant 0 : i32
    return %c0_i32, %c0_i32_0 : i32, i32
  }
  func.func @transform_4(%arg0: i32) -> (i32, i32) {
    %c0_i32 = arith.constant 0 : i32
    %c0_i32_0 = arith.constant 0 : i32
    %c0_i32_1 = arith.constant 0 : i32
    return %c0_i32, %c0_i32_0 : i32, i32
  }
  func.func @transform_5(%arg0: i32) -> (i32, i32) {
    %c0_i32 = arith.constant 0 : i32
    %c0_i32_0 = arith.constant 0 : i32
    %c0_i32_1 = arith.constant 0 : i32
    return %c0_i32, %c0_i32_0 : i32, i32
  }
  func.func @transform_6(%arg0: i32) -> (i32, i32, i32) {
    %c0_i32 = arith.constant 0 : i32
    %c0_i32_0 = arith.constant 0 : i32
    %c0_i32_1 = arith.constant 0 : i32
    return %arg0, %c0_i32, %c0_i32_0 : i32, i32, i32
  }
}

</mosaic_0001>

<sc_bundles>
// kernel: kernel.11.cloned.1.call-start
scs
__scs_entry_jumppad:
0x0: {  	(pc) =	sbr.rel $0x88, $3  }
0x1: {  	(tag) =	ssettag $0x0;
	lr =	simm.s32 $0x1  }
0x2: {  	[smem:$0x3F93] =	sst lr;
	_ =	strace $0xD0000000  }
0x3: {  	_ = 	snop  }
0x4: {  	_ = 	snop  }
0x5: {  	_ = 	snop  }
0x6: {  	_ = 	snop  }
0x7: {  	_ = 	snop  }
__scs_overlays_trampoline_lowered:
0x8: {  	[smem:$0x3FA2] =	sst s0  }
0x9: {  	[smem:$0x3FA3] =	sst s1  }
0xa: {  	[smem:$0x3FA4] =	sst s2  }
0xb: {  	[smem:$0x3FA5] =	sst s3  }
0xc: {  	[smem:$0x3FA6] =	sst s4  }
0xd: {  	[smem:$0x3FA7] =	sst s5  }
0xe: {  	[smem:$0x3FA8] =	sst s6  }
0xf: {  	[smem:$0x3FA9] =	sst s7  }
0x10: {  	[smem:$0x3FAA] =	sst s8  }
0x11: {  	[smem:$0x3FAB] =	sst s9;
	s0 =	simm.s32 @!p0 $0x0  }
0x12: {  	s1 =	sld [smem:$0x3F91];
	s0 =	simm.s32 @p0 $0x1  }
0x13: {  	[smem:$0x3FAC] =	sst s0;
	s0 =	simm.s32 @!p1 $0x0  }
0x14: {  	s2 =	sld [smem:$0x3F90];
	s0 =	simm.s32 @p1 $0x1  }
0x15: {  	[smem:$0x3FAD] =	sst s0;
	s0 =	simm.s32 @!p2 $0x0  }
0x16: {  	s3 =	sld [smem:$0x3FDB];
	s0 =	simm.s32 @p2 $0x1  }
0x17: {  	s4 =	simm.s32 $0x1BF5;
	[smem:$0x3FAF] =	sst s0  }
0x18: {  	s0 =	sld [smem:$0x3F92];
	_ =	swait.ge [sflag:s4], $0x0  }
0x19: {  	s7 =	sld [smem:$0x3F93]  }
0x1a: {  	s8 =	sadd.s32 $0xFFFFE003, lr  }
0x1b: {  	s9 =	sadd.s32 $0xFFFFFEF7, lr;
	s5 =	simm.s32 $0xFFFFFFFF;
	p2 =	slt.u32 s8, $0xFFFFF086  }
0x1c: {  	p1 =	slt.u32 s9, $0xF7A;
	s5 =	simm.s32 @!p2 $0x0  }
0x1d: {  	s5 =	simm.s32 @p1 $0x1;
	p0 =	seq.s32 s7, s2  }
0x1e: {  	s7 =	smul.u32 @!p0 $0xF7A, s2;
	p2 =	seq.s32 @!p0 s5, $0x0  }
0x1f: {  	s9 =	smul.u32 $0xF7A, s1;
	s8 =	simm.s32 @!p0 $0x1BF5;
	p2 =	por !p2, p0  }
0x20: {  	[sflag:s8] =	ssyncset.s32 @!p0 $0xFFFFF086;
	s6 =	sadd.s32 @!p0 s3, s7;
	s7 =	simm.s32 @!p0 $0x108  }
0x21: {  	s3 =	sadd.s32 s3, s9;
	s6 =	sadd.s32 @!p0 $0x88, s6;
	s7 =	simm.s32 @p2 $0x1082  }
0x22: {  	[simem:s7], [sflag:s8] =	dma.local @!p0 [hbm:s6], $0xF7A  }
0x23: {  	s9 =	sor.u32 $0xD0000000, s2;
	s6 =	simm.s32 $0x108;
	_ =	swait.ge @!p0 [sflag:s8], $0x0  }
0x24: {  	s3 =	sadd.s32 $0x88, s3;
	s6 =	simm.s32 @!p1 $0x1082;
	[sflag:s4] =	ssyncset.s32 $0xFFFFF086  }
0x25: {  	[simem:s6], [sflag:s4] =	dma.local [hbm:s3], $0xF7A  }
0x26: {  	[smem:$0x3F93] =	sst s1;
	(tag) =	ssettag s2;
	_ =	strace s9  }
0x27: {  	s1 =	sld [smem:$0x3FA3]  }
0x28: {  	s2 =	sld [smem:$0x3FA4]  }
0x29: {  	s4 =	sld [smem:$0x3FA6]  }
0x2a: {  	p0 =	seq.s32 s5, $0x0;
	s5 =	sld [smem:$0x3FA7]  }
0x2b: {  	s6 =	sld [smem:$0x3FA8]  }
0x2c: {  	s7 =	sld [smem:$0x3FA9]  }
0x2d: {  	s3 =	simm.s32 $0x108;
	s8 =	sld [smem:$0x3FAA]  }
0x2e: {  	s3 =	simm.s32 @!p0 $0x1082;
	s9 =	sld [smem:$0x3FAB]  }
0x2f: {  	lr =	sadd.s32 s0, s3;
	s0 =	sld [smem:$0x3FA2]  }
0x30: {  	s3 =	sld [smem:$0x3FA5]  }
0x31: {  	[smem:$0x3FAE] =	sst s10  }
0x32: {  	s10 =	sld [smem:$0x3FAC];
	_ =	sdelay $0x3  }
0x33: {  	p0 =	seq.s32 s10, $0x1;
	s10 =	sld [smem:$0x3FAE];
	_ =	sdelay $0x3  }
0x34: {  	[smem:$0x3FAE] =	sst s10  }
0x35: {  	s10 =	sld [smem:$0x3FAD];
	_ =	sdelay $0x3  }
0x36: {  	p1 =	seq.s32 s10, $0x1;
	s10 =	sld [smem:$0x3FAE];
	_ =	sdelay $0x3  }
0x37: {  	[smem:$0x3FAE] =	sst s10  }
0x38: {  	s10 =	sld [smem:$0x3FAF]  }
0x39: {  	_ = 	snop;
	(pc) =	sbr.ind lr, $3  }
0x3a: {  	_ = 	snop  }
0x3b: {  	_ = 	snop  }
0x3c: {  	p2 =	seq.s32 s10, $0x1;
	s10 =	sld [smem:$0x3FAE]  }
0x3d: {  	_ =	shalt  }
0x3e: {  	_ =	shalt  }
0x3f: {  	_ =	shalt  }
0x40: {  	_ =	shalt  }
0x41: {  	_ =	shalt  }
0x42: {  	_ =	shalt  }
0x43: {  	_ =	shalt  }
0x44: {  	_ =	shalt  }
0x45: {  	_ =	shalt  }
0x46: {  	_ =	shalt  }
0x47: {  	_ =	shalt  }
0x48: {  	_ =	shalt  }
0x49: {  	_ =	shalt  }
0x4a: {  	_ =	shalt  }
0x4b: {  	_ =	shalt  }
0x4c: {  	_ =	shalt  }
0x4d: {  	_ =	shalt  }
0x4e: {  	_ =	shalt  }
0x4f: {  	_ =	shalt  }
0x50: {  	_ =	shalt  }
0x51: {  	_ =	shalt  }
0x52: {  	_ =	shalt  }
0x53: {  	_ =	shalt  }
0x54: {  	_ =	shalt  }
0x55: {  	_ =	shalt  }
0x56: {  	_ =	shalt  }
0x57: {  	_ =	shalt  }
0x58: {  	_ =	shalt  }
0x59: {  	_ =	shalt  }
0x5a: {  	_ =	shalt  }
0x5b: {  	_ =	shalt  }
0x5c: {  	_ =	shalt  }
0x5d: {  	_ =	shalt  }
0x5e: {  	_ =	shalt  }
0x5f: {  	_ =	shalt  }
0x60: {  	_ =	shalt  }
0x61: {  	_ =	shalt  }
0x62: {  	_ =	shalt  }
0x63: {  	_ =	shalt  }
0x64: {  	_ =	shalt  }
0x65: {  	_ =	shalt  }
0x66: {  	_ =	shalt  }
0x67: {  	_ =	shalt  }
0x68: {  	_ =	shalt  }
0x69: {  	_ =	shalt  }
0x6a: {  	_ =	shalt  }
0x6b: {  	_ =	shalt  }
0x6c: {  	_ =	shalt  }
0x6d: {  	_ =	shalt  }
0x6e: {  	_ =	shalt  }
0x6f: {  	_ =	shalt  }
0x70: {  	_ =	shalt  }
0x71: {  	_ =	shalt  }
0x72: {  	_ =	shalt  }
0x73: {  	_ =	shalt  }
0x74: {  	_ =	shalt  }
0x75: {  	_ =	shalt  }
0x76: {  	_ =	shalt  }
0x77: {  	_ =	shalt  }
0x78: {  	_ =	shalt  }
0x79: {  	_ =	shalt  }
0x7a: {  	_ =	shalt  }
0x7b: {  	_ =	shalt  }
0x7c: {  	_ =	shalt  }
0x7d: {  	_ =	shalt  }
0x7e: {  	_ =	shalt  }
0x7f: {  	_ =	shalt  }
0x80: {  	_ =	shalt  }
0x81: {  	_ =	shalt  }
0x82: {  	_ =	shalt  }
0x83: {  	_ =	shalt  }
0x84: {  	_ =	shalt  }
0x85: {  	_ =	shalt  }
0x86: {  	_ =	shalt  }
0x87: {  	_ =	shalt  }
.Lfunc_end0:
.L_simem_size_0:
called_computation.1_lowered:
.L_overlay_start_0:
0x88: {  	s2 =	sld [smem:$0x3FD9]  }
0x89: {  	s3 =	sld [smem:$0x3FFE];
	_ =	sdelay $0x1  }
0x8a: {  	s1 =	srdreg.scid  }
0x8b: {  	s0 =	sand.u32 $0x1, s1  }
0x8c: {  	s16 =	sshll.u32 s0, $0xA;
	s2 =	sadd.s32 s3, s2  }
0x8d: {  	s2 =	sadd.s32 s2, s16  }
0x8e: {  	[smem:$0x3FBA] =	sst s2  }
0x8f: {  	_ = 	snop  }
0x90: {  	(tm) =	ssettm $0x1  }
0x91: {  	s17 =	sld [smem:$0x3FFB];
	_ =	sdelay $0x3  }
0x92: {  	_ =	strace s17  }
0x93: {  	s2 =	sld [smem:$0x3FFC];
	_ =	sdelay $0x3  }
0x94: {  	_ =	strace s2  }
0x95: {  	s2 =	sld [smem:$0x3FFD];
	_ =	sdelay $0x3  }
0x96: {  	_ =	strace s2  }
0x97: {  	_ =	strace $0x8FFFFFFF  }
0x98: {  	s18 =	sld [smem:$0x3FDB];
	_ =	sdelay $0x1  }
0x99: {  	s19 =	simm.s32 $_scs_section_size  }
0x9a: {  	s4 =	simm.s32 $_size__tile_overlayer_lowered;
	s5 =	simm.s32 $_tile_overlayer_lowered  }
0x9b: {  	s22 =	simm.s32 $0x1BFF;
	s21 =	sshll.u32 s5, $0x1;
	s2 =	sadd.s32 s19, s18  }
0x9c: {  	s6 =	simm.s32 $0x0;
	s20 =	sshll.u32 s4, $0x1;
	s4 =	sadd.s32 s21, s2  }
0x9d: {  	[timem:s6], [sflag:s22] =	dma.local [hbm:s4], s20  }
0x9e: {  	_ =	swait.ge [sflag:s22], s20  }
0x9f: {  	s3 =	ssub.s32 $0x0, s20;
	[sflag:s22] =	ssyncset.done $0x0  }
0xa0: {  	[sflag:s22] =	ssyncadd.s32 s3;
	_ =	sdelay $0x1  }
0xa1: {  	s23 =	simm.s32 $0x1B8B  }
0xa2: {  	_ =	swait.ge [sflag:s23], $0x1  }
0xa3: {  	[sflag:s23] =	ssyncset.done $0x0  }
0xa4: {  	s25 =	simm.s32 $0x1B8E;
	s24 =	sld [smem:$0x3FFE];
	[sflag:s23] =	ssyncadd.s32 $0xFFFFFFFF  }
0xa5: {  	s26 =	simm.s32 $execute0_lowered;
	[smem:$0x3FD2] =	sst s25  }
0xa6: {  	s4 =	sshll.u32 s26, $0x1;
	_ =	strace $0x80000049;
	[dreg:$0x1] =	wrdreg $0xFFFFFFFF  }
0xa7: {  	s28 =	simm.s32 $_size_execute0_lowered;
	s2 =	sadd.s32 s2, s4;
	[dreg:$0x0] =	wrdreg $0x0  }
0xa8: {  	s4 =	sshll.u32 s28, $0x1;
	[dreg:$0x2] =	wrdreg s2  }
0xa9: {  	[dreg:$0x3] =	wrdreg s4  }
0xaa: {  	[dreg:$0x4] =	wrdreg $0xC0  }
0xab: {  	_ =	task [dreg:s6], $0x5FFFF  }
0xac: {  	[dreg:$0x1] =	wrdreg $0xFFFFFFFF  }
0xad: {  	[dreg:$0x0] =	wrdreg $0x60  }
0xae: {  	[dreg:$0x2] =	wrdreg s24  }
0xaf: {  	[dreg:$0x3] =	wrdreg $0xB6800  }
0xb0: {  	[dreg:$0x4] =	wrdreg $0x9  }
0xb1: {  	_ =	task.clear_ibuf [dreg:s6], $0x5FFFF;
	_ =	strace $0x90000049  }
0xb2: {  	s29 =	simm.s32 $0x9;
	_ =	strace $0x8000004B  }
0xb3: {  	_ =	swait.ge [sflag:s29], $0x1  }
0xb4: {  	[sflag:s29] =	ssyncadd.s32 $0xFFFFFFFF  }
0xb5: {  	_ =	strace $0x9000004B  }
0xb6: {  	_ =	sfence  }
0xb7: {  	s30 =	sld [smem:$0x0];
	_ =	sdelay $0x2  }
0xb8: {  	s31 =	sshll.u32 s1, $0xD;
	s1 =	sshrl.u32 s1, $0x2  }
0xb9: {  	s3 =	sand.u32 $0x4000, s31;
	s1 =	sadd.s32 s1, s30  }
0xba: {  	s0 =	sor.u32 s3, s0;
	s1 =	sshll.u32 s1, $0x11  }
0xbb: {  	s0 =	sor.u32 s1, s0  }
0xbc: {  	s0 =	sadd.s32 $0x8F2B, s0  }
0xbd: {  	[sflag:s0] =	ssyncadd.remote.s32 $0x1  }
0xbe: {  	_ =	sfence.sel $0xFFFF  }
0xbf: {  	[dreg:$0x0] =	wrdreg $0xFFFFFFFF;
	(pc) =	sbr.abs _section_cstart, $3  }
0xc0: {  	[dreg:$0x1] =	wrdreg $0xFFFFFFFF  }
0xc1: {  	_ =	task.clear_ibuf [dreg:s6], $0x2FFFF;
	_ =	strace $0x9FFFFFFF  }
0xc2: {  	(tm) =	ssettm $0x7FFFFFFF  }
0xc3: {  	_ =	shalt  }
tec
execute0_lowered:
.L_overlay_start_1:
0x0: {  	(tag) =	ssettag $0x1  }
0x1: {  	s0 =	srdreg.scid;
	s5 =	rddreg [dreg:$0x0]  }
0x2: {  	s2 =	rddreg [dreg:$0x1];
	s1 =	stileid.u32;
	s3 =	simm.s32 $0x0  }
0x3: {  	s22 =	simm.s32 $0x7680;
	s23 =	simm.s32 $0x80;
	s24 =	simm.s32 $0x1  }
0x4: {  	s25 =	simm.s32 $0x2;
	s9 =	sand.u32 $0x1, s0;
	s0 =	rddreg [dreg:$0x2]  }
0x5: {  	s26 =	simm.s32 $0x0;
	[smem:$0x7FF] =	sst s3;
	s12 =	smul.u32 $0x14000, s1  }
0x6: {  	s17 =	sadd.s32 $0x46E00, s5;
	s4 =	sshll.u32 s9, $0x4;
	_ =	strace $0x8000004A  }
0x7: {  	s7 =	ssub.s32 $0x2, s9;
	s16 =	smul.u32 $0x140000, s9;
	s4 =	sor.u32 s1, s4  }
0x8: {  	s31 =	sshrl.u32 s7, $0x1;
	s13 =	sadd.s32 $0x4000, s12;
	s15 =	sadd.s32 $0x8000, s12  }
0x9: {  	s19 =	sadd.s32 $0xC000, s12;
	s20 =	sadd.s32 $0x10000, s12;
	s6 =	smul.u32 $0x4F0, s4  }
0xa: {  	s4 =	sadd.s32 $0x15E00, s5;
	s18 =	ssub.s32 s7, s31;
	s9 =	sadd.s32 s13, s2  }
0xb: {  	s10 =	sadd.s32 s15, s2;
	s11 =	sadd.s32 s19, s2;
	s14 =	sadd.s32 s12, s16  }
0xc: {  	s13 =	sadd.s32 s16, s13;
	s15 =	sadd.s32 s16, s15;
	s19 =	sadd.s32 s16, s19  }
0xd: {  	s16 =	sadd.s32 s16, s20;
	s14 =	sshrl.u32 s14, $0x3;
	s21 =	sshrl.u32 s13, $0x3  }
0xe: {  	v0 =	vimm.f32 $0.0e+00;
	v1 =	vimm.s32 $0x0;
	s15 =	sshrl.u32 s15, $0x3;
	s19 =	sshrl.u32 s19, $0x3;
	s18 =	smax.u32 s18, $0x1  }
0xf: {  	v2 =	vimm.s32 $0x1;
	v3 =	vimm.s32 $0x2;
	v4 =	vimm.s32 $0x3;
	s8 =	sadd.s32 s6, s5;
	s13 =	sadd.s32 s17, s14;
	s14 =	sadd.s32 s17, s21  }
0x10: {  	v5 =	vimm.s32 $0x4;
	v6 =	vimm.s32 $0x5;
	v7 =	vimm.s32 $0x6;
	s15 =	sadd.s32 s17, s15;
	s21 =	simm.s32 $0x4F00;
	s5 =	sadd.s32 $0xC000, s8  }
0x11: {  	v8 =	vimm.s32 $0x7;
	v9 =	vimm.s32 $0x8;
	v10 =	vimm.s32 $0x9;
	s6 =	sadd.s32 $0x2200, s8;
	s7 =	sadd.s32 $0x3D000, s8;
	s8 =	sadd.s32 s12, s2  }
0x12: {  	v11 =	vimm.s32 $0xA;
	v12 =	vimm.s32 $0xB;
	v13 =	vimm.s32 $0xC;
	s12 =	sadd.s32 s20, s2;
	s20 =	sshrl.u32 s16, $0x3;
	s16 =	sadd.s32 s17, s19  }
0x13: {  	v14 =	vimm.s32 $0xD;
	v15 =	vimm.s32 $0xE;
	v16 =	vimm.s32 $0xF;
	s19 =	simm.s32 $0x3;
	s17 =	sadd.s32 s17, s20;
	s20 =	simm.s32 $0x2780  }
.LBB2_1:
0x14: {  	[tilespmem:s3], [sflag:$0x3] =	stream.linear.gather [hbm4b:s5+s3], $0x2780, $0x38;
	[tilespmem:$0x1F680] =	vst v63  }
0x15: {  	_ =	swait.ge [sflag:s19], $0x2780  }
0x16: {  	[sflag:s19] =	ssyncset.done $0x0  }
0x17: {  	[sflag:s19] =	ssyncadd.s32 $0xFFFFD880  }
0x18: {  	[tilespmem:s20], [sflag:$0x3] =	stream.linear.gather [hbm4b:s6+s3], $0x2780, $0x38;
	[tilespmem:$0x1F680] =	vst v63  }
0x19: {  	_ =	swait.ge [sflag:s19], $0x2780  }
0x1a: {  	[sflag:s19] =	ssyncset.done $0x0  }
0x1b: {  	[sflag:s19] =	ssyncadd.s32 $0xFFFFD880  }
0x1c: {  	[tilespmem:s21], [sflag:$0x3] =	stream.linear.gather [hbm4b:s7+s3], $0x2780, $0x38;
	[tilespmem:$0x1F680] =	vst v63  }
0x1d: {  	_ =	swait.ge [sflag:s19], $0x2780  }
0x1e: {  	[sflag:s19] =	ssyncset.done $0x0  }
0x1f: {  	s28 =	simm.s32 $0x0;
	s29 =	simm.s32 $0x200;
	[sflag:s19] =	ssyncadd.s32 $0xFFFFD880  }
.LBB2_2:
0x20: {  	p0 =	sne.s32 s29, $0xFE00;
	[tilespmem:s28+$0x76F0] =	vst v0  }
0x21: {  	[tilespmem:s28+$0x7680] =	vst v0  }
0x22: {  	[tilespmem:s28+$0x7690] =	vst v0  }
.Ltmp0:
0x23: {  	[tilespmem:s28+$0x76A0] =	vst v0;
	(pc) =	sbr.rel @p0 .LBB2_2-.Ltmp0, $4  }
0x24: {  	[tilespmem:s28+$0x76B0] =	vst v0  }
0x25: {  	[tilespmem:s28+$0x76C0] =	vst v0  }
0x26: {  	[tilespmem:s28+$0x76D0] =	vst v0  }
0x27: {  	[tilespmem:s28+$0x76E0] =	vst v0;
	s28 =	sshra.s32 s29, $0x2;
	s29 =	sadd.s32 $0x200, s29  }
0x28: {  	[tilespmem:s28+$0x76F0] =	vst v0  }
0x29: {  	[tilespmem:s28+$0x7680] =	vst v0  }
0x2a: {  	[tilespmem:s28+$0x7690] =	vst v0  }
0x2b: {  	[tilespmem:s28+$0x76A0] =	vst v0  }
0x2c: {  	[tilespmem:s28+$0x76B0] =	vst v0  }
0x2d: {  	[tilespmem:s28+$0x76C0] =	vst v0  }
0x2e: {  	[tilespmem:s28+$0x76D0] =	vst v0  }
0x2f: {  	[tilespmem:s28+$0x76E0] =	vst v0  }
0x30: {  	[spmem:s8] =	stream.linear.scatter [tilespmem:s22], [sflag:$0x3], $0x4000, $0x38;
	[tilespmem:$0x1F680] =	vst v63  }
0x31: {  	_ =	swait.ge [sflag:s19], $0x4000  }
0x32: {  	[sflag:s19] =	ssyncset.done $0x0  }
0x33: {  	[sflag:s19] =	ssyncadd.s32 $0xFFFFC000  }
0x34: {  	[spmem:s9] =	stream.linear.scatter [tilespmem:s22], [sflag:$0x3], $0x4000, $0x38;
	[tilespmem:$0x1F680] =	vst v63  }
0x35: {  	_ =	swait.ge [sflag:s19], $0x4000  }
0x36: {  	[sflag:s19] =	ssyncset.done $0x0  }
0x37: {  	[sflag:s19] =	ssyncadd.s32 $0xFFFFC000  }
0x38: {  	[spmem:s10] =	stream.linear.scatter [tilespmem:s22], [sflag:$0x3], $0x4000, $0x38;
	[tilespmem:$0x1F680] =	vst v63  }
0x39: {  	_ =	swait.ge [sflag:s19], $0x4000  }
0x3a: {  	[sflag:s19] =	ssyncset.done $0x0  }
0x3b: {  	[sflag:s19] =	ssyncadd.s32 $0xFFFFC000  }
0x3c: {  	[spmem:s11] =	stream.linear.scatter [tilespmem:s22], [sflag:$0x3], $0x4000, $0x38;
	[tilespmem:$0x1F680] =	vst v63  }
0x3d: {  	_ =	swait.ge [sflag:s19], $0x4000  }
0x3e: {  	[sflag:s19] =	ssyncset.done $0x0  }
0x3f: {  	[sflag:s19] =	ssyncadd.s32 $0xFFFFC000  }
0x40: {  	[spmem:s12] =	stream.linear.scatter [tilespmem:s22], [sflag:$0x3], $0x4000, $0x38;
	[tilespmem:$0x1F680] =	vst v63  }
0x41: {  	_ =	swait.ge [sflag:s19], $0x4000  }
0x42: {  	[sflag:s19] =	ssyncset.done $0x0  }
0x43: {  	[sflag:s19] =	ssyncadd.s32 $0xFFFFC000  }
0x44: {  	s28 =	simm.s32 $0x0;
	[bflag:$0x0] =	sbarrier.arrive $0xFFFF  }
.LBB2_4:
0x45: {  	s29 =	sshll.u32 s28, $0x7  }
0x46: {  	[tilespmem:s22], [sflag:$0x1] =	stream.indirect.gather [hbm4b:s4+s23], $0x80, s29, s23, $0xb8;
	[tilespmem:$0x1F680] =	vst v63  }
0x47: {  	s30 =	sadd.s32 $0x4F00, s29  }
0x48: {  	_ =	swait.ge [sflag:s24], $0x4000;
	v17 =	vmov s30  }
0x49: {  	[sflag:s24] =	ssyncset.done $0x0  }
0x4a: {  	s30 =	simm.s32 $0x0;
	[sflag:s24] =	ssyncadd.s32 $0xFFFFC000  }
.LBB2_5:
0x4b: {  	s31 =	sshll.u32 s30, $0x4  }
0x4c: {  	s31 =	sand.u32 $0x3FFFFFF0, s31  }
0x4d: {  	v18 =	vld.idx.msk [tilespmem:v17+s31+$0x0 ss:$0x1], $0xffff;
	s31 =	sshll.u32 s30, $0xB  }
0x4e: {  	s31 =	sand.u32 $0x3FFFF800, s31  }
0x4f: {  	v19 =	vld [tilespmem:s31+$0x7680]  }
0x50: {  	v20 =	vld [tilespmem:s31+$0x7690]  }
0x51: {  	v21 =	vld [tilespmem:s31+$0x76A0]  }
0x52: {  	v23 =	vld [tilespmem:s31+$0x76B0];
	v22 =	vperm.xlane v18, v1  }
0x53: {  	v24 =	vld [tilespmem:s31+$0x76C0]  }
0x54: {  	v25 =	vld [tilespmem:s31+$0x76D0];
	v19 =	vmul.f32 v19, v22  }
0x55: {  	v26 =	vld [tilespmem:s31+$0x76E0];
	v20 =	vmul.f32 v20, v22  }
0x56: {  	v43 =	vld [tilespmem:s31+$0x76F0];
	[tilespmem:s31+$0x7680] =	vst v19;
	v19 =	vmul.f32 v21, v22  }
0x57: {  	v45 =	vld [tilespmem:s31+$0x7700];
	v44 =	vmul.f32 v23, v22;
	[tilespmem:s31+$0x7690] =	vst v20  }
0x58: {  	v46 =	vld [tilespmem:s31+$0x7710];
	[tilespmem:s31+$0x76A0] =	vst v19;
	v19 =	vmul.f32 v24, v22  }
0x59: {  	v48 =	vld [tilespmem:s31+$0x7720];
	v47 =	vmul.f32 v25, v22;
	[tilespmem:s31+$0x76B0] =	vst v44  }
0x5a: {  	v27 =	vld [tilespmem:s31+$0x7730];
	v49 =	vperm.xlane v18, v2;
	[tilespmem:s31+$0x76C0] =	vst v19;
	v19 =	vmul.f32 v26, v22  }
0x5b: {  	v51 =	vld [tilespmem:s31+$0x7740];
	v50 =	vmul.f32 v43, v22;
	[tilespmem:s31+$0x76D0] =	vst v47  }
0x5c: {  	v52 =	vld [tilespmem:s31+$0x7750];
	[tilespmem:s31+$0x76E0] =	vst v19;
	v19 =	vmul.f32 v45, v49  }
0x5d: {  	v54 =	vld [tilespmem:s31+$0x7760];
	v53 =	vmul.f32 v46, v49;
	[tilespmem:s31+$0x76F0] =	vst v50  }
0x5e: {  	v55 =	vld [tilespmem:s31+$0x7770];
	[tilespmem:s31+$0x7700] =	vst v19;
	v19 =	vmul.f32 v48, v49  }
0x5f: {  	v57 =	vld [tilespmem:s31+$0x7780];
	v56 =	vmul.f32 v27, v49;
	[tilespmem:s31+$0x7710] =	vst v53  }
0x60: {  	v58 =	vld [tilespmem:s31+$0x7790];
	[tilespmem:s31+$0x7720] =	vst v19;
	v19 =	vmul.f32 v51, v49  }
0x61: {  	v60 =	vld [tilespmem:s31+$0x77A0];
	v59 =	vmul.f32 v52, v49;
	[tilespmem:s31+$0x7730] =	vst v56  }
0x62: {  	v62 =	vld [tilespmem:s31+$0x77B0];
	v61 =	vperm.xlane v18, v3;
	[tilespmem:s31+$0x7740] =	vst v19;
	v19 =	vmul.f32 v54, v49  }
0x63: {  	v28 =	vld [tilespmem:s31+$0x77C0];
	v63 =	vmul.f32 v55, v49;
	[tilespmem:s31+$0x7750] =	vst v59  }
0x64: {  	v29 =	vld [tilespmem:s31+$0x77D0];
	[tilespmem:s31+$0x7760] =	vst v19;
	v19 =	vmul.f32 v57, v61  }
0x65: {  	v31 =	vld [tilespmem:s31+$0x77E0];
	v30 =	vmul.f32 v58, v61;
	[tilespmem:s31+$0x7770] =	vst v63  }
0x66: {  	v32 =	vld [tilespmem:s31+$0x77F0];
	[tilespmem:s31+$0x7780] =	vst v19;
	v19 =	vmul.f32 v60, v61  }
0x67: {  	v34 =	vld [tilespmem:s31+$0x7800];
	v33 =	vmul.f32 v62, v61;
	[tilespmem:s31+$0x7790] =	vst v30  }
0x68: {  	v35 =	vld [tilespmem:s31+$0x7810];
	[tilespmem:s31+$0x77A0] =	vst v19;
	v19 =	vmul.f32 v28, v61  }
0x69: {  	v37 =	vld [tilespmem:s31+$0x7820];
	v36 =	vmul.f32 v29, v61;
	[tilespmem:s31+$0x77B0] =	vst v33  }
0x6a: {  	v39 =	vld [tilespmem:s31+$0x7830];
	v38 =	vperm.xlane v18, v4;
	[tilespmem:s31+$0x77C0] =	vst v19;
	v19 =	vmul.f32 v31, v61  }
0x6b: {  	v41 =	vld [tilespmem:s31+$0x7840];
	v40 =	vmul.f32 v32, v61;
	[tilespmem:s31+$0x77D0] =	vst v36  }
0x6c: {  	v45 =	vld [tilespmem:s31+$0x7870];
	[tilespmem:s31+$0x77E0] =	vst v19;
	v19 =	vmul.f32 v34, v38  }
0x6d: {  	v43 =	vmul.f32 v35, v38;
	[tilespmem:s31+$0x77F0] =	vst v40;
	v44 =	vld [tilespmem:s31+$0x7860]  }
0x6e: {  	v42 =	vld [tilespmem:s31+$0x7850];
	[tilespmem:s31+$0x7800] =	vst v19;
	v19 =	vmul.f32 v37, v38  }
0x6f: {  	v46 =	vmul.f32 v39, v38;
	[tilespmem:s31+$0x7810] =	vst v43;
	v47 =	vld [tilespmem:s31+$0x7880]  }
0x70: {  	v52 =	vld [tilespmem:s31+$0x78B0];
	[tilespmem:s31+$0x7820] =	vst v19;
	v19 =	vmul.f32 v41, v38  }
0x71: {  	[tilespmem:s31+$0x7830] =	vst v46;
	v50 =	vld [tilespmem:s31+$0x78A0];
	v53 =	vmul.f32 v45, v38  }
0x72: {  	v55 =	vld [tilespmem:s31+$0x78D0];
	v51 =	vperm.xlane v18, v5;
	[tilespmem:s31+$0x7840] =	vst v19;
	v19 =	vmul.f32 v44, v38  }
0x73: {  	v49 =	vmul.f32 v42, v38;
	v54 =	vld [tilespmem:s31+$0x78C0];
	[tilespmem:s31+$0x7870] =	vst v53  }
0x74: {  	v58 =	vld [tilespmem:s31+$0x78F0];
	[tilespmem:s31+$0x7860] =	vst v19;
	v19 =	vmul.f32 v47, v51  }
0x75: {  	v59 =	vmul.f32 v52, v51;
	[tilespmem:s31+$0x7850] =	vst v49;
	v57 =	vld [tilespmem:s31+$0x78E0]  }
0x76: {  	v48 =	vld [tilespmem:s31+$0x7890];
	[tilespmem:s31+$0x7880] =	vst v19;
	v19 =	vmul.f32 v50, v51  }
0x77: {  	v62 =	vmul.f32 v55, v51;
	[tilespmem:s31+$0x78B0] =	vst v59;
	v60 =	vld [tilespmem:s31+$0x7900]  }
0x78: {  	v40 =	vld [tilespmem:s31+$0x7990];
	[tilespmem:s31+$0x78A0] =	vst v19;
	v19 =	vmul.f32 v54, v51  }
0x79: {  	v63 =	vld [tilespmem:s31+$0x7920];
	v32 =	vmul.f32 v58, v51;
	[tilespmem:s31+$0x78D0] =	vst v62  }
0x7a: {  	v30 =	vperm.xlane v18, v6;
	v61 =	vld [tilespmem:s31+$0x7910];
	[tilespmem:s31+$0x78C0] =	vst v19;
	v19 =	vmul.f32 v57, v51  }
0x7b: {  	v33 =	vld [tilespmem:s31+$0x7940];
	v43 =	vperm.xlane v18, v7;
	v56 =	vmul.f32 v48, v51;
	[tilespmem:s31+$0x78F0] =	vst v32  }
0x7c: {  	v53 =	vld [tilespmem:s31+$0x7A10];
	[tilespmem:s31+$0x78E0] =	vst v19;
	v19 =	vmul.f32 v60, v30  }
0x7d: {  	v36 =	vld [tilespmem:s31+$0x7960];
	v48 =	vmul.f32 v40, v43;
	[tilespmem:s31+$0x7890] =	vst v56  }
0x7e: {  	v31 =	vld [tilespmem:s31+$0x7930];
	[tilespmem:s31+$0x7900] =	vst v19;
	v19 =	vmul.f32 v63, v30  }
0x7f: {  	v39 =	vld [tilespmem:s31+$0x7980];
	[tilespmem:s31+$0x7990] =	vst v48;
	v56 =	vperm.xlane v18, v8;
	v35 =	vmul.f32 v61, v30  }
0x80: {  	v34 =	vld [tilespmem:s31+$0x7950];
	[tilespmem:s31+$0x7920] =	vst v19;
	v19 =	vmul.f32 v33, v30  }
0x81: {  	v42 =	vld [tilespmem:s31+$0x79A0];
	v61 =	vmul.f32 v53, v56;
	[tilespmem:s31+$0x7910] =	vst v35  }
0x82: {  	v37 =	vld [tilespmem:s31+$0x7970];
	[tilespmem:s31+$0x7940] =	vst v19;
	v19 =	vmul.f32 v36, v30  }
0x83: {  	v46 =	vld [tilespmem:s31+$0x79C0];
	[tilespmem:s31+$0x7A10] =	vst v61;
	v38 =	vmul.f32 v31, v30  }
0x84: {  	v47 =	vld [tilespmem:s31+$0x79D0];
	[tilespmem:s31+$0x7960] =	vst v19;
	v19 =	vmul.f32 v39, v43  }
0x85: {  	v49 =	vld [tilespmem:s31+$0x79E0];
	v41 =	vmul.f32 v34, v30;
	[tilespmem:s31+$0x7930] =	vst v38  }
0x86: {  	v38 =	vld [tilespmem:s31+$0x7AD0];
	[tilespmem:s31+$0x7980] =	vst v19;
	v19 =	vmul.f32 v42, v43  }
0x87: {  	v52 =	vld [tilespmem:s31+$0x7A00];
	[tilespmem:s31+$0x7950] =	vst v41;
	v45 =	vmul.f32 v37, v30  }
0x88: {  	v44 =	vld [tilespmem:s31+$0x79B0];
	[tilespmem:s31+$0x79A0] =	vst v19;
	v19 =	vmul.f32 v46, v43  }
0x89: {  	v55 =	vld [tilespmem:s31+$0x7A20];
	v34 =	vperm.xlane v18, v9;
	[tilespmem:s31+$0x7970] =	vst v45;
	v54 =	vmul.f32 v47, v43  }
0x8a: {  	v50 =	vld [tilespmem:s31+$0x79F0];
	[tilespmem:s31+$0x79C0] =	vst v19;
	v19 =	vmul.f32 v49, v43  }
0x8b: {  	v59 =	vld [tilespmem:s31+$0x7A40];
	v45 =	vmul.f32 v38, v34;
	[tilespmem:s31+$0x79D0] =	vst v54  }
0x8c: {  	v57 =	vld [tilespmem:s31+$0x7A30];
	[tilespmem:s31+$0x79E0] =	vst v19;
	v19 =	vmul.f32 v52, v56  }
0x8d: {  	v62 =	vld [tilespmem:s31+$0x7A60];
	v51 =	vmul.f32 v44, v43;
	[tilespmem:s31+$0x7AD0] =	vst v45  }
0x8e: {  	v60 =	vld [tilespmem:s31+$0x7A50];
	[tilespmem:s31+$0x7A00] =	vst v19;
	v19 =	vmul.f32 v55, v56  }
0x8f: {  	v58 =	vmul.f32 v50, v43;
	[tilespmem:s31+$0x79B0] =	vst v51;
	v30 =	vld [tilespmem:s31+$0x7A80]  }
0x90: {  	v51 =	vld [tilespmem:s31+$0x7B50];
	[tilespmem:s31+$0x7A20] =	vst v19;
	v19 =	vmul.f32 v59, v56  }
0x91: {  	[tilespmem:s31+$0x79F0] =	vst v58;
	v29 =	vmul.f32 v57, v56;
	v33 =	vld [tilespmem:s31+$0x7AA0]  }
0x92: {  	v63 =	vld [tilespmem:s31+$0x7A70];
	[tilespmem:s31+$0x7A40] =	vst v19;
	v19 =	vmul.f32 v62, v56  }
0x93: {  	v37 =	vld [tilespmem:s31+$0x7AC0];
	v47 =	vperm.xlane v18, v10;
	[tilespmem:s31+$0x7A30] =	vst v29;
	v32 =	vmul.f32 v60, v56  }
0x94: {  	v61 =	vld [tilespmem:s31+$0x7BB0];
	[tilespmem:s31+$0x7A60] =	vst v19;
	v19 =	vmul.f32 v30, v34  }
0x95: {  	v40 =	vld [tilespmem:s31+$0x7AE0];
	v58 =	vmul.f32 v51, v47;
	[tilespmem:s31+$0x7A50] =	vst v32  }
0x96: {  	v31 =	vld [tilespmem:s31+$0x7A90];
	[tilespmem:s31+$0x7A80] =	vst v19;
	v19 =	vmul.f32 v33, v34  }
0x97: {  	v60 =	vperm.xlane v18, v11;
	v36 =	vmul.f32 v63, v56;
	[tilespmem:s31+$0x7B50] =	vst v58;
	v43 =	vld [tilespmem:s31+$0x7B00]  }
0x98: {  	v57 =	vld [tilespmem:s31+$0x7B90];
	[tilespmem:s31+$0x7AA0] =	vst v19;
	v19 =	vmul.f32 v37, v34  }
0x99: {  	v32 =	vmul.f32 v61, v60;
	[tilespmem:s31+$0x7A70] =	vst v36;
	v46 =	vld [tilespmem:s31+$0x7B20]  }
0x9a: {  	v35 =	vld [tilespmem:s31+$0x7AB0];
	[tilespmem:s31+$0x7AC0] =	vst v19;
	v19 =	vmul.f32 v40, v34  }
0x9b: {  	v50 =	vld [tilespmem:s31+$0x7B40];
	v39 =	vmul.f32 v31, v34;
	[tilespmem:s31+$0x7BB0] =	vst v32  }
0x9c: {  	v28 =	vld [tilespmem:s31+$0x7BD0];
	[tilespmem:s31+$0x7AE0] =	vst v19;
	v19 =	vmul.f32 v43, v47  }
0x9d: {  	v53 =	vld [tilespmem:s31+$0x7B60];
	v29 =	vmul.f32 v57, v60;
	[tilespmem:s31+$0x7A90] =	vst v39  }
0x9e: {  	v31 =	vld [tilespmem:s31+$0x7BF0];
	[tilespmem:s31+$0x7B00] =	vst v19;
	v19 =	vmul.f32 v46, v47  }
0x9f: {  	v42 =	vmul.f32 v35, v34;
	[tilespmem:s31+$0x7B90] =	vst v29;
	v56 =	vld [tilespmem:s31+$0x7B80]  }
0xa0: {  	v41 =	vld [tilespmem:s31+$0x7AF0];
	[tilespmem:s31+$0x7B20] =	vst v19;
	v19 =	vmul.f32 v50, v47  }
0xa1: {  	v35 =	vmul.f32 v28, v60;
	[tilespmem:s31+$0x7AB0] =	vst v42;
	v59 =	vld [tilespmem:s31+$0x7BA0]  }
0xa2: {  	v44 =	vld [tilespmem:s31+$0x7B10];
	[tilespmem:s31+$0x7B40] =	vst v19;
	v19 =	vmul.f32 v53, v47  }
0xa3: {  	v63 =	vld [tilespmem:s31+$0x7BC0];
	[tilespmem:s31+$0x7BD0] =	vst v35;
	v39 =	vmul.f32 v31, v60  }
0xa4: {  	v48 =	vld [tilespmem:s31+$0x7B30];
	[tilespmem:s31+$0x7B60] =	vst v19;
	v19 =	vmul.f32 v56, v60  }
0xa5: {  	v49 =	vmul.f32 v41, v34;
	[tilespmem:s31+$0x7BF0] =	vst v39;
	v30 =	vld [tilespmem:s31+$0x7BE0]  }
0xa6: {  	v54 =	vld [tilespmem:s31+$0x7B70];
	[tilespmem:s31+$0x7B80] =	vst v19;
	v19 =	vmul.f32 v59, v60  }
0xa7: {  	[tilespmem:s31+$0x7AF0] =	vst v49;
	v52 =	vmul.f32 v44, v47;
	v33 =	vld [tilespmem:s31+$0x7C00]  }
0xa8: {  	v38 =	vld [tilespmem:s31+$0x7C30];
	[tilespmem:s31+$0x7BA0] =	vst v19;
	v19 =	vmul.f32 v63, v60  }
0xa9: {  	v36 =	vld [tilespmem:s31+$0x7C20];
	[tilespmem:s31+$0x7B10] =	vst v52;
	v55 =	vmul.f32 v48, v47  }
0xaa: {  	v41 =	vld [tilespmem:s31+$0x7C50];
	v37 =	vperm.xlane v18, v12;
	[tilespmem:s31+$0x7BC0] =	vst v19;
	v19 =	vmul.f32 v30, v60  }
0xab: {  	[tilespmem:s31+$0x7B30] =	vst v55;
	v62 =	vmul.f32 v54, v47;
	v40 =	vld [tilespmem:s31+$0x7C40]  }
0xac: {  	v44 =	vld [tilespmem:s31+$0x7C70];
	[tilespmem:s31+$0x7BE0] =	vst v19;
	v19 =	vmul.f32 v33, v37  }
0xad: {  	[tilespmem:s31+$0x7B70] =	vst v62;
	v45 =	vmul.f32 v38, v37;
	v43 =	vld [tilespmem:s31+$0x7C60]  }
0xae: {  	v34 =	vld [tilespmem:s31+$0x7C10];
	[tilespmem:s31+$0x7C00] =	vst v19;
	v19 =	vmul.f32 v36, v37  }
0xaf: {  	v48 =	vmul.f32 v41, v37;
	[tilespmem:s31+$0x7C30] =	vst v45;
	v46 =	vld [tilespmem:s31+$0x7C80]  }
0xb0: {  	v51 =	vld [tilespmem:s31+$0x7CB0];
	[tilespmem:s31+$0x7C20] =	vst v19;
	v19 =	vmul.f32 v40, v37  }
0xb1: {  	v49 =	vld [tilespmem:s31+$0x7CA0];
	v52 =	vmul.f32 v44, v37;
	[tilespmem:s31+$0x7C50] =	vst v48  }
0xb2: {  	v54 =	vld [tilespmem:s31+$0x7CD0];
	v50 =	vperm.xlane v18, v13;
	[tilespmem:s31+$0x7C40] =	vst v19;
	v19 =	vmul.f32 v43, v37  }
0xb3: {  	[tilespmem:s31+$0x7C70] =	vst v52;
	v42 =	vmul.f32 v34, v37;
	v53 =	vld [tilespmem:s31+$0x7CC0]  }
0xb4: {  	v57 =	vld [tilespmem:s31+$0x7CF0];
	[tilespmem:s31+$0x7C60] =	vst v19;
	v19 =	vmul.f32 v46, v50  }
0xb5: {  	[tilespmem:s31+$0x7C10] =	vst v42;
	v58 =	vmul.f32 v51, v50;
	v56 =	vld [tilespmem:s31+$0x7CE0]  }
0xb6: {  	v47 =	vld [tilespmem:s31+$0x7C90];
	[tilespmem:s31+$0x7C80] =	vst v19;
	v19 =	vmul.f32 v49, v50  }
0xb7: {  	v61 =	vmul.f32 v54, v50;
	[tilespmem:s31+$0x7CB0] =	vst v58;
	v59 =	vld [tilespmem:s31+$0x7D00]  }
0xb8: {  	v39 =	vld [tilespmem:s31+$0x7D90];
	[tilespmem:s31+$0x7CA0] =	vst v19;
	v19 =	vmul.f32 v53, v50  }
0xb9: {  	v62 =	vld [tilespmem:s31+$0x7D20];
	v31 =	vmul.f32 v57, v50;
	[tilespmem:s31+$0x7CD0] =	vst v61  }
0xba: {  	v63 =	vperm.xlane v18, v14;
	v60 =	vld [tilespmem:s31+$0x7D10];
	[tilespmem:s31+$0x7CC0] =	vst v19;
	v19 =	vmul.f32 v56, v50  }
0xbb: {  	v32 =	vld [tilespmem:s31+$0x7D40];
	v42 =	vperm.xlane v18, v15;
	[tilespmem:s31+$0x7CF0] =	vst v31;
	v55 =	vmul.f32 v47, v50  }
0xbc: {  	v33 =	vld [tilespmem:s31+$0x7D50];
	[tilespmem:s31+$0x7CE0] =	vst v19;
	v19 =	vmul.f32 v59, v63  }
0xbd: {  	v35 =	vld [tilespmem:s31+$0x7D60];
	v47 =	vmul.f32 v39, v42;
	[tilespmem:s31+$0x7C90] =	vst v55  }
0xbe: {  	v30 =	vld [tilespmem:s31+$0x7D30];
	[tilespmem:s31+$0x7D00] =	vst v19;
	v19 =	vmul.f32 v62, v63  }
0xbf: {  	v38 =	vld [tilespmem:s31+$0x7D80];
	[tilespmem:s31+$0x7D90] =	vst v47;
	v34 =	vmul.f32 v60, v63  }
0xc0: {  	v36 =	vld [tilespmem:s31+$0x7D70];
	[tilespmem:s31+$0x7D20] =	vst v19;
	v19 =	vmul.f32 v32, v63  }
0xc1: {  	v41 =	vld [tilespmem:s31+$0x7DA0];
	[tilespmem:s31+$0x7D10] =	vst v34;
	v40 =	vmul.f32 v33, v63  }
0xc2: {  	v46 =	vld [tilespmem:s31+$0x7DD0];
	[tilespmem:s31+$0x7D40] =	vst v19;
	v19 =	vmul.f32 v35, v63  }
0xc3: {  	v45 =	vld [tilespmem:s31+$0x7DC0];
	v37 =	vmul.f32 v30, v63;
	[tilespmem:s31+$0x7D50] =	vst v40  }
0xc4: {  	v43 =	vld [tilespmem:s31+$0x7DB0];
	[tilespmem:s31+$0x7D60] =	vst v19;
	v19 =	vmul.f32 v38, v42  }
0xc5: {  	v48 =	vld [tilespmem:s31+$0x7DE0];
	v44 =	vmul.f32 v36, v63;
	[tilespmem:s31+$0x7D30] =	vst v37  }
0xc6: {  	v49 =	vld [tilespmem:s31+$0x7DF0];
	[tilespmem:s31+$0x7D80] =	vst v19;
	v19 =	vmul.f32 v41, v42  }
0xc7: {  	v51 =	vld [tilespmem:s31+$0x7E00];
	[tilespmem:s31+$0x7D70] =	vst v44;
	v53 =	vmul.f32 v46, v42  }
0xc8: {  	v52 =	vld [tilespmem:s31+$0x7E10];
	[tilespmem:s31+$0x7DA0] =	vst v19;
	v19 =	vmul.f32 v45, v42  }
0xc9: {  	v54 =	vld [tilespmem:s31+$0x7E20];
	v50 =	vmul.f32 v43, v42;
	[tilespmem:s31+$0x7DD0] =	vst v53  }
0xca: {  	v18 =	vperm.xlane v18, v16;
	v55 =	vld [tilespmem:s31+$0x7E30];
	[tilespmem:s31+$0x7DC0] =	vst v19;
	v19 =	vmul.f32 v48, v42  }
0xcb: {  	v57 =	vld [tilespmem:s31+$0x7E40];
	v56 =	vmul.f32 v49, v42;
	[tilespmem:s31+$0x7DB0] =	vst v50  }
0xcc: {  	v58 =	vld [tilespmem:s31+$0x7E50];
	[tilespmem:s31+$0x7DE0] =	vst v19;
	v19 =	vmul.f32 v51, v18  }
0xcd: {  	v60 =	vld [tilespmem:s31+$0x7E60];
	v59 =	vmul.f32 v52, v18;
	[tilespmem:s31+$0x7DF0] =	vst v56  }
0xce: {  	v61 =	vld [tilespmem:s31+$0x7E70];
	[tilespmem:s31+$0x7E00] =	vst v19;
	v19 =	vmul.f32 v54, v18  }
0xcf: {  	[tilespmem:s31+$0x7E10] =	vst v59;
	v62 =	vmul.f32 v55, v18  }
0xd0: {  	p0 =	sne.s32 s30, $0x7;
	[tilespmem:s31+$0x7E20] =	vst v19;
	v19 =	vmul.f32 v57, v18  }
.Ltmp1:
0xd1: {  	[tilespmem:s31+$0x7E30] =	vst v62;
	v63 =	vmul.f32 v58, v18;
	(pc) =	sbr.rel @p0 .LBB2_5-.Ltmp1, $4  }
0xd2: {  	[tilespmem:s31+$0x7E40] =	vst v19;
	v19 =	vmul.f32 v60, v18  }
0xd3: {  	[tilespmem:s31+$0x7E50] =	vst v63;
	v18 =	vmul.f32 v61, v18  }
0xd4: {  	[tilespmem:s31+$0x7E60] =	vst v19  }
0xd5: {  	s30 =	sadd.s32 $0x1, s30;
	[tilespmem:s31+$0x7E70] =	vst v18  }
0xd6: {  	s28 =	sadd.s32 $0x1, s28  }
0xd7: {  	p0 =	sne.s32 s28, $0x4F  }
.Ltmp2:
0xd8: {  	s29 =	sadd.s32 $0x2780, s29;
	(pc) =	sbr.rel @p0 .LBB2_4-.Ltmp2, $4  }
0xd9: {  	[spmem:s2] =	stream.indirect.scatter.add.f32 [tilespmem:s22], [sflag:$0x2], $0x80, s29, s23, $0xb8;
	[tilespmem:$0x1F680] =	vst v63  }
0xda: {  	_ =	swait.ge [sflag:s25], $0x4000  }
0xdb: {  	[sflag:s25] =	ssyncset.done $0x0  }
0xdc: {  	[sflag:s25] =	ssyncadd.s32 $0xFFFFC000  }
0xdd: {  	[bflag:$0x0] =	sbarrier.arrive $0xFFFF  }
0xde: {  	[tilespmem:s22], [sflag:$0x3] =	stream.linear.gather [spmem:s8], $0x4000, $0x38;
	[tilespmem:$0x1F680] =	vst v63  }
0xdf: {  	_ =	swait.ge [sflag:s19], $0x4000  }
0xe0: {  	[sflag:s19] =	ssyncset.done $0x0  }
0xe1: {  	[sflag:s19] =	ssyncadd.s32 $0xFFFFC000  }
0xe2: {  	[hbm4b:s13+s3] =	stream.linear.scatter [tilespmem:s22], [sflag:$0x3], $0x4000, $0x38;
	[tilespmem:$0x1F680] =	vst v63  }
0xe3: {  	_ =	swait.ge [sflag:s19], $0x4000  }
0xe4: {  	[sflag:s19] =	ssyncset.done $0x0  }
0xe5: {  	[sflag:s19] =	ssyncadd.s32 $0xFFFFC000  }
0xe6: {  	[tilespmem:s22], [sflag:$0x3] =	stream.linear.gather [spmem:s9], $0x4000, $0x38;
	[tilespmem:$0x1F680] =	vst v63  }
0xe7: {  	_ =	swait.ge [sflag:s19], $0x4000  }
0xe8: {  	[sflag:s19] =	ssyncset.done $0x0  }
0xe9: {  	[sflag:s19] =	ssyncadd.s32 $0xFFFFC000  }
0xea: {  	[hbm4b:s14+s3] =	stream.linear.scatter [tilespmem:s22], [sflag:$0x3], $0x4000, $0x38;
	[tilespmem:$0x1F680] =	vst v63  }
0xeb: {  	_ =	swait.ge [sflag:s19], $0x4000  }
0xec: {  	[sflag:s19] =	ssyncset.done $0x0  }
0xed: {  	[sflag:s19] =	ssyncadd.s32 $0xFFFFC000  }
0xee: {  	[tilespmem:s22], [sflag:$0x3] =	stream.linear.gather [spmem:s10], $0x4000, $0x38;
	[tilespmem:$0x1F680] =	vst v63  }
0xef: {  	_ =	swait.ge [sflag:s19], $0x4000  }
0xf0: {  	[sflag:s19] =	ssyncset.done $0x0  }
0xf1: {  	[sflag:s19] =	ssyncadd.s32 $0xFFFFC000  }
0xf2: {  	[hbm4b:s15+s3] =	stream.linear.scatter [tilespmem:s22], [sflag:$0x3], $0x4000, $0x38;
	[tilespmem:$0x1F680] =	vst v63  }
0xf3: {  	_ =	swait.ge [sflag:s19], $0x4000  }
0xf4: {  	[sflag:s19] =	ssyncset.done $0x0  }
0xf5: {  	[sflag:s19] =	ssyncadd.s32 $0xFFFFC000  }
0xf6: {  	[tilespmem:s22], [sflag:$0x3] =	stream.linear.gather [spmem:s11], $0x4000, $0x38;
	[tilespmem:$0x1F680] =	vst v63  }
0xf7: {  	_ =	swait.ge [sflag:s19], $0x4000  }
0xf8: {  	[sflag:s19] =	ssyncset.done $0x0  }
0xf9: {  	[sflag:s19] =	ssyncadd.s32 $0xFFFFC000  }
0xfa: {  	[hbm4b:s16+s3] =	stream.linear.scatter [tilespmem:s22], [sflag:$0x3], $0x4000, $0x38;
	[tilespmem:$0x1F680] =	vst v63  }
0xfb: {  	_ =	swait.ge [sflag:s19], $0x4000  }
0xfc: {  	[sflag:s19] =	ssyncset.done $0x0  }
0xfd: {  	[sflag:s19] =	ssyncadd.s32 $0xFFFFC000  }
0xfe: {  	[tilespmem:s22], [sflag:$0x3] =	stream.linear.gather [spmem:s12], $0x4000, $0x38;
	[tilespmem:$0x1F680] =	vst v63  }
0xff: {  	s26 =	sadd.s32 $0x1, s26;
	_ =	swait.ge [sflag:s19], $0x4000  }
0x100: {  	p0 =	sne.s32 s26, s18;
	[sflag:s19] =	ssyncset.done $0x0  }
.Ltmp3:
0x101: {  	[sflag:s19] =	ssyncadd.s32 $0xFFFFC000;
	(pc) =	sbr.rel @p0 .LBB2_1-.Ltmp3, $4  }
0x102: {  	[hbm4b:s17+s3] =	stream.linear.scatter [tilespmem:s22], [sflag:$0x3], $0x4000, $0x38;
	[tilespmem:$0x1F680] =	vst v63  }
0x103: {  	_ =	swait.ge [sflag:s19], $0x4000  }
0x104: {  	[sflag:s19] =	ssyncset.done $0x0  }
0x105: {  	[sflag:s19] =	ssyncadd.s32 $0xFFFFC000  }
0x106: {  	_ =	sfence.sel $0x180000  }
0x107: {  	[bflag:$0x0] =	sbarrier.arrive $0xFFFF  }
0x108: {  	p0 =	sne.s32 s1, $0x0;
	_ =	strace $0x9000004A  }
0x109: {  	s0 =	sadd.s32 @!p0 $0x100000, s0;
	[bflag:$0x2] =	sbarrier.arrive $0xFFFF  }
0x10a: {  	[sflag:s0] =	ssyncadd.tile.s32 @!p0 $0x1;
	_ =	shalt  }
.Lfunc_end2:
_tile_overlayer_lowered:
.L_overlay_start_2:
0x10b: {  	(tag) =	ssettag $0x2  }
0x10c: {  	s0 =	rddreg [dreg:$0x0];
	s2 =	stileid.u32  }
0x10d: {  	s1 =	rddreg [dreg:$0x1];
	p0 =	sne.s32 s2, $0x0  }
0x10e: {  	s3 =	rddreg [dreg:$0x2];
	[bflag:$0x3] =	sbarrier.arrive $0xFFFF;
	s2 =	simm.s32 @!p0 $0x1C03  }
0x10f: {  	[timem:s3], [sflag:s2] =	dma.local @!p0 [hbm:s0], s1  }
0x110: {  	s0 =	simm.s32 @!p0 $0x3  }
0x111: {  	_ =	swait.ge @!p0 [sflag:s0], s1  }
0x112: {  	s1 =	ssub.s32 @!p0 $0x0, s1;
	[sflag:s0] =	ssyncset.done @!p0 $0x0  }
0x113: {  	[sflag:s0] =	ssyncadd.s32 @!p0 s1  }
0x114: {  	[bflag:$0x3] =	sbarrier.arrive $0xFFFF  }
0x115: {  	_ =	shalt  }

// kernel: kernel.8.cloned.1.call-start
scs
__scs_entry_jumppad:
0x0: {  	(pc) =	sbr.rel $0x88, $3  }
0x1: {  	(tag) =	ssettag $0x0;
	lr =	simm.s32 $0x1  }
0x2: {  	[smem:$0x3F93] =	sst lr;
	_ =	strace $0xD0000000  }
0x3: {  	_ = 	snop  }
0x4: {  	_ = 	snop  }
0x5: {  	_ = 	snop  }
0x6: {  	_ = 	snop  }
0x7: {  	_ = 	snop  }
__scs_overlays_trampoline_lowered:
0x8: {  	[smem:$0x3FA2] =	sst s0  }
0x9: {  	[smem:$0x3FA3] =	sst s1  }
0xa: {  	[smem:$0x3FA4] =	sst s2  }
0xb: {  	[smem:$0x3FA5] =	sst s3  }
0xc: {  	[smem:$0x3FA6] =	sst s4  }
0xd: {  	[smem:$0x3FA7] =	sst s5  }
0xe: {  	[smem:$0x3FA8] =	sst s6  }
0xf: {  	[smem:$0x3FA9] =	sst s7  }
0x10: {  	[smem:$0x3FAA] =	sst s8  }
0x11: {  	[smem:$0x3FAB] =	sst s9;
	s0 =	simm.s32 @!p0 $0x0  }
0x12: {  	s1 =	sld [smem:$0x3F91];
	s0 =	simm.s32 @p0 $0x1  }
0x13: {  	[smem:$0x3FAC] =	sst s0;
	s0 =	simm.s32 @!p1 $0x0  }
0x14: {  	s2 =	sld [smem:$0x3F90];
	s0 =	simm.s32 @p1 $0x1  }
0x15: {  	[smem:$0x3FAD] =	sst s0;
	s0 =	simm.s32 @!p2 $0x0  }
0x16: {  	s3 =	sld [smem:$0x3FDB];
	s0 =	simm.s32 @p2 $0x1  }
0x17: {  	s4 =	simm.s32 $0x1BF5;
	[smem:$0x3FAF] =	sst s0  }
0x18: {  	s0 =	sld [smem:$0x3F92];
	_ =	swait.ge [sflag:s4], $0x0  }
0x19: {  	s7 =	sld [smem:$0x3F93]  }
0x1a: {  	s8 =	sadd.s32 $0xFFFFE003, lr  }
0x1b: {  	s9 =	sadd.s32 $0xFFFFFEF7, lr;
	s5 =	simm.s32 $0xFFFFFFFF;
	p2 =	slt.u32 s8, $0xFFFFF086  }
0x1c: {  	p1 =	slt.u32 s9, $0xF7A;
	s5 =	simm.s32 @!p2 $0x0  }
0x1d: {  	s5 =	simm.s32 @p1 $0x1;
	p0 =	seq.s32 s7, s2  }
0x1e: {  	s7 =	smul.u32 @!p0 $0xF7A, s2;
	p2 =	seq.s32 @!p0 s5, $0x0  }
0x1f: {  	s9 =	smul.u32 $0xF7A, s1;
	s8 =	simm.s32 @!p0 $0x1BF5;
	p2 =	por !p2, p0  }
0x20: {  	[sflag:s8] =	ssyncset.s32 @!p0 $0xFFFFF086;
	s6 =	sadd.s32 @!p0 s3, s7;
	s7 =	simm.s32 @!p0 $0x108  }
0x21: {  	s3 =	sadd.s32 s3, s9;
	s6 =	sadd.s32 @!p0 $0x88, s6;
	s7 =	simm.s32 @p2 $0x1082  }
0x22: {  	[simem:s7], [sflag:s8] =	dma.local @!p0 [hbm:s6], $0xF7A  }
0x23: {  	s9 =	sor.u32 $0xD0000000, s2;
	s6 =	simm.s32 $0x108;
	_ =	swait.ge @!p0 [sflag:s8], $0x0  }
0x24: {  	s3 =	sadd.s32 $0x88, s3;
	s6 =	simm.s32 @!p1 $0x1082;
	[sflag:s4] =	ssyncset.s32 $0xFFFFF086  }
0x25: {  	[simem:s6], [sflag:s4] =	dma.local [hbm:s3], $0xF7A  }
0x26: {  	[smem:$0x3F93] =	sst s1;
	(tag) =	ssettag s2;
	_ =	strace s9  }
0x27: {  	s1 =	sld [smem:$0x3FA3]  }
0x28: {  	s2 =	sld [smem:$0x3FA4]  }
0x29: {  	s4 =	sld [smem:$0x3FA6]  }
0x2a: {  	p0 =	seq.s32 s5, $0x0;
	s5 =	sld [smem:$0x3FA7]  }
0x2b: {  	s6 =	sld [smem:$0x3FA8]  }
0x2c: {  	s7 =	sld [smem:$0x3FA9]  }
0x2d: {  	s3 =	simm.s32 $0x108;
	s8 =	sld [smem:$0x3FAA]  }
0x2e: {  	s3 =	simm.s32 @!p0 $0x1082;
	s9 =	sld [smem:$0x3FAB]  }
0x2f: {  	lr =	sadd.s32 s0, s3;
	s0 =	sld [smem:$0x3FA2]  }
0x30: {  	s3 =	sld [smem:$0x3FA5]  }
0x31: {  	[smem:$0x3FAE] =	sst s10  }
0x32: {  	s10 =	sld [smem:$0x3FAC];
	_ =	sdelay $0x3  }
0x33: {  	p0 =	seq.s32 s10, $0x1;
	s10 =	sld [smem:$0x3FAE];
	_ =	sdelay $0x3  }
0x34: {  	[smem:$0x3FAE] =	sst s10  }
0x35: {  	s10 =	sld [smem:$0x3FAD];
	_ =	sdelay $0x3  }
0x36: {  	p1 =	seq.s32 s10, $0x1;
	s10 =	sld [smem:$0x3FAE];
	_ =	sdelay $0x3  }
0x37: {  	[smem:$0x3FAE] =	sst s10  }
0x38: {  	s10 =	sld [smem:$0x3FAF]  }
0x39: {  	_ = 	snop;
	(pc) =	sbr.ind lr, $3  }
0x3a: {  	_ = 	snop  }
0x3b: {  	_ = 	snop  }
0x3c: {  	p2 =	seq.s32 s10, $0x1;
	s10 =	sld [smem:$0x3FAE]  }
0x3d: {  	_ =	shalt  }
0x3e: {  	_ =	shalt  }
0x3f: {  	_ =	shalt  }
0x40: {  	_ =	shalt  }
0x41: {  	_ =	shalt  }
0x42: {  	_ =	shalt  }
0x43: {  	_ =	shalt  }
0x44: {  	_ =	shalt  }
0x45: {  	_ =	shalt  }
0x46: {  	_ =	shalt  }
0x47: {  	_ =	shalt  }
0x48: {  	_ =	shalt  }
0x49: {  	_ =	shalt  }
0x4a: {  	_ =	shalt  }
0x4b: {  	_ =	shalt  }
0x4c: {  	_ =	shalt  }
0x4d: {  	_ =	shalt  }
0x4e: {  	_ =	shalt  }
0x4f: {  	_ =	shalt  }
0x50: {  	_ =	shalt  }
0x51: {  	_ =	shalt  }
0x52: {  	_ =	shalt  }
0x53: {  	_ =	shalt  }
0x54: {  	_ =	shalt  }
0x55: {  	_ =	shalt  }
0x56: {  	_ =	shalt  }
0x57: {  	_ =	shalt  }
0x58: {  	_ =	shalt  }
0x59: {  	_ =	shalt  }
0x5a: {  	_ =	shalt  }
0x5b: {  	_ =	shalt  }
0x5c: {  	_ =	shalt  }
0x5d: {  	_ =	shalt  }
0x5e: {  	_ =	shalt  }
0x5f: {  	_ =	shalt  }
0x60: {  	_ =	shalt  }
0x61: {  	_ =	shalt  }
0x62: {  	_ =	shalt  }
0x63: {  	_ =	shalt  }
0x64: {  	_ =	shalt  }
0x65: {  	_ =	shalt  }
0x66: {  	_ =	shalt  }
0x67: {  	_ =	shalt  }
0x68: {  	_ =	shalt  }
0x69: {  	_ =	shalt  }
0x6a: {  	_ =	shalt  }
0x6b: {  	_ =	shalt  }
0x6c: {  	_ =	shalt  }
0x6d: {  	_ =	shalt  }
0x6e: {  	_ =	shalt  }
0x6f: {  	_ =	shalt  }
0x70: {  	_ =	shalt  }
0x71: {  	_ =	shalt  }
0x72: {  	_ =	shalt  }
0x73: {  	_ =	shalt  }
0x74: {  	_ =	shalt  }
0x75: {  	_ =	shalt  }
0x76: {  	_ =	shalt  }
0x77: {  	_ =	shalt  }
0x78: {  	_ =	shalt  }
0x79: {  	_ =	shalt  }
0x7a: {  	_ =	shalt  }
0x7b: {  	_ =	shalt  }
0x7c: {  	_ =	shalt  }
0x7d: {  	_ =	shalt  }
0x7e: {  	_ =	shalt  }
0x7f: {  	_ =	shalt  }
0x80: {  	_ =	shalt  }
0x81: {  	_ =	shalt  }
0x82: {  	_ =	shalt  }
0x83: {  	_ =	shalt  }
0x84: {  	_ =	shalt  }
0x85: {  	_ =	shalt  }
0x86: {  	_ =	shalt  }
0x87: {  	_ =	shalt  }
.Lfunc_end0:
.L_simem_size_0:
called_computation_lowered:
.L_overlay_start_0:
0x88: {  	s2 =	sld [smem:$0x3FD9]  }
0x89: {  	s3 =	sld [smem:$0x3FFE];
	_ =	sdelay $0x1  }
0x8a: {  	s1 =	srdreg.scid  }
0x8b: {  	s0 =	sand.u32 $0x1, s1  }
0x8c: {  	s16 =	sshll.u32 s0, $0xA;
	s2 =	sadd.s32 s3, s2  }
0x8d: {  	s2 =	sadd.s32 s2, s16  }
0x8e: {  	[smem:$0x3FBA] =	sst s2  }
0x8f: {  	_ = 	snop  }
0x90: {  	(tm) =	ssettm $0x1  }
0x91: {  	s17 =	sld [smem:$0x3FFB];
	_ =	sdelay $0x3  }
0x92: {  	_ =	strace s17  }
0x93: {  	s2 =	sld [smem:$0x3FFC];
	_ =	sdelay $0x3  }
0x94: {  	_ =	strace s2  }
0x95: {  	s2 =	sld [smem:$0x3FFD];
	_ =	sdelay $0x3  }
0x96: {  	_ =	strace s2  }
0x97: {  	_ =	strace $0x8FFFFFFF  }
0x98: {  	s18 =	sld [smem:$0x3FDB];
	_ =	sdelay $0x1  }
0x99: {  	s19 =	simm.s32 $_scs_section_size  }
0x9a: {  	s4 =	simm.s32 $_size__tile_overlayer_lowered;
	s5 =	simm.s32 $_tile_overlayer_lowered  }
0x9b: {  	s22 =	simm.s32 $0x1BFF;
	s21 =	sshll.u32 s5, $0x1;
	s2 =	sadd.s32 s19, s18  }
0x9c: {  	s6 =	simm.s32 $0x0;
	s20 =	sshll.u32 s4, $0x1;
	s4 =	sadd.s32 s21, s2  }
0x9d: {  	[timem:s6], [sflag:s22] =	dma.local [hbm:s4], s20  }
0x9e: {  	_ =	swait.ge [sflag:s22], s20  }
0x9f: {  	s3 =	ssub.s32 $0x0, s20;
	[sflag:s22] =	ssyncset.done $0x0  }
0xa0: {  	[sflag:s22] =	ssyncadd.s32 s3;
	_ =	sdelay $0x1  }
0xa1: {  	s23 =	simm.s32 $0x1B8B  }
0xa2: {  	_ =	swait.ge [sflag:s23], $0x1  }
0xa3: {  	[sflag:s23] =	ssyncset.done $0x0  }
0xa4: {  	s25 =	simm.s32 $0x1B8E;
	s24 =	sld [smem:$0x3FFE];
	[sflag:s23] =	ssyncadd.s32 $0xFFFFFFFF  }
0xa5: {  	s26 =	simm.s32 $execute0_lowered;
	[smem:$0x3FD2] =	sst s25  }
0xa6: {  	s4 =	sshll.u32 s26, $0x1;
	_ =	strace $0x80000046;
	[dreg:$0x1] =	wrdreg $0xFFFFFFFF  }
0xa7: {  	s28 =	simm.s32 $_size_execute0_lowered;
	s2 =	sadd.s32 s2, s4;
	[dreg:$0x0] =	wrdreg $0x0  }
0xa8: {  	s4 =	sshll.u32 s28, $0x1;
	[dreg:$0x2] =	wrdreg s2  }
0xa9: {  	[dreg:$0x3] =	wrdreg s4  }
0xaa: {  	[dreg:$0x4] =	wrdreg $0xC0  }
0xab: {  	_ =	task [dreg:s6], $0x5FFFF  }
0xac: {  	[dreg:$0x1] =	wrdreg $0xFFFFFFFF  }
0xad: {  	[dreg:$0x0] =	wrdreg $0x60  }
0xae: {  	[dreg:$0x2] =	wrdreg s24  }
0xaf: {  	[dreg:$0x3] =	wrdreg $0xB6800  }
0xb0: {  	[dreg:$0x4] =	wrdreg $0x9  }
0xb1: {  	_ =	task.clear_ibuf [dreg:s6], $0x5FFFF;
	_ =	strace $0x90000046  }
0xb2: {  	s29 =	simm.s32 $0x9;
	_ =	strace $0x80000048  }
0xb3: {  	_ =	swait.ge [sflag:s29], $0x1  }
0xb4: {  	[sflag:s29] =	ssyncadd.s32 $0xFFFFFFFF  }
0xb5: {  	_ =	strace $0x90000048  }
0xb6: {  	_ =	sfence  }
0xb7: {  	s30 =	sld [smem:$0x0];
	_ =	sdelay $0x2  }
0xb8: {  	s31 =	sshll.u32 s1, $0xD;
	s1 =	sshrl.u32 s1, $0x2  }
0xb9: {  	s3 =	sand.u32 $0x4000, s31;
	s1 =	sadd.s32 s1, s30  }
0xba: {  	s0 =	sor.u32 s3, s0;
	s1 =	sshll.u32 s1, $0x11  }
0xbb: {  	s0 =	sor.u32 s1, s0  }
0xbc: {  	s0 =	sadd.s32 $0x8F2B, s0  }
0xbd: {  	[sflag:s0] =	ssyncadd.remote.s32 $0x1  }
0xbe: {  	_ =	sfence.sel $0xFFFF  }
0xbf: {  	[dreg:$0x0] =	wrdreg $0xFFFFFFFF;
	(pc) =	sbr.abs _section_cstart, $3  }
0xc0: {  	[dreg:$0x1] =	wrdreg $0xFFFFFFFF  }
0xc1: {  	_ =	task.clear_ibuf [dreg:s6], $0x2FFFF;
	_ =	strace $0x9FFFFFFF  }
0xc2: {  	(tm) =	ssettm $0x7FFFFFFF  }
0xc3: {  	_ =	shalt  }
tec
execute0_lowered:
.L_overlay_start_1:
0x0: {  	(tag) =	ssettag $0x1  }
0x1: {  	s0 =	srdreg.scid;
	s5 =	rddreg [dreg:$0x0]  }
0x2: {  	s2 =	rddreg [dreg:$0x1];
	s1 =	stileid.u32;
	s3 =	simm.s32 $0x0  }
0x3: {  	s22 =	simm.s32 $0x7680;
	s23 =	simm.s32 $0x80;
	s24 =	simm.s32 $0x1  }
0x4: {  	s25 =	simm.s32 $0x2;
	s9 =	sand.u32 $0x1, s0;
	s0 =	rddreg [dreg:$0x2]  }
0x5: {  	s26 =	simm.s32 $0x0;
	[smem:$0x7FF] =	sst s3;
	s12 =	smul.u32 $0x14000, s1  }
0x6: {  	s17 =	sadd.s32 $0x46E00, s5;
	s4 =	sshll.u32 s9, $0x4;
	_ =	strace $0x80000047  }
0x7: {  	s7 =	ssub.s32 $0x2, s9;
	s16 =	smul.u32 $0x140000, s9;
	s4 =	sor.u32 s1, s4  }
0x8: {  	s31 =	sshrl.u32 s7, $0x1;
	s13 =	sadd.s32 $0x4000, s12;
	s15 =	sadd.s32 $0x8000, s12  }
0x9: {  	s19 =	sadd.s32 $0xC000, s12;
	s20 =	sadd.s32 $0x10000, s12;
	s6 =	smul.u32 $0x4F0, s4  }
0xa: {  	s4 =	sadd.s32 $0x15E00, s5;
	s18 =	ssub.s32 s7, s31;
	s9 =	sadd.s32 s13, s2  }
0xb: {  	s10 =	sadd.s32 s15, s2;
	s11 =	sadd.s32 s19, s2;
	s14 =	sadd.s32 s12, s16  }
0xc: {  	s13 =	sadd.s32 s16, s13;
	s15 =	sadd.s32 s16, s15;
	s19 =	sadd.s32 s16, s19  }
0xd: {  	s16 =	sadd.s32 s16, s20;
	s14 =	sshrl.u32 s14, $0x3;
	s21 =	sshrl.u32 s13, $0x3  }
0xe: {  	v0 =	vimm.f32 $0.0e+00;
	v1 =	vimm.s32 $0x0;
	s15 =	sshrl.u32 s15, $0x3;
	s19 =	sshrl.u32 s19, $0x3;
	s18 =	smax.u32 s18, $0x1  }
0xf: {  	v2 =	vimm.s32 $0x1;
	v3 =	vimm.s32 $0x2;
	v4 =	vimm.s32 $0x3;
	s8 =	sadd.s32 s6, s5;
	s13 =	sadd.s32 s17, s14;
	s14 =	sadd.s32 s17, s21  }
0x10: {  	v5 =	vimm.s32 $0x4;
	v6 =	vimm.s32 $0x5;
	v7 =	vimm.s32 $0x6;
	s15 =	sadd.s32 s17, s15;
	s21 =	simm.s32 $0x4F00;
	s5 =	sadd.s32 $0xC000, s8  }
0x11: {  	v8 =	vimm.s32 $0x7;
	v9 =	vimm.s32 $0x8;
	v10 =	vimm.s32 $0x9;
	s6 =	sadd.s32 $0x2200, s8;
	s7 =	sadd.s32 $0x3D000, s8;
	s8 =	sadd.s32 s12, s2  }
0x12: {  	v11 =	vimm.s32 $0xA;
	v12 =	vimm.s32 $0xB;
	v13 =	vimm.s32 $0xC;
	s12 =	sadd.s32 s20, s2;
	s20 =	sshrl.u32 s16, $0x3;
	s16 =	sadd.s32 s17, s19  }
0x13: {  	v14 =	vimm.s32 $0xD;
	v15 =	vimm.s32 $0xE;
	v16 =	vimm.s32 $0xF;
	s19 =	simm.s32 $0x3;
	s17 =	sadd.s32 s17, s20;
	s20 =	simm.s32 $0x2780  }
.LBB2_1:
0x14: {  	[tilespmem:s3], [sflag:$0x3] =	stream.linear.gather [hbm4b:s5+s3], $0x2780, $0x38;
	[tilespmem:$0x1F680] =	vst v63  }
0x15: {  	_ =	swait.ge [sflag:s19], $0x2780  }
0x16: {  	[sflag:s19] =	ssyncset.done $0x0  }
0x17: {  	[sflag:s19] =	ssyncadd.s32 $0xFFFFD880  }
0x18: {  	[tilespmem:s20], [sflag:$0x3] =	stream.linear.gather [hbm4b:s6+s3], $0x2780, $0x38;
	[tilespmem:$0x1F680] =	vst v63  }
0x19: {  	_ =	swait.ge [sflag:s19], $0x2780  }
0x1a: {  	[sflag:s19] =	ssyncset.done $0x0  }
0x1b: {  	[sflag:s19] =	ssyncadd.s32 $0xFFFFD880  }
0x1c: {  	[tilespmem:s21], [sflag:$0x3] =	stream.linear.gather [hbm4b:s7+s3], $0x2780, $0x38;
	[tilespmem:$0x1F680] =	vst v63  }
0x1d: {  	_ =	swait.ge [sflag:s19], $0x2780  }
0x1e: {  	[sflag:s19] =	ssyncset.done $0x0  }
0x1f: {  	s28 =	simm.s32 $0x0;
	s29 =	simm.s32 $0x200;
	[sflag:s19] =	ssyncadd.s32 $0xFFFFD880  }
.LBB2_2:
0x20: {  	p0 =	sne.s32 s29, $0xFE00;
	[tilespmem:s28+$0x76F0] =	vst v0  }
0x21: {  	[tilespmem:s28+$0x7680] =	vst v0  }
0x22: {  	[tilespmem:s28+$0x7690] =	vst v0  }
.Ltmp0:
0x23: {  	[tilespmem:s28+$0x76A0] =	vst v0;
	(pc) =	sbr.rel @p0 .LBB2_2-.Ltmp0, $4  }
0x24: {  	[tilespmem:s28+$0x76B0] =	vst v0  }
0x25: {  	[tilespmem:s28+$0x76C0] =	vst v0  }
0x26: {  	[tilespmem:s28+$0x76D0] =	vst v0  }
0x27: {  	[tilespmem:s28+$0x76E0] =	vst v0;
	s28 =	sshra.s32 s29, $0x2;
	s29 =	sadd.s32 $0x200, s29  }
0x28: {  	[tilespmem:s28+$0x76F0] =	vst v0  }
0x29: {  	[tilespmem:s28+$0x7680] =	vst v0  }
0x2a: {  	[tilespmem:s28+$0x7690] =	vst v0  }
0x2b: {  	[tilespmem:s28+$0x76A0] =	vst v0  }
0x2c: {  	[tilespmem:s28+$0x76B0] =	vst v0  }
0x2d: {  	[tilespmem:s28+$0x76C0] =	vst v0  }
0x2e: {  	[tilespmem:s28+$0x76D0] =	vst v0  }
0x2f: {  	[tilespmem:s28+$0x76E0] =	vst v0  }
0x30: {  	[spmem:s8] =	stream.linear.scatter [tilespmem:s22], [sflag:$0x3], $0x4000, $0x38;
	[tilespmem:$0x1F680] =	vst v63  }
0x31: {  	_ =	swait.ge [sflag:s19], $0x4000  }
0x32: {  	[sflag:s19] =	ssyncset.done $0x0  }
0x33: {  	[sflag:s19] =	ssyncadd.s32 $0xFFFFC000  }
0x34: {  	[spmem:s9] =	stream.linear.scatter [tilespmem:s22], [sflag:$0x3], $0x4000, $0x38;
	[tilespmem:$0x1F680] =	vst v63  }
0x35: {  	_ =	swait.ge [sflag:s19], $0x4000  }
0x36: {  	[sflag:s19] =	ssyncset.done $0x0  }
0x37: {  	[sflag:s19] =	ssyncadd.s32 $0xFFFFC000  }
0x38: {  	[spmem:s10] =	stream.linear.scatter [tilespmem:s22], [sflag:$0x3], $0x4000, $0x38;
	[tilespmem:$0x1F680] =	vst v63  }
0x39: {  	_ =	swait.ge [sflag:s19], $0x4000  }
0x3a: {  	[sflag:s19] =	ssyncset.done $0x0  }
0x3b: {  	[sflag:s19] =	ssyncadd.s32 $0xFFFFC000  }
0x3c: {  	[spmem:s11] =	stream.linear.scatter [tilespmem:s22], [sflag:$0x3], $0x4000, $0x38;
	[tilespmem:$0x1F680] =	vst v63  }
0x3d: {  	_ =	swait.ge [sflag:s19], $0x4000  }
0x3e: {  	[sflag:s19] =	ssyncset.done $0x0  }
0x3f: {  	[sflag:s19] =	ssyncadd.s32 $0xFFFFC000  }
0x40: {  	[spmem:s12] =	stream.linear.scatter [tilespmem:s22], [sflag:$0x3], $0x4000, $0x38;
	[tilespmem:$0x1F680] =	vst v63  }
0x41: {  	_ =	swait.ge [sflag:s19], $0x4000  }
0x42: {  	[sflag:s19] =	ssyncset.done $0x0  }
0x43: {  	[sflag:s19] =	ssyncadd.s32 $0xFFFFC000  }
0x44: {  	s28 =	simm.s32 $0x0;
	[bflag:$0x0] =	sbarrier.arrive $0xFFFF  }
.LBB2_4:
0x45: {  	s29 =	sshll.u32 s28, $0x7  }
0x46: {  	[tilespmem:s22], [sflag:$0x1] =	stream.indirect.gather [hbm4b:s4+s23], $0x80, s29, s23, $0xb8;
	[tilespmem:$0x1F680] =	vst v63  }
0x47: {  	s30 =	sadd.s32 $0x4F00, s29  }
0x48: {  	_ =	swait.ge [sflag:s24], $0x4000;
	v17 =	vmov s30  }
0x49: {  	[sflag:s24] =	ssyncset.done $0x0  }
0x4a: {  	s30 =	simm.s32 $0x0;
	[sflag:s24] =	ssyncadd.s32 $0xFFFFC000  }
.LBB2_5:
0x4b: {  	s31 =	sshll.u32 s30, $0x4  }
0x4c: {  	s31 =	sand.u32 $0x3FFFFFF0, s31  }
0x4d: {  	v18 =	vld.idx.msk [tilespmem:v17+s31+$0x0 ss:$0x1], $0xffff;
	s31 =	sshll.u32 s30, $0xB  }
0x4e: {  	s31 =	sand.u32 $0x3FFFF800, s31  }
0x4f: {  	v19 =	vld [tilespmem:s31+$0x7680]  }
0x50: {  	v20 =	vld [tilespmem:s31+$0x7690]  }
0x51: {  	v21 =	vld [tilespmem:s31+$0x76A0]  }
0x52: {  	v23 =	vld [tilespmem:s31+$0x76B0];
	v22 =	vperm.xlane v18, v1  }
0x53: {  	v24 =	vld [tilespmem:s31+$0x76C0]  }
0x54: {  	v25 =	vld [tilespmem:s31+$0x76D0];
	v19 =	vmul.f32 v19, v22  }
0x55: {  	v26 =	vld [tilespmem:s31+$0x76E0];
	v20 =	vmul.f32 v20, v22  }
0x56: {  	v43 =	vld [tilespmem:s31+$0x76F0];
	[tilespmem:s31+$0x7680] =	vst v19;
	v19 =	vmul.f32 v21, v22  }
0x57: {  	v45 =	vld [tilespmem:s31+$0x7700];
	v44 =	vmul.f32 v23, v22;
	[tilespmem:s31+$0x7690] =	vst v20  }
0x58: {  	v46 =	vld [tilespmem:s31+$0x7710];
	[tilespmem:s31+$0x76A0] =	vst v19;
	v19 =	vmul.f32 v24, v22  }
0x59: {  	v48 =	vld [tilespmem:s31+$0x7720];
	v47 =	vmul.f32 v25, v22;
	[tilespmem:s31+$0x76B0] =	vst v44  }
0x5a: {  	v27 =	vld [tilespmem:s31+$0x7730];
	v49 =	vperm.xlane v18, v2;
	[tilespmem:s31+$0x76C0] =	vst v19;
	v19 =	vmul.f32 v26, v22  }
0x5b: {  	v51 =	vld [tilespmem:s31+$0x7740];
	v50 =	vmul.f32 v43, v22;
	[tilespmem:s31+$0x76D0] =	vst v47  }
0x5c: {  	v52 =	vld [tilespmem:s31+$0x7750];
	[tilespmem:s31+$0x76E0] =	vst v19;
	v19 =	vmul.f32 v45, v49  }
0x5d: {  	v54 =	vld [tilespmem:s31+$0x7760];
	v53 =	vmul.f32 v46, v49;
	[tilespmem:s31+$0x76F0] =	vst v50  }
0x5e: {  	v55 =	vld [tilespmem:s31+$0x7770];
	[tilespmem:s31+$0x7700] =	vst v19;
	v19 =	vmul.f32 v48, v49  }
0x5f: {  	v57 =	vld [tilespmem:s31+$0x7780];
	v56 =	vmul.f32 v27, v49;
	[tilespmem:s31+$0x7710] =	vst v53  }
0x60: {  	v58 =	vld [tilespmem:s31+$0x7790];
	[tilespmem:s31+$0x7720] =	vst v19;
	v19 =	vmul.f32 v51, v49  }
0x61: {  	v60 =	vld [tilespmem:s31+$0x77A0];
	v59 =	vmul.f32 v52, v49;
	[tilespmem:s31+$0x7730] =	vst v56  }
0x62: {  	v62 =	vld [tilespmem:s31+$0x77B0];
	v61 =	vperm.xlane v18, v3;
	[tilespmem:s31+$0x7740] =	vst v19;
	v19 =	vmul.f32 v54, v49  }
0x63: {  	v28 =	vld [tilespmem:s31+$0x77C0];
	v63 =	vmul.f32 v55, v49;
	[tilespmem:s31+$0x7750] =	vst v59  }
0x64: {  	v29 =	vld [tilespmem:s31+$0x77D0];
	[tilespmem:s31+$0x7760] =	vst v19;
	v19 =	vmul.f32 v57, v61  }
0x65: {  	v31 =	vld [tilespmem:s31+$0x77E0];
	v30 =	vmul.f32 v58, v61;
	[tilespmem:s31+$0x7770] =	vst v63  }
0x66: {  	v32 =	vld [tilespmem:s31+$0x77F0];
	[tilespmem:s31+$0x7780] =	vst v19;
	v19 =	vmul.f32 v60, v61  }
0x67: {  	v34 =	vld [tilespmem:s31+$0x7800];
	v33 =	vmul.f32 v62, v61;
	[tilespmem:s31+$0x7790] =	vst v30  }
0x68: {  	v35 =	vld [tilespmem:s31+$0x7810];
	[tilespmem:s31+$0x77A0] =	vst v19;
	v19 =	vmul.f32 v28, v61  }
0x69: {  	v37 =	vld [tilespmem:s31+$0x7820];
	v36 =	vmul.f32 v29, v61;
	[tilespmem:s31+$0x77B0] =	vst v33  }
0x6a: {  	v39 =	vld [tilespmem:s31+$0x7830];
	v38 =	vperm.xlane v18, v4;
	[tilespmem:s31+$0x77C0] =	vst v19;
	v19 =	vmul.f32 v31, v61  }
0x6b: {  	v41 =	vld [tilespmem:s31+$0x7840];
	v40 =	vmul.f32 v32, v61;
	[tilespmem:s31+$0x77D0] =	vst v36  }
0x6c: {  	v45 =	vld [tilespmem:s31+$0x7870];
	[tilespmem:s31+$0x77E0] =	vst v19;
	v19 =	vmul.f32 v34, v38  }
0x6d: {  	v43 =	vmul.f32 v35, v38;
	[tilespmem:s31+$0x77F0] =	vst v40;
	v44 =	vld [tilespmem:s31+$0x7860]  }
0x6e: {  	v42 =	vld [tilespmem:s31+$0x7850];
	[tilespmem:s31+$0x7800] =	vst v19;
	v19 =	vmul.f32 v37, v38  }
0x6f: {  	v46 =	vmul.f32 v39, v38;
	[tilespmem:s31+$0x7810] =	vst v43;
	v47 =	vld [tilespmem:s31+$0x7880]  }
0x70: {  	v52 =	vld [tilespmem:s31+$0x78B0];
	[tilespmem:s31+$0x7820] =	vst v19;
	v19 =	vmul.f32 v41, v38  }
0x71: {  	[tilespmem:s31+$0x7830] =	vst v46;
	v50 =	vld [tilespmem:s31+$0x78A0];
	v53 =	vmul.f32 v45, v38  }
0x72: {  	v55 =	vld [tilespmem:s31+$0x78D0];
	v51 =	vperm.xlane v18, v5;
	[tilespmem:s31+$0x7840] =	vst v19;
	v19 =	vmul.f32 v44, v38  }
0x73: {  	v49 =	vmul.f32 v42, v38;
	v54 =	vld [tilespmem:s31+$0x78C0];
	[tilespmem:s31+$0x7870] =	vst v53  }
0x74: {  	v58 =	vld [tilespmem:s31+$0x78F0];
	[tilespmem:s31+$0x7860] =	vst v19;
	v19 =	vmul.f32 v47, v51  }
0x75: {  	v59 =	vmul.f32 v52, v51;
	[tilespmem:s31+$0x7850] =	vst v49;
	v57 =	vld [tilespmem:s31+$0x78E0]  }
0x76: {  	v48 =	vld [tilespmem:s31+$0x7890];
	[tilespmem:s31+$0x7880] =	vst v19;
	v19 =	vmul.f32 v50, v51  }
0x77: {  	v62 =	vmul.f32 v55, v51;
	[tilespmem:s31+$0x78B0] =	vst v59;
	v60 =	vld [tilespmem:s31+$0x7900]  }
0x78: {  	v40 =	vld [tilespmem:s31+$0x7990];
	[tilespmem:s31+$0x78A0] =	vst v19;
	v19 =	vmul.f32 v54, v51  }
0x79: {  	v63 =	vld [tilespmem:s31+$0x7920];
	v32 =	vmul.f32 v58, v51;
	[tilespmem:s31+$0x78D0] =	vst v62  }
0x7a: {  	v30 =	vperm.xlane v18, v6;
	v61 =	vld [tilespmem:s31+$0x7910];
	[tilespmem:s31+$0x78C0] =	vst v19;
	v19 =	vmul.f32 v57, v51  }
0x7b: {  	v33 =	vld [tilespmem:s31+$0x7940];
	v43 =	vperm.xlane v18, v7;
	v56 =	vmul.f32 v48, v51;
	[tilespmem:s31+$0x78F0] =	vst v32  }
0x7c: {  	v53 =	vld [tilespmem:s31+$0x7A10];
	[tilespmem:s31+$0x78E0] =	vst v19;
	v19 =	vmul.f32 v60, v30  }
0x7d: {  	v36 =	vld [tilespmem:s31+$0x7960];
	v48 =	vmul.f32 v40, v43;
	[tilespmem:s31+$0x7890] =	vst v56  }
0x7e: {  	v31 =	vld [tilespmem:s31+$0x7930];
	[tilespmem:s31+$0x7900] =	vst v19;
	v19 =	vmul.f32 v63, v30  }
0x7f: {  	v39 =	vld [tilespmem:s31+$0x7980];
	[tilespmem:s31+$0x7990] =	vst v48;
	v56 =	vperm.xlane v18, v8;
	v35 =	vmul.f32 v61, v30  }
0x80: {  	v34 =	vld [tilespmem:s31+$0x7950];
	[tilespmem:s31+$0x7920] =	vst v19;
	v19 =	vmul.f32 v33, v30  }
0x81: {  	v42 =	vld [tilespmem:s31+$0x79A0];
	v61 =	vmul.f32 v53, v56;
	[tilespmem:s31+$0x7910] =	vst v35  }
0x82: {  	v37 =	vld [tilespmem:s31+$0x7970];
	[tilespmem:s31+$0x7940] =	vst v19;
	v19 =	vmul.f32 v36, v30  }
0x83: {  	v46 =	vld [tilespmem:s31+$0x79C0];
	[tilespmem:s31+$0x7A10] =	vst v61;
	v38 =	vmul.f32 v31, v30  }
0x84: {  	v47 =	vld [tilespmem:s31+$0x79D0];
	[tilespmem:s31+$0x7960] =	vst v19;
	v19 =	vmul.f32 v39, v43  }
0x85: {  	v49 =	vld [tilespmem:s31+$0x79E0];
	v41 =	vmul.f32 v34, v30;
	[tilespmem:s31+$0x7930] =	vst v38  }
0x86: {  	v38 =	vld [tilespmem:s31+$0x7AD0];
	[tilespmem:s31+$0x7980] =	vst v19;
	v19 =	vmul.f32 v42, v43  }
0x87: {  	v52 =	vld [tilespmem:s31+$0x7A00];
	[tilespmem:s31+$0x7950] =	vst v41;
	v45 =	vmul.f32 v37, v30  }
0x88: {  	v44 =	vld [tilespmem:s31+$0x79B0];
	[tilespmem:s31+$0x79A0] =	vst v19;
	v19 =	vmul.f32 v46, v43  }
0x89: {  	v55 =	vld [tilespmem:s31+$0x7A20];
	v34 =	vperm.xlane v18, v9;
	[tilespmem:s31+$0x7970] =	vst v45;
	v54 =	vmul.f32 v47, v43  }
0x8a: {  	v50 =	vld [tilespmem:s31+$0x79F0];
	[tilespmem:s31+$0x79C0] =	vst v19;
	v19 =	vmul.f32 v49, v43  }
0x8b: {  	v59 =	vld [tilespmem:s31+$0x7A40];
	v45 =	vmul.f32 v38, v34;
	[tilespmem:s31+$0x79D0] =	vst v54  }
0x8c: {  	v57 =	vld [tilespmem:s31+$0x7A30];
	[tilespmem:s31+$0x79E0] =	vst v19;
	v19 =	vmul.f32 v52, v56  }
0x8d: {  	v62 =	vld [tilespmem:s31+$0x7A60];
	v51 =	vmul.f32 v44, v43;
	[tilespmem:s31+$0x7AD0] =	vst v45  }
0x8e: {  	v60 =	vld [tilespmem:s31+$0x7A50];
	[tilespmem:s31+$0x7A00] =	vst v19;
	v19 =	vmul.f32 v55, v56  }
0x8f: {  	v58 =	vmul.f32 v50, v43;
	[tilespmem:s31+$0x79B0] =	vst v51;
	v30 =	vld [tilespmem:s31+$0x7A80]  }
0x90: {  	v51 =	vld [tilespmem:s31+$0x7B50];
	[tilespmem:s31+$0x7A20] =	vst v19;
	v19 =	vmul.f32 v59, v56  }
0x91: {  	[tilespmem:s31+$0x79F0] =	vst v58;
	v29 =	vmul.f32 v57, v56;
	v33 =	vld [tilespmem:s31+$0x7AA0]  }
0x92: {  	v63 =	vld [tilespmem:s31+$0x7A70];
	[tilespmem:s31+$0x7A40] =	vst v19;
	v19 =	vmul.f32 v62, v56  }
0x93: {  	v37 =	vld [tilespmem:s31+$0x7AC0];
	v47 =	vperm.xlane v18, v10;
	[tilespmem:s31+$0x7A30] =	vst v29;
	v32 =	vmul.f32 v60, v56  }
0x94: {  	v61 =	vld [tilespmem:s31+$0x7BB0];
	[tilespmem:s31+$0x7A60] =	vst v19;
	v19 =	vmul.f32 v30, v34  }
0x95: {  	v40 =	vld [tilespmem:s31+$0x7AE0];
	v58 =	vmul.f32 v51, v47;
	[tilespmem:s31+$0x7A50] =	vst v32  }
0x96: {  	v31 =	vld [tilespmem:s31+$0x7A90];
	[tilespmem:s31+$0x7A80] =	vst v19;
	v19 =	vmul.f32 v33, v34  }
0x97: {  	v60 =	vperm.xlane v18, v11;
	v36 =	vmul.f32 v63, v56;
	[tilespmem:s31+$0x7B50] =	vst v58;
	v43 =	vld [tilespmem:s31+$0x7B00]  }
0x98: {  	v57 =	vld [tilespmem:s31+$0x7B90];
	[tilespmem:s31+$0x7AA0] =	vst v19;
	v19 =	vmul.f32 v37, v34  }
0x99: {  	v32 =	vmul.f32 v61, v60;
	[tilespmem:s31+$0x7A70] =	vst v36;
	v46 =	vld [tilespmem:s31+$0x7B20]  }
0x9a: {  	v35 =	vld [tilespmem:s31+$0x7AB0];
	[tilespmem:s31+$0x7AC0] =	vst v19;
	v19 =	vmul.f32 v40, v34  }
0x9b: {  	v50 =	vld [tilespmem:s31+$0x7B40];
	v39 =	vmul.f32 v31, v34;
	[tilespmem:s31+$0x7BB0] =	vst v32  }
0x9c: {  	v28 =	vld [tilespmem:s31+$0x7BD0];
	[tilespmem:s31+$0x7AE0] =	vst v19;
	v19 =	vmul.f32 v43, v47  }
0x9d: {  	v53 =	vld [tilespmem:s31+$0x7B60];
	v29 =	vmul.f32 v57, v60;
	[tilespmem:s31+$0x7A90] =	vst v39  }
0x9e: {  	v31 =	vld [tilespmem:s31+$0x7BF0];
	[tilespmem:s31+$0x7B00] =	vst v19;
	v19 =	vmul.f32 v46, v47  }
0x9f: {  	v42 =	vmul.f32 v35, v34;
	[tilespmem:s31+$0x7B90] =	vst v29;
	v56 =	vld [tilespmem:s31+$0x7B80]  }
0xa0: {  	v41 =	vld [tilespmem:s31+$0x7AF0];
	[tilespmem:s31+$0x7B20] =	vst v19;
	v19 =	vmul.f32 v50, v47  }
0xa1: {  	v35 =	vmul.f32 v28, v60;
	[tilespmem:s31+$0x7AB0] =	vst v42;
	v59 =	vld [tilespmem:s31+$0x7BA0]  }
0xa2: {  	v44 =	vld [tilespmem:s31+$0x7B10];
	[tilespmem:s31+$0x7B40] =	vst v19;
	v19 =	vmul.f32 v53, v47  }
0xa3: {  	v63 =	vld [tilespmem:s31+$0x7BC0];
	[tilespmem:s31+$0x7BD0] =	vst v35;
	v39 =	vmul.f32 v31, v60  }
0xa4: {  	v48 =	vld [tilespmem:s31+$0x7B30];
	[tilespmem:s31+$0x7B60] =	vst v19;
	v19 =	vmul.f32 v56, v60  }
0xa5: {  	v49 =	vmul.f32 v41, v34;
	[tilespmem:s31+$0x7BF0] =	vst v39;
	v30 =	vld [tilespmem:s31+$0x7BE0]  }
0xa6: {  	v54 =	vld [tilespmem:s31+$0x7B70];
	[tilespmem:s31+$0x7B80] =	vst v19;
	v19 =	vmul.f32 v59, v60  }
0xa7: {  	[tilespmem:s31+$0x7AF0] =	vst v49;
	v52 =	vmul.f32 v44, v47;
	v33 =	vld [tilespmem:s31+$0x7C00]  }
0xa8: {  	v38 =	vld [tilespmem:s31+$0x7C30];
	[tilespmem:s31+$0x7BA0] =	vst v19;
	v19 =	vmul.f32 v63, v60  }
0xa9: {  	v36 =	vld [tilespmem:s31+$0x7C20];
	[tilespmem:s31+$0x7B10] =	vst v52;
	v55 =	vmul.f32 v48, v47  }
0xaa: {  	v41 =	vld [tilespmem:s31+$0x7C50];
	v37 =	vperm.xlane v18, v12;
	[tilespmem:s31+$0x7BC0] =	vst v19;
	v19 =	vmul.f32 v30, v60  }
0xab: {  	[tilespmem:s31+$0x7B30] =	vst v55;
	v62 =	vmul.f32 v54, v47;
	v40 =	vld [tilespmem:s31+$0x7C40]  }
0xac: {  	v44 =	vld [tilespmem:s31+$0x7C70];
	[tilespmem:s31+$0x7BE0] =	vst v19;
	v19 =	vmul.f32 v33, v37  }
0xad: {  	[tilespmem:s31+$0x7B70] =	vst v62;
	v45 =	vmul.f32 v38, v37;
	v43 =	vld [tilespmem:s31+$0x7C60]  }
0xae: {  	v34 =	vld [tilespmem:s31+$0x7C10];
	[tilespmem:s31+$0x7C00] =	vst v19;
	v19 =	vmul.f32 v36, v37  }
0xaf: {  	v48 =	vmul.f32 v41, v37;
	[tilespmem:s31+$0x7C30] =	vst v45;
	v46 =	vld [tilespmem:s31+$0x7C80]  }
0xb0: {  	v51 =	vld [tilespmem:s31+$0x7CB0];
	[tilespmem:s31+$0x7C20] =	vst v19;
	v19 =	vmul.f32 v40, v37  }
0xb1: {  	v49 =	vld [tilespmem:s31+$0x7CA0];
	v52 =	vmul.f32 v44, v37;
	[tilespmem:s31+$0x7C50] =	vst v48  }
0xb2: {  	v54 =	vld [tilespmem:s31+$0x7CD0];
	v50 =	vperm.xlane v18, v13;
	[tilespmem:s31+$0x7C40] =	vst v19;
	v19 =	vmul.f32 v43, v37  }
0xb3: {  	[tilespmem:s31+$0x7C70] =	vst v52;
	v42 =	vmul.f32 v34, v37;
	v53 =	vld [tilespmem:s31+$0x7CC0]  }
0xb4: {  	v57 =	vld [tilespmem:s31+$0x7CF0];
	[tilespmem:s31+$0x7C60] =	vst v19;
	v19 =	vmul.f32 v46, v50  }
0xb5: {  	[tilespmem:s31+$0x7C10] =	vst v42;
	v58 =	vmul.f32 v51, v50;
	v56 =	vld [tilespmem:s31+$0x7CE0]  }
0xb6: {  	v47 =	vld [tilespmem:s31+$0x7C90];
	[tilespmem:s31+$0x7C80] =	vst v19;
	v19 =	vmul.f32 v49, v50  }
0xb7: {  	v61 =	vmul.f32 v54, v50;
	[tilespmem:s31+$0x7CB0] =	vst v58;
	v59 =	vld [tilespmem:s31+$0x7D00]  }
0xb8: {  	v39 =	vld [tilespmem:s31+$0x7D90];
	[tilespmem:s31+$0x7CA0] =	vst v19;
	v19 =	vmul.f32 v53, v50  }
0xb9: {  	v62 =	vld [tilespmem:s31+$0x7D20];
	v31 =	vmul.f32 v57, v50;
	[tilespmem:s31+$0x7CD0] =	vst v61  }
0xba: {  	v63 =	vperm.xlane v18, v14;
	v60 =	vld [tilespmem:s31+$0x7D10];
	[tilespmem:s31+$0x7CC0] =	vst v19;
	v19 =	vmul.f32 v56, v50  }
0xbb: {  	v32 =	vld [tilespmem:s31+$0x7D40];
	v42 =	vperm.xlane v18, v15;
	[tilespmem:s31+$0x7CF0] =	vst v31;
	v55 =	vmul.f32 v47, v50  }
0xbc: {  	v33 =	vld [tilespmem:s31+$0x7D50];
	[tilespmem:s31+$0x7CE0] =	vst v19;
	v19 =	vmul.f32 v59, v63  }
0xbd: {  	v35 =	vld [tilespmem:s31+$0x7D60];
	v47 =	vmul.f32 v39, v42;
	[tilespmem:s31+$0x7C90] =	vst v55  }
0xbe: {  	v30 =	vld [tilespmem:s31+$0x7D30];
	[tilespmem:s31+$0x7D00] =	vst v19;
	v19 =	vmul.f32 v62, v63  }
0xbf: {  	v38 =	vld [tilespmem:s31+$0x7D80];
	[tilespmem:s31+$0x7D90] =	vst v47;
	v34 =	vmul.f32 v60, v63  }
0xc0: {  	v36 =	vld [tilespmem:s31+$0x7D70];
	[tilespmem:s31+$0x7D20] =	vst v19;
	v19 =	vmul.f32 v32, v63  }
0xc1: {  	v41 =	vld [tilespmem:s31+$0x7DA0];
	[tilespmem:s31+$0x7D10] =	vst v34;
	v40 =	vmul.f32 v33, v63  }
0xc2: {  	v46 =	vld [tilespmem:s31+$0x7DD0];
	[tilespmem:s31+$0x7D40] =	vst v19;
	v19 =	vmul.f32 v35, v63  }
0xc3: {  	v45 =	vld [tilespmem:s31+$0x7DC0];
	v37 =	vmul.f32 v30, v63;
	[tilespmem:s31+$0x7D50] =	vst v40  }
0xc4: {  	v43 =	vld [tilespmem:s31+$0x7DB0];
	[tilespmem:s31+$0x7D60] =	vst v19;
	v19 =	vmul.f32 v38, v42  }
0xc5: {  	v48 =	vld [tilespmem:s31+$0x7DE0];
	v44 =	vmul.f32 v36, v63;
	[tilespmem:s31+$0x7D30] =	vst v37  }
0xc6: {  	v49 =	vld [tilespmem:s31+$0x7DF0];
	[tilespmem:s31+$0x7D80] =	vst v19;
	v19 =	vmul.f32 v41, v42  }
0xc7: {  	v51 =	vld [tilespmem:s31+$0x7E00];
	[tilespmem:s31+$0x7D70] =	vst v44;
	v53 =	vmul.f32 v46, v42  }
0xc8: {  	v52 =	vld [tilespmem:s31+$0x7E10];
	[tilespmem:s31+$0x7DA0] =	vst v19;
	v19 =	vmul.f32 v45, v42  }
0xc9: {  	v54 =	vld [tilespmem:s31+$0x7E20];
	v50 =	vmul.f32 v43, v42;
	[tilespmem:s31+$0x7DD0] =	vst v53  }
0xca: {  	v18 =	vperm.xlane v18, v16;
	v55 =	vld [tilespmem:s31+$0x7E30];
	[tilespmem:s31+$0x7DC0] =	vst v19;
	v19 =	vmul.f32 v48, v42  }
0xcb: {  	v57 =	vld [tilespmem:s31+$0x7E40];
	v56 =	vmul.f32 v49, v42;
	[tilespmem:s31+$0x7DB0] =	vst v50  }
0xcc: {  	v58 =	vld [tilespmem:s31+$0x7E50];
	[tilespmem:s31+$0x7DE0] =	vst v19;
	v19 =	vmul.f32 v51, v18  }
0xcd: {  	v60 =	vld [tilespmem:s31+$0x7E60];
	v59 =	vmul.f32 v52, v18;
	[tilespmem:s31+$0x7DF0] =	vst v56  }
0xce: {  	v61 =	vld [tilespmem:s31+$0x7E70];
	[tilespmem:s31+$0x7E00] =	vst v19;
	v19 =	vmul.f32 v54, v18  }
0xcf: {  	[tilespmem:s31+$0x7E10] =	vst v59;
	v62 =	vmul.f32 v55, v18  }
0xd0: {  	p0 =	sne.s32 s30, $0x7;
	[tilespmem:s31+$0x7E20] =	vst v19;
	v19 =	vmul.f32 v57, v18  }
.Ltmp1:
0xd1: {  	[tilespmem:s31+$0x7E30] =	vst v62;
	v63 =	vmul.f32 v58, v18;
	(pc) =	sbr.rel @p0 .LBB2_5-.Ltmp1, $4  }
0xd2: {  	[tilespmem:s31+$0x7E40] =	vst v19;
	v19 =	vmul.f32 v60, v18  }
0xd3: {  	[tilespmem:s31+$0x7E50] =	vst v63;
	v18 =	vmul.f32 v61, v18  }
0xd4: {  	[tilespmem:s31+$0x7E60] =	vst v19  }
0xd5: {  	s30 =	sadd.s32 $0x1, s30;
	[tilespmem:s31+$0x7E70] =	vst v18  }
0xd6: {  	s28 =	sadd.s32 $0x1, s28  }
0xd7: {  	p0 =	sne.s32 s28, $0x4F  }
.Ltmp2:
0xd8: {  	s29 =	sadd.s32 $0x2780, s29;
	(pc) =	sbr.rel @p0 .LBB2_4-.Ltmp2, $4  }
0xd9: {  	[spmem:s2] =	stream.indirect.scatter.add.f32 [tilespmem:s22], [sflag:$0x2], $0x80, s29, s23, $0xb8;
	[tilespmem:$0x1F680] =	vst v63  }
0xda: {  	_ =	swait.ge [sflag:s25], $0x4000  }
0xdb: {  	[sflag:s25] =	ssyncset.done $0x0  }
0xdc: {  	[sflag:s25] =	ssyncadd.s32 $0xFFFFC000  }
0xdd: {  	[bflag:$0x0] =	sbarrier.arrive $0xFFFF  }
0xde: {  	[tilespmem:s22], [sflag:$0x3] =	stream.linear.gather [spmem:s8], $0x4000, $0x38;
	[tilespmem:$0x1F680] =	vst v63  }
0xdf: {  	_ =	swait.ge [sflag:s19], $0x4000  }
0xe0: {  	[sflag:s19] =	ssyncset.done $0x0  }
0xe1: {  	[sflag:s19] =	ssyncadd.s32 $0xFFFFC000  }
0xe2: {  	[hbm4b:s13+s3] =	stream.linear.scatter [tilespmem:s22], [sflag:$0x3], $0x4000, $0x38;
	[tilespmem:$0x1F680] =	vst v63  }
0xe3: {  	_ =	swait.ge [sflag:s19], $0x4000  }
0xe4: {  	[sflag:s19] =	ssyncset.done $0x0  }
0xe5: {  	[sflag:s19] =	ssyncadd.s32 $0xFFFFC000  }
0xe6: {  	[tilespmem:s22], [sflag:$0x3] =	stream.linear.gather [spmem:s9], $0x4000, $0x38;
	[tilespmem:$0x1F680] =	vst v63  }
0xe7: {  	_ =	swait.ge [sflag:s19], $0x4000  }
0xe8: {  	[sflag:s19] =	ssyncset.done $0x0  }
0xe9: {  	[sflag:s19] =	ssyncadd.s32 $0xFFFFC000  }
0xea: {  	[hbm4b:s14+s3] =	stream.linear.scatter [tilespmem:s22], [sflag:$0x3], $0x4000, $0x38;
	[tilespmem:$0x1F680] =	vst v63  }
0xeb: {  	_ =	swait.ge [sflag:s19], $0x4000  }
0xec: {  	[sflag:s19] =	ssyncset.done $0x0  }
0xed: {  	[sflag:s19] =	ssyncadd.s32 $0xFFFFC000  }
0xee: {  	[tilespmem:s22], [sflag:$0x3] =	stream.linear.gather [spmem:s10], $0x4000, $0x38;
	[tilespmem:$0x1F680] =	vst v63  }
0xef: {  	_ =	swait.ge [sflag:s19], $0x4000  }
0xf0: {  	[sflag:s19] =	ssyncset.done $0x0  }
0xf1: {  	[sflag:s19] =	ssyncadd.s32 $0xFFFFC000  }
0xf2: {  	[hbm4b:s15+s3] =	stream.linear.scatter [tilespmem:s22], [sflag:$0x3], $0x4000, $0x38;
	[tilespmem:$0x1F680] =	vst v63  }
0xf3: {  	_ =	swait.ge [sflag:s19], $0x4000  }
0xf4: {  	[sflag:s19] =	ssyncset.done $0x0  }
0xf5: {  	[sflag:s19] =	ssyncadd.s32 $0xFFFFC000  }
0xf6: {  	[tilespmem:s22], [sflag:$0x3] =	stream.linear.gather [spmem:s11], $0x4000, $0x38;
	[tilespmem:$0x1F680] =	vst v63  }
0xf7: {  	_ =	swait.ge [sflag:s19], $0x4000  }
0xf8: {  	[sflag:s19] =	ssyncset.done $0x0  }
0xf9: {  	[sflag:s19] =	ssyncadd.s32 $0xFFFFC000  }
0xfa: {  	[hbm4b:s16+s3] =	stream.linear.scatter [tilespmem:s22], [sflag:$0x3], $0x4000, $0x38;
	[tilespmem:$0x1F680] =	vst v63  }
0xfb: {  	_ =	swait.ge [sflag:s19], $0x4000  }
0xfc: {  	[sflag:s19] =	ssyncset.done $0x0  }
0xfd: {  	[sflag:s19] =	ssyncadd.s32 $0xFFFFC000  }
0xfe: {  	[tilespmem:s22], [sflag:$0x3] =	stream.linear.gather [spmem:s12], $0x4000, $0x38;
	[tilespmem:$0x1F680] =	vst v63  }
0xff: {  	s26 =	sadd.s32 $0x1, s26;
	_ =	swait.ge [sflag:s19], $0x4000  }
0x100: {  	p0 =	sne.s32 s26, s18;
	[sflag:s19] =	ssyncset.done $0x0  }
.Ltmp3:
0x101: {  	[sflag:s19] =	ssyncadd.s32 $0xFFFFC000;
	(pc) =	sbr.rel @p0 .LBB2_1-.Ltmp3, $4  }
0x102: {  	[hbm4b:s17+s3] =	stream.linear.scatter [tilespmem:s22], [sflag:$0x3], $0x4000, $0x38;
	[tilespmem:$0x1F680] =	vst v63  }
0x103: {  	_ =	swait.ge [sflag:s19], $0x4000  }
0x104: {  	[sflag:s19] =	ssyncset.done $0x0  }
0x105: {  	[sflag:s19] =	ssyncadd.s32 $0xFFFFC000  }
0x106: {  	_ =	sfence.sel $0x180000  }
0x107: {  	[bflag:$0x0] =	sbarrier.arrive $0xFFFF  }
0x108: {  	p0 =	sne.s32 s1, $0x0;
	_ =	strace $0x90000047  }
0x109: {  	s0 =	sadd.s32 @!p0 $0x100000, s0;
	[bflag:$0x2] =	sbarrier.arrive $0xFFFF  }
0x10a: {  	[sflag:s0] =	ssyncadd.tile.s32 @!p0 $0x1;
	_ =	shalt  }
.Lfunc_end2:
_tile_overlayer_lowered:
.L_overlay_start_2:
0x10b: {  	(tag) =	ssettag $0x2  }
0x10c: {  	s0 =	rddreg [dreg:$0x0];
	s2 =	stileid.u32  }
0x10d: {  	s1 =	rddreg [dreg:$0x1];
	p0 =	sne.s32 s2, $0x0  }
0x10e: {  	s3 =	rddreg [dreg:$0x2];
	[bflag:$0x3] =	sbarrier.arrive $0xFFFF;
	s2 =	simm.s32 @!p0 $0x1C03  }
0x10f: {  	[timem:s3], [sflag:s2] =	dma.local @!p0 [hbm:s0], s1  }
0x110: {  	s0 =	simm.s32 @!p0 $0x3  }
0x111: {  	_ =	swait.ge @!p0 [sflag:s0], s1  }
0x112: {  	s1 =	ssub.s32 @!p0 $0x0, s1;
	[sflag:s0] =	ssyncset.done @!p0 $0x0  }
0x113: {  	[sflag:s0] =	ssyncadd.s32 @!p0 s1  }
0x114: {  	[bflag:$0x3] =	sbarrier.arrive $0xFFFF  }
0x115: {  	_ =	shalt  }

</sc_bundles>
